<compile_context>
chip_gen: v7x
topology: tpu7x:2x2x1
jax: 0.10.2.dev20260603
libtpu: 0.0.44.dev20260713+nightly
codegen_flags: <defaults>
</compile_context>

<pallas_src>
import functools

import jax
import jax.numpy as jnp
from jax import lax
from jax.experimental import pallas as pl
from jax.experimental.pallas import tpu as pltpu
from jax.experimental.pallas import tpu_sc as plsc

N = 10000
N_PAD = 10240
RPT = N_PAD // 32
NPT = N_PAD // 16
E = 320000
CHUNK = 128
CPT = 80
E_PAD = 32 * CHUNK * CPT
EPT = CHUNK * CPT
NBUF = 8
NGRP = CPT // NBUF

_MESH = plsc.VectorSubcoreMesh(core_axis_name="c", subcore_axis_name="s")
_SC_PARAMS = pltpu.CompilerParams(needs_layout_passes=False,
                                  use_tc_tiling_on_sc=False)


def _bit_rsqrt(v):
    i = plsc.bitcast(v, jnp.int32)
    i = jnp.int32(0x5F3759DF) - (i >> 1)
    y = plsc.bitcast(i, jnp.float32)
    for _ in range(3):
        y = y * (1.5 - 0.5 * v * y * y)
    return y


@functools.partial(
    pl.kernel,
    out_type=jax.ShapeDtypeStruct((2 * N_PAD, 16), jnp.float32),
    mesh=_MESH,
    compiler_params=_SC_PARAMS,
    scratch_types=[
        pltpu.VMEM((CPT, CHUNK), jnp.int32),
        pltpu.VMEM((CHUNK, 16), jnp.float32),
        pltpu.VMEM((CHUNK, 16), jnp.float32),
        pltpu.VMEM_SHARED((N_PAD, 16), jnp.float32),
    ] + [pltpu.SemaphoreType.DMA] * NBUF,
)
def _deg_kernel(dst_hbm, out_hbm, dst_all, ones_v, zeros_v, acc, *ssems):
    cid = lax.axis_index("c")
    sid = lax.axis_index("s")
    wid = cid * 16 + sid

    def fill(r, carry):
        ones_v[r, :] = jnp.full((16,), 1.0, jnp.float32)
        zeros_v[r, :] = jnp.zeros((16,), jnp.float32)
        return carry

    lax.fori_loop(0, CHUNK, fill, 0)
    pltpu.sync_copy(dst_hbm.at[pl.ds(wid * CPT, CPT), :], dst_all)
    for k in range(NPT // CHUNK):
        pltpu.sync_copy(zeros_v, acc.at[pl.ds(sid * NPT + k * CHUNK, CHUNK), :])
    plsc.subcore_barrier()

    def body(g, carry):
        descs = []
        for b in range(NBUF):
            descs.append(pltpu.async_copy(
                ones_v, acc.at[dst_all.at[g * NBUF + b]], ssems[b], add=True))
        for d in descs:
            d.wait()
        return carry

    lax.fori_loop(0, NGRP, body, 0)
    plsc.subcore_barrier()
    pltpu.sync_copy(acc.at[pl.ds(sid * NPT, NPT), :],
                    out_hbm.at[pl.ds(cid * N_PAD + sid * NPT, NPT), :])


@functools.partial(
    pl.kernel,
    out_type=(jax.ShapeDtypeStruct((N_PAD, 64), jnp.float32),
              jax.ShapeDtypeStruct((N_PAD, 16), jnp.float32)),
    mesh=_MESH,
    compiler_params=_SC_PARAMS,
    scratch_types=[
        pltpu.VMEM((RPT, 16), jnp.float32),
        pltpu.VMEM((RPT, 16), jnp.float32),
        pltpu.VMEM((RPT, 64), jnp.float32),
    ],
)
def _scale_t1_kernel(deg_hbm, t_hbm, hs_hbm, d_hbm, dg0, dg1, tbuf):
    cid = lax.axis_index("c")
    sid = lax.axis_index("s")
    r0 = (cid * 16 + sid) * RPT
    pltpu.sync_copy(deg_hbm.at[pl.ds(r0, RPT), :], dg0)
    pltpu.sync_copy(deg_hbm.at[pl.ds(N_PAD + r0, RPT), :], dg1)
    pltpu.sync_copy(t_hbm.at[pl.ds(r0, RPT), :], tbuf)

    def row(r, carry):
        deg = dg0[r, :] + dg1[r, :] + 1.0
        dv = _bit_rsqrt(deg)
        dg0[r, :] = dv
        for c in range(64 // 16):
            tbuf[r, pl.ds(c * 16, 16)] = tbuf[r, pl.ds(c * 16, 16)] * dv
        return carry

    lax.fori_loop(0, RPT, row, 0)
    pltpu.sync_copy(tbuf, hs_hbm.at[pl.ds(r0, RPT), :])
    pltpu.sync_copy(dg0, d_hbm.at[pl.ds(r0, RPT), :])


@functools.partial(
    pl.kernel,
    out_type=jax.ShapeDtypeStruct((N_PAD, 32), jnp.float32),
    mesh=_MESH,
    compiler_params=_SC_PARAMS,
    scratch_types=[
        pltpu.VMEM((RPT, 16), jnp.float32),
        pltpu.VMEM((RPT, 32), jnp.float32),
    ],
)
def _scale_t2_kernel(d_hbm, t_hbm, hs_hbm, db, tbuf):
    cid = lax.axis_index("c")
    sid = lax.axis_index("s")
    r0 = (cid * 16 + sid) * RPT
    pltpu.sync_copy(d_hbm.at[pl.ds(r0, RPT), :], db)
    pltpu.sync_copy(t_hbm.at[pl.ds(r0, RPT), :], tbuf)

    def row(r, carry):
        dv = db[r, :]
        for c in range(32 // 16):
            tbuf[r, pl.ds(c * 16, 16)] = tbuf[r, pl.ds(c * 16, 16)] * dv
        return carry

    lax.fori_loop(0, RPT, row, 0)
    pltpu.sync_copy(tbuf, hs_hbm.at[pl.ds(r0, RPT), :])


def _make_agg(D):
    nbuf = 2 if D == 64 else 8
    @functools.partial(
        pl.kernel,
        out_type=jax.ShapeDtypeStruct((2 * N_PAD, D), jnp.float32),
        mesh=_MESH,
        compiler_params=_SC_PARAMS,
        scratch_types=[
            pltpu.VMEM((CPT, CHUNK), jnp.int32),
            pltpu.VMEM((CPT, CHUNK), jnp.int32),
            pltpu.VMEM((nbuf, CHUNK, D), jnp.float32),
            pltpu.VMEM_SHARED((N_PAD, D), jnp.float32),
            pltpu.VMEM_SHARED((N_PAD, D), jnp.float32),
        ] + [pltpu.SemaphoreType.DMA] * (2 * nbuf),
    )
    def _agg(hs_hbm, src_hbm, dst_hbm, out_hbm, src_all, dst_all, rows,
             hs_cache, acc, *sems):
        gsems, ssems = sems[:nbuf], sems[nbuf:]
        cid = lax.axis_index("c")
        sid = lax.axis_index("s")
        wid = cid * 16 + sid

        def fill(r, carry):
            for c in range(D // 16):
                rows[0, r, pl.ds(c * 16, 16)] = jnp.zeros((16,), jnp.float32)
            return carry

        lax.fori_loop(0, CHUNK, fill, 0)
        pltpu.sync_copy(src_hbm.at[pl.ds(wid * CPT, CPT), :], src_all)
        pltpu.sync_copy(dst_hbm.at[pl.ds(wid * CPT, CPT), :], dst_all)
        pltpu.sync_copy(hs_hbm.at[pl.ds(sid * NPT, NPT), :],
                        hs_cache.at[pl.ds(sid * NPT, NPT), :])
        for k in range(NPT // CHUNK):
            pltpu.sync_copy(rows.at[0],
                            acc.at[pl.ds(sid * NPT + k * CHUNK, CHUNK), :])
        plsc.subcore_barrier()
        for b in range(nbuf):
            pltpu.async_copy(hs_cache.at[src_all.at[b]], rows.at[b], gsems[b])

        def body(g, carry):
            descs = []
            for b in range(nbuf):
                j = g * nbuf + b
                pltpu.make_async_copy(hs_cache.at[src_all.at[j]], rows.at[b],
                                      gsems[b]).wait()
                descs.append(pltpu.async_copy(
                    rows.at[b], acc.at[dst_all.at[j]], ssems[b], add=True))
            for d in descs:
                d.wait()

            @pl.when(g + 1 < CPT // nbuf)
            def _refill():
                for b in range(nbuf):
                    j2 = (g + 1) * nbuf + b
                    pltpu.async_copy(hs_cache.at[src_all.at[j2]], rows.at[b],
                                     gsems[b])

            return carry

        lax.fori_loop(0, CPT // nbuf, body, 0)
        plsc.subcore_barrier()
        pltpu.sync_copy(acc.at[pl.ds(sid * NPT, NPT), :],
                        out_hbm.at[pl.ds(cid * N_PAD + sid * NPT, NPT), :])

    return _agg


_agg64 = _make_agg(64)
_agg32 = _make_agg(32)


def _make_combine(D, extra_scale):
    @functools.partial(
        pl.kernel,
        out_type=jax.ShapeDtypeStruct((N_PAD, D), jnp.float32),
        mesh=_MESH,
        compiler_params=_SC_PARAMS,
        scratch_types=[
            pltpu.VMEM((RPT, D), jnp.float32),
            pltpu.VMEM((RPT, D), jnp.float32),
            pltpu.VMEM((RPT, D), jnp.float32),
            pltpu.VMEM((RPT, 16), jnp.float32),
            pltpu.VMEM((D,), jnp.float32),
        ],
    )
    def _comb(agg_hbm, hs_hbm, d_hbm, b_hbm, out_hbm, a0, a1, hsb, db, bb):
        cid = lax.axis_index("c")
        sid = lax.axis_index("s")
        r0 = (cid * 16 + sid) * RPT
        pltpu.sync_copy(agg_hbm.at[pl.ds(r0, RPT), :], a0)
        pltpu.sync_copy(agg_hbm.at[pl.ds(N_PAD + r0, RPT), :], a1)
        pltpu.sync_copy(hs_hbm.at[pl.ds(r0, RPT), :], hsb)
        pltpu.sync_copy(d_hbm.at[pl.ds(r0, RPT), :], db)
        pltpu.sync_copy(b_hbm, bb)

        def row(r, carry):
            dv = db[r, :]
            for c in range(D // 16):
                sl = pl.ds(c * 16, 16)
                s = (a0[r, sl] + a1[r, sl] + hsb[r, sl]) * dv + bb[sl]
                z = jnp.maximum(s, 0.0)
                if extra_scale:
                    z = z * dv
                a0[r, sl] = z
            return carry

        lax.fori_loop(0, RPT, row, 0)
        pltpu.sync_copy(a0, out_hbm.at[pl.ds(r0, RPT), :])

    return _comb


_comb64 = _make_combine(64, False)
_comb32 = _make_combine(32, False)


def _mm_body(x_ref, w_ref, o_ref):
    o_ref[...] = jnp.dot(x_ref[...], w_ref[...],
                         preferred_element_type=jnp.float32)


def _mm(xv, wv):
    return pl.pallas_call(
        _mm_body,
        out_shape=jax.ShapeDtypeStruct((xv.shape[0], wv.shape[1]),
                                       jnp.float32),
    )(xv, wv)


def _mm_bias_body(x_ref, w_ref, b_ref, o_ref):
    o_ref[...] = jnp.dot(x_ref[...], w_ref[...],
                         preferred_element_type=jnp.float32) + b_ref[...]


def _mm_bias(xv, wv, bv):
    return pl.pallas_call(
        _mm_bias_body,
        out_shape=jax.ShapeDtypeStruct((xv.shape[0], wv.shape[1]),
                                       jnp.float32),
    )(xv, wv, bv)


def kernel(x, edge_index, W1, b1, W2, b2, Wc, bc):
    ei = edge_index.astype(jnp.int32)
    pad = jnp.full((E_PAD - E,), N, dtype=jnp.int32)
    src = jnp.concatenate([ei[0], pad]).reshape(E_PAD // CHUNK, CHUNK)
    dst = jnp.concatenate([ei[1], pad]).reshape(E_PAD // CHUNK, CHUNK)
    x_pad = jnp.pad(x, ((0, N_PAD - N), (0, 0)))

    t1 = _mm(x_pad, W1)
    deg = _deg_kernel(dst)
    hs1, dsp = _scale_t1_kernel(deg, t1)
    agg1 = _agg64(hs1, src, dst)
    z1 = _comb64(agg1, hs1, dsp, b1)
    t2 = _mm(z1, W2)
    hs2 = _scale_t2_kernel(dsp, t2)
    agg2 = _agg32(hs2, src, dst)
    z2 = _comb32(agg2, hs2, dsp, b2)
    out = _mm_bias(z2, Wc, bc)
    return out[:N]

# --- scband reference (transcript-rebuilt; emitter-appended) ---
"""Pipeline reference for scband-habitat-gnn-88948772700968 (READ-ONLY COPY).

The authoritative reference and input builder live on the scoring server;
editing this copy changes nothing except your own understanding.
"""

import jax, jax.numpy as jnp
import numpy as np

N_NODES = 10000

def gcn_conv(x, edge_index, W, b):
    N = x.shape[0]
    src = edge_index[0]
    dst = edge_index[1]
    loop = jnp.arange(N, dtype=edge_index.dtype)
    src = jnp.concatenate([src, loop])
    dst = jnp.concatenate([dst, loop])
    h = x @ W
    ones = jnp.ones(src.shape[0], dtype=h.dtype)
    deg = jax.ops.segment_sum(ones, dst, num_segments=N)
    deg_inv_sqrt = jnp.where(deg > 0, jax.lax.rsqrt(jnp.maximum(deg, 1e-12)), 0.0)
    norm = deg_inv_sqrt[src] * deg_inv_sqrt[dst]
    msg = h[src] * norm[:, None]
    out = jax.ops.segment_sum(msg, dst, num_segments=N)
    return out + b


def setup_inputs(seed: int = 0) -> dict:
    key = jax.random.key(seed)
    ks = jax.random.split(key, 8)
    x = jax.random.normal(ks[0], (N_NODES, 128), dtype=jnp.float32)
    edge_index = jax.random.randint(ks[1], (2, 320000), 0, N_NODES, dtype=jnp.int64)
    W1 = jax.random.normal(ks[2], (128, 64), dtype=jnp.float32) * (1.0 / np.sqrt(128))
    b1 = jnp.zeros((64,), dtype=jnp.float32)
    W2 = jax.random.normal(ks[3], (64, 32), dtype=jnp.float32) * (1.0 / np.sqrt(64))
    b2 = jnp.zeros((32,), dtype=jnp.float32)
    Wc = jax.random.normal(ks[4], (32, 1), dtype=jnp.float32) * (1.0 / np.sqrt(32))
    bc = jnp.zeros((1,), dtype=jnp.float32)
    return {"x": x, "edge_index": edge_index, "W1": W1, "b1": b1, "W2": W2, "b2": b2, "Wc": Wc, "bc": bc}


def reference(x, edge_index, W1, b1, W2, b2, Wc, bc):
    h = gcn_conv(x, edge_index, W1, b1)
    h = jax.nn.relu(h)
    h = gcn_conv(h, edge_index, W2, b2)
    h = jax.nn.relu(h)
    out = h @ Wc + bc
    return out

if __name__ == "__main__":
    import jax
    _d = setup_inputs()
    print(jax.jit(kernel)(*tuple(_d.values())))

</pallas_src>

<mosaic_0001>
#map = affine_map<(d0, d1) -> (0, 0)>
#map1 = affine_map<(d0, d1) -> (0)>
module attributes {stable_mosaic.version = 14 : i64} {
  func.func @_comb(%arg0: i32, %arg1: i32, %arg2: memref<20480x64xf32, #tpu.memory_space<hbm>>, %arg3: memref<10240x64xf32, #tpu.memory_space<hbm>>, %arg4: memref<10240x16xf32, #tpu.memory_space<hbm>>, %arg5: memref<64xf32, #tpu.memory_space<hbm>>, %arg6: memref<10240x64xf32, #tpu.memory_space<hbm>>, %arg7: memref<320x64xf32, #tpu.memory_space<vmem>>, %arg8: memref<320x64xf32, #tpu.memory_space<vmem>>, %arg9: memref<320x64xf32, #tpu.memory_space<vmem>>, %arg10: memref<320x16xf32, #tpu.memory_space<vmem>>, %arg11: memref<64xf32, #tpu.memory_space<vmem>>) attributes {dimension_semantics = [#tpu.dimension_semantics<core_parallel>, #tpu.dimension_semantics<subcore_parallel>], iteration_bounds = array<i64: 2, 16>, scalar_prefetch = 0 : i64, scratch_operands = 5 : i64, tpu.core_type = #tpu.core_type<sc_vector_subcore>, window_params = [{transform_indices = #map}, {transform_indices = #map}, {transform_indices = #map}, {transform_indices = #map1}, {transform_indices = #map}]} {
    %mul3A = arith.constant 16 : i32
    %mul3A_0 = arith.muli %arg0, %mul3A : i32
    %add3A = arith.addi %mul3A_0, %arg1 : i32
    %mul3A_1 = arith.constant 320 : i32
    %mul3A_2 = arith.muli %add3A, %mul3A_1 : i32
    "tpu.region"() ({
      %run_scoped3A = tpu.sem_alloc : memref<!tpu.dma_semaphore, #tpu.memory_space<semaphore_mem>>
      %dma_start3A = arith.constant 0 : i32
      %dma_start3A_10 = tpu.memref_slice %arg2[%mul3A_2, %dma_start3A] : memref<20480x64xf32, #tpu.memory_space<hbm>> -> memref<320x64xf32, #tpu.memory_space<hbm>>
      %dma_start3A_11 = arith.constant 0 : i32
      %dma_start3A_12 = tpu.memref_slice %arg2[%mul3A_2, %dma_start3A_11] : memref<20480x64xf32, #tpu.memory_space<hbm>> -> memref<320x64xf32, #tpu.memory_space<hbm>>
      tpu.enqueue_dma source(%dma_start3A_12 : memref<320x64xf32, #tpu.memory_space<hbm>>) target(%arg7 : memref<320x64xf32, #tpu.memory_space<vmem>>) target_semaphore(%run_scoped3A : memref<!tpu.dma_semaphore, #tpu.memory_space<semaphore_mem>>)
      %dma_wait3A = arith.constant 0 : i32
      %dma_wait3A_13 = tpu.memref_slice %arg2[%mul3A_2, %dma_wait3A] : memref<20480x64xf32, #tpu.memory_space<hbm>> -> memref<320x64xf32, #tpu.memory_space<hbm>>
      %dma_wait3A_14 = arith.constant 0 : i32
      %dma_wait3A_15 = tpu.memref_slice %arg2[%mul3A_2, %dma_wait3A_14] : memref<20480x64xf32, #tpu.memory_space<hbm>> -> memref<320x64xf32, #tpu.memory_space<hbm>>
      tpu.wait_dma2 semaphore(%run_scoped3A : memref<!tpu.dma_semaphore, #tpu.memory_space<semaphore_mem>>) src(%dma_wait3A_15 : memref<320x64xf32, #tpu.memory_space<hbm>>) dst(%arg7 : memref<320x64xf32, #tpu.memory_space<vmem>>)
      tpu.yield
    }) : () -> ()
    %add3A_3 = arith.constant 10240 : i32
    %add3A_4 = arith.addi %add3A_3, %mul3A_2 : i32
    "tpu.region"() ({
      %run_scoped3A = tpu.sem_alloc : memref<!tpu.dma_semaphore, #tpu.memory_space<semaphore_mem>>
      %dma_start3A = arith.constant 0 : i32
      %dma_start3A_10 = tpu.memref_slice %arg2[%add3A_4, %dma_start3A] : memref<20480x64xf32, #tpu.memory_space<hbm>> -> memref<320x64xf32, #tpu.memory_space<hbm>>
      %dma_start3A_11 = arith.constant 0 : i32
      %dma_start3A_12 = tpu.memref_slice %arg2[%add3A_4, %dma_start3A_11] : memref<20480x64xf32, #tpu.memory_space<hbm>> -> memref<320x64xf32, #tpu.memory_space<hbm>>
      tpu.enqueue_dma source(%dma_start3A_12 : memref<320x64xf32, #tpu.memory_space<hbm>>) target(%arg8 : memref<320x64xf32, #tpu.memory_space<vmem>>) target_semaphore(%run_scoped3A : memref<!tpu.dma_semaphore, #tpu.memory_space<semaphore_mem>>)
      %dma_wait3A = arith.constant 0 : i32
      %dma_wait3A_13 = tpu.memref_slice %arg2[%add3A_4, %dma_wait3A] : memref<20480x64xf32, #tpu.memory_space<hbm>> -> memref<320x64xf32, #tpu.memory_space<hbm>>
      %dma_wait3A_14 = arith.constant 0 : i32
      %dma_wait3A_15 = tpu.memref_slice %arg2[%add3A_4, %dma_wait3A_14] : memref<20480x64xf32, #tpu.memory_space<hbm>> -> memref<320x64xf32, #tpu.memory_space<hbm>>
      tpu.wait_dma2 semaphore(%run_scoped3A : memref<!tpu.dma_semaphore, #tpu.memory_space<semaphore_mem>>) src(%dma_wait3A_15 : memref<320x64xf32, #tpu.memory_space<hbm>>) dst(%arg8 : memref<320x64xf32, #tpu.memory_space<vmem>>)
      tpu.yield
    }) : () -> ()
    "tpu.region"() ({
      %run_scoped3A = tpu.sem_alloc : memref<!tpu.dma_semaphore, #tpu.memory_space<semaphore_mem>>
      %dma_start3A = arith.constant 0 : i32
      %dma_start3A_10 = tpu.memref_slice %arg3[%mul3A_2, %dma_start3A] : memref<10240x64xf32, #tpu.memory_space<hbm>> -> memref<320x64xf32, #tpu.memory_space<hbm>>
      %dma_start3A_11 = arith.constant 0 : i32
      %dma_start3A_12 = tpu.memref_slice %arg3[%mul3A_2, %dma_start3A_11] : memref<10240x64xf32, #tpu.memory_space<hbm>> -> memref<320x64xf32, #tpu.memory_space<hbm>>
      tpu.enqueue_dma source(%dma_start3A_12 : memref<320x64xf32, #tpu.memory_space<hbm>>) target(%arg9 : memref<320x64xf32, #tpu.memory_space<vmem>>) target_semaphore(%run_scoped3A : memref<!tpu.dma_semaphore, #tpu.memory_space<semaphore_mem>>)
      %dma_wait3A = arith.constant 0 : i32
      %dma_wait3A_13 = tpu.memref_slice %arg3[%mul3A_2, %dma_wait3A] : memref<10240x64xf32, #tpu.memory_space<hbm>> -> memref<320x64xf32, #tpu.memory_space<hbm>>
      %dma_wait3A_14 = arith.constant 0 : i32
      %dma_wait3A_15 = tpu.memref_slice %arg3[%mul3A_2, %dma_wait3A_14] : memref<10240x64xf32, #tpu.memory_space<hbm>> -> memref<320x64xf32, #tpu.memory_space<hbm>>
      tpu.wait_dma2 semaphore(%run_scoped3A : memref<!tpu.dma_semaphore, #tpu.memory_space<semaphore_mem>>) src(%dma_wait3A_15 : memref<320x64xf32, #tpu.memory_space<hbm>>) dst(%arg9 : memref<320x64xf32, #tpu.memory_space<vmem>>)
      tpu.yield
    }) : () -> ()
    "tpu.region"() ({
      %run_scoped3A = tpu.sem_alloc : memref<!tpu.dma_semaphore, #tpu.memory_space<semaphore_mem>>
      %dma_start3A = arith.constant 0 : i32
      %dma_start3A_10 = tpu.memref_slice %arg4[%mul3A_2, %dma_start3A] : memref<10240x16xf32, #tpu.memory_space<hbm>> -> memref<320x16xf32, #tpu.memory_space<hbm>>
      %dma_start3A_11 = arith.constant 0 : i32
      %dma_start3A_12 = tpu.memref_slice %arg4[%mul3A_2, %dma_start3A_11] : memref<10240x16xf32, #tpu.memory_space<hbm>> -> memref<320x16xf32, #tpu.memory_space<hbm>>
      tpu.enqueue_dma source(%dma_start3A_12 : memref<320x16xf32, #tpu.memory_space<hbm>>) target(%arg10 : memref<320x16xf32, #tpu.memory_space<vmem>>) target_semaphore(%run_scoped3A : memref<!tpu.dma_semaphore, #tpu.memory_space<semaphore_mem>>)
      %dma_wait3A = arith.constant 0 : i32
      %dma_wait3A_13 = tpu.memref_slice %arg4[%mul3A_2, %dma_wait3A] : memref<10240x16xf32, #tpu.memory_space<hbm>> -> memref<320x16xf32, #tpu.memory_space<hbm>>
      %dma_wait3A_14 = arith.constant 0 : i32
      %dma_wait3A_15 = tpu.memref_slice %arg4[%mul3A_2, %dma_wait3A_14] : memref<10240x16xf32, #tpu.memory_space<hbm>> -> memref<320x16xf32, #tpu.memory_space<hbm>>
      tpu.wait_dma2 semaphore(%run_scoped3A : memref<!tpu.dma_semaphore, #tpu.memory_space<semaphore_mem>>) src(%dma_wait3A_15 : memref<320x16xf32, #tpu.memory_space<hbm>>) dst(%arg10 : memref<320x16xf32, #tpu.memory_space<vmem>>)
      tpu.yield
    }) : () -> ()
    "tpu.region"() ({
      %run_scoped3A = tpu.sem_alloc : memref<!tpu.dma_semaphore, #tpu.memory_space<semaphore_mem>>
      tpu.enqueue_dma source(%arg5 : memref<64xf32, #tpu.memory_space<hbm>>) target(%arg11 : memref<64xf32, #tpu.memory_space<vmem>>) target_semaphore(%run_scoped3A : memref<!tpu.dma_semaphore, #tpu.memory_space<semaphore_mem>>)
      tpu.wait_dma2 semaphore(%run_scoped3A : memref<!tpu.dma_semaphore, #tpu.memory_space<semaphore_mem>>) src(%arg5 : memref<64xf32, #tpu.memory_space<hbm>>) dst(%arg11 : memref<64xf32, #tpu.memory_space<vmem>>)
      tpu.yield
    }) : () -> ()
    %scan3A = arith.constant 0 : i32
    %scan3A_5 = arith.constant 0 : i32
    %scan3A_6 = arith.constant 320 : i32
    %scan3A_7 = arith.addi %scan3A_5, %scan3A_6 : i32
    %scan3A_8 = arith.constant 1 : i32
    scf.for %scan3A_10 = %scan3A_5 to %scan3A_7 step %scan3A_8  : i32 {
      %get3A = arith.index_cast %scan3A_10 : i32 to index
      %get3A_11 = arith.constant 0 : index
      %get3A_12 = tpu.vector_load %arg10[%get3A, %get3A_11] {strides = array<i32>} : memref<320x16xf32, #tpu.memory_space<vmem>>, vector<16xf32>,
      %get3A_13 = arith.index_cast %scan3A_10 : i32 to index
      %get3A_14 = arith.constant 0 : index
      %get3A_15 = tpu.vector_load %arg7[%get3A_13, %get3A_14] {strides = array<i32>} : memref<320x64xf32, #tpu.memory_space<vmem>>, vector<16xf32>,
      %get3A_16 = arith.index_cast %scan3A_10 : i32 to index
      %get3A_17 = arith.constant 0 : index
      %get3A_18 = tpu.vector_load %arg8[%get3A_16, %get3A_17] {strides = array<i32>} : memref<320x64xf32, #tpu.memory_space<vmem>>, vector<16xf32>,
      %add3A_19 = arith.addf %get3A_15, %get3A_18 : vector<16xf32>
      %get3A_20 = arith.index_cast %scan3A_10 : i32 to index
      %get3A_21 = arith.constant 0 : index
      %get3A_22 = tpu.vector_load %arg9[%get3A_20, %get3A_21] {strides = array<i32>} : memref<320x64xf32, #tpu.memory_space<vmem>>, vector<16xf32>,
      %add3A_23 = arith.addf %add3A_19, %get3A_22 : vector<16xf32>
      %mul3A_24 = arith.mulf %add3A_23, %get3A_12 : vector<16xf32>
      %get3A_25 = arith.constant 0 : index
      %get3A_26 = tpu.vector_load %arg11[%get3A_25] {strides = array<i32>} : memref<64xf32, #tpu.memory_space<vmem>>, vector<16xf32>,
      %add3A_27 = arith.addf %mul3A_24, %get3A_26 : vector<16xf32>
      %max3A = arith.constant 0.000000e+00 : f32
      %max3A_28 = vector.broadcast %max3A : f32 to vector<16xf32>
      %max3A_29 = arith.maximumf %add3A_27, %max3A_28 : vector<16xf32>
      %swap3A = arith.index_cast %scan3A_10 : i32 to index
      %swap3A_30 = arith.constant 0 : index
      %swap3A_31 = tpu.vector_load %arg7[%swap3A, %swap3A_30] {strides = array<i32>} : memref<320x64xf32, #tpu.memory_space<vmem>>, vector<16xf32>,
      tpu.vector_store %arg7[%swap3A, %swap3A_30], %max3A_29 {strides = array<i32>} : memref<320x64xf32, #tpu.memory_space<vmem>>, vector<16xf32>,
      %get3A_32 = arith.index_cast %scan3A_10 : i32 to index
      %get3A_33 = arith.constant 16 : index
      %get3A_34 = tpu.vector_load %arg7[%get3A_32, %get3A_33] {strides = array<i32>} : memref<320x64xf32, #tpu.memory_space<vmem>>, vector<16xf32>,
      %get3A_35 = arith.index_cast %scan3A_10 : i32 to index
      %get3A_36 = arith.constant 16 : index
      %get3A_37 = tpu.vector_load %arg8[%get3A_35, %get3A_36] {strides = array<i32>} : memref<320x64xf32, #tpu.memory_space<vmem>>, vector<16xf32>,
      %add3A_38 = arith.addf %get3A_34, %get3A_37 : vector<16xf32>
      %get3A_39 = arith.index_cast %scan3A_10 : i32 to index
      %get3A_40 = arith.constant 16 : index
      %get3A_41 = tpu.vector_load %arg9[%get3A_39, %get3A_40] {strides = array<i32>} : memref<320x64xf32, #tpu.memory_space<vmem>>, vector<16xf32>,
      %add3A_42 = arith.addf %add3A_38, %get3A_41 : vector<16xf32>
      %mul3A_43 = arith.mulf %add3A_42, %get3A_12 : vector<16xf32>
      %get3A_44 = arith.constant 16 : index
      %get3A_45 = tpu.vector_load %arg11[%get3A_44] {strides = array<i32>} : memref<64xf32, #tpu.memory_space<vmem>>, vector<16xf32>,
      %add3A_46 = arith.addf %mul3A_43, %get3A_45 : vector<16xf32>
      %max3A_47 = arith.constant 0.000000e+00 : f32
      %max3A_48 = vector.broadcast %max3A_47 : f32 to vector<16xf32>
      %max3A_49 = arith.maximumf %add3A_46, %max3A_48 : vector<16xf32>
      %swap3A_50 = arith.index_cast %scan3A_10 : i32 to index
      %swap3A_51 = arith.constant 16 : index
      %swap3A_52 = tpu.vector_load %arg7[%swap3A_50, %swap3A_51] {strides = array<i32>} : memref<320x64xf32, #tpu.memory_space<vmem>>, vector<16xf32>,
      tpu.vector_store %arg7[%swap3A_50, %swap3A_51], %max3A_49 {strides = array<i32>} : memref<320x64xf32, #tpu.memory_space<vmem>>, vector<16xf32>,
      %get3A_53 = arith.index_cast %scan3A_10 : i32 to index
      %get3A_54 = arith.constant 32 : index
      %get3A_55 = tpu.vector_load %arg7[%get3A_53, %get3A_54] {strides = array<i32>} : memref<320x64xf32, #tpu.memory_space<vmem>>, vector<16xf32>,
      %get3A_56 = arith.index_cast %scan3A_10 : i32 to index
      %get3A_57 = arith.constant 32 : index
      %get3A_58 = tpu.vector_load %arg8[%get3A_56, %get3A_57] {strides = array<i32>} : memref<320x64xf32, #tpu.memory_space<vmem>>, vector<16xf32>,
      %add3A_59 = arith.addf %get3A_55, %get3A_58 : vector<16xf32>
      %get3A_60 = arith.index_cast %scan3A_10 : i32 to index
      %get3A_61 = arith.constant 32 : index
      %get3A_62 = tpu.vector_load %arg9[%get3A_60, %get3A_61] {strides = array<i32>} : memref<320x64xf32, #tpu.memory_space<vmem>>, vector<16xf32>,
      %add3A_63 = arith.addf %add3A_59, %get3A_62 : vector<16xf32>
      %mul3A_64 = arith.mulf %add3A_63, %get3A_12 : vector<16xf32>
      %get3A_65 = arith.constant 32 : index
      %get3A_66 = tpu.vector_load %arg11[%get3A_65] {strides = array<i32>} : memref<64xf32, #tpu.memory_space<vmem>>, vector<16xf32>,
      %add3A_67 = arith.addf %mul3A_64, %get3A_66 : vector<16xf32>
      %max3A_68 = arith.constant 0.000000e+00 : f32
      %max3A_69 = vector.broadcast %max3A_68 : f32 to vector<16xf32>
      %max3A_70 = arith.maximumf %add3A_67, %max3A_69 : vector<16xf32>
      %swap3A_71 = arith.index_cast %scan3A_10 : i32 to index
      %swap3A_72 = arith.constant 32 : index
      %swap3A_73 = tpu.vector_load %arg7[%swap3A_71, %swap3A_72] {strides = array<i32>} : memref<320x64xf32, #tpu.memory_space<vmem>>, vector<16xf32>,
      tpu.vector_store %arg7[%swap3A_71, %swap3A_72], %max3A_70 {strides = array<i32>} : memref<320x64xf32, #tpu.memory_space<vmem>>, vector<16xf32>,
      %get3A_74 = arith.index_cast %scan3A_10 : i32 to index
      %get3A_75 = arith.constant 48 : index
      %get3A_76 = tpu.vector_load %arg7[%get3A_74, %get3A_75] {strides = array<i32>} : memref<320x64xf32, #tpu.memory_space<vmem>>, vector<16xf32>,
      %get3A_77 = arith.index_cast %scan3A_10 : i32 to index
      %get3A_78 = arith.constant 48 : index
      %get3A_79 = tpu.vector_load %arg8[%get3A_77, %get3A_78] {strides = array<i32>} : memref<320x64xf32, #tpu.memory_space<vmem>>, vector<16xf32>,
      %add3A_80 = arith.addf %get3A_76, %get3A_79 : vector<16xf32>
      %get3A_81 = arith.index_cast %scan3A_10 : i32 to index
      %get3A_82 = arith.constant 48 : index
      %get3A_83 = tpu.vector_load %arg9[%get3A_81, %get3A_82] {strides = array<i32>} : memref<320x64xf32, #tpu.memory_space<vmem>>, vector<16xf32>,
      %add3A_84 = arith.addf %add3A_80, %get3A_83 : vector<16xf32>
      %mul3A_85 = arith.mulf %add3A_84, %get3A_12 : vector<16xf32>
      %get3A_86 = arith.constant 48 : index
      %get3A_87 = tpu.vector_load %arg11[%get3A_86] {strides = array<i32>} : memref<64xf32, #tpu.memory_space<vmem>>, vector<16xf32>,
      %add3A_88 = arith.addf %mul3A_85, %get3A_87 : vector<16xf32>
      %max3A_89 = arith.constant 0.000000e+00 : f32
      %max3A_90 = vector.broadcast %max3A_89 : f32 to vector<16xf32>
      %max3A_91 = arith.maximumf %add3A_88, %max3A_90 : vector<16xf32>
      %swap3A_92 = arith.index_cast %scan3A_10 : i32 to index
      %swap3A_93 = arith.constant 48 : index
      %swap3A_94 = tpu.vector_load %arg7[%swap3A_92, %swap3A_93] {strides = array<i32>} : memref<320x64xf32, #tpu.memory_space<vmem>>, vector<16xf32>,
      tpu.vector_store %arg7[%swap3A_92, %swap3A_93], %max3A_91 {strides = array<i32>} : memref<320x64xf32, #tpu.memory_space<vmem>>, vector<16xf32>,
    }
    %scan3A_9 = arith.constant 320 : i32
    "tpu.region"() ({
      %run_scoped3A = tpu.sem_alloc : memref<!tpu.dma_semaphore, #tpu.memory_space<semaphore_mem>>
      %dma_start3A = arith.constant 0 : i32
      %dma_start3A_10 = tpu.memref_slice %arg6[%mul3A_2, %dma_start3A] : memref<10240x64xf32, #tpu.memory_space<hbm>> -> memref<320x64xf32, #tpu.memory_space<hbm>>
      %dma_start3A_11 = arith.constant 0 : i32
      %dma_start3A_12 = tpu.memref_slice %arg6[%mul3A_2, %dma_start3A_11] : memref<10240x64xf32, #tpu.memory_space<hbm>> -> memref<320x64xf32, #tpu.memory_space<hbm>>
      tpu.enqueue_dma source(%arg7 : memref<320x64xf32, #tpu.memory_space<vmem>>) target(%dma_start3A_12 : memref<320x64xf32, #tpu.memory_space<hbm>>) target_semaphore(%run_scoped3A : memref<!tpu.dma_semaphore, #tpu.memory_space<semaphore_mem>>)
      %dma_wait3A = arith.constant 0 : i32
      %dma_wait3A_13 = tpu.memref_slice %arg6[%mul3A_2, %dma_wait3A] : memref<10240x64xf32, #tpu.memory_space<hbm>> -> memref<320x64xf32, #tpu.memory_space<hbm>>
      %dma_wait3A_14 = arith.constant 0 : i32
      %dma_wait3A_15 = tpu.memref_slice %arg6[%mul3A_2, %dma_wait3A_14] : memref<10240x64xf32, #tpu.memory_space<hbm>> -> memref<320x64xf32, #tpu.memory_space<hbm>>
      tpu.wait_dma2 semaphore(%run_scoped3A : memref<!tpu.dma_semaphore, #tpu.memory_space<semaphore_mem>>) src(%arg7 : memref<320x64xf32, #tpu.memory_space<vmem>>) dst(%dma_wait3A_15 : memref<320x64xf32, #tpu.memory_space<hbm>>)
      tpu.yield
    }) : () -> ()
    return
  }
}

#map = affine_map<(d0, d1) -> (0, 0)>
module attributes {stable_mosaic.version = 14 : i64} {
  func.func @_deg_kernel(%arg0: i32, %arg1: i32, %arg2: memref<2560x128xi32, #tpu.memory_space<hbm>>, %arg3: memref<20480x16xf32, #tpu.memory_space<hbm>>, %arg4: memref<80x128xi32, #tpu.memory_space<vmem>>, %arg5: memref<128x16xf32, #tpu.memory_space<vmem>>, %arg6: memref<128x16xf32, #tpu.memory_space<vmem>>, %arg7: memref<10240x16xf32, #tpu.memory_space<vmem_shared>>, %arg8: memref<!tpu.dma_semaphore, #tpu.memory_space<semaphore_mem>>, %arg9: memref<!tpu.dma_semaphore, #tpu.memory_space<semaphore_mem>>, %arg10: memref<!tpu.dma_semaphore, #tpu.memory_space<semaphore_mem>>, %arg11: memref<!tpu.dma_semaphore, #tpu.memory_space<semaphore_mem>>, %arg12: memref<!tpu.dma_semaphore, #tpu.memory_space<semaphore_mem>>, %arg13: memref<!tpu.dma_semaphore, #tpu.memory_space<semaphore_mem>>, %arg14: memref<!tpu.dma_semaphore, #tpu.memory_space<semaphore_mem>>, %arg15: memref<!tpu.dma_semaphore, #tpu.memory_space<semaphore_mem>>) attributes {dimension_semantics = [#tpu.dimension_semantics<core_parallel>, #tpu.dimension_semantics<subcore_parallel>], iteration_bounds = array<i64: 2, 16>, scalar_prefetch = 0 : i64, scratch_operands = 12 : i64, tpu.core_type = #tpu.core_type<sc_vector_subcore>, window_params = [{transform_indices = #map}, {transform_indices = #map}]} {
    %mul3A = arith.constant 16 : i32
    %mul3A_0 = arith.muli %arg0, %mul3A : i32
    %add3A = arith.addi %mul3A_0, %arg1 : i32
    %scan3A = arith.constant 0 : i32
    %scan3A_1 = arith.constant 0 : i32
    %scan3A_2 = arith.constant 128 : i32
    %scan3A_3 = arith.addi %scan3A_1, %scan3A_2 : i32
    %scan3A_4 = arith.constant 1 : i32
    scf.for %scan3A_42 = %scan3A_1 to %scan3A_3 step %scan3A_4  : i32 {
      %broadcast_in_dim3A = arith.constant 1.000000e+00 : f32
      %broadcast_in_dim3A_43 = vector.broadcast %broadcast_in_dim3A : f32 to vector<16xf32>
      %swap3A = arith.index_cast %scan3A_42 : i32 to index
      %swap3A_44 = arith.constant 0 : index
      %swap3A_45 = tpu.vector_load %arg5[%swap3A, %swap3A_44] {strides = array<i32>} : memref<128x16xf32, #tpu.memory_space<vmem>>, vector<16xf32>,
      tpu.vector_store %arg5[%swap3A, %swap3A_44], %broadcast_in_dim3A_43 {strides = array<i32>} : memref<128x16xf32, #tpu.memory_space<vmem>>, vector<16xf32>,
      %broadcast_in_dim3A_46 = arith.constant 0.000000e+00 : f32
      %broadcast_in_dim3A_47 = vector.broadcast %broadcast_in_dim3A_46 : f32 to vector<16xf32>
      %swap3A_48 = arith.index_cast %scan3A_42 : i32 to index
      %swap3A_49 = arith.constant 0 : index
      %swap3A_50 = tpu.vector_load %arg6[%swap3A_48, %swap3A_49] {strides = array<i32>} : memref<128x16xf32, #tpu.memory_space<vmem>>, vector<16xf32>,
      tpu.vector_store %arg6[%swap3A_48, %swap3A_49], %broadcast_in_dim3A_47 {strides = array<i32>} : memref<128x16xf32, #tpu.memory_space<vmem>>, vector<16xf32>,
    }
    %scan3A_5 = arith.constant 128 : i32
    %mul3A_6 = arith.constant 80 : i32
    %mul3A_7 = arith.muli %add3A, %mul3A_6 : i32
    "tpu.region"() ({
      %run_scoped3A = tpu.sem_alloc : memref<!tpu.dma_semaphore, #tpu.memory_space<semaphore_mem>>
      %dma_start3A = arith.constant 0 : i32
      %dma_start3A_42 = tpu.memref_slice %arg2[%mul3A_7, %dma_start3A] : memref<2560x128xi32, #tpu.memory_space<hbm>> -> memref<80x128xi32, #tpu.memory_space<hbm>>
      %dma_start3A_43 = arith.constant 0 : i32
      %dma_start3A_44 = tpu.memref_slice %arg2[%mul3A_7, %dma_start3A_43] : memref<2560x128xi32, #tpu.memory_space<hbm>> -> memref<80x128xi32, #tpu.memory_space<hbm>>
      tpu.enqueue_dma source(%dma_start3A_44 : memref<80x128xi32, #tpu.memory_space<hbm>>) target(%arg4 : memref<80x128xi32, #tpu.memory_space<vmem>>) target_semaphore(%run_scoped3A : memref<!tpu.dma_semaphore, #tpu.memory_space<semaphore_mem>>)
      %dma_wait3A = arith.constant 0 : i32
      %dma_wait3A_45 = tpu.memref_slice %arg2[%mul3A_7, %dma_wait3A] : memref<2560x128xi32, #tpu.memory_space<hbm>> -> memref<80x128xi32, #tpu.memory_space<hbm>>
      %dma_wait3A_46 = arith.constant 0 : i32
      %dma_wait3A_47 = tpu.memref_slice %arg2[%mul3A_7, %dma_wait3A_46] : memref<2560x128xi32, #tpu.memory_space<hbm>> -> memref<80x128xi32, #tpu.memory_space<hbm>>
      tpu.wait_dma2 semaphore(%run_scoped3A : memref<!tpu.dma_semaphore, #tpu.memory_space<semaphore_mem>>) src(%dma_wait3A_47 : memref<80x128xi32, #tpu.memory_space<hbm>>) dst(%arg4 : memref<80x128xi32, #tpu.memory_space<vmem>>)
      tpu.yield
    }) : () -> ()
    %mul3A_8 = arith.constant 640 : i32
    %mul3A_9 = arith.muli %arg1, %mul3A_8 : i32
    %add3A_10 = arith.constant 0 : i32
    %add3A_11 = arith.addi %mul3A_9, %add3A_10 : i32
    "tpu.region"() ({
      %run_scoped3A = tpu.sem_alloc : memref<!tpu.dma_semaphore, #tpu.memory_space<semaphore_mem>>
      %dma_start3A = arith.constant 0 : i32
      %dma_start3A_42 = tpu.memref_slice %arg7[%add3A_11, %dma_start3A] : memref<10240x16xf32, #tpu.memory_space<vmem_shared>> -> memref<128x16xf32, #tpu.memory_space<vmem_shared>>
      %dma_start3A_43 = arith.constant 0 : i32
      %dma_start3A_44 = tpu.memref_slice %arg7[%add3A_11, %dma_start3A_43] : memref<10240x16xf32, #tpu.memory_space<vmem_shared>> -> memref<128x16xf32, #tpu.memory_space<vmem_shared>>
      tpu.enqueue_dma source(%arg6 : memref<128x16xf32, #tpu.memory_space<vmem>>) target(%dma_start3A_44 : memref<128x16xf32, #tpu.memory_space<vmem_shared>>) target_semaphore(%run_scoped3A : memref<!tpu.dma_semaphore, #tpu.memory_space<semaphore_mem>>)
      %dma_wait3A = arith.constant 0 : i32
      %dma_wait3A_45 = tpu.memref_slice %arg7[%add3A_11, %dma_wait3A] : memref<10240x16xf32, #tpu.memory_space<vmem_shared>> -> memref<128x16xf32, #tpu.memory_space<vmem_shared>>
      %dma_wait3A_46 = arith.constant 0 : i32
      %dma_wait3A_47 = tpu.memref_slice %arg7[%add3A_11, %dma_wait3A_46] : memref<10240x16xf32, #tpu.memory_space<vmem_shared>> -> memref<128x16xf32, #tpu.memory_space<vmem_shared>>
      tpu.wait_dma2 semaphore(%run_scoped3A : memref<!tpu.dma_semaphore, #tpu.memory_space<semaphore_mem>>) src(%arg6 : memref<128x16xf32, #tpu.memory_space<vmem>>) dst(%dma_wait3A_47 : memref<128x16xf32, #tpu.memory_space<vmem_shared>>)
      tpu.yield
    }) : () -> ()
    %mul3A_12 = arith.constant 640 : i32
    %mul3A_13 = arith.muli %arg1, %mul3A_12 : i32
    %add3A_14 = arith.constant 128 : i32
    %add3A_15 = arith.addi %mul3A_13, %add3A_14 : i32
    "tpu.region"() ({
      %run_scoped3A = tpu.sem_alloc : memref<!tpu.dma_semaphore, #tpu.memory_space<semaphore_mem>>
      %dma_start3A = arith.constant 0 : i32
      %dma_start3A_42 = tpu.memref_slice %arg7[%add3A_15, %dma_start3A] : memref<10240x16xf32, #tpu.memory_space<vmem_shared>> -> memref<128x16xf32, #tpu.memory_space<vmem_shared>>
      %dma_start3A_43 = arith.constant 0 : i32
      %dma_start3A_44 = tpu.memref_slice %arg7[%add3A_15, %dma_start3A_43] : memref<10240x16xf32, #tpu.memory_space<vmem_shared>> -> memref<128x16xf32, #tpu.memory_space<vmem_shared>>
      tpu.enqueue_dma source(%arg6 : memref<128x16xf32, #tpu.memory_space<vmem>>) target(%dma_start3A_44 : memref<128x16xf32, #tpu.memory_space<vmem_shared>>) target_semaphore(%run_scoped3A : memref<!tpu.dma_semaphore, #tpu.memory_space<semaphore_mem>>)
      %dma_wait3A = arith.constant 0 : i32
      %dma_wait3A_45 = tpu.memref_slice %arg7[%add3A_15, %dma_wait3A] : memref<10240x16xf32, #tpu.memory_space<vmem_shared>> -> memref<128x16xf32, #tpu.memory_space<vmem_shared>>
      %dma_wait3A_46 = arith.constant 0 : i32
      %dma_wait3A_47 = tpu.memref_slice %arg7[%add3A_15, %dma_wait3A_46] : memref<10240x16xf32, #tpu.memory_space<vmem_shared>> -> memref<128x16xf32, #tpu.memory_space<vmem_shared>>
      tpu.wait_dma2 semaphore(%run_scoped3A : memref<!tpu.dma_semaphore, #tpu.memory_space<semaphore_mem>>) src(%arg6 : memref<128x16xf32, #tpu.memory_space<vmem>>) dst(%dma_wait3A_47 : memref<128x16xf32, #tpu.memory_space<vmem_shared>>)
      tpu.yield
    }) : () -> ()
    %mul3A_16 = arith.constant 640 : i32
    %mul3A_17 = arith.muli %arg1, %mul3A_16 : i32
    %add3A_18 = arith.constant 256 : i32
    %add3A_19 = arith.addi %mul3A_17, %add3A_18 : i32
    "tpu.region"() ({
      %run_scoped3A = tpu.sem_alloc : memref<!tpu.dma_semaphore, #tpu.memory_space<semaphore_mem>>
      %dma_start3A = arith.constant 0 : i32
      %dma_start3A_42 = tpu.memref_slice %arg7[%add3A_19, %dma_start3A] : memref<10240x16xf32, #tpu.memory_space<vmem_shared>> -> memref<128x16xf32, #tpu.memory_space<vmem_shared>>
      %dma_start3A_43 = arith.constant 0 : i32
      %dma_start3A_44 = tpu.memref_slice %arg7[%add3A_19, %dma_start3A_43] : memref<10240x16xf32, #tpu.memory_space<vmem_shared>> -> memref<128x16xf32, #tpu.memory_space<vmem_shared>>
      tpu.enqueue_dma source(%arg6 : memref<128x16xf32, #tpu.memory_space<vmem>>) target(%dma_start3A_44 : memref<128x16xf32, #tpu.memory_space<vmem_shared>>) target_semaphore(%run_scoped3A : memref<!tpu.dma_semaphore, #tpu.memory_space<semaphore_mem>>)
      %dma_wait3A = arith.constant 0 : i32
      %dma_wait3A_45 = tpu.memref_slice %arg7[%add3A_19, %dma_wait3A] : memref<10240x16xf32, #tpu.memory_space<vmem_shared>> -> memref<128x16xf32, #tpu.memory_space<vmem_shared>>
      %dma_wait3A_46 = arith.constant 0 : i32
      %dma_wait3A_47 = tpu.memref_slice %arg7[%add3A_19, %dma_wait3A_46] : memref<10240x16xf32, #tpu.memory_space<vmem_shared>> -> memref<128x16xf32, #tpu.memory_space<vmem_shared>>
      tpu.wait_dma2 semaphore(%run_scoped3A : memref<!tpu.dma_semaphore, #tpu.memory_space<semaphore_mem>>) src(%arg6 : memref<128x16xf32, #tpu.memory_space<vmem>>) dst(%dma_wait3A_47 : memref<128x16xf32, #tpu.memory_space<vmem_shared>>)
      tpu.yield
    }) : () -> ()
    %mul3A_20 = arith.constant 640 : i32
    %mul3A_21 = arith.muli %arg1, %mul3A_20 : i32
    %add3A_22 = arith.constant 384 : i32
    %add3A_23 = arith.addi %mul3A_21, %add3A_22 : i32
    "tpu.region"() ({
      %run_scoped3A = tpu.sem_alloc : memref<!tpu.dma_semaphore, #tpu.memory_space<semaphore_mem>>
      %dma_start3A = arith.constant 0 : i32
      %dma_start3A_42 = tpu.memref_slice %arg7[%add3A_23, %dma_start3A] : memref<10240x16xf32, #tpu.memory_space<vmem_shared>> -> memref<128x16xf32, #tpu.memory_space<vmem_shared>>
      %dma_start3A_43 = arith.constant 0 : i32
      %dma_start3A_44 = tpu.memref_slice %arg7[%add3A_23, %dma_start3A_43] : memref<10240x16xf32, #tpu.memory_space<vmem_shared>> -> memref<128x16xf32, #tpu.memory_space<vmem_shared>>
      tpu.enqueue_dma source(%arg6 : memref<128x16xf32, #tpu.memory_space<vmem>>) target(%dma_start3A_44 : memref<128x16xf32, #tpu.memory_space<vmem_shared>>) target_semaphore(%run_scoped3A : memref<!tpu.dma_semaphore, #tpu.memory_space<semaphore_mem>>)
      %dma_wait3A = arith.constant 0 : i32
      %dma_wait3A_45 = tpu.memref_slice %arg7[%add3A_23, %dma_wait3A] : memref<10240x16xf32, #tpu.memory_space<vmem_shared>> -> memref<128x16xf32, #tpu.memory_space<vmem_shared>>
      %dma_wait3A_46 = arith.constant 0 : i32
      %dma_wait3A_47 = tpu.memref_slice %arg7[%add3A_23, %dma_wait3A_46] : memref<10240x16xf32, #tpu.memory_space<vmem_shared>> -> memref<128x16xf32, #tpu.memory_space<vmem_shared>>
      tpu.wait_dma2 semaphore(%run_scoped3A : memref<!tpu.dma_semaphore, #tpu.memory_space<semaphore_mem>>) src(%arg6 : memref<128x16xf32, #tpu.memory_space<vmem>>) dst(%dma_wait3A_47 : memref<128x16xf32, #tpu.memory_space<vmem_shared>>)
      tpu.yield
    }) : () -> ()
    %mul3A_24 = arith.constant 640 : i32
    %mul3A_25 = arith.muli %arg1, %mul3A_24 : i32
    %add3A_26 = arith.constant 512 : i32
    %add3A_27 = arith.addi %mul3A_25, %add3A_26 : i32
    "tpu.region"() ({
      %run_scoped3A = tpu.sem_alloc : memref<!tpu.dma_semaphore, #tpu.memory_space<semaphore_mem>>
      %dma_start3A = arith.constant 0 : i32
      %dma_start3A_42 = tpu.memref_slice %arg7[%add3A_27, %dma_start3A] : memref<10240x16xf32, #tpu.memory_space<vmem_shared>> -> memref<128x16xf32, #tpu.memory_space<vmem_shared>>
      %dma_start3A_43 = arith.constant 0 : i32
      %dma_start3A_44 = tpu.memref_slice %arg7[%add3A_27, %dma_start3A_43] : memref<10240x16xf32, #tpu.memory_space<vmem_shared>> -> memref<128x16xf32, #tpu.memory_space<vmem_shared>>
      tpu.enqueue_dma source(%arg6 : memref<128x16xf32, #tpu.memory_space<vmem>>) target(%dma_start3A_44 : memref<128x16xf32, #tpu.memory_space<vmem_shared>>) target_semaphore(%run_scoped3A : memref<!tpu.dma_semaphore, #tpu.memory_space<semaphore_mem>>)
      %dma_wait3A = arith.constant 0 : i32
      %dma_wait3A_45 = tpu.memref_slice %arg7[%add3A_27, %dma_wait3A] : memref<10240x16xf32, #tpu.memory_space<vmem_shared>> -> memref<128x16xf32, #tpu.memory_space<vmem_shared>>
      %dma_wait3A_46 = arith.constant 0 : i32
      %dma_wait3A_47 = tpu.memref_slice %arg7[%add3A_27, %dma_wait3A_46] : memref<10240x16xf32, #tpu.memory_space<vmem_shared>> -> memref<128x16xf32, #tpu.memory_space<vmem_shared>>
      tpu.wait_dma2 semaphore(%run_scoped3A : memref<!tpu.dma_semaphore, #tpu.memory_space<semaphore_mem>>) src(%arg6 : memref<128x16xf32, #tpu.memory_space<vmem>>) dst(%dma_wait3A_47 : memref<128x16xf32, #tpu.memory_space<vmem_shared>>)
      tpu.yield
    }) : () -> ()
    %barrier3A = arith.constant 0 : index
    tpu.barrier barrier_id(%barrier3A)
    %scan3A_28 = arith.constant 0 : i32
    %scan3A_29 = arith.constant 0 : i32
    %scan3A_30 = arith.constant 10 : i32
    %scan3A_31 = arith.addi %scan3A_29, %scan3A_30 : i32
    %scan3A_32 = arith.constant 1 : i32
    scf.for %scan3A_42 = %scan3A_29 to %scan3A_31 step %scan3A_32  : i32 {
      %mul3A_43 = arith.constant 8 : i32
      %mul3A_44 = arith.muli %scan3A_42, %mul3A_43 : i32
      %add3A_45 = arith.constant 0 : i32
      %add3A_46 = arith.addi %mul3A_44, %add3A_45 : i32
      %dma_start3A = arith.constant 0 : i32
      %dma_start3A_47 = tpu.memref_slice %arg4[%add3A_46, %dma_start3A] : memref<80x128xi32, #tpu.memory_space<vmem>> -> memref<1x128xi32, #tpu.memory_space<vmem>>
      %dma_start3A_48 = tpu.memref_squeeze %dma_start3A_47 : memref<1x128xi32, #tpu.memory_space<vmem>> -> memref<128xi32, #tpu.memory_space<vmem>>
      %dma_start3A_49 = arith.constant 0 : i32
      %dma_start3A_50 = arith.constant 0 : i32
      %dma_start3A_51 = tpu.memref_slice %arg7[%dma_start3A_49, %dma_start3A_50] : memref<10240x16xf32, #tpu.memory_space<vmem_shared>> -> memref<10240x16xf32, #tpu.memory_space<vmem_shared>>
      tpu.enqueue_indirect_dma source(%arg5 : memref<128x16xf32, #tpu.memory_space<vmem>>) target(%dma_start3A_51 : memref<10240x16xf32, #tpu.memory_space<vmem_shared>>) offsets(%dma_start3A_48 : memref<128xi32, #tpu.memory_space<vmem>>) semaphore(%arg8 : memref<!tpu.dma_semaphore, #tpu.memory_space<semaphore_mem>>) {add = true}
      %mul3A_52 = arith.constant 8 : i32
      %mul3A_53 = arith.muli %scan3A_42, %mul3A_52 : i32
      %add3A_54 = arith.constant 1 : i32
      %add3A_55 = arith.addi %mul3A_53, %add3A_54 : i32
      %dma_start3A_56 = arith.constant 0 : i32
      %dma_start3A_57 = tpu.memref_slice %arg4[%add3A_55, %dma_start3A_56] : memref<80x128xi32, #tpu.memory_space<vmem>> -> memref<1x128xi32, #tpu.memory_space<vmem>>
      %dma_start3A_58 = tpu.memref_squeeze %dma_start3A_57 : memref<1x128xi32, #tpu.memory_space<vmem>> -> memref<128xi32, #tpu.memory_space<vmem>>
      %dma_start3A_59 = arith.constant 0 : i32
      %dma_start3A_60 = arith.constant 0 : i32
      %dma_start3A_61 = tpu.memref_slice %arg7[%dma_start3A_59, %dma_start3A_60] : memref<10240x16xf32, #tpu.memory_space<vmem_shared>> -> memref<10240x16xf32, #tpu.memory_space<vmem_shared>>
      tpu.enqueue_indirect_dma source(%arg5 : memref<128x16xf32, #tpu.memory_space<vmem>>) target(%dma_start3A_61 : memref<10240x16xf32, #tpu.memory_space<vmem_shared>>) offsets(%dma_start3A_58 : memref<128xi32, #tpu.memory_space<vmem>>) semaphore(%arg9 : memref<!tpu.dma_semaphore, #tpu.memory_space<semaphore_mem>>) {add = true}
      %mul3A_62 = arith.constant 8 : i32
      %mul3A_63 = arith.muli %scan3A_42, %mul3A_62 : i32
      %add3A_64 = arith.constant 2 : i32
      %add3A_65 = arith.addi %mul3A_63, %add3A_64 : i32
      %dma_start3A_66 = arith.constant 0 : i32
      %dma_start3A_67 = tpu.memref_slice %arg4[%add3A_65, %dma_start3A_66] : memref<80x128xi32, #tpu.memory_space<vmem>> -> memref<1x128xi32, #tpu.memory_space<vmem>>
      %dma_start3A_68 = tpu.memref_squeeze %dma_start3A_67 : memref<1x128xi32, #tpu.memory_space<vmem>> -> memref<128xi32, #tpu.memory_space<vmem>>
      %dma_start3A_69 = arith.constant 0 : i32
      %dma_start3A_70 = arith.constant 0 : i32
      %dma_start3A_71 = tpu.memref_slice %arg7[%dma_start3A_69, %dma_start3A_70] : memref<10240x16xf32, #tpu.memory_space<vmem_shared>> -> memref<10240x16xf32, #tpu.memory_space<vmem_shared>>
      tpu.enqueue_indirect_dma source(%arg5 : memref<128x16xf32, #tpu.memory_space<vmem>>) target(%dma_start3A_71 : memref<10240x16xf32, #tpu.memory_space<vmem_shared>>) offsets(%dma_start3A_68 : memref<128xi32, #tpu.memory_space<vmem>>) semaphore(%arg10 : memref<!tpu.dma_semaphore, #tpu.memory_space<semaphore_mem>>) {add = true}
      %mul3A_72 = arith.constant 8 : i32
      %mul3A_73 = arith.muli %scan3A_42, %mul3A_72 : i32
      %add3A_74 = arith.constant 3 : i32
      %add3A_75 = arith.addi %mul3A_73, %add3A_74 : i32
      %dma_start3A_76 = arith.constant 0 : i32
      %dma_start3A_77 = tpu.memref_slice %arg4[%add3A_75, %dma_start3A_76] : memref<80x128xi32, #tpu.memory_space<vmem>> -> memref<1x128xi32, #tpu.memory_space<vmem>>
      %dma_start3A_78 = tpu.memref_squeeze %dma_start3A_77 : memref<1x128xi32, #tpu.memory_space<vmem>> -> memref<128xi32, #tpu.memory_space<vmem>>
      %dma_start3A_79 = arith.constant 0 : i32
      %dma_start3A_80 = arith.constant 0 : i32
      %dma_start3A_81 = tpu.memref_slice %arg7[%dma_start3A_79, %dma_start3A_80] : memref<10240x16xf32, #tpu.memory_space<vmem_shared>> -> memref<10240x16xf32, #tpu.memory_space<vmem_shared>>
      tpu.enqueue_indirect_dma source(%arg5 : memref<128x16xf32, #tpu.memory_space<vmem>>) target(%dma_start3A_81 : memref<10240x16xf32, #tpu.memory_space<vmem_shared>>) offsets(%dma_start3A_78 : memref<128xi32, #tpu.memory_space<vmem>>) semaphore(%arg11 : memref<!tpu.dma_semaphore, #tpu.memory_space<semaphore_mem>>) {add = true}
      %mul3A_82 = arith.constant 8 : i32
      %mul3A_83 = arith.muli %scan3A_42, %mul3A_82 : i32
      %add3A_84 = arith.constant 4 : i32
      %add3A_85 = arith.addi %mul3A_83, %add3A_84 : i32
      %dma_start3A_86 = arith.constant 0 : i32
      %dma_start3A_87 = tpu.memref_slice %arg4[%add3A_85, %dma_start3A_86] : memref<80x128xi32, #tpu.memory_space<vmem>> -> memref<1x128xi32, #tpu.memory_space<vmem>>
      %dma_start3A_88 = tpu.memref_squeeze %dma_start3A_87 : memref<1x128xi32, #tpu.memory_space<vmem>> -> memref<128xi32, #tpu.memory_space<vmem>>
      %dma_start3A_89 = arith.constant 0 : i32
      %dma_start3A_90 = arith.constant 0 : i32
      %dma_start3A_91 = tpu.memref_slice %arg7[%dma_start3A_89, %dma_start3A_90] : memref<10240x16xf32, #tpu.memory_space<vmem_shared>> -> memref<10240x16xf32, #tpu.memory_space<vmem_shared>>
      tpu.enqueue_indirect_dma source(%arg5 : memref<128x16xf32, #tpu.memory_space<vmem>>) target(%dma_start3A_91 : memref<10240x16xf32, #tpu.memory_space<vmem_shared>>) offsets(%dma_start3A_88 : memref<128xi32, #tpu.memory_space<vmem>>) semaphore(%arg12 : memref<!tpu.dma_semaphore, #tpu.memory_space<semaphore_mem>>) {add = true}
      %mul3A_92 = arith.constant 8 : i32
      %mul3A_93 = arith.muli %scan3A_42, %mul3A_92 : i32
      %add3A_94 = arith.constant 5 : i32
      %add3A_95 = arith.addi %mul3A_93, %add3A_94 : i32
      %dma_start3A_96 = arith.constant 0 : i32
      %dma_start3A_97 = tpu.memref_slice %arg4[%add3A_95, %dma_start3A_96] : memref<80x128xi32, #tpu.memory_space<vmem>> -> memref<1x128xi32, #tpu.memory_space<vmem>>
      %dma_start3A_98 = tpu.memref_squeeze %dma_start3A_97 : memref<1x128xi32, #tpu.memory_space<vmem>> -> memref<128xi32, #tpu.memory_space<vmem>>
      %dma_start3A_99 = arith.constant 0 : i32
      %dma_start3A_100 = arith.constant 0 : i32
      %dma_start3A_101 = tpu.memref_slice %arg7[%dma_start3A_99, %dma_start3A_100] : memref<10240x16xf32, #tpu.memory_space<vmem_shared>> -> memref<10240x16xf32, #tpu.memory_space<vmem_shared>>
      tpu.enqueue_indirect_dma source(%arg5 : memref<128x16xf32, #tpu.memory_space<vmem>>) target(%dma_start3A_101 : memref<10240x16xf32, #tpu.memory_space<vmem_shared>>) offsets(%dma_start3A_98 : memref<128xi32, #tpu.memory_space<vmem>>) semaphore(%arg13 : memref<!tpu.dma_semaphore, #tpu.memory_space<semaphore_mem>>) {add = true}
      %mul3A_102 = arith.constant 8 : i32
      %mul3A_103 = arith.muli %scan3A_42, %mul3A_102 : i32
      %add3A_104 = arith.constant 6 : i32
      %add3A_105 = arith.addi %mul3A_103, %add3A_104 : i32
      %dma_start3A_106 = arith.constant 0 : i32
      %dma_start3A_107 = tpu.memref_slice %arg4[%add3A_105, %dma_start3A_106] : memref<80x128xi32, #tpu.memory_space<vmem>> -> memref<1x128xi32, #tpu.memory_space<vmem>>
      %dma_start3A_108 = tpu.memref_squeeze %dma_start3A_107 : memref<1x128xi32, #tpu.memory_space<vmem>> -> memref<128xi32, #tpu.memory_space<vmem>>
      %dma_start3A_109 = arith.constant 0 : i32
      %dma_start3A_110 = arith.constant 0 : i32
      %dma_start3A_111 = tpu.memref_slice %arg7[%dma_start3A_109, %dma_start3A_110] : memref<10240x16xf32, #tpu.memory_space<vmem_shared>> -> memref<10240x16xf32, #tpu.memory_space<vmem_shared>>
      tpu.enqueue_indirect_dma source(%arg5 : memref<128x16xf32, #tpu.memory_space<vmem>>) target(%dma_start3A_111 : memref<10240x16xf32, #tpu.memory_space<vmem_shared>>) offsets(%dma_start3A_108 : memref<128xi32, #tpu.memory_space<vmem>>) semaphore(%arg14 : memref<!tpu.dma_semaphore, #tpu.memory_space<semaphore_mem>>) {add = true}
      %mul3A_112 = arith.constant 8 : i32
      %mul3A_113 = arith.muli %scan3A_42, %mul3A_112 : i32
      %add3A_114 = arith.constant 7 : i32
      %add3A_115 = arith.addi %mul3A_113, %add3A_114 : i32
      %dma_start3A_116 = arith.constant 0 : i32
      %dma_start3A_117 = tpu.memref_slice %arg4[%add3A_115, %dma_start3A_116] : memref<80x128xi32, #tpu.memory_space<vmem>> -> memref<1x128xi32, #tpu.memory_space<vmem>>
      %dma_start3A_118 = tpu.memref_squeeze %dma_start3A_117 : memref<1x128xi32, #tpu.memory_space<vmem>> -> memref<128xi32, #tpu.memory_space<vmem>>
      %dma_start3A_119 = arith.constant 0 : i32
      %dma_start3A_120 = arith.constant 0 : i32
      %dma_start3A_121 = tpu.memref_slice %arg7[%dma_start3A_119, %dma_start3A_120] : memref<10240x16xf32, #tpu.memory_space<vmem_shared>> -> memref<10240x16xf32, #tpu.memory_space<vmem_shared>>
      tpu.enqueue_indirect_dma source(%arg5 : memref<128x16xf32, #tpu.memory_space<vmem>>) target(%dma_start3A_121 : memref<10240x16xf32, #tpu.memory_space<vmem_shared>>) offsets(%dma_start3A_118 : memref<128xi32, #tpu.memory_space<vmem>>) semaphore(%arg15 : memref<!tpu.dma_semaphore, #tpu.memory_space<semaphore_mem>>) {add = true}
      %dma_wait3A = arith.constant 0 : i32
      %dma_wait3A_122 = tpu.memref_slice %arg4[%add3A_46, %dma_wait3A] : memref<80x128xi32, #tpu.memory_space<vmem>> -> memref<1x128xi32, #tpu.memory_space<vmem>>
      %dma_wait3A_123 = tpu.memref_squeeze %dma_wait3A_122 : memref<1x128xi32, #tpu.memory_space<vmem>> -> memref<128xi32, #tpu.memory_space<vmem>>
      %dma_wait3A_124 = arith.constant 0 : i32
      %dma_wait3A_125 = arith.constant 0 : i32
      %dma_wait3A_126 = tpu.memref_slice %arg7[%dma_wait3A_124, %dma_wait3A_125] : memref<10240x16xf32, #tpu.memory_space<vmem_shared>> -> memref<10240x16xf32, #tpu.memory_space<vmem_shared>>
      tpu.wait_indirect_dma semaphore(%arg8 : memref<!tpu.dma_semaphore, #tpu.memory_space<semaphore_mem>>) src(%arg5 : memref<128x16xf32, #tpu.memory_space<vmem>>) dst(%dma_wait3A_126 : memref<10240x16xf32, #tpu.memory_space<vmem_shared>>)
      %dma_wait3A_127 = arith.constant 0 : i32
      %dma_wait3A_128 = tpu.memref_slice %arg4[%add3A_55, %dma_wait3A_127] : memref<80x128xi32, #tpu.memory_space<vmem>> -> memref<1x128xi32, #tpu.memory_space<vmem>>
      %dma_wait3A_129 = tpu.memref_squeeze %dma_wait3A_128 : memref<1x128xi32, #tpu.memory_space<vmem>> -> memref<128xi32, #tpu.memory_space<vmem>>
      %dma_wait3A_130 = arith.constant 0 : i32
      %dma_wait3A_131 = arith.constant 0 : i32
      %dma_wait3A_132 = tpu.memref_slice %arg7[%dma_wait3A_130, %dma_wait3A_131] : memref<10240x16xf32, #tpu.memory_space<vmem_shared>> -> memref<10240x16xf32, #tpu.memory_space<vmem_shared>>
      tpu.wait_indirect_dma semaphore(%arg9 : memref<!tpu.dma_semaphore, #tpu.memory_space<semaphore_mem>>) src(%arg5 : memref<128x16xf32, #tpu.memory_space<vmem>>) dst(%dma_wait3A_132 : memref<10240x16xf32, #tpu.memory_space<vmem_shared>>)
      %dma_wait3A_133 = arith.constant 0 : i32
      %dma_wait3A_134 = tpu.memref_slice %arg4[%add3A_65, %dma_wait3A_133] : memref<80x128xi32, #tpu.memory_space<vmem>> -> memref<1x128xi32, #tpu.memory_space<vmem>>
      %dma_wait3A_135 = tpu.memref_squeeze %dma_wait3A_134 : memref<1x128xi32, #tpu.memory_space<vmem>> -> memref<128xi32, #tpu.memory_space<vmem>>
      %dma_wait3A_136 = arith.constant 0 : i32
      %dma_wait3A_137 = arith.constant 0 : i32
      %dma_wait3A_138 = tpu.memref_slice %arg7[%dma_wait3A_136, %dma_wait3A_137] : memref<10240x16xf32, #tpu.memory_space<vmem_shared>> -> memref<10240x16xf32, #tpu.memory_space<vmem_shared>>
      tpu.wait_indirect_dma semaphore(%arg10 : memref<!tpu.dma_semaphore, #tpu.memory_space<semaphore_mem>>) src(%arg5 : memref<128x16xf32, #tpu.memory_space<vmem>>) dst(%dma_wait3A_138 : memref<10240x16xf32, #tpu.memory_space<vmem_shared>>)
      %dma_wait3A_139 = arith.constant 0 : i32
      %dma_wait3A_140 = tpu.memref_slice %arg4[%add3A_75, %dma_wait3A_139] : memref<80x128xi32, #tpu.memory_space<vmem>> -> memref<1x128xi32, #tpu.memory_space<vmem>>
      %dma_wait3A_141 = tpu.memref_squeeze %dma_wait3A_140 : memref<1x128xi32, #tpu.memory_space<vmem>> -> memref<128xi32, #tpu.memory_space<vmem>>
      %dma_wait3A_142 = arith.constant 0 : i32
      %dma_wait3A_143 = arith.constant 0 : i32
      %dma_wait3A_144 = tpu.memref_slice %arg7[%dma_wait3A_142, %dma_wait3A_143] : memref<10240x16xf32, #tpu.memory_space<vmem_shared>> -> memref<10240x16xf32, #tpu.memory_space<vmem_shared>>
      tpu.wait_indirect_dma semaphore(%arg11 : memref<!tpu.dma_semaphore, #tpu.memory_space<semaphore_mem>>) src(%arg5 : memref<128x16xf32, #tpu.memory_space<vmem>>) dst(%dma_wait3A_144 : memref<10240x16xf32, #tpu.memory_space<vmem_shared>>)
      %dma_wait3A_145 = arith.constant 0 : i32
      %dma_wait3A_146 = tpu.memref_slice %arg4[%add3A_85, %dma_wait3A_145] : memref<80x128xi32, #tpu.memory_space<vmem>> -> memref<1x128xi32, #tpu.memory_space<vmem>>
      %dma_wait3A_147 = tpu.memref_squeeze %dma_wait3A_146 : memref<1x128xi32, #tpu.memory_space<vmem>> -> memref<128xi32, #tpu.memory_space<vmem>>
      %dma_wait3A_148 = arith.constant 0 : i32
      %dma_wait3A_149 = arith.constant 0 : i32
      %dma_wait3A_150 = tpu.memref_slice %arg7[%dma_wait3A_148, %dma_wait3A_149] : memref<10240x16xf32, #tpu.memory_space<vmem_shared>> -> memref<10240x16xf32, #tpu.memory_space<vmem_shared>>
      tpu.wait_indirect_dma semaphore(%arg12 : memref<!tpu.dma_semaphore, #tpu.memory_space<semaphore_mem>>) src(%arg5 : memref<128x16xf32, #tpu.memory_space<vmem>>) dst(%dma_wait3A_150 : memref<10240x16xf32, #tpu.memory_space<vmem_shared>>)
      %dma_wait3A_151 = arith.constant 0 : i32
      %dma_wait3A_152 = tpu.memref_slice %arg4[%add3A_95, %dma_wait3A_151] : memref<80x128xi32, #tpu.memory_space<vmem>> -> memref<1x128xi32, #tpu.memory_space<vmem>>
      %dma_wait3A_153 = tpu.memref_squeeze %dma_wait3A_152 : memref<1x128xi32, #tpu.memory_space<vmem>> -> memref<128xi32, #tpu.memory_space<vmem>>
      %dma_wait3A_154 = arith.constant 0 : i32
      %dma_wait3A_155 = arith.constant 0 : i32
      %dma_wait3A_156 = tpu.memref_slice %arg7[%dma_wait3A_154, %dma_wait3A_155] : memref<10240x16xf32, #tpu.memory_space<vmem_shared>> -> memref<10240x16xf32, #tpu.memory_space<vmem_shared>>
      tpu.wait_indirect_dma semaphore(%arg13 : memref<!tpu.dma_semaphore, #tpu.memory_space<semaphore_mem>>) src(%arg5 : memref<128x16xf32, #tpu.memory_space<vmem>>) dst(%dma_wait3A_156 : memref<10240x16xf32, #tpu.memory_space<vmem_shared>>)
      %dma_wait3A_157 = arith.constant 0 : i32
      %dma_wait3A_158 = tpu.memref_slice %arg4[%add3A_105, %dma_wait3A_157] : memref<80x128xi32, #tpu.memory_space<vmem>> -> memref<1x128xi32, #tpu.memory_space<vmem>>
      %dma_wait3A_159 = tpu.memref_squeeze %dma_wait3A_158 : memref<1x128xi32, #tpu.memory_space<vmem>> -> memref<128xi32, #tpu.memory_space<vmem>>
      %dma_wait3A_160 = arith.constant 0 : i32
      %dma_wait3A_161 = arith.constant 0 : i32
      %dma_wait3A_162 = tpu.memref_slice %arg7[%dma_wait3A_160, %dma_wait3A_161] : memref<10240x16xf32, #tpu.memory_space<vmem_shared>> -> memref<10240x16xf32, #tpu.memory_space<vmem_shared>>
      tpu.wait_indirect_dma semaphore(%arg14 : memref<!tpu.dma_semaphore, #tpu.memory_space<semaphore_mem>>) src(%arg5 : memref<128x16xf32, #tpu.memory_space<vmem>>) dst(%dma_wait3A_162 : memref<10240x16xf32, #tpu.memory_space<vmem_shared>>)
      %dma_wait3A_163 = arith.constant 0 : i32
      %dma_wait3A_164 = tpu.memref_slice %arg4[%add3A_115, %dma_wait3A_163] : memref<80x128xi32, #tpu.memory_space<vmem>> -> memref<1x128xi32, #tpu.memory_space<vmem>>
      %dma_wait3A_165 = tpu.memref_squeeze %dma_wait3A_164 : memref<1x128xi32, #tpu.memory_space<vmem>> -> memref<128xi32, #tpu.memory_space<vmem>>
      %dma_wait3A_166 = arith.constant 0 : i32
      %dma_wait3A_167 = arith.constant 0 : i32
      %dma_wait3A_168 = tpu.memref_slice %arg7[%dma_wait3A_166, %dma_wait3A_167] : memref<10240x16xf32, #tpu.memory_space<vmem_shared>> -> memref<10240x16xf32, #tpu.memory_space<vmem_shared>>
      tpu.wait_indirect_dma semaphore(%arg15 : memref<!tpu.dma_semaphore, #tpu.memory_space<semaphore_mem>>) src(%arg5 : memref<128x16xf32, #tpu.memory_space<vmem>>) dst(%dma_wait3A_168 : memref<10240x16xf32, #tpu.memory_space<vmem_shared>>)
    }
    %scan3A_33 = arith.constant 10 : i32
    %barrier3A_34 = arith.constant 0 : index
    tpu.barrier barrier_id(%barrier3A_34)
    %mul3A_35 = arith.constant 640 : i32
    %mul3A_36 = arith.muli %arg1, %mul3A_35 : i32
    %mul3A_37 = arith.constant 10240 : i32
    %mul3A_38 = arith.muli %arg0, %mul3A_37 : i32
    %mul3A_39 = arith.constant 640 : i32
    %mul3A_40 = arith.muli %arg1, %mul3A_39 : i32
    %add3A_41 = arith.addi %mul3A_38, %mul3A_40 : i32
    "tpu.region"() ({
      %run_scoped3A = tpu.sem_alloc : memref<!tpu.dma_semaphore, #tpu.memory_space<semaphore_mem>>
      %dma_start3A = arith.constant 0 : i32
      %dma_start3A_42 = tpu.memref_slice %arg3[%add3A_41, %dma_start3A] : memref<20480x16xf32, #tpu.memory_space<hbm>> -> memref<640x16xf32, #tpu.memory_space<hbm>>
      %dma_start3A_43 = arith.constant 0 : i32
      %dma_start3A_44 = tpu.memref_slice %arg7[%mul3A_36, %dma_start3A_43] : memref<10240x16xf32, #tpu.memory_space<vmem_shared>> -> memref<640x16xf32, #tpu.memory_space<vmem_shared>>
      tpu.enqueue_dma source(%dma_start3A_44 : memref<640x16xf32, #tpu.memory_space<vmem_shared>>) target(%dma_start3A_42 : memref<640x16xf32, #tpu.memory_space<hbm>>) target_semaphore(%run_scoped3A : memref<!tpu.dma_semaphore, #tpu.memory_space<semaphore_mem>>)
      %dma_wait3A = arith.constant 0 : i32
      %dma_wait3A_45 = tpu.memref_slice %arg3[%add3A_41, %dma_wait3A] : memref<20480x16xf32, #tpu.memory_space<hbm>> -> memref<640x16xf32, #tpu.memory_space<hbm>>
      %dma_wait3A_46 = arith.constant 0 : i32
      %dma_wait3A_47 = tpu.memref_slice %arg7[%mul3A_36, %dma_wait3A_46] : memref<10240x16xf32, #tpu.memory_space<vmem_shared>> -> memref<640x16xf32, #tpu.memory_space<vmem_shared>>
      tpu.wait_dma2 semaphore(%run_scoped3A : memref<!tpu.dma_semaphore, #tpu.memory_space<semaphore_mem>>) src(%dma_wait3A_47 : memref<640x16xf32, #tpu.memory_space<vmem_shared>>) dst(%dma_wait3A_45 : memref<640x16xf32, #tpu.memory_space<hbm>>)
      tpu.yield
    }) : () -> ()
    return
  }
}

#map = affine_map<(d0, d1) -> (0, 0)>
module attributes {stable_mosaic.version = 14 : i64} {
  func.func @_scale_t1_kernel(%arg0: i32, %arg1: i32, %arg2: memref<20480x16xf32, #tpu.memory_space<hbm>>, %arg3: memref<10240x64xf32, #tpu.memory_space<hbm>>, %arg4: memref<10240x64xf32, #tpu.memory_space<hbm>>, %arg5: memref<10240x16xf32, #tpu.memory_space<hbm>>, %arg6: memref<320x16xf32, #tpu.memory_space<vmem>>, %arg7: memref<320x16xf32, #tpu.memory_space<vmem>>, %arg8: memref<320x64xf32, #tpu.memory_space<vmem>>) attributes {dimension_semantics = [#tpu.dimension_semantics<core_parallel>, #tpu.dimension_semantics<subcore_parallel>], iteration_bounds = array<i64: 2, 16>, scalar_prefetch = 0 : i64, scratch_operands = 3 : i64, tpu.core_type = #tpu.core_type<sc_vector_subcore>, window_params = [{transform_indices = #map}, {transform_indices = #map}, {transform_indices = #map}, {transform_indices = #map}]} {
    %mul3A = arith.constant 16 : i32
    %mul3A_0 = arith.muli %arg0, %mul3A : i32
    %add3A = arith.addi %mul3A_0, %arg1 : i32
    %mul3A_1 = arith.constant 320 : i32
    %mul3A_2 = arith.muli %add3A, %mul3A_1 : i32
    "tpu.region"() ({
      %run_scoped3A = tpu.sem_alloc : memref<!tpu.dma_semaphore, #tpu.memory_space<semaphore_mem>>
      %dma_start3A = arith.constant 0 : i32
      %dma_start3A_10 = tpu.memref_slice %arg2[%mul3A_2, %dma_start3A] : memref<20480x16xf32, #tpu.memory_space<hbm>> -> memref<320x16xf32, #tpu.memory_space<hbm>>
      %dma_start3A_11 = arith.constant 0 : i32
      %dma_start3A_12 = tpu.memref_slice %arg2[%mul3A_2, %dma_start3A_11] : memref<20480x16xf32, #tpu.memory_space<hbm>> -> memref<320x16xf32, #tpu.memory_space<hbm>>
      tpu.enqueue_dma source(%dma_start3A_12 : memref<320x16xf32, #tpu.memory_space<hbm>>) target(%arg6 : memref<320x16xf32, #tpu.memory_space<vmem>>) target_semaphore(%run_scoped3A : memref<!tpu.dma_semaphore, #tpu.memory_space<semaphore_mem>>)
      %dma_wait3A = arith.constant 0 : i32
      %dma_wait3A_13 = tpu.memref_slice %arg2[%mul3A_2, %dma_wait3A] : memref<20480x16xf32, #tpu.memory_space<hbm>> -> memref<320x16xf32, #tpu.memory_space<hbm>>
      %dma_wait3A_14 = arith.constant 0 : i32
      %dma_wait3A_15 = tpu.memref_slice %arg2[%mul3A_2, %dma_wait3A_14] : memref<20480x16xf32, #tpu.memory_space<hbm>> -> memref<320x16xf32, #tpu.memory_space<hbm>>
      tpu.wait_dma2 semaphore(%run_scoped3A : memref<!tpu.dma_semaphore, #tpu.memory_space<semaphore_mem>>) src(%dma_wait3A_15 : memref<320x16xf32, #tpu.memory_space<hbm>>) dst(%arg6 : memref<320x16xf32, #tpu.memory_space<vmem>>)
      tpu.yield
    }) : () -> ()
    %add3A_3 = arith.constant 10240 : i32
    %add3A_4 = arith.addi %add3A_3, %mul3A_2 : i32
    "tpu.region"() ({
      %run_scoped3A = tpu.sem_alloc : memref<!tpu.dma_semaphore, #tpu.memory_space<semaphore_mem>>
      %dma_start3A = arith.constant 0 : i32
      %dma_start3A_10 = tpu.memref_slice %arg2[%add3A_4, %dma_start3A] : memref<20480x16xf32, #tpu.memory_space<hbm>> -> memref<320x16xf32, #tpu.memory_space<hbm>>
      %dma_start3A_11 = arith.constant 0 : i32
      %dma_start3A_12 = tpu.memref_slice %arg2[%add3A_4, %dma_start3A_11] : memref<20480x16xf32, #tpu.memory_space<hbm>> -> memref<320x16xf32, #tpu.memory_space<hbm>>
      tpu.enqueue_dma source(%dma_start3A_12 : memref<320x16xf32, #tpu.memory_space<hbm>>) target(%arg7 : memref<320x16xf32, #tpu.memory_space<vmem>>) target_semaphore(%run_scoped3A : memref<!tpu.dma_semaphore, #tpu.memory_space<semaphore_mem>>)
      %dma_wait3A = arith.constant 0 : i32
      %dma_wait3A_13 = tpu.memref_slice %arg2[%add3A_4, %dma_wait3A] : memref<20480x16xf32, #tpu.memory_space<hbm>> -> memref<320x16xf32, #tpu.memory_space<hbm>>
      %dma_wait3A_14 = arith.constant 0 : i32
      %dma_wait3A_15 = tpu.memref_slice %arg2[%add3A_4, %dma_wait3A_14] : memref<20480x16xf32, #tpu.memory_space<hbm>> -> memref<320x16xf32, #tpu.memory_space<hbm>>
      tpu.wait_dma2 semaphore(%run_scoped3A : memref<!tpu.dma_semaphore, #tpu.memory_space<semaphore_mem>>) src(%dma_wait3A_15 : memref<320x16xf32, #tpu.memory_space<hbm>>) dst(%arg7 : memref<320x16xf32, #tpu.memory_space<vmem>>)
      tpu.yield
    }) : () -> ()
    "tpu.region"() ({
      %run_scoped3A = tpu.sem_alloc : memref<!tpu.dma_semaphore, #tpu.memory_space<semaphore_mem>>
      %dma_start3A = arith.constant 0 : i32
      %dma_start3A_10 = tpu.memref_slice %arg3[%mul3A_2, %dma_start3A] : memref<10240x64xf32, #tpu.memory_space<hbm>> -> memref<320x64xf32, #tpu.memory_space<hbm>>
      %dma_start3A_11 = arith.constant 0 : i32
      %dma_start3A_12 = tpu.memref_slice %arg3[%mul3A_2, %dma_start3A_11] : memref<10240x64xf32, #tpu.memory_space<hbm>> -> memref<320x64xf32, #tpu.memory_space<hbm>>
      tpu.enqueue_dma source(%dma_start3A_12 : memref<320x64xf32, #tpu.memory_space<hbm>>) target(%arg8 : memref<320x64xf32, #tpu.memory_space<vmem>>) target_semaphore(%run_scoped3A : memref<!tpu.dma_semaphore, #tpu.memory_space<semaphore_mem>>)
      %dma_wait3A = arith.constant 0 : i32
      %dma_wait3A_13 = tpu.memref_slice %arg3[%mul3A_2, %dma_wait3A] : memref<10240x64xf32, #tpu.memory_space<hbm>> -> memref<320x64xf32, #tpu.memory_space<hbm>>
      %dma_wait3A_14 = arith.constant 0 : i32
      %dma_wait3A_15 = tpu.memref_slice %arg3[%mul3A_2, %dma_wait3A_14] : memref<10240x64xf32, #tpu.memory_space<hbm>> -> memref<320x64xf32, #tpu.memory_space<hbm>>
      tpu.wait_dma2 semaphore(%run_scoped3A : memref<!tpu.dma_semaphore, #tpu.memory_space<semaphore_mem>>) src(%dma_wait3A_15 : memref<320x64xf32, #tpu.memory_space<hbm>>) dst(%arg8 : memref<320x64xf32, #tpu.memory_space<vmem>>)
      tpu.yield
    }) : () -> ()
    %scan3A = arith.constant 0 : i32
    %scan3A_5 = arith.constant 0 : i32
    %scan3A_6 = arith.constant 320 : i32
    %scan3A_7 = arith.addi %scan3A_5, %scan3A_6 : i32
    %scan3A_8 = arith.constant 1 : i32
    scf.for %scan3A_10 = %scan3A_5 to %scan3A_7 step %scan3A_8  : i32 {
      %get3A = arith.index_cast %scan3A_10 : i32 to index
      %get3A_11 = arith.constant 0 : index
      %get3A_12 = tpu.vector_load %arg6[%get3A, %get3A_11] {strides = array<i32>} : memref<320x16xf32, #tpu.memory_space<vmem>>, vector<16xf32>,
      %get3A_13 = arith.index_cast %scan3A_10 : i32 to index
      %get3A_14 = arith.constant 0 : index
      %get3A_15 = tpu.vector_load %arg7[%get3A_13, %get3A_14] {strides = array<i32>} : memref<320x16xf32, #tpu.memory_space<vmem>>, vector<16xf32>,
      %add3A_16 = arith.addf %get3A_12, %get3A_15 : vector<16xf32>
      %add3A_17 = arith.constant 1.000000e+00 : f32
      %add3A_18 = vector.broadcast %add3A_17 : f32 to vector<16xf32>
      %add3A_19 = arith.addf %add3A_16, %add3A_18 : vector<16xf32>
      %bitcast3A = vector.bitcast %add3A_19 : vector<16xf32> to vector<16xi32>
      %shift_right_arithmetic3A = arith.constant 1 : i32
      %shift_right_arithmetic3A_20 = vector.broadcast %shift_right_arithmetic3A : i32 to vector<16xi32>
      %shift_right_arithmetic3A_21 = arith.shrsi %bitcast3A, %shift_right_arithmetic3A_20 : vector<16xi32>
      %sub3A = arith.constant 1597463007 : i32
      %sub3A_22 = vector.broadcast %sub3A : i32 to vector<16xi32>
      %sub3A_23 = arith.subi %sub3A_22, %shift_right_arithmetic3A_21 : vector<16xi32>
      %bitcast3A_24 = vector.bitcast %sub3A_23 : vector<16xi32> to vector<16xf32>
      %mul3A_25 = arith.constant 5.000000e-01 : f32
      %mul3A_26 = vector.broadcast %mul3A_25 : f32 to vector<16xf32>
      %mul3A_27 = arith.mulf %mul3A_26, %add3A_19 : vector<16xf32>
      %mul3A_28 = arith.mulf %mul3A_27, %bitcast3A_24 : vector<16xf32>
      %mul3A_29 = arith.mulf %mul3A_28, %bitcast3A_24 : vector<16xf32>
      %sub3A_30 = arith.constant 1.500000e+00 : f32
      %sub3A_31 = vector.broadcast %sub3A_30 : f32 to vector<16xf32>
      %sub3A_32 = arith.subf %sub3A_31, %mul3A_29 : vector<16xf32>
      %mul3A_33 = arith.mulf %bitcast3A_24, %sub3A_32 : vector<16xf32>
      %mul3A_34 = arith.constant 5.000000e-01 : f32
      %mul3A_35 = vector.broadcast %mul3A_34 : f32 to vector<16xf32>
      %mul3A_36 = arith.mulf %mul3A_35, %add3A_19 : vector<16xf32>
      %mul3A_37 = arith.mulf %mul3A_36, %mul3A_33 : vector<16xf32>
      %mul3A_38 = arith.mulf %mul3A_37, %mul3A_33 : vector<16xf32>
      %sub3A_39 = arith.constant 1.500000e+00 : f32
      %sub3A_40 = vector.broadcast %sub3A_39 : f32 to vector<16xf32>
      %sub3A_41 = arith.subf %sub3A_40, %mul3A_38 : vector<16xf32>
      %mul3A_42 = arith.mulf %mul3A_33, %sub3A_41 : vector<16xf32>
      %mul3A_43 = arith.constant 5.000000e-01 : f32
      %mul3A_44 = vector.broadcast %mul3A_43 : f32 to vector<16xf32>
      %mul3A_45 = arith.mulf %mul3A_44, %add3A_19 : vector<16xf32>
      %mul3A_46 = arith.mulf %mul3A_45, %mul3A_42 : vector<16xf32>
      %mul3A_47 = arith.mulf %mul3A_46, %mul3A_42 : vector<16xf32>
      %sub3A_48 = arith.constant 1.500000e+00 : f32
      %sub3A_49 = vector.broadcast %sub3A_48 : f32 to vector<16xf32>
      %sub3A_50 = arith.subf %sub3A_49, %mul3A_47 : vector<16xf32>
      %mul3A_51 = arith.mulf %mul3A_42, %sub3A_50 : vector<16xf32>
      %swap3A = arith.index_cast %scan3A_10 : i32 to index
      %swap3A_52 = arith.constant 0 : index
      %swap3A_53 = tpu.vector_load %arg6[%swap3A, %swap3A_52] {strides = array<i32>} : memref<320x16xf32, #tpu.memory_space<vmem>>, vector<16xf32>,
      tpu.vector_store %arg6[%swap3A, %swap3A_52], %mul3A_51 {strides = array<i32>} : memref<320x16xf32, #tpu.memory_space<vmem>>, vector<16xf32>,
      %get3A_54 = arith.index_cast %scan3A_10 : i32 to index
      %get3A_55 = arith.constant 0 : index
      %get3A_56 = tpu.vector_load %arg8[%get3A_54, %get3A_55] {strides = array<i32>} : memref<320x64xf32, #tpu.memory_space<vmem>>, vector<16xf32>,
      %mul3A_57 = arith.mulf %get3A_56, %mul3A_51 : vector<16xf32>
      %swap3A_58 = arith.index_cast %scan3A_10 : i32 to index
      %swap3A_59 = arith.constant 0 : index
      %swap3A_60 = tpu.vector_load %arg8[%swap3A_58, %swap3A_59] {strides = array<i32>} : memref<320x64xf32, #tpu.memory_space<vmem>>, vector<16xf32>,
      tpu.vector_store %arg8[%swap3A_58, %swap3A_59], %mul3A_57 {strides = array<i32>} : memref<320x64xf32, #tpu.memory_space<vmem>>, vector<16xf32>,
      %get3A_61 = arith.index_cast %scan3A_10 : i32 to index
      %get3A_62 = arith.constant 16 : index
      %get3A_63 = tpu.vector_load %arg8[%get3A_61, %get3A_62] {strides = array<i32>} : memref<320x64xf32, #tpu.memory_space<vmem>>, vector<16xf32>,
      %mul3A_64 = arith.mulf %get3A_63, %mul3A_51 : vector<16xf32>
      %swap3A_65 = arith.index_cast %scan3A_10 : i32 to index
      %swap3A_66 = arith.constant 16 : index
      %swap3A_67 = tpu.vector_load %arg8[%swap3A_65, %swap3A_66] {strides = array<i32>} : memref<320x64xf32, #tpu.memory_space<vmem>>, vector<16xf32>,
      tpu.vector_store %arg8[%swap3A_65, %swap3A_66], %mul3A_64 {strides = array<i32>} : memref<320x64xf32, #tpu.memory_space<vmem>>, vector<16xf32>,
      %get3A_68 = arith.index_cast %scan3A_10 : i32 to index
      %get3A_69 = arith.constant 32 : index
      %get3A_70 = tpu.vector_load %arg8[%get3A_68, %get3A_69] {strides = array<i32>} : memref<320x64xf32, #tpu.memory_space<vmem>>, vector<16xf32>,
      %mul3A_71 = arith.mulf %get3A_70, %mul3A_51 : vector<16xf32>
      %swap3A_72 = arith.index_cast %scan3A_10 : i32 to index
      %swap3A_73 = arith.constant 32 : index
      %swap3A_74 = tpu.vector_load %arg8[%swap3A_72, %swap3A_73] {strides = array<i32>} : memref<320x64xf32, #tpu.memory_space<vmem>>, vector<16xf32>,
      tpu.vector_store %arg8[%swap3A_72, %swap3A_73], %mul3A_71 {strides = array<i32>} : memref<320x64xf32, #tpu.memory_space<vmem>>, vector<16xf32>,
      %get3A_75 = arith.index_cast %scan3A_10 : i32 to index
      %get3A_76 = arith.constant 48 : index
      %get3A_77 = tpu.vector_load %arg8[%get3A_75, %get3A_76] {strides = array<i32>} : memref<320x64xf32, #tpu.memory_space<vmem>>, vector<16xf32>,
      %mul3A_78 = arith.mulf %get3A_77, %mul3A_51 : vector<16xf32>
      %swap3A_79 = arith.index_cast %scan3A_10 : i32 to index
      %swap3A_80 = arith.constant 48 : index
      %swap3A_81 = tpu.vector_load %arg8[%swap3A_79, %swap3A_80] {strides = array<i32>} : memref<320x64xf32, #tpu.memory_space<vmem>>, vector<16xf32>,
      tpu.vector_store %arg8[%swap3A_79, %swap3A_80], %mul3A_78 {strides = array<i32>} : memref<320x64xf32, #tpu.memory_space<vmem>>, vector<16xf32>,
    }
    %scan3A_9 = arith.constant 320 : i32
    "tpu.region"() ({
      %run_scoped3A = tpu.sem_alloc : memref<!tpu.dma_semaphore, #tpu.memory_space<semaphore_mem>>
      %dma_start3A = arith.constant 0 : i32
      %dma_start3A_10 = tpu.memref_slice %arg4[%mul3A_2, %dma_start3A] : memref<10240x64xf32, #tpu.memory_space<hbm>> -> memref<320x64xf32, #tpu.memory_space<hbm>>
      %dma_start3A_11 = arith.constant 0 : i32
      %dma_start3A_12 = tpu.memref_slice %arg4[%mul3A_2, %dma_start3A_11] : memref<10240x64xf32, #tpu.memory_space<hbm>> -> memref<320x64xf32, #tpu.memory_space<hbm>>
      tpu.enqueue_dma source(%arg8 : memref<320x64xf32, #tpu.memory_space<vmem>>) target(%dma_start3A_12 : memref<320x64xf32, #tpu.memory_space<hbm>>) target_semaphore(%run_scoped3A : memref<!tpu.dma_semaphore, #tpu.memory_space<semaphore_mem>>)
      %dma_wait3A = arith.constant 0 : i32
      %dma_wait3A_13 = tpu.memref_slice %arg4[%mul3A_2, %dma_wait3A] : memref<10240x64xf32, #tpu.memory_space<hbm>> -> memref<320x64xf32, #tpu.memory_space<hbm>>
      %dma_wait3A_14 = arith.constant 0 : i32
      %dma_wait3A_15 = tpu.memref_slice %arg4[%mul3A_2, %dma_wait3A_14] : memref<10240x64xf32, #tpu.memory_space<hbm>> -> memref<320x64xf32, #tpu.memory_space<hbm>>
      tpu.wait_dma2 semaphore(%run_scoped3A : memref<!tpu.dma_semaphore, #tpu.memory_space<semaphore_mem>>) src(%arg8 : memref<320x64xf32, #tpu.memory_space<vmem>>) dst(%dma_wait3A_15 : memref<320x64xf32, #tpu.memory_space<hbm>>)
      tpu.yield
    }) : () -> ()
    "tpu.region"() ({
      %run_scoped3A = tpu.sem_alloc : memref<!tpu.dma_semaphore, #tpu.memory_space<semaphore_mem>>
      %dma_start3A = arith.constant 0 : i32
      %dma_start3A_10 = tpu.memref_slice %arg5[%mul3A_2, %dma_start3A] : memref<10240x16xf32, #tpu.memory_space<hbm>> -> memref<320x16xf32, #tpu.memory_space<hbm>>
      %dma_start3A_11 = arith.constant 0 : i32
      %dma_start3A_12 = tpu.memref_slice %arg5[%mul3A_2, %dma_start3A_11] : memref<10240x16xf32, #tpu.memory_space<hbm>> -> memref<320x16xf32, #tpu.memory_space<hbm>>
      tpu.enqueue_dma source(%arg6 : memref<320x16xf32, #tpu.memory_space<vmem>>) target(%dma_start3A_12 : memref<320x16xf32, #tpu.memory_space<hbm>>) target_semaphore(%run_scoped3A : memref<!tpu.dma_semaphore, #tpu.memory_space<semaphore_mem>>)
      %dma_wait3A = arith.constant 0 : i32
      %dma_wait3A_13 = tpu.memref_slice %arg5[%mul3A_2, %dma_wait3A] : memref<10240x16xf32, #tpu.memory_space<hbm>> -> memref<320x16xf32, #tpu.memory_space<hbm>>
      %dma_wait3A_14 = arith.constant 0 : i32
      %dma_wait3A_15 = tpu.memref_slice %arg5[%mul3A_2, %dma_wait3A_14] : memref<10240x16xf32, #tpu.memory_space<hbm>> -> memref<320x16xf32, #tpu.memory_space<hbm>>
      tpu.wait_dma2 semaphore(%run_scoped3A : memref<!tpu.dma_semaphore, #tpu.memory_space<semaphore_mem>>) src(%arg6 : memref<320x16xf32, #tpu.memory_space<vmem>>) dst(%dma_wait3A_15 : memref<320x16xf32, #tpu.memory_space<hbm>>)
      tpu.yield
    }) : () -> ()
    return
  }
}

#map = affine_map<(d0, d1) -> (0, 0)>
module attributes {stable_mosaic.version = 14 : i64} {
  func.func @_agg(%arg0: i32, %arg1: i32, %arg2: memref<10240x64xf32, #tpu.memory_space<hbm>>, %arg3: memref<2560x128xi32, #tpu.memory_space<hbm>>, %arg4: memref<2560x128xi32, #tpu.memory_space<hbm>>, %arg5: memref<20480x64xf32, #tpu.memory_space<hbm>>, %arg6: memref<80x128xi32, #tpu.memory_space<vmem>>, %arg7: memref<80x128xi32, #tpu.memory_space<vmem>>, %arg8: memref<2x128x64xf32, #tpu.memory_space<vmem>>, %arg9: memref<10240x64xf32, #tpu.memory_space<vmem_shared>>, %arg10: memref<10240x64xf32, #tpu.memory_space<vmem_shared>>, %arg11: memref<!tpu.dma_semaphore, #tpu.memory_space<semaphore_mem>>, %arg12: memref<!tpu.dma_semaphore, #tpu.memory_space<semaphore_mem>>, %arg13: memref<!tpu.dma_semaphore, #tpu.memory_space<semaphore_mem>>, %arg14: memref<!tpu.dma_semaphore, #tpu.memory_space<semaphore_mem>>) attributes {dimension_semantics = [#tpu.dimension_semantics<core_parallel>, #tpu.dimension_semantics<subcore_parallel>], iteration_bounds = array<i64: 2, 16>, scalar_prefetch = 0 : i64, scratch_operands = 9 : i64, tpu.core_type = #tpu.core_type<sc_vector_subcore>, window_params = [{transform_indices = #map}, {transform_indices = #map}, {transform_indices = #map}, {transform_indices = #map}]} {
    %mul3A = arith.constant 16 : i32
    %mul3A_0 = arith.muli %arg0, %mul3A : i32
    %add3A = arith.addi %mul3A_0, %arg1 : i32
    %scan3A = arith.constant 0 : i32
    %scan3A_1 = arith.constant 0 : i32
    %scan3A_2 = arith.constant 128 : i32
    %scan3A_3 = arith.addi %scan3A_1, %scan3A_2 : i32
    %scan3A_4 = arith.constant 1 : i32
    scf.for %scan3A_75 = %scan3A_1 to %scan3A_3 step %scan3A_4  : i32 {
      %broadcast_in_dim3A = arith.constant 0.000000e+00 : f32
      %broadcast_in_dim3A_76 = vector.broadcast %broadcast_in_dim3A : f32 to vector<16xf32>
      %swap3A = arith.constant 0 : i32
      %swap3A_77 = arith.index_cast %swap3A : i32 to index
      %swap3A_78 = arith.index_cast %scan3A_75 : i32 to index
      %swap3A_79 = arith.constant 0 : index
      %swap3A_80 = tpu.vector_load %arg8[%swap3A_77, %swap3A_78, %swap3A_79] {strides = array<i32>} : memref<2x128x64xf32, #tpu.memory_space<vmem>>, vector<16xf32>,
      tpu.vector_store %arg8[%swap3A_77, %swap3A_78, %swap3A_79], %broadcast_in_dim3A_76 {strides = array<i32>} : memref<2x128x64xf32, #tpu.memory_space<vmem>>, vector<16xf32>,
      %broadcast_in_dim3A_81 = arith.constant 0.000000e+00 : f32
      %broadcast_in_dim3A_82 = vector.broadcast %broadcast_in_dim3A_81 : f32 to vector<16xf32>
      %swap3A_83 = arith.constant 0 : i32
      %swap3A_84 = arith.index_cast %swap3A_83 : i32 to index
      %swap3A_85 = arith.index_cast %scan3A_75 : i32 to index
      %swap3A_86 = arith.constant 16 : index
      %swap3A_87 = tpu.vector_load %arg8[%swap3A_84, %swap3A_85, %swap3A_86] {strides = array<i32>} : memref<2x128x64xf32, #tpu.memory_space<vmem>>, vector<16xf32>,
      tpu.vector_store %arg8[%swap3A_84, %swap3A_85, %swap3A_86], %broadcast_in_dim3A_82 {strides = array<i32>} : memref<2x128x64xf32, #tpu.memory_space<vmem>>, vector<16xf32>,
      %broadcast_in_dim3A_88 = arith.constant 0.000000e+00 : f32
      %broadcast_in_dim3A_89 = vector.broadcast %broadcast_in_dim3A_88 : f32 to vector<16xf32>
      %swap3A_90 = arith.constant 0 : i32
      %swap3A_91 = arith.index_cast %swap3A_90 : i32 to index
      %swap3A_92 = arith.index_cast %scan3A_75 : i32 to index
      %swap3A_93 = arith.constant 32 : index
      %swap3A_94 = tpu.vector_load %arg8[%swap3A_91, %swap3A_92, %swap3A_93] {strides = array<i32>} : memref<2x128x64xf32, #tpu.memory_space<vmem>>, vector<16xf32>,
      tpu.vector_store %arg8[%swap3A_91, %swap3A_92, %swap3A_93], %broadcast_in_dim3A_89 {strides = array<i32>} : memref<2x128x64xf32, #tpu.memory_space<vmem>>, vector<16xf32>,
      %broadcast_in_dim3A_95 = arith.constant 0.000000e+00 : f32
      %broadcast_in_dim3A_96 = vector.broadcast %broadcast_in_dim3A_95 : f32 to vector<16xf32>
      %swap3A_97 = arith.constant 0 : i32
      %swap3A_98 = arith.index_cast %swap3A_97 : i32 to index
      %swap3A_99 = arith.index_cast %scan3A_75 : i32 to index
      %swap3A_100 = arith.constant 48 : index
      %swap3A_101 = tpu.vector_load %arg8[%swap3A_98, %swap3A_99, %swap3A_100] {strides = array<i32>} : memref<2x128x64xf32, #tpu.memory_space<vmem>>, vector<16xf32>,
      tpu.vector_store %arg8[%swap3A_98, %swap3A_99, %swap3A_100], %broadcast_in_dim3A_96 {strides = array<i32>} : memref<2x128x64xf32, #tpu.memory_space<vmem>>, vector<16xf32>,
    }
    %scan3A_5 = arith.constant 128 : i32
    %mul3A_6 = arith.constant 80 : i32
    %mul3A_7 = arith.muli %add3A, %mul3A_6 : i32
    "tpu.region"() ({
      %run_scoped3A_75 = tpu.sem_alloc : memref<!tpu.dma_semaphore, #tpu.memory_space<semaphore_mem>>
      %dma_start3A_76 = arith.constant 0 : i32
      %dma_start3A_77 = tpu.memref_slice %arg3[%mul3A_7, %dma_start3A_76] : memref<2560x128xi32, #tpu.memory_space<hbm>> -> memref<80x128xi32, #tpu.memory_space<hbm>>
      %dma_start3A_78 = arith.constant 0 : i32
      %dma_start3A_79 = tpu.memref_slice %arg3[%mul3A_7, %dma_start3A_78] : memref<2560x128xi32, #tpu.memory_space<hbm>> -> memref<80x128xi32, #tpu.memory_space<hbm>>
      tpu.enqueue_dma source(%dma_start3A_79 : memref<80x128xi32, #tpu.memory_space<hbm>>) target(%arg6 : memref<80x128xi32, #tpu.memory_space<vmem>>) target_semaphore(%run_scoped3A_75 : memref<!tpu.dma_semaphore, #tpu.memory_space<semaphore_mem>>)
      %dma_wait3A = arith.constant 0 : i32
      %dma_wait3A_80 = tpu.memref_slice %arg3[%mul3A_7, %dma_wait3A] : memref<2560x128xi32, #tpu.memory_space<hbm>> -> memref<80x128xi32, #tpu.memory_space<hbm>>
      %dma_wait3A_81 = arith.constant 0 : i32
      %dma_wait3A_82 = tpu.memref_slice %arg3[%mul3A_7, %dma_wait3A_81] : memref<2560x128xi32, #tpu.memory_space<hbm>> -> memref<80x128xi32, #tpu.memory_space<hbm>>
      tpu.wait_dma2 semaphore(%run_scoped3A_75 : memref<!tpu.dma_semaphore, #tpu.memory_space<semaphore_mem>>) src(%dma_wait3A_82 : memref<80x128xi32, #tpu.memory_space<hbm>>) dst(%arg6 : memref<80x128xi32, #tpu.memory_space<vmem>>)
      tpu.yield
    }) : () -> ()
    %mul3A_8 = arith.constant 80 : i32
    %mul3A_9 = arith.muli %add3A, %mul3A_8 : i32
    "tpu.region"() ({
      %run_scoped3A_75 = tpu.sem_alloc : memref<!tpu.dma_semaphore, #tpu.memory_space<semaphore_mem>>
      %dma_start3A_76 = arith.constant 0 : i32
      %dma_start3A_77 = tpu.memref_slice %arg4[%mul3A_9, %dma_start3A_76] : memref<2560x128xi32, #tpu.memory_space<hbm>> -> memref<80x128xi32, #tpu.memory_space<hbm>>
      %dma_start3A_78 = arith.constant 0 : i32
      %dma_start3A_79 = tpu.memref_slice %arg4[%mul3A_9, %dma_start3A_78] : memref<2560x128xi32, #tpu.memory_space<hbm>> -> memref<80x128xi32, #tpu.memory_space<hbm>>
      tpu.enqueue_dma source(%dma_start3A_79 : memref<80x128xi32, #tpu.memory_space<hbm>>) target(%arg7 : memref<80x128xi32, #tpu.memory_space<vmem>>) target_semaphore(%run_scoped3A_75 : memref<!tpu.dma_semaphore, #tpu.memory_space<semaphore_mem>>)
      %dma_wait3A = arith.constant 0 : i32
      %dma_wait3A_80 = tpu.memref_slice %arg4[%mul3A_9, %dma_wait3A] : memref<2560x128xi32, #tpu.memory_space<hbm>> -> memref<80x128xi32, #tpu.memory_space<hbm>>
      %dma_wait3A_81 = arith.constant 0 : i32
      %dma_wait3A_82 = tpu.memref_slice %arg4[%mul3A_9, %dma_wait3A_81] : memref<2560x128xi32, #tpu.memory_space<hbm>> -> memref<80x128xi32, #tpu.memory_space<hbm>>
      tpu.wait_dma2 semaphore(%run_scoped3A_75 : memref<!tpu.dma_semaphore, #tpu.memory_space<semaphore_mem>>) src(%dma_wait3A_82 : memref<80x128xi32, #tpu.memory_space<hbm>>) dst(%arg7 : memref<80x128xi32, #tpu.memory_space<vmem>>)
      tpu.yield
    }) : () -> ()
    %mul3A_10 = arith.constant 640 : i32
    %mul3A_11 = arith.muli %arg1, %mul3A_10 : i32
    %mul3A_12 = arith.constant 640 : i32
    %mul3A_13 = arith.muli %arg1, %mul3A_12 : i32
    "tpu.region"() ({
      %run_scoped3A_75 = tpu.sem_alloc : memref<!tpu.dma_semaphore, #tpu.memory_space<semaphore_mem>>
      %dma_start3A_76 = arith.constant 0 : i32
      %dma_start3A_77 = tpu.memref_slice %arg9[%mul3A_13, %dma_start3A_76] : memref<10240x64xf32, #tpu.memory_space<vmem_shared>> -> memref<640x64xf32, #tpu.memory_space<vmem_shared>>
      %dma_start3A_78 = arith.constant 0 : i32
      %dma_start3A_79 = tpu.memref_slice %arg2[%mul3A_11, %dma_start3A_78] : memref<10240x64xf32, #tpu.memory_space<hbm>> -> memref<640x64xf32, #tpu.memory_space<hbm>>
      tpu.enqueue_dma source(%dma_start3A_79 : memref<640x64xf32, #tpu.memory_space<hbm>>) target(%dma_start3A_77 : memref<640x64xf32, #tpu.memory_space<vmem_shared>>) target_semaphore(%run_scoped3A_75 : memref<!tpu.dma_semaphore, #tpu.memory_space<semaphore_mem>>)
      %dma_wait3A = arith.constant 0 : i32
      %dma_wait3A_80 = tpu.memref_slice %arg9[%mul3A_13, %dma_wait3A] : memref<10240x64xf32, #tpu.memory_space<vmem_shared>> -> memref<640x64xf32, #tpu.memory_space<vmem_shared>>
      %dma_wait3A_81 = arith.constant 0 : i32
      %dma_wait3A_82 = tpu.memref_slice %arg2[%mul3A_11, %dma_wait3A_81] : memref<10240x64xf32, #tpu.memory_space<hbm>> -> memref<640x64xf32, #tpu.memory_space<hbm>>
      tpu.wait_dma2 semaphore(%run_scoped3A_75 : memref<!tpu.dma_semaphore, #tpu.memory_space<semaphore_mem>>) src(%dma_wait3A_82 : memref<640x64xf32, #tpu.memory_space<hbm>>) dst(%dma_wait3A_80 : memref<640x64xf32, #tpu.memory_space<vmem_shared>>)
      tpu.yield
    }) : () -> ()
    %mul3A_14 = arith.constant 640 : i32
    %mul3A_15 = arith.muli %arg1, %mul3A_14 : i32
    %add3A_16 = arith.constant 0 : i32
    %add3A_17 = arith.addi %mul3A_15, %add3A_16 : i32
    %run_scoped3A = arith.constant 0 : i32
    "tpu.region"() ({
      %run_scoped3A_75 = tpu.sem_alloc : memref<!tpu.dma_semaphore, #tpu.memory_space<semaphore_mem>>
      %dma_start3A_76 = arith.constant 0 : i32
      %dma_start3A_77 = arith.constant 0 : i32
      %dma_start3A_78 = tpu.memref_slice %arg8[%run_scoped3A, %dma_start3A_76, %dma_start3A_77] : memref<2x128x64xf32, #tpu.memory_space<vmem>> -> memref<1x128x64xf32, #tpu.memory_space<vmem>>
      %dma_start3A_79 = tpu.memref_squeeze %dma_start3A_78 : memref<1x128x64xf32, #tpu.memory_space<vmem>> -> memref<128x64xf32, #tpu.memory_space<vmem>>
      %dma_start3A_80 = arith.constant 0 : i32
      %dma_start3A_81 = tpu.memref_slice %arg10[%add3A_17, %dma_start3A_80] : memref<10240x64xf32, #tpu.memory_space<vmem_shared>> -> memref<128x64xf32, #tpu.memory_space<vmem_shared>>
      %dma_start3A_82 = arith.constant 0 : i32
      %dma_start3A_83 = tpu.memref_slice %arg10[%add3A_17, %dma_start3A_82] : memref<10240x64xf32, #tpu.memory_space<vmem_shared>> -> memref<128x64xf32, #tpu.memory_space<vmem_shared>>
      %dma_start3A_84 = arith.constant 0 : i32
      %dma_start3A_85 = arith.constant 0 : i32
      %dma_start3A_86 = tpu.memref_slice %arg8[%run_scoped3A, %dma_start3A_84, %dma_start3A_85] : memref<2x128x64xf32, #tpu.memory_space<vmem>> -> memref<1x128x64xf32, #tpu.memory_space<vmem>>
      %dma_start3A_87 = tpu.memref_squeeze %dma_start3A_86 : memref<1x128x64xf32, #tpu.memory_space<vmem>> -> memref<128x64xf32, #tpu.memory_space<vmem>>
      tpu.enqueue_dma source(%dma_start3A_87 : memref<128x64xf32, #tpu.memory_space<vmem>>) target(%dma_start3A_83 : memref<128x64xf32, #tpu.memory_space<vmem_shared>>) target_semaphore(%run_scoped3A_75 : memref<!tpu.dma_semaphore, #tpu.memory_space<semaphore_mem>>)
      %dma_wait3A = arith.constant 0 : i32
      %dma_wait3A_88 = arith.constant 0 : i32
      %dma_wait3A_89 = tpu.memref_slice %arg8[%run_scoped3A, %dma_wait3A, %dma_wait3A_88] : memref<2x128x64xf32, #tpu.memory_space<vmem>> -> memref<1x128x64xf32, #tpu.memory_space<vmem>>
      %dma_wait3A_90 = tpu.memref_squeeze %dma_wait3A_89 : memref<1x128x64xf32, #tpu.memory_space<vmem>> -> memref<128x64xf32, #tpu.memory_space<vmem>>
      %dma_wait3A_91 = arith.constant 0 : i32
      %dma_wait3A_92 = tpu.memref_slice %arg10[%add3A_17, %dma_wait3A_91] : memref<10240x64xf32, #tpu.memory_space<vmem_shared>> -> memref<128x64xf32, #tpu.memory_space<vmem_shared>>
      %dma_wait3A_93 = arith.constant 0 : i32
      %dma_wait3A_94 = tpu.memref_slice %arg10[%add3A_17, %dma_wait3A_93] : memref<10240x64xf32, #tpu.memory_space<vmem_shared>> -> memref<128x64xf32, #tpu.memory_space<vmem_shared>>
      %dma_wait3A_95 = arith.constant 0 : i32
      %dma_wait3A_96 = arith.constant 0 : i32
      %dma_wait3A_97 = tpu.memref_slice %arg8[%run_scoped3A, %dma_wait3A_95, %dma_wait3A_96] : memref<2x128x64xf32, #tpu.memory_space<vmem>> -> memref<1x128x64xf32, #tpu.memory_space<vmem>>
      %dma_wait3A_98 = tpu.memref_squeeze %dma_wait3A_97 : memref<1x128x64xf32, #tpu.memory_space<vmem>> -> memref<128x64xf32, #tpu.memory_space<vmem>>
      tpu.wait_dma2 semaphore(%run_scoped3A_75 : memref<!tpu.dma_semaphore, #tpu.memory_space<semaphore_mem>>) src(%dma_wait3A_98 : memref<128x64xf32, #tpu.memory_space<vmem>>) dst(%dma_wait3A_94 : memref<128x64xf32, #tpu.memory_space<vmem_shared>>)
      tpu.yield
    }) : () -> ()
    %mul3A_18 = arith.constant 640 : i32
    %mul3A_19 = arith.muli %arg1, %mul3A_18 : i32
    %add3A_20 = arith.constant 128 : i32
    %add3A_21 = arith.addi %mul3A_19, %add3A_20 : i32
    %run_scoped3A_22 = arith.constant 0 : i32
    "tpu.region"() ({
      %run_scoped3A_75 = tpu.sem_alloc : memref<!tpu.dma_semaphore, #tpu.memory_space<semaphore_mem>>
      %dma_start3A_76 = arith.constant 0 : i32
      %dma_start3A_77 = arith.constant 0 : i32
      %dma_start3A_78 = tpu.memref_slice %arg8[%run_scoped3A_22, %dma_start3A_76, %dma_start3A_77] : memref<2x128x64xf32, #tpu.memory_space<vmem>> -> memref<1x128x64xf32, #tpu.memory_space<vmem>>
      %dma_start3A_79 = tpu.memref_squeeze %dma_start3A_78 : memref<1x128x64xf32, #tpu.memory_space<vmem>> -> memref<128x64xf32, #tpu.memory_space<vmem>>
      %dma_start3A_80 = arith.constant 0 : i32
      %dma_start3A_81 = tpu.memref_slice %arg10[%add3A_21, %dma_start3A_80] : memref<10240x64xf32, #tpu.memory_space<vmem_shared>> -> memref<128x64xf32, #tpu.memory_space<vmem_shared>>
      %dma_start3A_82 = arith.constant 0 : i32
      %dma_start3A_83 = tpu.memref_slice %arg10[%add3A_21, %dma_start3A_82] : memref<10240x64xf32, #tpu.memory_space<vmem_shared>> -> memref<128x64xf32, #tpu.memory_space<vmem_shared>>
      %dma_start3A_84 = arith.constant 0 : i32
      %dma_start3A_85 = arith.constant 0 : i32
      %dma_start3A_86 = tpu.memref_slice %arg8[%run_scoped3A_22, %dma_start3A_84, %dma_start3A_85] : memref<2x128x64xf32, #tpu.memory_space<vmem>> -> memref<1x128x64xf32, #tpu.memory_space<vmem>>
      %dma_start3A_87 = tpu.memref_squeeze %dma_start3A_86 : memref<1x128x64xf32, #tpu.memory_space<vmem>> -> memref<128x64xf32, #tpu.memory_space<vmem>>
      tpu.enqueue_dma source(%dma_start3A_87 : memref<128x64xf32, #tpu.memory_space<vmem>>) target(%dma_start3A_83 : memref<128x64xf32, #tpu.memory_space<vmem_shared>>) target_semaphore(%run_scoped3A_75 : memref<!tpu.dma_semaphore, #tpu.memory_space<semaphore_mem>>)
      %dma_wait3A = arith.constant 0 : i32
      %dma_wait3A_88 = arith.constant 0 : i32
      %dma_wait3A_89 = tpu.memref_slice %arg8[%run_scoped3A_22, %dma_wait3A, %dma_wait3A_88] : memref<2x128x64xf32, #tpu.memory_space<vmem>> -> memref<1x128x64xf32, #tpu.memory_space<vmem>>
      %dma_wait3A_90 = tpu.memref_squeeze %dma_wait3A_89 : memref<1x128x64xf32, #tpu.memory_space<vmem>> -> memref<128x64xf32, #tpu.memory_space<vmem>>
      %dma_wait3A_91 = arith.constant 0 : i32
      %dma_wait3A_92 = tpu.memref_slice %arg10[%add3A_21, %dma_wait3A_91] : memref<10240x64xf32, #tpu.memory_space<vmem_shared>> -> memref<128x64xf32, #tpu.memory_space<vmem_shared>>
      %dma_wait3A_93 = arith.constant 0 : i32
      %dma_wait3A_94 = tpu.memref_slice %arg10[%add3A_21, %dma_wait3A_93] : memref<10240x64xf32, #tpu.memory_space<vmem_shared>> -> memref<128x64xf32, #tpu.memory_space<vmem_shared>>
      %dma_wait3A_95 = arith.constant 0 : i32
      %dma_wait3A_96 = arith.constant 0 : i32
      %dma_wait3A_97 = tpu.memref_slice %arg8[%run_scoped3A_22, %dma_wait3A_95, %dma_wait3A_96] : memref<2x128x64xf32, #tpu.memory_space<vmem>> -> memref<1x128x64xf32, #tpu.memory_space<vmem>>
      %dma_wait3A_98 = tpu.memref_squeeze %dma_wait3A_97 : memref<1x128x64xf32, #tpu.memory_space<vmem>> -> memref<128x64xf32, #tpu.memory_space<vmem>>
      tpu.wait_dma2 semaphore(%run_scoped3A_75 : memref<!tpu.dma_semaphore, #tpu.memory_space<semaphore_mem>>) src(%dma_wait3A_98 : memref<128x64xf32, #tpu.memory_space<vmem>>) dst(%dma_wait3A_94 : memref<128x64xf32, #tpu.memory_space<vmem_shared>>)
      tpu.yield
    }) : () -> ()
    %mul3A_23 = arith.constant 640 : i32
    %mul3A_24 = arith.muli %arg1, %mul3A_23 : i32
    %add3A_25 = arith.constant 256 : i32
    %add3A_26 = arith.addi %mul3A_24, %add3A_25 : i32
    %run_scoped3A_27 = arith.constant 0 : i32
    "tpu.region"() ({
      %run_scoped3A_75 = tpu.sem_alloc : memref<!tpu.dma_semaphore, #tpu.memory_space<semaphore_mem>>
      %dma_start3A_76 = arith.constant 0 : i32
      %dma_start3A_77 = arith.constant 0 : i32
      %dma_start3A_78 = tpu.memref_slice %arg8[%run_scoped3A_27, %dma_start3A_76, %dma_start3A_77] : memref<2x128x64xf32, #tpu.memory_space<vmem>> -> memref<1x128x64xf32, #tpu.memory_space<vmem>>
      %dma_start3A_79 = tpu.memref_squeeze %dma_start3A_78 : memref<1x128x64xf32, #tpu.memory_space<vmem>> -> memref<128x64xf32, #tpu.memory_space<vmem>>
      %dma_start3A_80 = arith.constant 0 : i32
      %dma_start3A_81 = tpu.memref_slice %arg10[%add3A_26, %dma_start3A_80] : memref<10240x64xf32, #tpu.memory_space<vmem_shared>> -> memref<128x64xf32, #tpu.memory_space<vmem_shared>>
      %dma_start3A_82 = arith.constant 0 : i32
      %dma_start3A_83 = tpu.memref_slice %arg10[%add3A_26, %dma_start3A_82] : memref<10240x64xf32, #tpu.memory_space<vmem_shared>> -> memref<128x64xf32, #tpu.memory_space<vmem_shared>>
      %dma_start3A_84 = arith.constant 0 : i32
      %dma_start3A_85 = arith.constant 0 : i32
      %dma_start3A_86 = tpu.memref_slice %arg8[%run_scoped3A_27, %dma_start3A_84, %dma_start3A_85] : memref<2x128x64xf32, #tpu.memory_space<vmem>> -> memref<1x128x64xf32, #tpu.memory_space<vmem>>
      %dma_start3A_87 = tpu.memref_squeeze %dma_start3A_86 : memref<1x128x64xf32, #tpu.memory_space<vmem>> -> memref<128x64xf32, #tpu.memory_space<vmem>>
      tpu.enqueue_dma source(%dma_start3A_87 : memref<128x64xf32, #tpu.memory_space<vmem>>) target(%dma_start3A_83 : memref<128x64xf32, #tpu.memory_space<vmem_shared>>) target_semaphore(%run_scoped3A_75 : memref<!tpu.dma_semaphore, #tpu.memory_space<semaphore_mem>>)
      %dma_wait3A = arith.constant 0 : i32
      %dma_wait3A_88 = arith.constant 0 : i32
      %dma_wait3A_89 = tpu.memref_slice %arg8[%run_scoped3A_27, %dma_wait3A, %dma_wait3A_88] : memref<2x128x64xf32, #tpu.memory_space<vmem>> -> memref<1x128x64xf32, #tpu.memory_space<vmem>>
      %dma_wait3A_90 = tpu.memref_squeeze %dma_wait3A_89 : memref<1x128x64xf32, #tpu.memory_space<vmem>> -> memref<128x64xf32, #tpu.memory_space<vmem>>
      %dma_wait3A_91 = arith.constant 0 : i32
      %dma_wait3A_92 = tpu.memref_slice %arg10[%add3A_26, %dma_wait3A_91] : memref<10240x64xf32, #tpu.memory_space<vmem_shared>> -> memref<128x64xf32, #tpu.memory_space<vmem_shared>>
      %dma_wait3A_93 = arith.constant 0 : i32
      %dma_wait3A_94 = tpu.memref_slice %arg10[%add3A_26, %dma_wait3A_93] : memref<10240x64xf32, #tpu.memory_space<vmem_shared>> -> memref<128x64xf32, #tpu.memory_space<vmem_shared>>
      %dma_wait3A_95 = arith.constant 0 : i32
      %dma_wait3A_96 = arith.constant 0 : i32
      %dma_wait3A_97 = tpu.memref_slice %arg8[%run_scoped3A_27, %dma_wait3A_95, %dma_wait3A_96] : memref<2x128x64xf32, #tpu.memory_space<vmem>> -> memref<1x128x64xf32, #tpu.memory_space<vmem>>
      %dma_wait3A_98 = tpu.memref_squeeze %dma_wait3A_97 : memref<1x128x64xf32, #tpu.memory_space<vmem>> -> memref<128x64xf32, #tpu.memory_space<vmem>>
      tpu.wait_dma2 semaphore(%run_scoped3A_75 : memref<!tpu.dma_semaphore, #tpu.memory_space<semaphore_mem>>) src(%dma_wait3A_98 : memref<128x64xf32, #tpu.memory_space<vmem>>) dst(%dma_wait3A_94 : memref<128x64xf32, #tpu.memory_space<vmem_shared>>)
      tpu.yield
    }) : () -> ()
    %mul3A_28 = arith.constant 640 : i32
    %mul3A_29 = arith.muli %arg1, %mul3A_28 : i32
    %add3A_30 = arith.constant 384 : i32
    %add3A_31 = arith.addi %mul3A_29, %add3A_30 : i32
    %run_scoped3A_32 = arith.constant 0 : i32
    "tpu.region"() ({
      %run_scoped3A_75 = tpu.sem_alloc : memref<!tpu.dma_semaphore, #tpu.memory_space<semaphore_mem>>
      %dma_start3A_76 = arith.constant 0 : i32
      %dma_start3A_77 = arith.constant 0 : i32
      %dma_start3A_78 = tpu.memref_slice %arg8[%run_scoped3A_32, %dma_start3A_76, %dma_start3A_77] : memref<2x128x64xf32, #tpu.memory_space<vmem>> -> memref<1x128x64xf32, #tpu.memory_space<vmem>>
      %dma_start3A_79 = tpu.memref_squeeze %dma_start3A_78 : memref<1x128x64xf32, #tpu.memory_space<vmem>> -> memref<128x64xf32, #tpu.memory_space<vmem>>
      %dma_start3A_80 = arith.constant 0 : i32
      %dma_start3A_81 = tpu.memref_slice %arg10[%add3A_31, %dma_start3A_80] : memref<10240x64xf32, #tpu.memory_space<vmem_shared>> -> memref<128x64xf32, #tpu.memory_space<vmem_shared>>
      %dma_start3A_82 = arith.constant 0 : i32
      %dma_start3A_83 = tpu.memref_slice %arg10[%add3A_31, %dma_start3A_82] : memref<10240x64xf32, #tpu.memory_space<vmem_shared>> -> memref<128x64xf32, #tpu.memory_space<vmem_shared>>
      %dma_start3A_84 = arith.constant 0 : i32
      %dma_start3A_85 = arith.constant 0 : i32
      %dma_start3A_86 = tpu.memref_slice %arg8[%run_scoped3A_32, %dma_start3A_84, %dma_start3A_85] : memref<2x128x64xf32, #tpu.memory_space<vmem>> -> memref<1x128x64xf32, #tpu.memory_space<vmem>>
      %dma_start3A_87 = tpu.memref_squeeze %dma_start3A_86 : memref<1x128x64xf32, #tpu.memory_space<vmem>> -> memref<128x64xf32, #tpu.memory_space<vmem>>
      tpu.enqueue_dma source(%dma_start3A_87 : memref<128x64xf32, #tpu.memory_space<vmem>>) target(%dma_start3A_83 : memref<128x64xf32, #tpu.memory_space<vmem_shared>>) target_semaphore(%run_scoped3A_75 : memref<!tpu.dma_semaphore, #tpu.memory_space<semaphore_mem>>)
      %dma_wait3A = arith.constant 0 : i32
      %dma_wait3A_88 = arith.constant 0 : i32
      %dma_wait3A_89 = tpu.memref_slice %arg8[%run_scoped3A_32, %dma_wait3A, %dma_wait3A_88] : memref<2x128x64xf32, #tpu.memory_space<vmem>> -> memref<1x128x64xf32, #tpu.memory_space<vmem>>
      %dma_wait3A_90 = tpu.memref_squeeze %dma_wait3A_89 : memref<1x128x64xf32, #tpu.memory_space<vmem>> -> memref<128x64xf32, #tpu.memory_space<vmem>>
      %dma_wait3A_91 = arith.constant 0 : i32
      %dma_wait3A_92 = tpu.memref_slice %arg10[%add3A_31, %dma_wait3A_91] : memref<10240x64xf32, #tpu.memory_space<vmem_shared>> -> memref<128x64xf32, #tpu.memory_space<vmem_shared>>
      %dma_wait3A_93 = arith.constant 0 : i32
      %dma_wait3A_94 = tpu.memref_slice %arg10[%add3A_31, %dma_wait3A_93] : memref<10240x64xf32, #tpu.memory_space<vmem_shared>> -> memref<128x64xf32, #tpu.memory_space<vmem_shared>>
      %dma_wait3A_95 = arith.constant 0 : i32
      %dma_wait3A_96 = arith.constant 0 : i32
      %dma_wait3A_97 = tpu.memref_slice %arg8[%run_scoped3A_32, %dma_wait3A_95, %dma_wait3A_96] : memref<2x128x64xf32, #tpu.memory_space<vmem>> -> memref<1x128x64xf32, #tpu.memory_space<vmem>>
      %dma_wait3A_98 = tpu.memref_squeeze %dma_wait3A_97 : memref<1x128x64xf32, #tpu.memory_space<vmem>> -> memref<128x64xf32, #tpu.memory_space<vmem>>
      tpu.wait_dma2 semaphore(%run_scoped3A_75 : memref<!tpu.dma_semaphore, #tpu.memory_space<semaphore_mem>>) src(%dma_wait3A_98 : memref<128x64xf32, #tpu.memory_space<vmem>>) dst(%dma_wait3A_94 : memref<128x64xf32, #tpu.memory_space<vmem_shared>>)
      tpu.yield
    }) : () -> ()
    %mul3A_33 = arith.constant 640 : i32
    %mul3A_34 = arith.muli %arg1, %mul3A_33 : i32
    %add3A_35 = arith.constant 512 : i32
    %add3A_36 = arith.addi %mul3A_34, %add3A_35 : i32
    %run_scoped3A_37 = arith.constant 0 : i32
    "tpu.region"() ({
      %run_scoped3A_75 = tpu.sem_alloc : memref<!tpu.dma_semaphore, #tpu.memory_space<semaphore_mem>>
      %dma_start3A_76 = arith.constant 0 : i32
      %dma_start3A_77 = arith.constant 0 : i32
      %dma_start3A_78 = tpu.memref_slice %arg8[%run_scoped3A_37, %dma_start3A_76, %dma_start3A_77] : memref<2x128x64xf32, #tpu.memory_space<vmem>> -> memref<1x128x64xf32, #tpu.memory_space<vmem>>
      %dma_start3A_79 = tpu.memref_squeeze %dma_start3A_78 : memref<1x128x64xf32, #tpu.memory_space<vmem>> -> memref<128x64xf32, #tpu.memory_space<vmem>>
      %dma_start3A_80 = arith.constant 0 : i32
      %dma_start3A_81 = tpu.memref_slice %arg10[%add3A_36, %dma_start3A_80] : memref<10240x64xf32, #tpu.memory_space<vmem_shared>> -> memref<128x64xf32, #tpu.memory_space<vmem_shared>>
      %dma_start3A_82 = arith.constant 0 : i32
      %dma_start3A_83 = tpu.memref_slice %arg10[%add3A_36, %dma_start3A_82] : memref<10240x64xf32, #tpu.memory_space<vmem_shared>> -> memref<128x64xf32, #tpu.memory_space<vmem_shared>>
      %dma_start3A_84 = arith.constant 0 : i32
      %dma_start3A_85 = arith.constant 0 : i32
      %dma_start3A_86 = tpu.memref_slice %arg8[%run_scoped3A_37, %dma_start3A_84, %dma_start3A_85] : memref<2x128x64xf32, #tpu.memory_space<vmem>> -> memref<1x128x64xf32, #tpu.memory_space<vmem>>
      %dma_start3A_87 = tpu.memref_squeeze %dma_start3A_86 : memref<1x128x64xf32, #tpu.memory_space<vmem>> -> memref<128x64xf32, #tpu.memory_space<vmem>>
      tpu.enqueue_dma source(%dma_start3A_87 : memref<128x64xf32, #tpu.memory_space<vmem>>) target(%dma_start3A_83 : memref<128x64xf32, #tpu.memory_space<vmem_shared>>) target_semaphore(%run_scoped3A_75 : memref<!tpu.dma_semaphore, #tpu.memory_space<semaphore_mem>>)
      %dma_wait3A = arith.constant 0 : i32
      %dma_wait3A_88 = arith.constant 0 : i32
      %dma_wait3A_89 = tpu.memref_slice %arg8[%run_scoped3A_37, %dma_wait3A, %dma_wait3A_88] : memref<2x128x64xf32, #tpu.memory_space<vmem>> -> memref<1x128x64xf32, #tpu.memory_space<vmem>>
      %dma_wait3A_90 = tpu.memref_squeeze %dma_wait3A_89 : memref<1x128x64xf32, #tpu.memory_space<vmem>> -> memref<128x64xf32, #tpu.memory_space<vmem>>
      %dma_wait3A_91 = arith.constant 0 : i32
      %dma_wait3A_92 = tpu.memref_slice %arg10[%add3A_36, %dma_wait3A_91] : memref<10240x64xf32, #tpu.memory_space<vmem_shared>> -> memref<128x64xf32, #tpu.memory_space<vmem_shared>>
      %dma_wait3A_93 = arith.constant 0 : i32
      %dma_wait3A_94 = tpu.memref_slice %arg10[%add3A_36, %dma_wait3A_93] : memref<10240x64xf32, #tpu.memory_space<vmem_shared>> -> memref<128x64xf32, #tpu.memory_space<vmem_shared>>
      %dma_wait3A_95 = arith.constant 0 : i32
      %dma_wait3A_96 = arith.constant 0 : i32
      %dma_wait3A_97 = tpu.memref_slice %arg8[%run_scoped3A_37, %dma_wait3A_95, %dma_wait3A_96] : memref<2x128x64xf32, #tpu.memory_space<vmem>> -> memref<1x128x64xf32, #tpu.memory_space<vmem>>
      %dma_wait3A_98 = tpu.memref_squeeze %dma_wait3A_97 : memref<1x128x64xf32, #tpu.memory_space<vmem>> -> memref<128x64xf32, #tpu.memory_space<vmem>>
      tpu.wait_dma2 semaphore(%run_scoped3A_75 : memref<!tpu.dma_semaphore, #tpu.memory_space<semaphore_mem>>) src(%dma_wait3A_98 : memref<128x64xf32, #tpu.memory_space<vmem>>) dst(%dma_wait3A_94 : memref<128x64xf32, #tpu.memory_space<vmem_shared>>)
      tpu.yield
    }) : () -> ()
    %barrier3A = arith.constant 0 : index
    tpu.barrier barrier_id(%barrier3A)
    %dma_start3A = arith.constant 0 : i32
    %dma_start3A_38 = arith.constant 0 : i32
    %dma_start3A_39 = arith.constant 0 : i32
    %dma_start3A_40 = arith.constant 0 : i32
    %dma_start3A_41 = tpu.memref_slice %arg8[%dma_start3A_38, %dma_start3A_39, %dma_start3A_40] : memref<2x128x64xf32, #tpu.memory_space<vmem>> -> memref<1x128x64xf32, #tpu.memory_space<vmem>>
    %dma_start3A_42 = tpu.memref_squeeze %dma_start3A_41 : memref<1x128x64xf32, #tpu.memory_space<vmem>> -> memref<128x64xf32, #tpu.memory_space<vmem>>
    %dma_start3A_43 = arith.constant 0 : i32
    %dma_start3A_44 = tpu.memref_slice %arg6[%dma_start3A, %dma_start3A_43] : memref<80x128xi32, #tpu.memory_space<vmem>> -> memref<1x128xi32, #tpu.memory_space<vmem>>
    %dma_start3A_45 = tpu.memref_squeeze %dma_start3A_44 : memref<1x128xi32, #tpu.memory_space<vmem>> -> memref<128xi32, #tpu.memory_space<vmem>>
    %dma_start3A_46 = arith.constant 0 : i32
    %dma_start3A_47 = arith.constant 0 : i32
    %dma_start3A_48 = tpu.memref_slice %arg9[%dma_start3A_46, %dma_start3A_47] : memref<10240x64xf32, #tpu.memory_space<vmem_shared>> -> memref<10240x64xf32, #tpu.memory_space<vmem_shared>>
    tpu.enqueue_indirect_dma source(%dma_start3A_48 : memref<10240x64xf32, #tpu.memory_space<vmem_shared>>) target(%dma_start3A_42 : memref<128x64xf32, #tpu.memory_space<vmem>>) offsets(%dma_start3A_45 : memref<128xi32, #tpu.memory_space<vmem>>) semaphore(%arg11 : memref<!tpu.dma_semaphore, #tpu.memory_space<semaphore_mem>>)
    %dma_start3A_49 = arith.constant 1 : i32
    %dma_start3A_50 = arith.constant 1 : i32
    %dma_start3A_51 = arith.constant 0 : i32
    %dma_start3A_52 = arith.constant 0 : i32
    %dma_start3A_53 = tpu.memref_slice %arg8[%dma_start3A_50, %dma_start3A_51, %dma_start3A_52] : memref<2x128x64xf32, #tpu.memory_space<vmem>> -> memref<1x128x64xf32, #tpu.memory_space<vmem>>
    %dma_start3A_54 = tpu.memref_squeeze %dma_start3A_53 : memref<1x128x64xf32, #tpu.memory_space<vmem>> -> memref<128x64xf32, #tpu.memory_space<vmem>>
    %dma_start3A_55 = arith.constant 0 : i32
    %dma_start3A_56 = tpu.memref_slice %arg6[%dma_start3A_49, %dma_start3A_55] : memref<80x128xi32, #tpu.memory_space<vmem>> -> memref<1x128xi32, #tpu.memory_space<vmem>>
    %dma_start3A_57 = tpu.memref_squeeze %dma_start3A_56 : memref<1x128xi32, #tpu.memory_space<vmem>> -> memref<128xi32, #tpu.memory_space<vmem>>
    %dma_start3A_58 = arith.constant 0 : i32
    %dma_start3A_59 = arith.constant 0 : i32
    %dma_start3A_60 = tpu.memref_slice %arg9[%dma_start3A_58, %dma_start3A_59] : memref<10240x64xf32, #tpu.memory_space<vmem_shared>> -> memref<10240x64xf32, #tpu.memory_space<vmem_shared>>
    tpu.enqueue_indirect_dma source(%dma_start3A_60 : memref<10240x64xf32, #tpu.memory_space<vmem_shared>>) target(%dma_start3A_54 : memref<128x64xf32, #tpu.memory_space<vmem>>) offsets(%dma_start3A_57 : memref<128xi32, #tpu.memory_space<vmem>>) semaphore(%arg12 : memref<!tpu.dma_semaphore, #tpu.memory_space<semaphore_mem>>)
    %scan3A_61 = arith.constant 0 : i32
    %scan3A_62 = arith.constant 0 : i32
    %scan3A_63 = arith.constant 40 : i32
    %scan3A_64 = arith.addi %scan3A_62, %scan3A_63 : i32
    %scan3A_65 = arith.constant 1 : i32
    scf.for %scan3A_75 = %scan3A_62 to %scan3A_64 step %scan3A_65  : i32 {
      %mul3A_76 = arith.constant 2 : i32
      %mul3A_77 = arith.muli %scan3A_75, %mul3A_76 : i32
      %add3A_78 = arith.constant 0 : i32
      %add3A_79 = arith.addi %mul3A_77, %add3A_78 : i32
      %dma_wait3A = arith.constant 0 : i32
      %dma_wait3A_80 = arith.constant 0 : i32
      %dma_wait3A_81 = arith.constant 0 : i32
      %dma_wait3A_82 = tpu.memref_slice %arg8[%dma_wait3A, %dma_wait3A_80, %dma_wait3A_81] : memref<2x128x64xf32, #tpu.memory_space<vmem>> -> memref<1x128x64xf32, #tpu.memory_space<vmem>>
      %dma_wait3A_83 = tpu.memref_squeeze %dma_wait3A_82 : memref<1x128x64xf32, #tpu.memory_space<vmem>> -> memref<128x64xf32, #tpu.memory_space<vmem>>
      %dma_wait3A_84 = arith.constant 0 : i32
      %dma_wait3A_85 = tpu.memref_slice %arg6[%add3A_79, %dma_wait3A_84] : memref<80x128xi32, #tpu.memory_space<vmem>> -> memref<1x128xi32, #tpu.memory_space<vmem>>
      %dma_wait3A_86 = tpu.memref_squeeze %dma_wait3A_85 : memref<1x128xi32, #tpu.memory_space<vmem>> -> memref<128xi32, #tpu.memory_space<vmem>>
      %dma_wait3A_87 = arith.constant 0 : i32
      %dma_wait3A_88 = arith.constant 0 : i32
      %dma_wait3A_89 = tpu.memref_slice %arg9[%dma_wait3A_87, %dma_wait3A_88] : memref<10240x64xf32, #tpu.memory_space<vmem_shared>> -> memref<10240x64xf32, #tpu.memory_space<vmem_shared>>
      tpu.wait_indirect_dma semaphore(%arg11 : memref<!tpu.dma_semaphore, #tpu.memory_space<semaphore_mem>>) src(%dma_wait3A_89 : memref<10240x64xf32, #tpu.memory_space<vmem_shared>>) dst(%dma_wait3A_83 : memref<128x64xf32, #tpu.memory_space<vmem>>)
      %dma_start3A_90 = arith.constant 0 : i32
      %dma_start3A_91 = arith.constant 0 : i32
      %dma_start3A_92 = arith.constant 0 : i32
      %dma_start3A_93 = tpu.memref_slice %arg8[%dma_start3A_90, %dma_start3A_91, %dma_start3A_92] : memref<2x128x64xf32, #tpu.memory_space<vmem>> -> memref<1x128x64xf32, #tpu.memory_space<vmem>>
      %dma_start3A_94 = tpu.memref_squeeze %dma_start3A_93 : memref<1x128x64xf32, #tpu.memory_space<vmem>> -> memref<128x64xf32, #tpu.memory_space<vmem>>
      %dma_start3A_95 = arith.constant 0 : i32
      %dma_start3A_96 = tpu.memref_slice %arg7[%add3A_79, %dma_start3A_95] : memref<80x128xi32, #tpu.memory_space<vmem>> -> memref<1x128xi32, #tpu.memory_space<vmem>>
      %dma_start3A_97 = tpu.memref_squeeze %dma_start3A_96 : memref<1x128xi32, #tpu.memory_space<vmem>> -> memref<128xi32, #tpu.memory_space<vmem>>
      %dma_start3A_98 = arith.constant 0 : i32
      %dma_start3A_99 = arith.constant 0 : i32
      %dma_start3A_100 = tpu.memref_slice %arg10[%dma_start3A_98, %dma_start3A_99] : memref<10240x64xf32, #tpu.memory_space<vmem_shared>> -> memref<10240x64xf32, #tpu.memory_space<vmem_shared>>
      tpu.enqueue_indirect_dma source(%dma_start3A_94 : memref<128x64xf32, #tpu.memory_space<vmem>>) target(%dma_start3A_100 : memref<10240x64xf32, #tpu.memory_space<vmem_shared>>) offsets(%dma_start3A_97 : memref<128xi32, #tpu.memory_space<vmem>>) semaphore(%arg13 : memref<!tpu.dma_semaphore, #tpu.memory_space<semaphore_mem>>) {add = true}
      %mul3A_101 = arith.constant 2 : i32
      %mul3A_102 = arith.muli %scan3A_75, %mul3A_101 : i32
      %add3A_103 = arith.constant 1 : i32
      %add3A_104 = arith.addi %mul3A_102, %add3A_103 : i32
      %dma_wait3A_105 = arith.constant 1 : i32
      %dma_wait3A_106 = arith.constant 0 : i32
      %dma_wait3A_107 = arith.constant 0 : i32
      %dma_wait3A_108 = tpu.memref_slice %arg8[%dma_wait3A_105, %dma_wait3A_106, %dma_wait3A_107] : memref<2x128x64xf32, #tpu.memory_space<vmem>> -> memref<1x128x64xf32, #tpu.memory_space<vmem>>
      %dma_wait3A_109 = tpu.memref_squeeze %dma_wait3A_108 : memref<1x128x64xf32, #tpu.memory_space<vmem>> -> memref<128x64xf32, #tpu.memory_space<vmem>>
      %dma_wait3A_110 = arith.constant 0 : i32
      %dma_wait3A_111 = tpu.memref_slice %arg6[%add3A_104, %dma_wait3A_110] : memref<80x128xi32, #tpu.memory_space<vmem>> -> memref<1x128xi32, #tpu.memory_space<vmem>>
      %dma_wait3A_112 = tpu.memref_squeeze %dma_wait3A_111 : memref<1x128xi32, #tpu.memory_space<vmem>> -> memref<128xi32, #tpu.memory_space<vmem>>
      %dma_wait3A_113 = arith.constant 0 : i32
      %dma_wait3A_114 = arith.constant 0 : i32
      %dma_wait3A_115 = tpu.memref_slice %arg9[%dma_wait3A_113, %dma_wait3A_114] : memref<10240x64xf32, #tpu.memory_space<vmem_shared>> -> memref<10240x64xf32, #tpu.memory_space<vmem_shared>>
      tpu.wait_indirect_dma semaphore(%arg12 : memref<!tpu.dma_semaphore, #tpu.memory_space<semaphore_mem>>) src(%dma_wait3A_115 : memref<10240x64xf32, #tpu.memory_space<vmem_shared>>) dst(%dma_wait3A_109 : memref<128x64xf32, #tpu.memory_space<vmem>>)
      %dma_start3A_116 = arith.constant 1 : i32
      %dma_start3A_117 = arith.constant 0 : i32
      %dma_start3A_118 = arith.constant 0 : i32
      %dma_start3A_119 = tpu.memref_slice %arg8[%dma_start3A_116, %dma_start3A_117, %dma_start3A_118] : memref<2x128x64xf32, #tpu.memory_space<vmem>> -> memref<1x128x64xf32, #tpu.memory_space<vmem>>
      %dma_start3A_120 = tpu.memref_squeeze %dma_start3A_119 : memref<1x128x64xf32, #tpu.memory_space<vmem>> -> memref<128x64xf32, #tpu.memory_space<vmem>>
      %dma_start3A_121 = arith.constant 0 : i32
      %dma_start3A_122 = tpu.memref_slice %arg7[%add3A_104, %dma_start3A_121] : memref<80x128xi32, #tpu.memory_space<vmem>> -> memref<1x128xi32, #tpu.memory_space<vmem>>
      %dma_start3A_123 = tpu.memref_squeeze %dma_start3A_122 : memref<1x128xi32, #tpu.memory_space<vmem>> -> memref<128xi32, #tpu.memory_space<vmem>>
      %dma_start3A_124 = arith.constant 0 : i32
      %dma_start3A_125 = arith.constant 0 : i32
      %dma_start3A_126 = tpu.memref_slice %arg10[%dma_start3A_124, %dma_start3A_125] : memref<10240x64xf32, #tpu.memory_space<vmem_shared>> -> memref<10240x64xf32, #tpu.memory_space<vmem_shared>>
      tpu.enqueue_indirect_dma source(%dma_start3A_120 : memref<128x64xf32, #tpu.memory_space<vmem>>) target(%dma_start3A_126 : memref<10240x64xf32, #tpu.memory_space<vmem_shared>>) offsets(%dma_start3A_123 : memref<128xi32, #tpu.memory_space<vmem>>) semaphore(%arg14 : memref<!tpu.dma_semaphore, #tpu.memory_space<semaphore_mem>>) {add = true}
      %dma_wait3A_127 = arith.constant 0 : i32
      %dma_wait3A_128 = arith.constant 0 : i32
      %dma_wait3A_129 = arith.constant 0 : i32
      %dma_wait3A_130 = tpu.memref_slice %arg8[%dma_wait3A_127, %dma_wait3A_128, %dma_wait3A_129] : memref<2x128x64xf32, #tpu.memory_space<vmem>> -> memref<1x128x64xf32, #tpu.memory_space<vmem>>
      %dma_wait3A_131 = tpu.memref_squeeze %dma_wait3A_130 : memref<1x128x64xf32, #tpu.memory_space<vmem>> -> memref<128x64xf32, #tpu.memory_space<vmem>>
      %dma_wait3A_132 = arith.constant 0 : i32
      %dma_wait3A_133 = tpu.memref_slice %arg7[%add3A_79, %dma_wait3A_132] : memref<80x128xi32, #tpu.memory_space<vmem>> -> memref<1x128xi32, #tpu.memory_space<vmem>>
      %dma_wait3A_134 = tpu.memref_squeeze %dma_wait3A_133 : memref<1x128xi32, #tpu.memory_space<vmem>> -> memref<128xi32, #tpu.memory_space<vmem>>
      %dma_wait3A_135 = arith.constant 0 : i32
      %dma_wait3A_136 = arith.constant 0 : i32
      %dma_wait3A_137 = tpu.memref_slice %arg10[%dma_wait3A_135, %dma_wait3A_136] : memref<10240x64xf32, #tpu.memory_space<vmem_shared>> -> memref<10240x64xf32, #tpu.memory_space<vmem_shared>>
      tpu.wait_indirect_dma semaphore(%arg13 : memref<!tpu.dma_semaphore, #tpu.memory_space<semaphore_mem>>) src(%dma_wait3A_131 : memref<128x64xf32, #tpu.memory_space<vmem>>) dst(%dma_wait3A_137 : memref<10240x64xf32, #tpu.memory_space<vmem_shared>>)
      %dma_wait3A_138 = arith.constant 1 : i32
      %dma_wait3A_139 = arith.constant 0 : i32
      %dma_wait3A_140 = arith.constant 0 : i32
      %dma_wait3A_141 = tpu.memref_slice %arg8[%dma_wait3A_138, %dma_wait3A_139, %dma_wait3A_140] : memref<2x128x64xf32, #tpu.memory_space<vmem>> -> memref<1x128x64xf32, #tpu.memory_space<vmem>>
      %dma_wait3A_142 = tpu.memref_squeeze %dma_wait3A_141 : memref<1x128x64xf32, #tpu.memory_space<vmem>> -> memref<128x64xf32, #tpu.memory_space<vmem>>
      %dma_wait3A_143 = arith.constant 0 : i32
      %dma_wait3A_144 = tpu.memref_slice %arg7[%add3A_104, %dma_wait3A_143] : memref<80x128xi32, #tpu.memory_space<vmem>> -> memref<1x128xi32, #tpu.memory_space<vmem>>
      %dma_wait3A_145 = tpu.memref_squeeze %dma_wait3A_144 : memref<1x128xi32, #tpu.memory_space<vmem>> -> memref<128xi32, #tpu.memory_space<vmem>>
      %dma_wait3A_146 = arith.constant 0 : i32
      %dma_wait3A_147 = arith.constant 0 : i32
      %dma_wait3A_148 = tpu.memref_slice %arg10[%dma_wait3A_146, %dma_wait3A_147] : memref<10240x64xf32, #tpu.memory_space<vmem_shared>> -> memref<10240x64xf32, #tpu.memory_space<vmem_shared>>
      tpu.wait_indirect_dma semaphore(%arg14 : memref<!tpu.dma_semaphore, #tpu.memory_space<semaphore_mem>>) src(%dma_wait3A_142 : memref<128x64xf32, #tpu.memory_space<vmem>>) dst(%dma_wait3A_148 : memref<10240x64xf32, #tpu.memory_space<vmem_shared>>)
      %add3A_149 = arith.constant 1 : i32
      %add3A_150 = arith.addi %scan3A_75, %add3A_149 : i32
      %lt3A = arith.constant 40 : i32
      %lt3A_151 = arith.cmpi slt, %add3A_150, %lt3A : i32
      %convert_element_type3A = arith.extui %lt3A_151 : i1 to i32
      %cond3A = arith.constant 0 : i32
      %cond3A_152 = arith.cmpi ne, %convert_element_type3A, %cond3A : i32
      scf.if %cond3A_152 {
        %add3A_153 = arith.constant 1 : i32
        %add3A_154 = arith.addi %scan3A_75, %add3A_153 : i32
        %mul3A_155 = arith.constant 2 : i32
        %mul3A_156 = arith.muli %add3A_154, %mul3A_155 : i32
        %add3A_157 = arith.constant 0 : i32
        %add3A_158 = arith.addi %mul3A_156, %add3A_157 : i32
        %dma_start3A_159 = arith.constant 0 : i32
        %dma_start3A_160 = arith.constant 0 : i32
        %dma_start3A_161 = arith.constant 0 : i32
        %dma_start3A_162 = tpu.memref_slice %arg8[%dma_start3A_159, %dma_start3A_160, %dma_start3A_161] : memref<2x128x64xf32, #tpu.memory_space<vmem>> -> memref<1x128x64xf32, #tpu.memory_space<vmem>>
        %dma_start3A_163 = tpu.memref_squeeze %dma_start3A_162 : memref<1x128x64xf32, #tpu.memory_space<vmem>> -> memref<128x64xf32, #tpu.memory_space<vmem>>
        %dma_start3A_164 = arith.constant 0 : i32
        %dma_start3A_165 = tpu.memref_slice %arg6[%add3A_158, %dma_start3A_164] : memref<80x128xi32, #tpu.memory_space<vmem>> -> memref<1x128xi32, #tpu.memory_space<vmem>>
        %dma_start3A_166 = tpu.memref_squeeze %dma_start3A_165 : memref<1x128xi32, #tpu.memory_space<vmem>> -> memref<128xi32, #tpu.memory_space<vmem>>
        %dma_start3A_167 = arith.constant 0 : i32
        %dma_start3A_168 = arith.constant 0 : i32
        %dma_start3A_169 = tpu.memref_slice %arg9[%dma_start3A_167, %dma_start3A_168] : memref<10240x64xf32, #tpu.memory_space<vmem_shared>> -> memref<10240x64xf32, #tpu.memory_space<vmem_shared>>
        tpu.enqueue_indirect_dma source(%dma_start3A_169 : memref<10240x64xf32, #tpu.memory_space<vmem_shared>>) target(%dma_start3A_163 : memref<128x64xf32, #tpu.memory_space<vmem>>) offsets(%dma_start3A_166 : memref<128xi32, #tpu.memory_space<vmem>>) semaphore(%arg11 : memref<!tpu.dma_semaphore, #tpu.memory_space<semaphore_mem>>)
        %add3A_170 = arith.constant 1 : i32
        %add3A_171 = arith.addi %scan3A_75, %add3A_170 : i32
        %mul3A_172 = arith.constant 2 : i32
        %mul3A_173 = arith.muli %add3A_171, %mul3A_172 : i32
        %add3A_174 = arith.constant 1 : i32
        %add3A_175 = arith.addi %mul3A_173, %add3A_174 : i32
        %dma_start3A_176 = arith.constant 1 : i32
        %dma_start3A_177 = arith.constant 0 : i32
        %dma_start3A_178 = arith.constant 0 : i32
        %dma_start3A_179 = tpu.memref_slice %arg8[%dma_start3A_176, %dma_start3A_177, %dma_start3A_178] : memref<2x128x64xf32, #tpu.memory_space<vmem>> -> memref<1x128x64xf32, #tpu.memory_space<vmem>>
        %dma_start3A_180 = tpu.memref_squeeze %dma_start3A_179 : memref<1x128x64xf32, #tpu.memory_space<vmem>> -> memref<128x64xf32, #tpu.memory_space<vmem>>
        %dma_start3A_181 = arith.constant 0 : i32
        %dma_start3A_182 = tpu.memref_slice %arg6[%add3A_175, %dma_start3A_181] : memref<80x128xi32, #tpu.memory_space<vmem>> -> memref<1x128xi32, #tpu.memory_space<vmem>>
        %dma_start3A_183 = tpu.memref_squeeze %dma_start3A_182 : memref<1x128xi32, #tpu.memory_space<vmem>> -> memref<128xi32, #tpu.memory_space<vmem>>
        %dma_start3A_184 = arith.constant 0 : i32
        %dma_start3A_185 = arith.constant 0 : i32
        %dma_start3A_186 = tpu.memref_slice %arg9[%dma_start3A_184, %dma_start3A_185] : memref<10240x64xf32, #tpu.memory_space<vmem_shared>> -> memref<10240x64xf32, #tpu.memory_space<vmem_shared>>
        tpu.enqueue_indirect_dma source(%dma_start3A_186 : memref<10240x64xf32, #tpu.memory_space<vmem_shared>>) target(%dma_start3A_180 : memref<128x64xf32, #tpu.memory_space<vmem>>) offsets(%dma_start3A_183 : memref<128xi32, #tpu.memory_space<vmem>>) semaphore(%arg12 : memref<!tpu.dma_semaphore, #tpu.memory_space<semaphore_mem>>)
      } else {
      }
    }
    %scan3A_66 = arith.constant 40 : i32
    %barrier3A_67 = arith.constant 0 : index
    tpu.barrier barrier_id(%barrier3A_67)
    %mul3A_68 = arith.constant 640 : i32
    %mul3A_69 = arith.muli %arg1, %mul3A_68 : i32
    %mul3A_70 = arith.constant 10240 : i32
    %mul3A_71 = arith.muli %arg0, %mul3A_70 : i32
    %mul3A_72 = arith.constant 640 : i32
    %mul3A_73 = arith.muli %arg1, %mul3A_72 : i32
    %add3A_74 = arith.addi %mul3A_71, %mul3A_73 : i32
    "tpu.region"() ({
      %run_scoped3A_75 = tpu.sem_alloc : memref<!tpu.dma_semaphore, #tpu.memory_space<semaphore_mem>>
      %dma_start3A_76 = arith.constant 0 : i32
      %dma_start3A_77 = tpu.memref_slice %arg5[%add3A_74, %dma_start3A_76] : memref<20480x64xf32, #tpu.memory_space<hbm>> -> memref<640x64xf32, #tpu.memory_space<hbm>>
      %dma_start3A_78 = arith.constant 0 : i32
      %dma_start3A_79 = tpu.memref_slice %arg10[%mul3A_69, %dma_start3A_78] : memref<10240x64xf32, #tpu.memory_space<vmem_shared>> -> memref<640x64xf32, #tpu.memory_space<vmem_shared>>
      tpu.enqueue_dma source(%dma_start3A_79 : memref<640x64xf32, #tpu.memory_space<vmem_shared>>) target(%dma_start3A_77 : memref<640x64xf32, #tpu.memory_space<hbm>>) target_semaphore(%run_scoped3A_75 : memref<!tpu.dma_semaphore, #tpu.memory_space<semaphore_mem>>)
      %dma_wait3A = arith.constant 0 : i32
      %dma_wait3A_80 = tpu.memref_slice %arg5[%add3A_74, %dma_wait3A] : memref<20480x64xf32, #tpu.memory_space<hbm>> -> memref<640x64xf32, #tpu.memory_space<hbm>>
      %dma_wait3A_81 = arith.constant 0 : i32
      %dma_wait3A_82 = tpu.memref_slice %arg10[%mul3A_69, %dma_wait3A_81] : memref<10240x64xf32, #tpu.memory_space<vmem_shared>> -> memref<640x64xf32, #tpu.memory_space<vmem_shared>>
      tpu.wait_dma2 semaphore(%run_scoped3A_75 : memref<!tpu.dma_semaphore, #tpu.memory_space<semaphore_mem>>) src(%dma_wait3A_82 : memref<640x64xf32, #tpu.memory_space<vmem_shared>>) dst(%dma_wait3A_80 : memref<640x64xf32, #tpu.memory_space<hbm>>)
      tpu.yield
    }) : () -> ()
    return
  }
}

#map = affine_map<(d0, d1) -> (0, 0)>
module attributes {stable_mosaic.version = 14 : i64} {
  func.func @_scale_t2_kernel(%arg0: i32, %arg1: i32, %arg2: memref<10240x16xf32, #tpu.memory_space<hbm>>, %arg3: memref<10240x32xf32, #tpu.memory_space<hbm>>, %arg4: memref<10240x32xf32, #tpu.memory_space<hbm>>, %arg5: memref<320x16xf32, #tpu.memory_space<vmem>>, %arg6: memref<320x32xf32, #tpu.memory_space<vmem>>) attributes {dimension_semantics = [#tpu.dimension_semantics<core_parallel>, #tpu.dimension_semantics<subcore_parallel>], iteration_bounds = array<i64: 2, 16>, scalar_prefetch = 0 : i64, scratch_operands = 2 : i64, tpu.core_type = #tpu.core_type<sc_vector_subcore>, window_params = [{transform_indices = #map}, {transform_indices = #map}, {transform_indices = #map}]} {
    %mul3A = arith.constant 16 : i32
    %mul3A_0 = arith.muli %arg0, %mul3A : i32
    %add3A = arith.addi %mul3A_0, %arg1 : i32
    %mul3A_1 = arith.constant 320 : i32
    %mul3A_2 = arith.muli %add3A, %mul3A_1 : i32
    "tpu.region"() ({
      %run_scoped3A = tpu.sem_alloc : memref<!tpu.dma_semaphore, #tpu.memory_space<semaphore_mem>>
      %dma_start3A = arith.constant 0 : i32
      %dma_start3A_8 = tpu.memref_slice %arg2[%mul3A_2, %dma_start3A] : memref<10240x16xf32, #tpu.memory_space<hbm>> -> memref<320x16xf32, #tpu.memory_space<hbm>>
      %dma_start3A_9 = arith.constant 0 : i32
      %dma_start3A_10 = tpu.memref_slice %arg2[%mul3A_2, %dma_start3A_9] : memref<10240x16xf32, #tpu.memory_space<hbm>> -> memref<320x16xf32, #tpu.memory_space<hbm>>
      tpu.enqueue_dma source(%dma_start3A_10 : memref<320x16xf32, #tpu.memory_space<hbm>>) target(%arg5 : memref<320x16xf32, #tpu.memory_space<vmem>>) target_semaphore(%run_scoped3A : memref<!tpu.dma_semaphore, #tpu.memory_space<semaphore_mem>>)
      %dma_wait3A = arith.constant 0 : i32
      %dma_wait3A_11 = tpu.memref_slice %arg2[%mul3A_2, %dma_wait3A] : memref<10240x16xf32, #tpu.memory_space<hbm>> -> memref<320x16xf32, #tpu.memory_space<hbm>>
      %dma_wait3A_12 = arith.constant 0 : i32
      %dma_wait3A_13 = tpu.memref_slice %arg2[%mul3A_2, %dma_wait3A_12] : memref<10240x16xf32, #tpu.memory_space<hbm>> -> memref<320x16xf32, #tpu.memory_space<hbm>>
      tpu.wait_dma2 semaphore(%run_scoped3A : memref<!tpu.dma_semaphore, #tpu.memory_space<semaphore_mem>>) src(%dma_wait3A_13 : memref<320x16xf32, #tpu.memory_space<hbm>>) dst(%arg5 : memref<320x16xf32, #tpu.memory_space<vmem>>)
      tpu.yield
    }) : () -> ()
    "tpu.region"() ({
      %run_scoped3A = tpu.sem_alloc : memref<!tpu.dma_semaphore, #tpu.memory_space<semaphore_mem>>
      %dma_start3A = arith.constant 0 : i32
      %dma_start3A_8 = tpu.memref_slice %arg3[%mul3A_2, %dma_start3A] : memref<10240x32xf32, #tpu.memory_space<hbm>> -> memref<320x32xf32, #tpu.memory_space<hbm>>
      %dma_start3A_9 = arith.constant 0 : i32
      %dma_start3A_10 = tpu.memref_slice %arg3[%mul3A_2, %dma_start3A_9] : memref<10240x32xf32, #tpu.memory_space<hbm>> -> memref<320x32xf32, #tpu.memory_space<hbm>>
      tpu.enqueue_dma source(%dma_start3A_10 : memref<320x32xf32, #tpu.memory_space<hbm>>) target(%arg6 : memref<320x32xf32, #tpu.memory_space<vmem>>) target_semaphore(%run_scoped3A : memref<!tpu.dma_semaphore, #tpu.memory_space<semaphore_mem>>)
      %dma_wait3A = arith.constant 0 : i32
      %dma_wait3A_11 = tpu.memref_slice %arg3[%mul3A_2, %dma_wait3A] : memref<10240x32xf32, #tpu.memory_space<hbm>> -> memref<320x32xf32, #tpu.memory_space<hbm>>
      %dma_wait3A_12 = arith.constant 0 : i32
      %dma_wait3A_13 = tpu.memref_slice %arg3[%mul3A_2, %dma_wait3A_12] : memref<10240x32xf32, #tpu.memory_space<hbm>> -> memref<320x32xf32, #tpu.memory_space<hbm>>
      tpu.wait_dma2 semaphore(%run_scoped3A : memref<!tpu.dma_semaphore, #tpu.memory_space<semaphore_mem>>) src(%dma_wait3A_13 : memref<320x32xf32, #tpu.memory_space<hbm>>) dst(%arg6 : memref<320x32xf32, #tpu.memory_space<vmem>>)
      tpu.yield
    }) : () -> ()
    %scan3A = arith.constant 0 : i32
    %scan3A_3 = arith.constant 0 : i32
    %scan3A_4 = arith.constant 320 : i32
    %scan3A_5 = arith.addi %scan3A_3, %scan3A_4 : i32
    %scan3A_6 = arith.constant 1 : i32
    scf.for %scan3A_8 = %scan3A_3 to %scan3A_5 step %scan3A_6  : i32 {
      %get3A = arith.index_cast %scan3A_8 : i32 to index
      %get3A_9 = arith.constant 0 : index
      %get3A_10 = tpu.vector_load %arg5[%get3A, %get3A_9] {strides = array<i32>} : memref<320x16xf32, #tpu.memory_space<vmem>>, vector<16xf32>,
      %get3A_11 = arith.index_cast %scan3A_8 : i32 to index
      %get3A_12 = arith.constant 0 : index
      %get3A_13 = tpu.vector_load %arg6[%get3A_11, %get3A_12] {strides = array<i32>} : memref<320x32xf32, #tpu.memory_space<vmem>>, vector<16xf32>,
      %mul3A_14 = arith.mulf %get3A_13, %get3A_10 : vector<16xf32>
      %swap3A = arith.index_cast %scan3A_8 : i32 to index
      %swap3A_15 = arith.constant 0 : index
      %swap3A_16 = tpu.vector_load %arg6[%swap3A, %swap3A_15] {strides = array<i32>} : memref<320x32xf32, #tpu.memory_space<vmem>>, vector<16xf32>,
      tpu.vector_store %arg6[%swap3A, %swap3A_15], %mul3A_14 {strides = array<i32>} : memref<320x32xf32, #tpu.memory_space<vmem>>, vector<16xf32>,
      %get3A_17 = arith.index_cast %scan3A_8 : i32 to index
      %get3A_18 = arith.constant 16 : index
      %get3A_19 = tpu.vector_load %arg6[%get3A_17, %get3A_18] {strides = array<i32>} : memref<320x32xf32, #tpu.memory_space<vmem>>, vector<16xf32>,
      %mul3A_20 = arith.mulf %get3A_19, %get3A_10 : vector<16xf32>
      %swap3A_21 = arith.index_cast %scan3A_8 : i32 to index
      %swap3A_22 = arith.constant 16 : index
      %swap3A_23 = tpu.vector_load %arg6[%swap3A_21, %swap3A_22] {strides = array<i32>} : memref<320x32xf32, #tpu.memory_space<vmem>>, vector<16xf32>,
      tpu.vector_store %arg6[%swap3A_21, %swap3A_22], %mul3A_20 {strides = array<i32>} : memref<320x32xf32, #tpu.memory_space<vmem>>, vector<16xf32>,
    }
    %scan3A_7 = arith.constant 320 : i32
    "tpu.region"() ({
      %run_scoped3A = tpu.sem_alloc : memref<!tpu.dma_semaphore, #tpu.memory_space<semaphore_mem>>
      %dma_start3A = arith.constant 0 : i32
      %dma_start3A_8 = tpu.memref_slice %arg4[%mul3A_2, %dma_start3A] : memref<10240x32xf32, #tpu.memory_space<hbm>> -> memref<320x32xf32, #tpu.memory_space<hbm>>
      %dma_start3A_9 = arith.constant 0 : i32
      %dma_start3A_10 = tpu.memref_slice %arg4[%mul3A_2, %dma_start3A_9] : memref<10240x32xf32, #tpu.memory_space<hbm>> -> memref<320x32xf32, #tpu.memory_space<hbm>>
      tpu.enqueue_dma source(%arg6 : memref<320x32xf32, #tpu.memory_space<vmem>>) target(%dma_start3A_10 : memref<320x32xf32, #tpu.memory_space<hbm>>) target_semaphore(%run_scoped3A : memref<!tpu.dma_semaphore, #tpu.memory_space<semaphore_mem>>)
      %dma_wait3A = arith.constant 0 : i32
      %dma_wait3A_11 = tpu.memref_slice %arg4[%mul3A_2, %dma_wait3A] : memref<10240x32xf32, #tpu.memory_space<hbm>> -> memref<320x32xf32, #tpu.memory_space<hbm>>
      %dma_wait3A_12 = arith.constant 0 : i32
      %dma_wait3A_13 = tpu.memref_slice %arg4[%mul3A_2, %dma_wait3A_12] : memref<10240x32xf32, #tpu.memory_space<hbm>> -> memref<320x32xf32, #tpu.memory_space<hbm>>
      tpu.wait_dma2 semaphore(%run_scoped3A : memref<!tpu.dma_semaphore, #tpu.memory_space<semaphore_mem>>) src(%arg6 : memref<320x32xf32, #tpu.memory_space<vmem>>) dst(%dma_wait3A_13 : memref<320x32xf32, #tpu.memory_space<hbm>>)
      tpu.yield
    }) : () -> ()
    return
  }
}

#map = affine_map<(d0, d1) -> (0, 0)>
module attributes {stable_mosaic.version = 14 : i64} {
  func.func @_agg(%arg0: i32, %arg1: i32, %arg2: memref<10240x32xf32, #tpu.memory_space<hbm>>, %arg3: memref<2560x128xi32, #tpu.memory_space<hbm>>, %arg4: memref<2560x128xi32, #tpu.memory_space<hbm>>, %arg5: memref<20480x32xf32, #tpu.memory_space<hbm>>, %arg6: memref<80x128xi32, #tpu.memory_space<vmem>>, %arg7: memref<80x128xi32, #tpu.memory_space<vmem>>, %arg8: memref<8x128x32xf32, #tpu.memory_space<vmem>>, %arg9: memref<10240x32xf32, #tpu.memory_space<vmem_shared>>, %arg10: memref<10240x32xf32, #tpu.memory_space<vmem_shared>>, %arg11: memref<!tpu.dma_semaphore, #tpu.memory_space<semaphore_mem>>, %arg12: memref<!tpu.dma_semaphore, #tpu.memory_space<semaphore_mem>>, %arg13: memref<!tpu.dma_semaphore, #tpu.memory_space<semaphore_mem>>, %arg14: memref<!tpu.dma_semaphore, #tpu.memory_space<semaphore_mem>>, %arg15: memref<!tpu.dma_semaphore, #tpu.memory_space<semaphore_mem>>, %arg16: memref<!tpu.dma_semaphore, #tpu.memory_space<semaphore_mem>>, %arg17: memref<!tpu.dma_semaphore, #tpu.memory_space<semaphore_mem>>, %arg18: memref<!tpu.dma_semaphore, #tpu.memory_space<semaphore_mem>>, %arg19: memref<!tpu.dma_semaphore, #tpu.memory_space<semaphore_mem>>, %arg20: memref<!tpu.dma_semaphore, #tpu.memory_space<semaphore_mem>>, %arg21: memref<!tpu.dma_semaphore, #tpu.memory_space<semaphore_mem>>, %arg22: memref<!tpu.dma_semaphore, #tpu.memory_space<semaphore_mem>>, %arg23: memref<!tpu.dma_semaphore, #tpu.memory_space<semaphore_mem>>, %arg24: memref<!tpu.dma_semaphore, #tpu.memory_space<semaphore_mem>>, %arg25: memref<!tpu.dma_semaphore, #tpu.memory_space<semaphore_mem>>, %arg26: memref<!tpu.dma_semaphore, #tpu.memory_space<semaphore_mem>>) attributes {dimension_semantics = [#tpu.dimension_semantics<core_parallel>, #tpu.dimension_semantics<subcore_parallel>], iteration_bounds = array<i64: 2, 16>, scalar_prefetch = 0 : i64, scratch_operands = 21 : i64, tpu.core_type = #tpu.core_type<sc_vector_subcore>, window_params = [{transform_indices = #map}, {transform_indices = #map}, {transform_indices = #map}, {transform_indices = #map}]} {
    %mul3A = arith.constant 16 : i32
    %mul3A_0 = arith.muli %arg0, %mul3A : i32
    %add3A = arith.addi %mul3A_0, %arg1 : i32
    %scan3A = arith.constant 0 : i32
    %scan3A_1 = arith.constant 0 : i32
    %scan3A_2 = arith.constant 128 : i32
    %scan3A_3 = arith.addi %scan3A_1, %scan3A_2 : i32
    %scan3A_4 = arith.constant 1 : i32
    scf.for %scan3A_147 = %scan3A_1 to %scan3A_3 step %scan3A_4  : i32 {
      %broadcast_in_dim3A = arith.constant 0.000000e+00 : f32
      %broadcast_in_dim3A_148 = vector.broadcast %broadcast_in_dim3A : f32 to vector<16xf32>
      %swap3A = arith.constant 0 : i32
      %swap3A_149 = arith.index_cast %swap3A : i32 to index
      %swap3A_150 = arith.index_cast %scan3A_147 : i32 to index
      %swap3A_151 = arith.constant 0 : index
      %swap3A_152 = tpu.vector_load %arg8[%swap3A_149, %swap3A_150, %swap3A_151] {strides = array<i32>} : memref<8x128x32xf32, #tpu.memory_space<vmem>>, vector<16xf32>,
      tpu.vector_store %arg8[%swap3A_149, %swap3A_150, %swap3A_151], %broadcast_in_dim3A_148 {strides = array<i32>} : memref<8x128x32xf32, #tpu.memory_space<vmem>>, vector<16xf32>,
      %broadcast_in_dim3A_153 = arith.constant 0.000000e+00 : f32
      %broadcast_in_dim3A_154 = vector.broadcast %broadcast_in_dim3A_153 : f32 to vector<16xf32>
      %swap3A_155 = arith.constant 0 : i32
      %swap3A_156 = arith.index_cast %swap3A_155 : i32 to index
      %swap3A_157 = arith.index_cast %scan3A_147 : i32 to index
      %swap3A_158 = arith.constant 16 : index
      %swap3A_159 = tpu.vector_load %arg8[%swap3A_156, %swap3A_157, %swap3A_158] {strides = array<i32>} : memref<8x128x32xf32, #tpu.memory_space<vmem>>, vector<16xf32>,
      tpu.vector_store %arg8[%swap3A_156, %swap3A_157, %swap3A_158], %broadcast_in_dim3A_154 {strides = array<i32>} : memref<8x128x32xf32, #tpu.memory_space<vmem>>, vector<16xf32>,
    }
    %scan3A_5 = arith.constant 128 : i32
    %mul3A_6 = arith.constant 80 : i32
    %mul3A_7 = arith.muli %add3A, %mul3A_6 : i32
    "tpu.region"() ({
      %run_scoped3A_147 = tpu.sem_alloc : memref<!tpu.dma_semaphore, #tpu.memory_space<semaphore_mem>>
      %dma_start3A_148 = arith.constant 0 : i32
      %dma_start3A_149 = tpu.memref_slice %arg3[%mul3A_7, %dma_start3A_148] : memref<2560x128xi32, #tpu.memory_space<hbm>> -> memref<80x128xi32, #tpu.memory_space<hbm>>
      %dma_start3A_150 = arith.constant 0 : i32
      %dma_start3A_151 = tpu.memref_slice %arg3[%mul3A_7, %dma_start3A_150] : memref<2560x128xi32, #tpu.memory_space<hbm>> -> memref<80x128xi32, #tpu.memory_space<hbm>>
      tpu.enqueue_dma source(%dma_start3A_151 : memref<80x128xi32, #tpu.memory_space<hbm>>) target(%arg6 : memref<80x128xi32, #tpu.memory_space<vmem>>) target_semaphore(%run_scoped3A_147 : memref<!tpu.dma_semaphore, #tpu.memory_space<semaphore_mem>>)
      %dma_wait3A = arith.constant 0 : i32
      %dma_wait3A_152 = tpu.memref_slice %arg3[%mul3A_7, %dma_wait3A] : memref<2560x128xi32, #tpu.memory_space<hbm>> -> memref<80x128xi32, #tpu.memory_space<hbm>>
      %dma_wait3A_153 = arith.constant 0 : i32
      %dma_wait3A_154 = tpu.memref_slice %arg3[%mul3A_7, %dma_wait3A_153] : memref<2560x128xi32, #tpu.memory_space<hbm>> -> memref<80x128xi32, #tpu.memory_space<hbm>>
      tpu.wait_dma2 semaphore(%run_scoped3A_147 : memref<!tpu.dma_semaphore, #tpu.memory_space<semaphore_mem>>) src(%dma_wait3A_154 : memref<80x128xi32, #tpu.memory_space<hbm>>) dst(%arg6 : memref<80x128xi32, #tpu.memory_space<vmem>>)
      tpu.yield
    }) : () -> ()
    %mul3A_8 = arith.constant 80 : i32
    %mul3A_9 = arith.muli %add3A, %mul3A_8 : i32
    "tpu.region"() ({
      %run_scoped3A_147 = tpu.sem_alloc : memref<!tpu.dma_semaphore, #tpu.memory_space<semaphore_mem>>
      %dma_start3A_148 = arith.constant 0 : i32
      %dma_start3A_149 = tpu.memref_slice %arg4[%mul3A_9, %dma_start3A_148] : memref<2560x128xi32, #tpu.memory_space<hbm>> -> memref<80x128xi32, #tpu.memory_space<hbm>>
      %dma_start3A_150 = arith.constant 0 : i32
      %dma_start3A_151 = tpu.memref_slice %arg4[%mul3A_9, %dma_start3A_150] : memref<2560x128xi32, #tpu.memory_space<hbm>> -> memref<80x128xi32, #tpu.memory_space<hbm>>
      tpu.enqueue_dma source(%dma_start3A_151 : memref<80x128xi32, #tpu.memory_space<hbm>>) target(%arg7 : memref<80x128xi32, #tpu.memory_space<vmem>>) target_semaphore(%run_scoped3A_147 : memref<!tpu.dma_semaphore, #tpu.memory_space<semaphore_mem>>)
      %dma_wait3A = arith.constant 0 : i32
      %dma_wait3A_152 = tpu.memref_slice %arg4[%mul3A_9, %dma_wait3A] : memref<2560x128xi32, #tpu.memory_space<hbm>> -> memref<80x128xi32, #tpu.memory_space<hbm>>
      %dma_wait3A_153 = arith.constant 0 : i32
      %dma_wait3A_154 = tpu.memref_slice %arg4[%mul3A_9, %dma_wait3A_153] : memref<2560x128xi32, #tpu.memory_space<hbm>> -> memref<80x128xi32, #tpu.memory_space<hbm>>
      tpu.wait_dma2 semaphore(%run_scoped3A_147 : memref<!tpu.dma_semaphore, #tpu.memory_space<semaphore_mem>>) src(%dma_wait3A_154 : memref<80x128xi32, #tpu.memory_space<hbm>>) dst(%arg7 : memref<80x128xi32, #tpu.memory_space<vmem>>)
      tpu.yield
    }) : () -> ()
    %mul3A_10 = arith.constant 640 : i32
    %mul3A_11 = arith.muli %arg1, %mul3A_10 : i32
    %mul3A_12 = arith.constant 640 : i32
    %mul3A_13 = arith.muli %arg1, %mul3A_12 : i32
    "tpu.region"() ({
      %run_scoped3A_147 = tpu.sem_alloc : memref<!tpu.dma_semaphore, #tpu.memory_space<semaphore_mem>>
      %dma_start3A_148 = arith.constant 0 : i32
      %dma_start3A_149 = tpu.memref_slice %arg9[%mul3A_13, %dma_start3A_148] : memref<10240x32xf32, #tpu.memory_space<vmem_shared>> -> memref<640x32xf32, #tpu.memory_space<vmem_shared>>
      %dma_start3A_150 = arith.constant 0 : i32
      %dma_start3A_151 = tpu.memref_slice %arg2[%mul3A_11, %dma_start3A_150] : memref<10240x32xf32, #tpu.memory_space<hbm>> -> memref<640x32xf32, #tpu.memory_space<hbm>>
      tpu.enqueue_dma source(%dma_start3A_151 : memref<640x32xf32, #tpu.memory_space<hbm>>) target(%dma_start3A_149 : memref<640x32xf32, #tpu.memory_space<vmem_shared>>) target_semaphore(%run_scoped3A_147 : memref<!tpu.dma_semaphore, #tpu.memory_space<semaphore_mem>>)
      %dma_wait3A = arith.constant 0 : i32
      %dma_wait3A_152 = tpu.memref_slice %arg9[%mul3A_13, %dma_wait3A] : memref<10240x32xf32, #tpu.memory_space<vmem_shared>> -> memref<640x32xf32, #tpu.memory_space<vmem_shared>>
      %dma_wait3A_153 = arith.constant 0 : i32
      %dma_wait3A_154 = tpu.memref_slice %arg2[%mul3A_11, %dma_wait3A_153] : memref<10240x32xf32, #tpu.memory_space<hbm>> -> memref<640x32xf32, #tpu.memory_space<hbm>>
      tpu.wait_dma2 semaphore(%run_scoped3A_147 : memref<!tpu.dma_semaphore, #tpu.memory_space<semaphore_mem>>) src(%dma_wait3A_154 : memref<640x32xf32, #tpu.memory_space<hbm>>) dst(%dma_wait3A_152 : memref<640x32xf32, #tpu.memory_space<vmem_shared>>)
      tpu.yield
    }) : () -> ()
    %mul3A_14 = arith.constant 640 : i32
    %mul3A_15 = arith.muli %arg1, %mul3A_14 : i32
    %add3A_16 = arith.constant 0 : i32
    %add3A_17 = arith.addi %mul3A_15, %add3A_16 : i32
    %run_scoped3A = arith.constant 0 : i32
    "tpu.region"() ({
      %run_scoped3A_147 = tpu.sem_alloc : memref<!tpu.dma_semaphore, #tpu.memory_space<semaphore_mem>>
      %dma_start3A_148 = arith.constant 0 : i32
      %dma_start3A_149 = arith.constant 0 : i32
      %dma_start3A_150 = tpu.memref_slice %arg8[%run_scoped3A, %dma_start3A_148, %dma_start3A_149] : memref<8x128x32xf32, #tpu.memory_space<vmem>> -> memref<1x128x32xf32, #tpu.memory_space<vmem>>
      %dma_start3A_151 = tpu.memref_squeeze %dma_start3A_150 : memref<1x128x32xf32, #tpu.memory_space<vmem>> -> memref<128x32xf32, #tpu.memory_space<vmem>>
      %dma_start3A_152 = arith.constant 0 : i32
      %dma_start3A_153 = tpu.memref_slice %arg10[%add3A_17, %dma_start3A_152] : memref<10240x32xf32, #tpu.memory_space<vmem_shared>> -> memref<128x32xf32, #tpu.memory_space<vmem_shared>>
      %dma_start3A_154 = arith.constant 0 : i32
      %dma_start3A_155 = tpu.memref_slice %arg10[%add3A_17, %dma_start3A_154] : memref<10240x32xf32, #tpu.memory_space<vmem_shared>> -> memref<128x32xf32, #tpu.memory_space<vmem_shared>>
      %dma_start3A_156 = arith.constant 0 : i32
      %dma_start3A_157 = arith.constant 0 : i32
      %dma_start3A_158 = tpu.memref_slice %arg8[%run_scoped3A, %dma_start3A_156, %dma_start3A_157] : memref<8x128x32xf32, #tpu.memory_space<vmem>> -> memref<1x128x32xf32, #tpu.memory_space<vmem>>
      %dma_start3A_159 = tpu.memref_squeeze %dma_start3A_158 : memref<1x128x32xf32, #tpu.memory_space<vmem>> -> memref<128x32xf32, #tpu.memory_space<vmem>>
      tpu.enqueue_dma source(%dma_start3A_159 : memref<128x32xf32, #tpu.memory_space<vmem>>) target(%dma_start3A_155 : memref<128x32xf32, #tpu.memory_space<vmem_shared>>) target_semaphore(%run_scoped3A_147 : memref<!tpu.dma_semaphore, #tpu.memory_space<semaphore_mem>>)
      %dma_wait3A = arith.constant 0 : i32
      %dma_wait3A_160 = arith.constant 0 : i32
      %dma_wait3A_161 = tpu.memref_slice %arg8[%run_scoped3A, %dma_wait3A, %dma_wait3A_160] : memref<8x128x32xf32, #tpu.memory_space<vmem>> -> memref<1x128x32xf32, #tpu.memory_space<vmem>>
      %dma_wait3A_162 = tpu.memref_squeeze %dma_wait3A_161 : memref<1x128x32xf32, #tpu.memory_space<vmem>> -> memref<128x32xf32, #tpu.memory_space<vmem>>
      %dma_wait3A_163 = arith.constant 0 : i32
      %dma_wait3A_164 = tpu.memref_slice %arg10[%add3A_17, %dma_wait3A_163] : memref<10240x32xf32, #tpu.memory_space<vmem_shared>> -> memref<128x32xf32, #tpu.memory_space<vmem_shared>>
      %dma_wait3A_165 = arith.constant 0 : i32
      %dma_wait3A_166 = tpu.memref_slice %arg10[%add3A_17, %dma_wait3A_165] : memref<10240x32xf32, #tpu.memory_space<vmem_shared>> -> memref<128x32xf32, #tpu.memory_space<vmem_shared>>
      %dma_wait3A_167 = arith.constant 0 : i32
      %dma_wait3A_168 = arith.constant 0 : i32
      %dma_wait3A_169 = tpu.memref_slice %arg8[%run_scoped3A, %dma_wait3A_167, %dma_wait3A_168] : memref<8x128x32xf32, #tpu.memory_space<vmem>> -> memref<1x128x32xf32, #tpu.memory_space<vmem>>
      %dma_wait3A_170 = tpu.memref_squeeze %dma_wait3A_169 : memref<1x128x32xf32, #tpu.memory_space<vmem>> -> memref<128x32xf32, #tpu.memory_space<vmem>>
      tpu.wait_dma2 semaphore(%run_scoped3A_147 : memref<!tpu.dma_semaphore, #tpu.memory_space<semaphore_mem>>) src(%dma_wait3A_170 : memref<128x32xf32, #tpu.memory_space<vmem>>) dst(%dma_wait3A_166 : memref<128x32xf32, #tpu.memory_space<vmem_shared>>)
      tpu.yield
    }) : () -> ()
    %mul3A_18 = arith.constant 640 : i32
    %mul3A_19 = arith.muli %arg1, %mul3A_18 : i32
    %add3A_20 = arith.constant 128 : i32
    %add3A_21 = arith.addi %mul3A_19, %add3A_20 : i32
    %run_scoped3A_22 = arith.constant 0 : i32
    "tpu.region"() ({
      %run_scoped3A_147 = tpu.sem_alloc : memref<!tpu.dma_semaphore, #tpu.memory_space<semaphore_mem>>
      %dma_start3A_148 = arith.constant 0 : i32
      %dma_start3A_149 = arith.constant 0 : i32
      %dma_start3A_150 = tpu.memref_slice %arg8[%run_scoped3A_22, %dma_start3A_148, %dma_start3A_149] : memref<8x128x32xf32, #tpu.memory_space<vmem>> -> memref<1x128x32xf32, #tpu.memory_space<vmem>>
      %dma_start3A_151 = tpu.memref_squeeze %dma_start3A_150 : memref<1x128x32xf32, #tpu.memory_space<vmem>> -> memref<128x32xf32, #tpu.memory_space<vmem>>
      %dma_start3A_152 = arith.constant 0 : i32
      %dma_start3A_153 = tpu.memref_slice %arg10[%add3A_21, %dma_start3A_152] : memref<10240x32xf32, #tpu.memory_space<vmem_shared>> -> memref<128x32xf32, #tpu.memory_space<vmem_shared>>
      %dma_start3A_154 = arith.constant 0 : i32
      %dma_start3A_155 = tpu.memref_slice %arg10[%add3A_21, %dma_start3A_154] : memref<10240x32xf32, #tpu.memory_space<vmem_shared>> -> memref<128x32xf32, #tpu.memory_space<vmem_shared>>
      %dma_start3A_156 = arith.constant 0 : i32
      %dma_start3A_157 = arith.constant 0 : i32
      %dma_start3A_158 = tpu.memref_slice %arg8[%run_scoped3A_22, %dma_start3A_156, %dma_start3A_157] : memref<8x128x32xf32, #tpu.memory_space<vmem>> -> memref<1x128x32xf32, #tpu.memory_space<vmem>>
      %dma_start3A_159 = tpu.memref_squeeze %dma_start3A_158 : memref<1x128x32xf32, #tpu.memory_space<vmem>> -> memref<128x32xf32, #tpu.memory_space<vmem>>
      tpu.enqueue_dma source(%dma_start3A_159 : memref<128x32xf32, #tpu.memory_space<vmem>>) target(%dma_start3A_155 : memref<128x32xf32, #tpu.memory_space<vmem_shared>>) target_semaphore(%run_scoped3A_147 : memref<!tpu.dma_semaphore, #tpu.memory_space<semaphore_mem>>)
      %dma_wait3A = arith.constant 0 : i32
      %dma_wait3A_160 = arith.constant 0 : i32
      %dma_wait3A_161 = tpu.memref_slice %arg8[%run_scoped3A_22, %dma_wait3A, %dma_wait3A_160] : memref<8x128x32xf32, #tpu.memory_space<vmem>> -> memref<1x128x32xf32, #tpu.memory_space<vmem>>
      %dma_wait3A_162 = tpu.memref_squeeze %dma_wait3A_161 : memref<1x128x32xf32, #tpu.memory_space<vmem>> -> memref<128x32xf32, #tpu.memory_space<vmem>>
      %dma_wait3A_163 = arith.constant 0 : i32
      %dma_wait3A_164 = tpu.memref_slice %arg10[%add3A_21, %dma_wait3A_163] : memref<10240x32xf32, #tpu.memory_space<vmem_shared>> -> memref<128x32xf32, #tpu.memory_space<vmem_shared>>
      %dma_wait3A_165 = arith.constant 0 : i32
      %dma_wait3A_166 = tpu.memref_slice %arg10[%add3A_21, %dma_wait3A_165] : memref<10240x32xf32, #tpu.memory_space<vmem_shared>> -> memref<128x32xf32, #tpu.memory_space<vmem_shared>>
      %dma_wait3A_167 = arith.constant 0 : i32
      %dma_wait3A_168 = arith.constant 0 : i32
      %dma_wait3A_169 = tpu.memref_slice %arg8[%run_scoped3A_22, %dma_wait3A_167, %dma_wait3A_168] : memref<8x128x32xf32, #tpu.memory_space<vmem>> -> memref<1x128x32xf32, #tpu.memory_space<vmem>>
      %dma_wait3A_170 = tpu.memref_squeeze %dma_wait3A_169 : memref<1x128x32xf32, #tpu.memory_space<vmem>> -> memref<128x32xf32, #tpu.memory_space<vmem>>
      tpu.wait_dma2 semaphore(%run_scoped3A_147 : memref<!tpu.dma_semaphore, #tpu.memory_space<semaphore_mem>>) src(%dma_wait3A_170 : memref<128x32xf32, #tpu.memory_space<vmem>>) dst(%dma_wait3A_166 : memref<128x32xf32, #tpu.memory_space<vmem_shared>>)
      tpu.yield
    }) : () -> ()
    %mul3A_23 = arith.constant 640 : i32
    %mul3A_24 = arith.muli %arg1, %mul3A_23 : i32
    %add3A_25 = arith.constant 256 : i32
    %add3A_26 = arith.addi %mul3A_24, %add3A_25 : i32
    %run_scoped3A_27 = arith.constant 0 : i32
    "tpu.region"() ({
      %run_scoped3A_147 = tpu.sem_alloc : memref<!tpu.dma_semaphore, #tpu.memory_space<semaphore_mem>>
      %dma_start3A_148 = arith.constant 0 : i32
      %dma_start3A_149 = arith.constant 0 : i32
      %dma_start3A_150 = tpu.memref_slice %arg8[%run_scoped3A_27, %dma_start3A_148, %dma_start3A_149] : memref<8x128x32xf32, #tpu.memory_space<vmem>> -> memref<1x128x32xf32, #tpu.memory_space<vmem>>
      %dma_start3A_151 = tpu.memref_squeeze %dma_start3A_150 : memref<1x128x32xf32, #tpu.memory_space<vmem>> -> memref<128x32xf32, #tpu.memory_space<vmem>>
      %dma_start3A_152 = arith.constant 0 : i32
      %dma_start3A_153 = tpu.memref_slice %arg10[%add3A_26, %dma_start3A_152] : memref<10240x32xf32, #tpu.memory_space<vmem_shared>> -> memref<128x32xf32, #tpu.memory_space<vmem_shared>>
      %dma_start3A_154 = arith.constant 0 : i32
      %dma_start3A_155 = tpu.memref_slice %arg10[%add3A_26, %dma_start3A_154] : memref<10240x32xf32, #tpu.memory_space<vmem_shared>> -> memref<128x32xf32, #tpu.memory_space<vmem_shared>>
      %dma_start3A_156 = arith.constant 0 : i32
      %dma_start3A_157 = arith.constant 0 : i32
      %dma_start3A_158 = tpu.memref_slice %arg8[%run_scoped3A_27, %dma_start3A_156, %dma_start3A_157] : memref<8x128x32xf32, #tpu.memory_space<vmem>> -> memref<1x128x32xf32, #tpu.memory_space<vmem>>
      %dma_start3A_159 = tpu.memref_squeeze %dma_start3A_158 : memref<1x128x32xf32, #tpu.memory_space<vmem>> -> memref<128x32xf32, #tpu.memory_space<vmem>>
      tpu.enqueue_dma source(%dma_start3A_159 : memref<128x32xf32, #tpu.memory_space<vmem>>) target(%dma_start3A_155 : memref<128x32xf32, #tpu.memory_space<vmem_shared>>) target_semaphore(%run_scoped3A_147 : memref<!tpu.dma_semaphore, #tpu.memory_space<semaphore_mem>>)
      %dma_wait3A = arith.constant 0 : i32
      %dma_wait3A_160 = arith.constant 0 : i32
      %dma_wait3A_161 = tpu.memref_slice %arg8[%run_scoped3A_27, %dma_wait3A, %dma_wait3A_160] : memref<8x128x32xf32, #tpu.memory_space<vmem>> -> memref<1x128x32xf32, #tpu.memory_space<vmem>>
      %dma_wait3A_162 = tpu.memref_squeeze %dma_wait3A_161 : memref<1x128x32xf32, #tpu.memory_space<vmem>> -> memref<128x32xf32, #tpu.memory_space<vmem>>
      %dma_wait3A_163 = arith.constant 0 : i32
      %dma_wait3A_164 = tpu.memref_slice %arg10[%add3A_26, %dma_wait3A_163] : memref<10240x32xf32, #tpu.memory_space<vmem_shared>> -> memref<128x32xf32, #tpu.memory_space<vmem_shared>>
      %dma_wait3A_165 = arith.constant 0 : i32
      %dma_wait3A_166 = tpu.memref_slice %arg10[%add3A_26, %dma_wait3A_165] : memref<10240x32xf32, #tpu.memory_space<vmem_shared>> -> memref<128x32xf32, #tpu.memory_space<vmem_shared>>
      %dma_wait3A_167 = arith.constant 0 : i32
      %dma_wait3A_168 = arith.constant 0 : i32
      %dma_wait3A_169 = tpu.memref_slice %arg8[%run_scoped3A_27, %dma_wait3A_167, %dma_wait3A_168] : memref<8x128x32xf32, #tpu.memory_space<vmem>> -> memref<1x128x32xf32, #tpu.memory_space<vmem>>
      %dma_wait3A_170 = tpu.memref_squeeze %dma_wait3A_169 : memref<1x128x32xf32, #tpu.memory_space<vmem>> -> memref<128x32xf32, #tpu.memory_space<vmem>>
      tpu.wait_dma2 semaphore(%run_scoped3A_147 : memref<!tpu.dma_semaphore, #tpu.memory_space<semaphore_mem>>) src(%dma_wait3A_170 : memref<128x32xf32, #tpu.memory_space<vmem>>) dst(%dma_wait3A_166 : memref<128x32xf32, #tpu.memory_space<vmem_shared>>)
      tpu.yield
    }) : () -> ()
    %mul3A_28 = arith.constant 640 : i32
    %mul3A_29 = arith.muli %arg1, %mul3A_28 : i32
    %add3A_30 = arith.constant 384 : i32
    %add3A_31 = arith.addi %mul3A_29, %add3A_30 : i32
    %run_scoped3A_32 = arith.constant 0 : i32
    "tpu.region"() ({
      %run_scoped3A_147 = tpu.sem_alloc : memref<!tpu.dma_semaphore, #tpu.memory_space<semaphore_mem>>
      %dma_start3A_148 = arith.constant 0 : i32
      %dma_start3A_149 = arith.constant 0 : i32
      %dma_start3A_150 = tpu.memref_slice %arg8[%run_scoped3A_32, %dma_start3A_148, %dma_start3A_149] : memref<8x128x32xf32, #tpu.memory_space<vmem>> -> memref<1x128x32xf32, #tpu.memory_space<vmem>>
      %dma_start3A_151 = tpu.memref_squeeze %dma_start3A_150 : memref<1x128x32xf32, #tpu.memory_space<vmem>> -> memref<128x32xf32, #tpu.memory_space<vmem>>
      %dma_start3A_152 = arith.constant 0 : i32
      %dma_start3A_153 = tpu.memref_slice %arg10[%add3A_31, %dma_start3A_152] : memref<10240x32xf32, #tpu.memory_space<vmem_shared>> -> memref<128x32xf32, #tpu.memory_space<vmem_shared>>
      %dma_start3A_154 = arith.constant 0 : i32
      %dma_start3A_155 = tpu.memref_slice %arg10[%add3A_31, %dma_start3A_154] : memref<10240x32xf32, #tpu.memory_space<vmem_shared>> -> memref<128x32xf32, #tpu.memory_space<vmem_shared>>
      %dma_start3A_156 = arith.constant 0 : i32
      %dma_start3A_157 = arith.constant 0 : i32
      %dma_start3A_158 = tpu.memref_slice %arg8[%run_scoped3A_32, %dma_start3A_156, %dma_start3A_157] : memref<8x128x32xf32, #tpu.memory_space<vmem>> -> memref<1x128x32xf32, #tpu.memory_space<vmem>>
      %dma_start3A_159 = tpu.memref_squeeze %dma_start3A_158 : memref<1x128x32xf32, #tpu.memory_space<vmem>> -> memref<128x32xf32, #tpu.memory_space<vmem>>
      tpu.enqueue_dma source(%dma_start3A_159 : memref<128x32xf32, #tpu.memory_space<vmem>>) target(%dma_start3A_155 : memref<128x32xf32, #tpu.memory_space<vmem_shared>>) target_semaphore(%run_scoped3A_147 : memref<!tpu.dma_semaphore, #tpu.memory_space<semaphore_mem>>)
      %dma_wait3A = arith.constant 0 : i32
      %dma_wait3A_160 = arith.constant 0 : i32
      %dma_wait3A_161 = tpu.memref_slice %arg8[%run_scoped3A_32, %dma_wait3A, %dma_wait3A_160] : memref<8x128x32xf32, #tpu.memory_space<vmem>> -> memref<1x128x32xf32, #tpu.memory_space<vmem>>
      %dma_wait3A_162 = tpu.memref_squeeze %dma_wait3A_161 : memref<1x128x32xf32, #tpu.memory_space<vmem>> -> memref<128x32xf32, #tpu.memory_space<vmem>>
      %dma_wait3A_163 = arith.constant 0 : i32
      %dma_wait3A_164 = tpu.memref_slice %arg10[%add3A_31, %dma_wait3A_163] : memref<10240x32xf32, #tpu.memory_space<vmem_shared>> -> memref<128x32xf32, #tpu.memory_space<vmem_shared>>
      %dma_wait3A_165 = arith.constant 0 : i32
      %dma_wait3A_166 = tpu.memref_slice %arg10[%add3A_31, %dma_wait3A_165] : memref<10240x32xf32, #tpu.memory_space<vmem_shared>> -> memref<128x32xf32, #tpu.memory_space<vmem_shared>>
      %dma_wait3A_167 = arith.constant 0 : i32
      %dma_wait3A_168 = arith.constant 0 : i32
      %dma_wait3A_169 = tpu.memref_slice %arg8[%run_scoped3A_32, %dma_wait3A_167, %dma_wait3A_168] : memref<8x128x32xf32, #tpu.memory_space<vmem>> -> memref<1x128x32xf32, #tpu.memory_space<vmem>>
      %dma_wait3A_170 = tpu.memref_squeeze %dma_wait3A_169 : memref<1x128x32xf32, #tpu.memory_space<vmem>> -> memref<128x32xf32, #tpu.memory_space<vmem>>
      tpu.wait_dma2 semaphore(%run_scoped3A_147 : memref<!tpu.dma_semaphore, #tpu.memory_space<semaphore_mem>>) src(%dma_wait3A_170 : memref<128x32xf32, #tpu.memory_space<vmem>>) dst(%dma_wait3A_166 : memref<128x32xf32, #tpu.memory_space<vmem_shared>>)
      tpu.yield
    }) : () -> ()
    %mul3A_33 = arith.constant 640 : i32
    %mul3A_34 = arith.muli %arg1, %mul3A_33 : i32
    %add3A_35 = arith.constant 512 : i32
    %add3A_36 = arith.addi %mul3A_34, %add3A_35 : i32
    %run_scoped3A_37 = arith.constant 0 : i32
    "tpu.region"() ({
      %run_scoped3A_147 = tpu.sem_alloc : memref<!tpu.dma_semaphore, #tpu.memory_space<semaphore_mem>>
      %dma_start3A_148 = arith.constant 0 : i32
      %dma_start3A_149 = arith.constant 0 : i32
      %dma_start3A_150 = tpu.memref_slice %arg8[%run_scoped3A_37, %dma_start3A_148, %dma_start3A_149] : memref<8x128x32xf32, #tpu.memory_space<vmem>> -> memref<1x128x32xf32, #tpu.memory_space<vmem>>
      %dma_start3A_151 = tpu.memref_squeeze %dma_start3A_150 : memref<1x128x32xf32, #tpu.memory_space<vmem>> -> memref<128x32xf32, #tpu.memory_space<vmem>>
      %dma_start3A_152 = arith.constant 0 : i32
      %dma_start3A_153 = tpu.memref_slice %arg10[%add3A_36, %dma_start3A_152] : memref<10240x32xf32, #tpu.memory_space<vmem_shared>> -> memref<128x32xf32, #tpu.memory_space<vmem_shared>>
      %dma_start3A_154 = arith.constant 0 : i32
      %dma_start3A_155 = tpu.memref_slice %arg10[%add3A_36, %dma_start3A_154] : memref<10240x32xf32, #tpu.memory_space<vmem_shared>> -> memref<128x32xf32, #tpu.memory_space<vmem_shared>>
      %dma_start3A_156 = arith.constant 0 : i32
      %dma_start3A_157 = arith.constant 0 : i32
      %dma_start3A_158 = tpu.memref_slice %arg8[%run_scoped3A_37, %dma_start3A_156, %dma_start3A_157] : memref<8x128x32xf32, #tpu.memory_space<vmem>> -> memref<1x128x32xf32, #tpu.memory_space<vmem>>
      %dma_start3A_159 = tpu.memref_squeeze %dma_start3A_158 : memref<1x128x32xf32, #tpu.memory_space<vmem>> -> memref<128x32xf32, #tpu.memory_space<vmem>>
      tpu.enqueue_dma source(%dma_start3A_159 : memref<128x32xf32, #tpu.memory_space<vmem>>) target(%dma_start3A_155 : memref<128x32xf32, #tpu.memory_space<vmem_shared>>) target_semaphore(%run_scoped3A_147 : memref<!tpu.dma_semaphore, #tpu.memory_space<semaphore_mem>>)
      %dma_wait3A = arith.constant 0 : i32
      %dma_wait3A_160 = arith.constant 0 : i32
      %dma_wait3A_161 = tpu.memref_slice %arg8[%run_scoped3A_37, %dma_wait3A, %dma_wait3A_160] : memref<8x128x32xf32, #tpu.memory_space<vmem>> -> memref<1x128x32xf32, #tpu.memory_space<vmem>>
      %dma_wait3A_162 = tpu.memref_squeeze %dma_wait3A_161 : memref<1x128x32xf32, #tpu.memory_space<vmem>> -> memref<128x32xf32, #tpu.memory_space<vmem>>
      %dma_wait3A_163 = arith.constant 0 : i32
      %dma_wait3A_164 = tpu.memref_slice %arg10[%add3A_36, %dma_wait3A_163] : memref<10240x32xf32, #tpu.memory_space<vmem_shared>> -> memref<128x32xf32, #tpu.memory_space<vmem_shared>>
      %dma_wait3A_165 = arith.constant 0 : i32
      %dma_wait3A_166 = tpu.memref_slice %arg10[%add3A_36, %dma_wait3A_165] : memref<10240x32xf32, #tpu.memory_space<vmem_shared>> -> memref<128x32xf32, #tpu.memory_space<vmem_shared>>
      %dma_wait3A_167 = arith.constant 0 : i32
      %dma_wait3A_168 = arith.constant 0 : i32
      %dma_wait3A_169 = tpu.memref_slice %arg8[%run_scoped3A_37, %dma_wait3A_167, %dma_wait3A_168] : memref<8x128x32xf32, #tpu.memory_space<vmem>> -> memref<1x128x32xf32, #tpu.memory_space<vmem>>
      %dma_wait3A_170 = tpu.memref_squeeze %dma_wait3A_169 : memref<1x128x32xf32, #tpu.memory_space<vmem>> -> memref<128x32xf32, #tpu.memory_space<vmem>>
      tpu.wait_dma2 semaphore(%run_scoped3A_147 : memref<!tpu.dma_semaphore, #tpu.memory_space<semaphore_mem>>) src(%dma_wait3A_170 : memref<128x32xf32, #tpu.memory_space<vmem>>) dst(%dma_wait3A_166 : memref<128x32xf32, #tpu.memory_space<vmem_shared>>)
      tpu.yield
    }) : () -> ()
    %barrier3A = arith.constant 0 : index
    tpu.barrier barrier_id(%barrier3A)
    %dma_start3A = arith.constant 0 : i32
    %dma_start3A_38 = arith.constant 0 : i32
    %dma_start3A_39 = arith.constant 0 : i32
    %dma_start3A_40 = arith.constant 0 : i32
    %dma_start3A_41 = tpu.memref_slice %arg8[%dma_start3A_38, %dma_start3A_39, %dma_start3A_40] : memref<8x128x32xf32, #tpu.memory_space<vmem>> -> memref<1x128x32xf32, #tpu.memory_space<vmem>>
    %dma_start3A_42 = tpu.memref_squeeze %dma_start3A_41 : memref<1x128x32xf32, #tpu.memory_space<vmem>> -> memref<128x32xf32, #tpu.memory_space<vmem>>
    %dma_start3A_43 = arith.constant 0 : i32
    %dma_start3A_44 = tpu.memref_slice %arg6[%dma_start3A, %dma_start3A_43] : memref<80x128xi32, #tpu.memory_space<vmem>> -> memref<1x128xi32, #tpu.memory_space<vmem>>
    %dma_start3A_45 = tpu.memref_squeeze %dma_start3A_44 : memref<1x128xi32, #tpu.memory_space<vmem>> -> memref<128xi32, #tpu.memory_space<vmem>>
    %dma_start3A_46 = arith.constant 0 : i32
    %dma_start3A_47 = arith.constant 0 : i32
    %dma_start3A_48 = tpu.memref_slice %arg9[%dma_start3A_46, %dma_start3A_47] : memref<10240x32xf32, #tpu.memory_space<vmem_shared>> -> memref<10240x32xf32, #tpu.memory_space<vmem_shared>>
    tpu.enqueue_indirect_dma source(%dma_start3A_48 : memref<10240x32xf32, #tpu.memory_space<vmem_shared>>) target(%dma_start3A_42 : memref<128x32xf32, #tpu.memory_space<vmem>>) offsets(%dma_start3A_45 : memref<128xi32, #tpu.memory_space<vmem>>) semaphore(%arg11 : memref<!tpu.dma_semaphore, #tpu.memory_space<semaphore_mem>>)
    %dma_start3A_49 = arith.constant 1 : i32
    %dma_start3A_50 = arith.constant 1 : i32
    %dma_start3A_51 = arith.constant 0 : i32
    %dma_start3A_52 = arith.constant 0 : i32
    %dma_start3A_53 = tpu.memref_slice %arg8[%dma_start3A_50, %dma_start3A_51, %dma_start3A_52] : memref<8x128x32xf32, #tpu.memory_space<vmem>> -> memref<1x128x32xf32, #tpu.memory_space<vmem>>
    %dma_start3A_54 = tpu.memref_squeeze %dma_start3A_53 : memref<1x128x32xf32, #tpu.memory_space<vmem>> -> memref<128x32xf32, #tpu.memory_space<vmem>>
    %dma_start3A_55 = arith.constant 0 : i32
    %dma_start3A_56 = tpu.memref_slice %arg6[%dma_start3A_49, %dma_start3A_55] : memref<80x128xi32, #tpu.memory_space<vmem>> -> memref<1x128xi32, #tpu.memory_space<vmem>>
    %dma_start3A_57 = tpu.memref_squeeze %dma_start3A_56 : memref<1x128xi32, #tpu.memory_space<vmem>> -> memref<128xi32, #tpu.memory_space<vmem>>
    %dma_start3A_58 = arith.constant 0 : i32
    %dma_start3A_59 = arith.constant 0 : i32
    %dma_start3A_60 = tpu.memref_slice %arg9[%dma_start3A_58, %dma_start3A_59] : memref<10240x32xf32, #tpu.memory_space<vmem_shared>> -> memref<10240x32xf32, #tpu.memory_space<vmem_shared>>
    tpu.enqueue_indirect_dma source(%dma_start3A_60 : memref<10240x32xf32, #tpu.memory_space<vmem_shared>>) target(%dma_start3A_54 : memref<128x32xf32, #tpu.memory_space<vmem>>) offsets(%dma_start3A_57 : memref<128xi32, #tpu.memory_space<vmem>>) semaphore(%arg12 : memref<!tpu.dma_semaphore, #tpu.memory_space<semaphore_mem>>)
    %dma_start3A_61 = arith.constant 2 : i32
    %dma_start3A_62 = arith.constant 2 : i32
    %dma_start3A_63 = arith.constant 0 : i32
    %dma_start3A_64 = arith.constant 0 : i32
    %dma_start3A_65 = tpu.memref_slice %arg8[%dma_start3A_62, %dma_start3A_63, %dma_start3A_64] : memref<8x128x32xf32, #tpu.memory_space<vmem>> -> memref<1x128x32xf32, #tpu.memory_space<vmem>>
    %dma_start3A_66 = tpu.memref_squeeze %dma_start3A_65 : memref<1x128x32xf32, #tpu.memory_space<vmem>> -> memref<128x32xf32, #tpu.memory_space<vmem>>
    %dma_start3A_67 = arith.constant 0 : i32
    %dma_start3A_68 = tpu.memref_slice %arg6[%dma_start3A_61, %dma_start3A_67] : memref<80x128xi32, #tpu.memory_space<vmem>> -> memref<1x128xi32, #tpu.memory_space<vmem>>
    %dma_start3A_69 = tpu.memref_squeeze %dma_start3A_68 : memref<1x128xi32, #tpu.memory_space<vmem>> -> memref<128xi32, #tpu.memory_space<vmem>>
    %dma_start3A_70 = arith.constant 0 : i32
    %dma_start3A_71 = arith.constant 0 : i32
    %dma_start3A_72 = tpu.memref_slice %arg9[%dma_start3A_70, %dma_start3A_71] : memref<10240x32xf32, #tpu.memory_space<vmem_shared>> -> memref<10240x32xf32, #tpu.memory_space<vmem_shared>>
    tpu.enqueue_indirect_dma source(%dma_start3A_72 : memref<10240x32xf32, #tpu.memory_space<vmem_shared>>) target(%dma_start3A_66 : memref<128x32xf32, #tpu.memory_space<vmem>>) offsets(%dma_start3A_69 : memref<128xi32, #tpu.memory_space<vmem>>) semaphore(%arg13 : memref<!tpu.dma_semaphore, #tpu.memory_space<semaphore_mem>>)
    %dma_start3A_73 = arith.constant 3 : i32
    %dma_start3A_74 = arith.constant 3 : i32
    %dma_start3A_75 = arith.constant 0 : i32
    %dma_start3A_76 = arith.constant 0 : i32
    %dma_start3A_77 = tpu.memref_slice %arg8[%dma_start3A_74, %dma_start3A_75, %dma_start3A_76] : memref<8x128x32xf32, #tpu.memory_space<vmem>> -> memref<1x128x32xf32, #tpu.memory_space<vmem>>
    %dma_start3A_78 = tpu.memref_squeeze %dma_start3A_77 : memref<1x128x32xf32, #tpu.memory_space<vmem>> -> memref<128x32xf32, #tpu.memory_space<vmem>>
    %dma_start3A_79 = arith.constant 0 : i32
    %dma_start3A_80 = tpu.memref_slice %arg6[%dma_start3A_73, %dma_start3A_79] : memref<80x128xi32, #tpu.memory_space<vmem>> -> memref<1x128xi32, #tpu.memory_space<vmem>>
    %dma_start3A_81 = tpu.memref_squeeze %dma_start3A_80 : memref<1x128xi32, #tpu.memory_space<vmem>> -> memref<128xi32, #tpu.memory_space<vmem>>
    %dma_start3A_82 = arith.constant 0 : i32
    %dma_start3A_83 = arith.constant 0 : i32
    %dma_start3A_84 = tpu.memref_slice %arg9[%dma_start3A_82, %dma_start3A_83] : memref<10240x32xf32, #tpu.memory_space<vmem_shared>> -> memref<10240x32xf32, #tpu.memory_space<vmem_shared>>
    tpu.enqueue_indirect_dma source(%dma_start3A_84 : memref<10240x32xf32, #tpu.memory_space<vmem_shared>>) target(%dma_start3A_78 : memref<128x32xf32, #tpu.memory_space<vmem>>) offsets(%dma_start3A_81 : memref<128xi32, #tpu.memory_space<vmem>>) semaphore(%arg14 : memref<!tpu.dma_semaphore, #tpu.memory_space<semaphore_mem>>)
    %dma_start3A_85 = arith.constant 4 : i32
    %dma_start3A_86 = arith.constant 4 : i32
    %dma_start3A_87 = arith.constant 0 : i32
    %dma_start3A_88 = arith.constant 0 : i32
    %dma_start3A_89 = tpu.memref_slice %arg8[%dma_start3A_86, %dma_start3A_87, %dma_start3A_88] : memref<8x128x32xf32, #tpu.memory_space<vmem>> -> memref<1x128x32xf32, #tpu.memory_space<vmem>>
    %dma_start3A_90 = tpu.memref_squeeze %dma_start3A_89 : memref<1x128x32xf32, #tpu.memory_space<vmem>> -> memref<128x32xf32, #tpu.memory_space<vmem>>
    %dma_start3A_91 = arith.constant 0 : i32
    %dma_start3A_92 = tpu.memref_slice %arg6[%dma_start3A_85, %dma_start3A_91] : memref<80x128xi32, #tpu.memory_space<vmem>> -> memref<1x128xi32, #tpu.memory_space<vmem>>
    %dma_start3A_93 = tpu.memref_squeeze %dma_start3A_92 : memref<1x128xi32, #tpu.memory_space<vmem>> -> memref<128xi32, #tpu.memory_space<vmem>>
    %dma_start3A_94 = arith.constant 0 : i32
    %dma_start3A_95 = arith.constant 0 : i32
    %dma_start3A_96 = tpu.memref_slice %arg9[%dma_start3A_94, %dma_start3A_95] : memref<10240x32xf32, #tpu.memory_space<vmem_shared>> -> memref<10240x32xf32, #tpu.memory_space<vmem_shared>>
    tpu.enqueue_indirect_dma source(%dma_start3A_96 : memref<10240x32xf32, #tpu.memory_space<vmem_shared>>) target(%dma_start3A_90 : memref<128x32xf32, #tpu.memory_space<vmem>>) offsets(%dma_start3A_93 : memref<128xi32, #tpu.memory_space<vmem>>) semaphore(%arg15 : memref<!tpu.dma_semaphore, #tpu.memory_space<semaphore_mem>>)
    %dma_start3A_97 = arith.constant 5 : i32
    %dma_start3A_98 = arith.constant 5 : i32
    %dma_start3A_99 = arith.constant 0 : i32
    %dma_start3A_100 = arith.constant 0 : i32
    %dma_start3A_101 = tpu.memref_slice %arg8[%dma_start3A_98, %dma_start3A_99, %dma_start3A_100] : memref<8x128x32xf32, #tpu.memory_space<vmem>> -> memref<1x128x32xf32, #tpu.memory_space<vmem>>
    %dma_start3A_102 = tpu.memref_squeeze %dma_start3A_101 : memref<1x128x32xf32, #tpu.memory_space<vmem>> -> memref<128x32xf32, #tpu.memory_space<vmem>>
    %dma_start3A_103 = arith.constant 0 : i32
    %dma_start3A_104 = tpu.memref_slice %arg6[%dma_start3A_97, %dma_start3A_103] : memref<80x128xi32, #tpu.memory_space<vmem>> -> memref<1x128xi32, #tpu.memory_space<vmem>>
    %dma_start3A_105 = tpu.memref_squeeze %dma_start3A_104 : memref<1x128xi32, #tpu.memory_space<vmem>> -> memref<128xi32, #tpu.memory_space<vmem>>
    %dma_start3A_106 = arith.constant 0 : i32
    %dma_start3A_107 = arith.constant 0 : i32
    %dma_start3A_108 = tpu.memref_slice %arg9[%dma_start3A_106, %dma_start3A_107] : memref<10240x32xf32, #tpu.memory_space<vmem_shared>> -> memref<10240x32xf32, #tpu.memory_space<vmem_shared>>
    tpu.enqueue_indirect_dma source(%dma_start3A_108 : memref<10240x32xf32, #tpu.memory_space<vmem_shared>>) target(%dma_start3A_102 : memref<128x32xf32, #tpu.memory_space<vmem>>) offsets(%dma_start3A_105 : memref<128xi32, #tpu.memory_space<vmem>>) semaphore(%arg16 : memref<!tpu.dma_semaphore, #tpu.memory_space<semaphore_mem>>)
    %dma_start3A_109 = arith.constant 6 : i32
    %dma_start3A_110 = arith.constant 6 : i32
    %dma_start3A_111 = arith.constant 0 : i32
    %dma_start3A_112 = arith.constant 0 : i32
    %dma_start3A_113 = tpu.memref_slice %arg8[%dma_start3A_110, %dma_start3A_111, %dma_start3A_112] : memref<8x128x32xf32, #tpu.memory_space<vmem>> -> memref<1x128x32xf32, #tpu.memory_space<vmem>>
    %dma_start3A_114 = tpu.memref_squeeze %dma_start3A_113 : memref<1x128x32xf32, #tpu.memory_space<vmem>> -> memref<128x32xf32, #tpu.memory_space<vmem>>
    %dma_start3A_115 = arith.constant 0 : i32
    %dma_start3A_116 = tpu.memref_slice %arg6[%dma_start3A_109, %dma_start3A_115] : memref<80x128xi32, #tpu.memory_space<vmem>> -> memref<1x128xi32, #tpu.memory_space<vmem>>
    %dma_start3A_117 = tpu.memref_squeeze %dma_start3A_116 : memref<1x128xi32, #tpu.memory_space<vmem>> -> memref<128xi32, #tpu.memory_space<vmem>>
    %dma_start3A_118 = arith.constant 0 : i32
    %dma_start3A_119 = arith.constant 0 : i32
    %dma_start3A_120 = tpu.memref_slice %arg9[%dma_start3A_118, %dma_start3A_119] : memref<10240x32xf32, #tpu.memory_space<vmem_shared>> -> memref<10240x32xf32, #tpu.memory_space<vmem_shared>>
    tpu.enqueue_indirect_dma source(%dma_start3A_120 : memref<10240x32xf32, #tpu.memory_space<vmem_shared>>) target(%dma_start3A_114 : memref<128x32xf32, #tpu.memory_space<vmem>>) offsets(%dma_start3A_117 : memref<128xi32, #tpu.memory_space<vmem>>) semaphore(%arg17 : memref<!tpu.dma_semaphore, #tpu.memory_space<semaphore_mem>>)
    %dma_start3A_121 = arith.constant 7 : i32
    %dma_start3A_122 = arith.constant 7 : i32
    %dma_start3A_123 = arith.constant 0 : i32
    %dma_start3A_124 = arith.constant 0 : i32
    %dma_start3A_125 = tpu.memref_slice %arg8[%dma_start3A_122, %dma_start3A_123, %dma_start3A_124] : memref<8x128x32xf32, #tpu.memory_space<vmem>> -> memref<1x128x32xf32, #tpu.memory_space<vmem>>
    %dma_start3A_126 = tpu.memref_squeeze %dma_start3A_125 : memref<1x128x32xf32, #tpu.memory_space<vmem>> -> memref<128x32xf32, #tpu.memory_space<vmem>>
    %dma_start3A_127 = arith.constant 0 : i32
    %dma_start3A_128 = tpu.memref_slice %arg6[%dma_start3A_121, %dma_start3A_127] : memref<80x128xi32, #tpu.memory_space<vmem>> -> memref<1x128xi32, #tpu.memory_space<vmem>>
    %dma_start3A_129 = tpu.memref_squeeze %dma_start3A_128 : memref<1x128xi32, #tpu.memory_space<vmem>> -> memref<128xi32, #tpu.memory_space<vmem>>
    %dma_start3A_130 = arith.constant 0 : i32
    %dma_start3A_131 = arith.constant 0 : i32
    %dma_start3A_132 = tpu.memref_slice %arg9[%dma_start3A_130, %dma_start3A_131] : memref<10240x32xf32, #tpu.memory_space<vmem_shared>> -> memref<10240x32xf32, #tpu.memory_space<vmem_shared>>
    tpu.enqueue_indirect_dma source(%dma_start3A_132 : memref<10240x32xf32, #tpu.memory_space<vmem_shared>>) target(%dma_start3A_126 : memref<128x32xf32, #tpu.memory_space<vmem>>) offsets(%dma_start3A_129 : memref<128xi32, #tpu.memory_space<vmem>>) semaphore(%arg18 : memref<!tpu.dma_semaphore, #tpu.memory_space<semaphore_mem>>)
    %scan3A_133 = arith.constant 0 : i32
    %scan3A_134 = arith.constant 0 : i32
    %scan3A_135 = arith.constant 10 : i32
    %scan3A_136 = arith.addi %scan3A_134, %scan3A_135 : i32
    %scan3A_137 = arith.constant 1 : i32
    scf.for %scan3A_147 = %scan3A_134 to %scan3A_136 step %scan3A_137  : i32 {
      %mul3A_148 = arith.constant 8 : i32
      %mul3A_149 = arith.muli %scan3A_147, %mul3A_148 : i32
      %add3A_150 = arith.constant 0 : i32
      %add3A_151 = arith.addi %mul3A_149, %add3A_150 : i32
      %dma_wait3A = arith.constant 0 : i32
      %dma_wait3A_152 = arith.constant 0 : i32
      %dma_wait3A_153 = arith.constant 0 : i32
      %dma_wait3A_154 = tpu.memref_slice %arg8[%dma_wait3A, %dma_wait3A_152, %dma_wait3A_153] : memref<8x128x32xf32, #tpu.memory_space<vmem>> -> memref<1x128x32xf32, #tpu.memory_space<vmem>>
      %dma_wait3A_155 = tpu.memref_squeeze %dma_wait3A_154 : memref<1x128x32xf32, #tpu.memory_space<vmem>> -> memref<128x32xf32, #tpu.memory_space<vmem>>
      %dma_wait3A_156 = arith.constant 0 : i32
      %dma_wait3A_157 = tpu.memref_slice %arg6[%add3A_151, %dma_wait3A_156] : memref<80x128xi32, #tpu.memory_space<vmem>> -> memref<1x128xi32, #tpu.memory_space<vmem>>
      %dma_wait3A_158 = tpu.memref_squeeze %dma_wait3A_157 : memref<1x128xi32, #tpu.memory_space<vmem>> -> memref<128xi32, #tpu.memory_space<vmem>>
      %dma_wait3A_159 = arith.constant 0 : i32
      %dma_wait3A_160 = arith.constant 0 : i32
      %dma_wait3A_161 = tpu.memref_slice %arg9[%dma_wait3A_159, %dma_wait3A_160] : memref<10240x32xf32, #tpu.memory_space<vmem_shared>> -> memref<10240x32xf32, #tpu.memory_space<vmem_shared>>
      tpu.wait_indirect_dma semaphore(%arg11 : memref<!tpu.dma_semaphore, #tpu.memory_space<semaphore_mem>>) src(%dma_wait3A_161 : memref<10240x32xf32, #tpu.memory_space<vmem_shared>>) dst(%dma_wait3A_155 : memref<128x32xf32, #tpu.memory_space<vmem>>)
      %dma_start3A_162 = arith.constant 0 : i32
      %dma_start3A_163 = arith.constant 0 : i32
      %dma_start3A_164 = arith.constant 0 : i32
      %dma_start3A_165 = tpu.memref_slice %arg8[%dma_start3A_162, %dma_start3A_163, %dma_start3A_164] : memref<8x128x32xf32, #tpu.memory_space<vmem>> -> memref<1x128x32xf32, #tpu.memory_space<vmem>>
      %dma_start3A_166 = tpu.memref_squeeze %dma_start3A_165 : memref<1x128x32xf32, #tpu.memory_space<vmem>> -> memref<128x32xf32, #tpu.memory_space<vmem>>
      %dma_start3A_167 = arith.constant 0 : i32
      %dma_start3A_168 = tpu.memref_slice %arg7[%add3A_151, %dma_start3A_167] : memref<80x128xi32, #tpu.memory_space<vmem>> -> memref<1x128xi32, #tpu.memory_space<vmem>>
      %dma_start3A_169 = tpu.memref_squeeze %dma_start3A_168 : memref<1x128xi32, #tpu.memory_space<vmem>> -> memref<128xi32, #tpu.memory_space<vmem>>
      %dma_start3A_170 = arith.constant 0 : i32
      %dma_start3A_171 = arith.constant 0 : i32
      %dma_start3A_172 = tpu.memref_slice %arg10[%dma_start3A_170, %dma_start3A_171] : memref<10240x32xf32, #tpu.memory_space<vmem_shared>> -> memref<10240x32xf32, #tpu.memory_space<vmem_shared>>
      tpu.enqueue_indirect_dma source(%dma_start3A_166 : memref<128x32xf32, #tpu.memory_space<vmem>>) target(%dma_start3A_172 : memref<10240x32xf32, #tpu.memory_space<vmem_shared>>) offsets(%dma_start3A_169 : memref<128xi32, #tpu.memory_space<vmem>>) semaphore(%arg19 : memref<!tpu.dma_semaphore, #tpu.memory_space<semaphore_mem>>) {add = true}
      %mul3A_173 = arith.constant 8 : i32
      %mul3A_174 = arith.muli %scan3A_147, %mul3A_173 : i32
      %add3A_175 = arith.constant 1 : i32
      %add3A_176 = arith.addi %mul3A_174, %add3A_175 : i32
      %dma_wait3A_177 = arith.constant 1 : i32
      %dma_wait3A_178 = arith.constant 0 : i32
      %dma_wait3A_179 = arith.constant 0 : i32
      %dma_wait3A_180 = tpu.memref_slice %arg8[%dma_wait3A_177, %dma_wait3A_178, %dma_wait3A_179] : memref<8x128x32xf32, #tpu.memory_space<vmem>> -> memref<1x128x32xf32, #tpu.memory_space<vmem>>
      %dma_wait3A_181 = tpu.memref_squeeze %dma_wait3A_180 : memref<1x128x32xf32, #tpu.memory_space<vmem>> -> memref<128x32xf32, #tpu.memory_space<vmem>>
      %dma_wait3A_182 = arith.constant 0 : i32
      %dma_wait3A_183 = tpu.memref_slice %arg6[%add3A_176, %dma_wait3A_182] : memref<80x128xi32, #tpu.memory_space<vmem>> -> memref<1x128xi32, #tpu.memory_space<vmem>>
      %dma_wait3A_184 = tpu.memref_squeeze %dma_wait3A_183 : memref<1x128xi32, #tpu.memory_space<vmem>> -> memref<128xi32, #tpu.memory_space<vmem>>
      %dma_wait3A_185 = arith.constant 0 : i32
      %dma_wait3A_186 = arith.constant 0 : i32
      %dma_wait3A_187 = tpu.memref_slice %arg9[%dma_wait3A_185, %dma_wait3A_186] : memref<10240x32xf32, #tpu.memory_space<vmem_shared>> -> memref<10240x32xf32, #tpu.memory_space<vmem_shared>>
      tpu.wait_indirect_dma semaphore(%arg12 : memref<!tpu.dma_semaphore, #tpu.memory_space<semaphore_mem>>) src(%dma_wait3A_187 : memref<10240x32xf32, #tpu.memory_space<vmem_shared>>) dst(%dma_wait3A_181 : memref<128x32xf32, #tpu.memory_space<vmem>>)
      %dma_start3A_188 = arith.constant 1 : i32
      %dma_start3A_189 = arith.constant 0 : i32
      %dma_start3A_190 = arith.constant 0 : i32
      %dma_start3A_191 = tpu.memref_slice %arg8[%dma_start3A_188, %dma_start3A_189, %dma_start3A_190] : memref<8x128x32xf32, #tpu.memory_space<vmem>> -> memref<1x128x32xf32, #tpu.memory_space<vmem>>
      %dma_start3A_192 = tpu.memref_squeeze %dma_start3A_191 : memref<1x128x32xf32, #tpu.memory_space<vmem>> -> memref<128x32xf32, #tpu.memory_space<vmem>>
      %dma_start3A_193 = arith.constant 0 : i32
      %dma_start3A_194 = tpu.memref_slice %arg7[%add3A_176, %dma_start3A_193] : memref<80x128xi32, #tpu.memory_space<vmem>> -> memref<1x128xi32, #tpu.memory_space<vmem>>
      %dma_start3A_195 = tpu.memref_squeeze %dma_start3A_194 : memref<1x128xi32, #tpu.memory_space<vmem>> -> memref<128xi32, #tpu.memory_space<vmem>>
      %dma_start3A_196 = arith.constant 0 : i32
      %dma_start3A_197 = arith.constant 0 : i32
      %dma_start3A_198 = tpu.memref_slice %arg10[%dma_start3A_196, %dma_start3A_197] : memref<10240x32xf32, #tpu.memory_space<vmem_shared>> -> memref<10240x32xf32, #tpu.memory_space<vmem_shared>>
      tpu.enqueue_indirect_dma source(%dma_start3A_192 : memref<128x32xf32, #tpu.memory_space<vmem>>) target(%dma_start3A_198 : memref<10240x32xf32, #tpu.memory_space<vmem_shared>>) offsets(%dma_start3A_195 : memref<128xi32, #tpu.memory_space<vmem>>) semaphore(%arg20 : memref<!tpu.dma_semaphore, #tpu.memory_space<semaphore_mem>>) {add = true}
      %mul3A_199 = arith.constant 8 : i32
      %mul3A_200 = arith.muli %scan3A_147, %mul3A_199 : i32
      %add3A_201 = arith.constant 2 : i32
      %add3A_202 = arith.addi %mul3A_200, %add3A_201 : i32
      %dma_wait3A_203 = arith.constant 2 : i32
      %dma_wait3A_204 = arith.constant 0 : i32
      %dma_wait3A_205 = arith.constant 0 : i32
      %dma_wait3A_206 = tpu.memref_slice %arg8[%dma_wait3A_203, %dma_wait3A_204, %dma_wait3A_205] : memref<8x128x32xf32, #tpu.memory_space<vmem>> -> memref<1x128x32xf32, #tpu.memory_space<vmem>>
      %dma_wait3A_207 = tpu.memref_squeeze %dma_wait3A_206 : memref<1x128x32xf32, #tpu.memory_space<vmem>> -> memref<128x32xf32, #tpu.memory_space<vmem>>
      %dma_wait3A_208 = arith.constant 0 : i32
      %dma_wait3A_209 = tpu.memref_slice %arg6[%add3A_202, %dma_wait3A_208] : memref<80x128xi32, #tpu.memory_space<vmem>> -> memref<1x128xi32, #tpu.memory_space<vmem>>
      %dma_wait3A_210 = tpu.memref_squeeze %dma_wait3A_209 : memref<1x128xi32, #tpu.memory_space<vmem>> -> memref<128xi32, #tpu.memory_space<vmem>>
      %dma_wait3A_211 = arith.constant 0 : i32
      %dma_wait3A_212 = arith.constant 0 : i32
      %dma_wait3A_213 = tpu.memref_slice %arg9[%dma_wait3A_211, %dma_wait3A_212] : memref<10240x32xf32, #tpu.memory_space<vmem_shared>> -> memref<10240x32xf32, #tpu.memory_space<vmem_shared>>
      tpu.wait_indirect_dma semaphore(%arg13 : memref<!tpu.dma_semaphore, #tpu.memory_space<semaphore_mem>>) src(%dma_wait3A_213 : memref<10240x32xf32, #tpu.memory_space<vmem_shared>>) dst(%dma_wait3A_207 : memref<128x32xf32, #tpu.memory_space<vmem>>)
      %dma_start3A_214 = arith.constant 2 : i32
      %dma_start3A_215 = arith.constant 0 : i32
      %dma_start3A_216 = arith.constant 0 : i32
      %dma_start3A_217 = tpu.memref_slice %arg8[%dma_start3A_214, %dma_start3A_215, %dma_start3A_216] : memref<8x128x32xf32, #tpu.memory_space<vmem>> -> memref<1x128x32xf32, #tpu.memory_space<vmem>>
      %dma_start3A_218 = tpu.memref_squeeze %dma_start3A_217 : memref<1x128x32xf32, #tpu.memory_space<vmem>> -> memref<128x32xf32, #tpu.memory_space<vmem>>
      %dma_start3A_219 = arith.constant 0 : i32
      %dma_start3A_220 = tpu.memref_slice %arg7[%add3A_202, %dma_start3A_219] : memref<80x128xi32, #tpu.memory_space<vmem>> -> memref<1x128xi32, #tpu.memory_space<vmem>>
      %dma_start3A_221 = tpu.memref_squeeze %dma_start3A_220 : memref<1x128xi32, #tpu.memory_space<vmem>> -> memref<128xi32, #tpu.memory_space<vmem>>
      %dma_start3A_222 = arith.constant 0 : i32
      %dma_start3A_223 = arith.constant 0 : i32
      %dma_start3A_224 = tpu.memref_slice %arg10[%dma_start3A_222, %dma_start3A_223] : memref<10240x32xf32, #tpu.memory_space<vmem_shared>> -> memref<10240x32xf32, #tpu.memory_space<vmem_shared>>
      tpu.enqueue_indirect_dma source(%dma_start3A_218 : memref<128x32xf32, #tpu.memory_space<vmem>>) target(%dma_start3A_224 : memref<10240x32xf32, #tpu.memory_space<vmem_shared>>) offsets(%dma_start3A_221 : memref<128xi32, #tpu.memory_space<vmem>>) semaphore(%arg21 : memref<!tpu.dma_semaphore, #tpu.memory_space<semaphore_mem>>) {add = true}
      %mul3A_225 = arith.constant 8 : i32
      %mul3A_226 = arith.muli %scan3A_147, %mul3A_225 : i32
      %add3A_227 = arith.constant 3 : i32
      %add3A_228 = arith.addi %mul3A_226, %add3A_227 : i32
      %dma_wait3A_229 = arith.constant 3 : i32
      %dma_wait3A_230 = arith.constant 0 : i32
      %dma_wait3A_231 = arith.constant 0 : i32
      %dma_wait3A_232 = tpu.memref_slice %arg8[%dma_wait3A_229, %dma_wait3A_230, %dma_wait3A_231] : memref<8x128x32xf32, #tpu.memory_space<vmem>> -> memref<1x128x32xf32, #tpu.memory_space<vmem>>
      %dma_wait3A_233 = tpu.memref_squeeze %dma_wait3A_232 : memref<1x128x32xf32, #tpu.memory_space<vmem>> -> memref<128x32xf32, #tpu.memory_space<vmem>>
      %dma_wait3A_234 = arith.constant 0 : i32
      %dma_wait3A_235 = tpu.memref_slice %arg6[%add3A_228, %dma_wait3A_234] : memref<80x128xi32, #tpu.memory_space<vmem>> -> memref<1x128xi32, #tpu.memory_space<vmem>>
      %dma_wait3A_236 = tpu.memref_squeeze %dma_wait3A_235 : memref<1x128xi32, #tpu.memory_space<vmem>> -> memref<128xi32, #tpu.memory_space<vmem>>
      %dma_wait3A_237 = arith.constant 0 : i32
      %dma_wait3A_238 = arith.constant 0 : i32
      %dma_wait3A_239 = tpu.memref_slice %arg9[%dma_wait3A_237, %dma_wait3A_238] : memref<10240x32xf32, #tpu.memory_space<vmem_shared>> -> memref<10240x32xf32, #tpu.memory_space<vmem_shared>>
      tpu.wait_indirect_dma semaphore(%arg14 : memref<!tpu.dma_semaphore, #tpu.memory_space<semaphore_mem>>) src(%dma_wait3A_239 : memref<10240x32xf32, #tpu.memory_space<vmem_shared>>) dst(%dma_wait3A_233 : memref<128x32xf32, #tpu.memory_space<vmem>>)
      %dma_start3A_240 = arith.constant 3 : i32
      %dma_start3A_241 = arith.constant 0 : i32
      %dma_start3A_242 = arith.constant 0 : i32
      %dma_start3A_243 = tpu.memref_slice %arg8[%dma_start3A_240, %dma_start3A_241, %dma_start3A_242] : memref<8x128x32xf32, #tpu.memory_space<vmem>> -> memref<1x128x32xf32, #tpu.memory_space<vmem>>
      %dma_start3A_244 = tpu.memref_squeeze %dma_start3A_243 : memref<1x128x32xf32, #tpu.memory_space<vmem>> -> memref<128x32xf32, #tpu.memory_space<vmem>>
      %dma_start3A_245 = arith.constant 0 : i32
      %dma_start3A_246 = tpu.memref_slice %arg7[%add3A_228, %dma_start3A_245] : memref<80x128xi32, #tpu.memory_space<vmem>> -> memref<1x128xi32, #tpu.memory_space<vmem>>
      %dma_start3A_247 = tpu.memref_squeeze %dma_start3A_246 : memref<1x128xi32, #tpu.memory_space<vmem>> -> memref<128xi32, #tpu.memory_space<vmem>>
      %dma_start3A_248 = arith.constant 0 : i32
      %dma_start3A_249 = arith.constant 0 : i32
      %dma_start3A_250 = tpu.memref_slice %arg10[%dma_start3A_248, %dma_start3A_249] : memref<10240x32xf32, #tpu.memory_space<vmem_shared>> -> memref<10240x32xf32, #tpu.memory_space<vmem_shared>>
      tpu.enqueue_indirect_dma source(%dma_start3A_244 : memref<128x32xf32, #tpu.memory_space<vmem>>) target(%dma_start3A_250 : memref<10240x32xf32, #tpu.memory_space<vmem_shared>>) offsets(%dma_start3A_247 : memref<128xi32, #tpu.memory_space<vmem>>) semaphore(%arg22 : memref<!tpu.dma_semaphore, #tpu.memory_space<semaphore_mem>>) {add = true}
      %mul3A_251 = arith.constant 8 : i32
      %mul3A_252 = arith.muli %scan3A_147, %mul3A_251 : i32
      %add3A_253 = arith.constant 4 : i32
      %add3A_254 = arith.addi %mul3A_252, %add3A_253 : i32
      %dma_wait3A_255 = arith.constant 4 : i32
      %dma_wait3A_256 = arith.constant 0 : i32
      %dma_wait3A_257 = arith.constant 0 : i32
      %dma_wait3A_258 = tpu.memref_slice %arg8[%dma_wait3A_255, %dma_wait3A_256, %dma_wait3A_257] : memref<8x128x32xf32, #tpu.memory_space<vmem>> -> memref<1x128x32xf32, #tpu.memory_space<vmem>>
      %dma_wait3A_259 = tpu.memref_squeeze %dma_wait3A_258 : memref<1x128x32xf32, #tpu.memory_space<vmem>> -> memref<128x32xf32, #tpu.memory_space<vmem>>
      %dma_wait3A_260 = arith.constant 0 : i32
      %dma_wait3A_261 = tpu.memref_slice %arg6[%add3A_254, %dma_wait3A_260] : memref<80x128xi32, #tpu.memory_space<vmem>> -> memref<1x128xi32, #tpu.memory_space<vmem>>
      %dma_wait3A_262 = tpu.memref_squeeze %dma_wait3A_261 : memref<1x128xi32, #tpu.memory_space<vmem>> -> memref<128xi32, #tpu.memory_space<vmem>>
      %dma_wait3A_263 = arith.constant 0 : i32
      %dma_wait3A_264 = arith.constant 0 : i32
      %dma_wait3A_265 = tpu.memref_slice %arg9[%dma_wait3A_263, %dma_wait3A_264] : memref<10240x32xf32, #tpu.memory_space<vmem_shared>> -> memref<10240x32xf32, #tpu.memory_space<vmem_shared>>
      tpu.wait_indirect_dma semaphore(%arg15 : memref<!tpu.dma_semaphore, #tpu.memory_space<semaphore_mem>>) src(%dma_wait3A_265 : memref<10240x32xf32, #tpu.memory_space<vmem_shared>>) dst(%dma_wait3A_259 : memref<128x32xf32, #tpu.memory_space<vmem>>)
      %dma_start3A_266 = arith.constant 4 : i32
      %dma_start3A_267 = arith.constant 0 : i32
      %dma_start3A_268 = arith.constant 0 : i32
      %dma_start3A_269 = tpu.memref_slice %arg8[%dma_start3A_266, %dma_start3A_267, %dma_start3A_268] : memref<8x128x32xf32, #tpu.memory_space<vmem>> -> memref<1x128x32xf32, #tpu.memory_space<vmem>>
      %dma_start3A_270 = tpu.memref_squeeze %dma_start3A_269 : memref<1x128x32xf32, #tpu.memory_space<vmem>> -> memref<128x32xf32, #tpu.memory_space<vmem>>
      %dma_start3A_271 = arith.constant 0 : i32
      %dma_start3A_272 = tpu.memref_slice %arg7[%add3A_254, %dma_start3A_271] : memref<80x128xi32, #tpu.memory_space<vmem>> -> memref<1x128xi32, #tpu.memory_space<vmem>>
      %dma_start3A_273 = tpu.memref_squeeze %dma_start3A_272 : memref<1x128xi32, #tpu.memory_space<vmem>> -> memref<128xi32, #tpu.memory_space<vmem>>
      %dma_start3A_274 = arith.constant 0 : i32
      %dma_start3A_275 = arith.constant 0 : i32
      %dma_start3A_276 = tpu.memref_slice %arg10[%dma_start3A_274, %dma_start3A_275] : memref<10240x32xf32, #tpu.memory_space<vmem_shared>> -> memref<10240x32xf32, #tpu.memory_space<vmem_shared>>
      tpu.enqueue_indirect_dma source(%dma_start3A_270 : memref<128x32xf32, #tpu.memory_space<vmem>>) target(%dma_start3A_276 : memref<10240x32xf32, #tpu.memory_space<vmem_shared>>) offsets(%dma_start3A_273 : memref<128xi32, #tpu.memory_space<vmem>>) semaphore(%arg23 : memref<!tpu.dma_semaphore, #tpu.memory_space<semaphore_mem>>) {add = true}
      %mul3A_277 = arith.constant 8 : i32
      %mul3A_278 = arith.muli %scan3A_147, %mul3A_277 : i32
      %add3A_279 = arith.constant 5 : i32
      %add3A_280 = arith.addi %mul3A_278, %add3A_279 : i32
      %dma_wait3A_281 = arith.constant 5 : i32
      %dma_wait3A_282 = arith.constant 0 : i32
      %dma_wait3A_283 = arith.constant 0 : i32
      %dma_wait3A_284 = tpu.memref_slice %arg8[%dma_wait3A_281, %dma_wait3A_282, %dma_wait3A_283] : memref<8x128x32xf32, #tpu.memory_space<vmem>> -> memref<1x128x32xf32, #tpu.memory_space<vmem>>
      %dma_wait3A_285 = tpu.memref_squeeze %dma_wait3A_284 : memref<1x128x32xf32, #tpu.memory_space<vmem>> -> memref<128x32xf32, #tpu.memory_space<vmem>>
      %dma_wait3A_286 = arith.constant 0 : i32
      %dma_wait3A_287 = tpu.memref_slice %arg6[%add3A_280, %dma_wait3A_286] : memref<80x128xi32, #tpu.memory_space<vmem>> -> memref<1x128xi32, #tpu.memory_space<vmem>>
      %dma_wait3A_288 = tpu.memref_squeeze %dma_wait3A_287 : memref<1x128xi32, #tpu.memory_space<vmem>> -> memref<128xi32, #tpu.memory_space<vmem>>
      %dma_wait3A_289 = arith.constant 0 : i32
      %dma_wait3A_290 = arith.constant 0 : i32
      %dma_wait3A_291 = tpu.memref_slice %arg9[%dma_wait3A_289, %dma_wait3A_290] : memref<10240x32xf32, #tpu.memory_space<vmem_shared>> -> memref<10240x32xf32, #tpu.memory_space<vmem_shared>>
      tpu.wait_indirect_dma semaphore(%arg16 : memref<!tpu.dma_semaphore, #tpu.memory_space<semaphore_mem>>) src(%dma_wait3A_291 : memref<10240x32xf32, #tpu.memory_space<vmem_shared>>) dst(%dma_wait3A_285 : memref<128x32xf32, #tpu.memory_space<vmem>>)
      %dma_start3A_292 = arith.constant 5 : i32
      %dma_start3A_293 = arith.constant 0 : i32
      %dma_start3A_294 = arith.constant 0 : i32
      %dma_start3A_295 = tpu.memref_slice %arg8[%dma_start3A_292, %dma_start3A_293, %dma_start3A_294] : memref<8x128x32xf32, #tpu.memory_space<vmem>> -> memref<1x128x32xf32, #tpu.memory_space<vmem>>
      %dma_start3A_296 = tpu.memref_squeeze %dma_start3A_295 : memref<1x128x32xf32, #tpu.memory_space<vmem>> -> memref<128x32xf32, #tpu.memory_space<vmem>>
      %dma_start3A_297 = arith.constant 0 : i32
      %dma_start3A_298 = tpu.memref_slice %arg7[%add3A_280, %dma_start3A_297] : memref<80x128xi32, #tpu.memory_space<vmem>> -> memref<1x128xi32, #tpu.memory_space<vmem>>
      %dma_start3A_299 = tpu.memref_squeeze %dma_start3A_298 : memref<1x128xi32, #tpu.memory_space<vmem>> -> memref<128xi32, #tpu.memory_space<vmem>>
      %dma_start3A_300 = arith.constant 0 : i32
      %dma_start3A_301 = arith.constant 0 : i32
      %dma_start3A_302 = tpu.memref_slice %arg10[%dma_start3A_300, %dma_start3A_301] : memref<10240x32xf32, #tpu.memory_space<vmem_shared>> -> memref<10240x32xf32, #tpu.memory_space<vmem_shared>>
      tpu.enqueue_indirect_dma source(%dma_start3A_296 : memref<128x32xf32, #tpu.memory_space<vmem>>) target(%dma_start3A_302 : memref<10240x32xf32, #tpu.memory_space<vmem_shared>>) offsets(%dma_start3A_299 : memref<128xi32, #tpu.memory_space<vmem>>) semaphore(%arg24 : memref<!tpu.dma_semaphore, #tpu.memory_space<semaphore_mem>>) {add = true}
      %mul3A_303 = arith.constant 8 : i32
      %mul3A_304 = arith.muli %scan3A_147, %mul3A_303 : i32
      %add3A_305 = arith.constant 6 : i32
      %add3A_306 = arith.addi %mul3A_304, %add3A_305 : i32
      %dma_wait3A_307 = arith.constant 6 : i32
      %dma_wait3A_308 = arith.constant 0 : i32
      %dma_wait3A_309 = arith.constant 0 : i32
      %dma_wait3A_310 = tpu.memref_slice %arg8[%dma_wait3A_307, %dma_wait3A_308, %dma_wait3A_309] : memref<8x128x32xf32, #tpu.memory_space<vmem>> -> memref<1x128x32xf32, #tpu.memory_space<vmem>>
      %dma_wait3A_311 = tpu.memref_squeeze %dma_wait3A_310 : memref<1x128x32xf32, #tpu.memory_space<vmem>> -> memref<128x32xf32, #tpu.memory_space<vmem>>
      %dma_wait3A_312 = arith.constant 0 : i32
      %dma_wait3A_313 = tpu.memref_slice %arg6[%add3A_306, %dma_wait3A_312] : memref<80x128xi32, #tpu.memory_space<vmem>> -> memref<1x128xi32, #tpu.memory_space<vmem>>
      %dma_wait3A_314 = tpu.memref_squeeze %dma_wait3A_313 : memref<1x128xi32, #tpu.memory_space<vmem>> -> memref<128xi32, #tpu.memory_space<vmem>>
      %dma_wait3A_315 = arith.constant 0 : i32
      %dma_wait3A_316 = arith.constant 0 : i32
      %dma_wait3A_317 = tpu.memref_slice %arg9[%dma_wait3A_315, %dma_wait3A_316] : memref<10240x32xf32, #tpu.memory_space<vmem_shared>> -> memref<10240x32xf32, #tpu.memory_space<vmem_shared>>
      tpu.wait_indirect_dma semaphore(%arg17 : memref<!tpu.dma_semaphore, #tpu.memory_space<semaphore_mem>>) src(%dma_wait3A_317 : memref<10240x32xf32, #tpu.memory_space<vmem_shared>>) dst(%dma_wait3A_311 : memref<128x32xf32, #tpu.memory_space<vmem>>)
      %dma_start3A_318 = arith.constant 6 : i32
      %dma_start3A_319 = arith.constant 0 : i32
      %dma_start3A_320 = arith.constant 0 : i32
      %dma_start3A_321 = tpu.memref_slice %arg8[%dma_start3A_318, %dma_start3A_319, %dma_start3A_320] : memref<8x128x32xf32, #tpu.memory_space<vmem>> -> memref<1x128x32xf32, #tpu.memory_space<vmem>>
      %dma_start3A_322 = tpu.memref_squeeze %dma_start3A_321 : memref<1x128x32xf32, #tpu.memory_space<vmem>> -> memref<128x32xf32, #tpu.memory_space<vmem>>
      %dma_start3A_323 = arith.constant 0 : i32
      %dma_start3A_324 = tpu.memref_slice %arg7[%add3A_306, %dma_start3A_323] : memref<80x128xi32, #tpu.memory_space<vmem>> -> memref<1x128xi32, #tpu.memory_space<vmem>>
      %dma_start3A_325 = tpu.memref_squeeze %dma_start3A_324 : memref<1x128xi32, #tpu.memory_space<vmem>> -> memref<128xi32, #tpu.memory_space<vmem>>
      %dma_start3A_326 = arith.constant 0 : i32
      %dma_start3A_327 = arith.constant 0 : i32
      %dma_start3A_328 = tpu.memref_slice %arg10[%dma_start3A_326, %dma_start3A_327] : memref<10240x32xf32, #tpu.memory_space<vmem_shared>> -> memref<10240x32xf32, #tpu.memory_space<vmem_shared>>
      tpu.enqueue_indirect_dma source(%dma_start3A_322 : memref<128x32xf32, #tpu.memory_space<vmem>>) target(%dma_start3A_328 : memref<10240x32xf32, #tpu.memory_space<vmem_shared>>) offsets(%dma_start3A_325 : memref<128xi32, #tpu.memory_space<vmem>>) semaphore(%arg25 : memref<!tpu.dma_semaphore, #tpu.memory_space<semaphore_mem>>) {add = true}
      %mul3A_329 = arith.constant 8 : i32
      %mul3A_330 = arith.muli %scan3A_147, %mul3A_329 : i32
      %add3A_331 = arith.constant 7 : i32
      %add3A_332 = arith.addi %mul3A_330, %add3A_331 : i32
      %dma_wait3A_333 = arith.constant 7 : i32
      %dma_wait3A_334 = arith.constant 0 : i32
      %dma_wait3A_335 = arith.constant 0 : i32
      %dma_wait3A_336 = tpu.memref_slice %arg8[%dma_wait3A_333, %dma_wait3A_334, %dma_wait3A_335] : memref<8x128x32xf32, #tpu.memory_space<vmem>> -> memref<1x128x32xf32, #tpu.memory_space<vmem>>
      %dma_wait3A_337 = tpu.memref_squeeze %dma_wait3A_336 : memref<1x128x32xf32, #tpu.memory_space<vmem>> -> memref<128x32xf32, #tpu.memory_space<vmem>>
      %dma_wait3A_338 = arith.constant 0 : i32
      %dma_wait3A_339 = tpu.memref_slice %arg6[%add3A_332, %dma_wait3A_338] : memref<80x128xi32, #tpu.memory_space<vmem>> -> memref<1x128xi32, #tpu.memory_space<vmem>>
      %dma_wait3A_340 = tpu.memref_squeeze %dma_wait3A_339 : memref<1x128xi32, #tpu.memory_space<vmem>> -> memref<128xi32, #tpu.memory_space<vmem>>
      %dma_wait3A_341 = arith.constant 0 : i32
      %dma_wait3A_342 = arith.constant 0 : i32
      %dma_wait3A_343 = tpu.memref_slice %arg9[%dma_wait3A_341, %dma_wait3A_342] : memref<10240x32xf32, #tpu.memory_space<vmem_shared>> -> memref<10240x32xf32, #tpu.memory_space<vmem_shared>>
      tpu.wait_indirect_dma semaphore(%arg18 : memref<!tpu.dma_semaphore, #tpu.memory_space<semaphore_mem>>) src(%dma_wait3A_343 : memref<10240x32xf32, #tpu.memory_space<vmem_shared>>) dst(%dma_wait3A_337 : memref<128x32xf32, #tpu.memory_space<vmem>>)
      %dma_start3A_344 = arith.constant 7 : i32
      %dma_start3A_345 = arith.constant 0 : i32
      %dma_start3A_346 = arith.constant 0 : i32
      %dma_start3A_347 = tpu.memref_slice %arg8[%dma_start3A_344, %dma_start3A_345, %dma_start3A_346] : memref<8x128x32xf32, #tpu.memory_space<vmem>> -> memref<1x128x32xf32, #tpu.memory_space<vmem>>
      %dma_start3A_348 = tpu.memref_squeeze %dma_start3A_347 : memref<1x128x32xf32, #tpu.memory_space<vmem>> -> memref<128x32xf32, #tpu.memory_space<vmem>>
      %dma_start3A_349 = arith.constant 0 : i32
      %dma_start3A_350 = tpu.memref_slice %arg7[%add3A_332, %dma_start3A_349] : memref<80x128xi32, #tpu.memory_space<vmem>> -> memref<1x128xi32, #tpu.memory_space<vmem>>
      %dma_start3A_351 = tpu.memref_squeeze %dma_start3A_350 : memref<1x128xi32, #tpu.memory_space<vmem>> -> memref<128xi32, #tpu.memory_space<vmem>>
      %dma_start3A_352 = arith.constant 0 : i32
      %dma_start3A_353 = arith.constant 0 : i32
      %dma_start3A_354 = tpu.memref_slice %arg10[%dma_start3A_352, %dma_start3A_353] : memref<10240x32xf32, #tpu.memory_space<vmem_shared>> -> memref<10240x32xf32, #tpu.memory_space<vmem_shared>>
      tpu.enqueue_indirect_dma source(%dma_start3A_348 : memref<128x32xf32, #tpu.memory_space<vmem>>) target(%dma_start3A_354 : memref<10240x32xf32, #tpu.memory_space<vmem_shared>>) offsets(%dma_start3A_351 : memref<128xi32, #tpu.memory_space<vmem>>) semaphore(%arg26 : memref<!tpu.dma_semaphore, #tpu.memory_space<semaphore_mem>>) {add = true}
      %dma_wait3A_355 = arith.constant 0 : i32
      %dma_wait3A_356 = arith.constant 0 : i32
      %dma_wait3A_357 = arith.constant 0 : i32
      %dma_wait3A_358 = tpu.memref_slice %arg8[%dma_wait3A_355, %dma_wait3A_356, %dma_wait3A_357] : memref<8x128x32xf32, #tpu.memory_space<vmem>> -> memref<1x128x32xf32, #tpu.memory_space<vmem>>
      %dma_wait3A_359 = tpu.memref_squeeze %dma_wait3A_358 : memref<1x128x32xf32, #tpu.memory_space<vmem>> -> memref<128x32xf32, #tpu.memory_space<vmem>>
      %dma_wait3A_360 = arith.constant 0 : i32
      %dma_wait3A_361 = tpu.memref_slice %arg7[%add3A_151, %dma_wait3A_360] : memref<80x128xi32, #tpu.memory_space<vmem>> -> memref<1x128xi32, #tpu.memory_space<vmem>>
      %dma_wait3A_362 = tpu.memref_squeeze %dma_wait3A_361 : memref<1x128xi32, #tpu.memory_space<vmem>> -> memref<128xi32, #tpu.memory_space<vmem>>
      %dma_wait3A_363 = arith.constant 0 : i32
      %dma_wait3A_364 = arith.constant 0 : i32
      %dma_wait3A_365 = tpu.memref_slice %arg10[%dma_wait3A_363, %dma_wait3A_364] : memref<10240x32xf32, #tpu.memory_space<vmem_shared>> -> memref<10240x32xf32, #tpu.memory_space<vmem_shared>>
      tpu.wait_indirect_dma semaphore(%arg19 : memref<!tpu.dma_semaphore, #tpu.memory_space<semaphore_mem>>) src(%dma_wait3A_359 : memref<128x32xf32, #tpu.memory_space<vmem>>) dst(%dma_wait3A_365 : memref<10240x32xf32, #tpu.memory_space<vmem_shared>>)
      %dma_wait3A_366 = arith.constant 1 : i32
      %dma_wait3A_367 = arith.constant 0 : i32
      %dma_wait3A_368 = arith.constant 0 : i32
      %dma_wait3A_369 = tpu.memref_slice %arg8[%dma_wait3A_366, %dma_wait3A_367, %dma_wait3A_368] : memref<8x128x32xf32, #tpu.memory_space<vmem>> -> memref<1x128x32xf32, #tpu.memory_space<vmem>>
      %dma_wait3A_370 = tpu.memref_squeeze %dma_wait3A_369 : memref<1x128x32xf32, #tpu.memory_space<vmem>> -> memref<128x32xf32, #tpu.memory_space<vmem>>
      %dma_wait3A_371 = arith.constant 0 : i32
      %dma_wait3A_372 = tpu.memref_slice %arg7[%add3A_176, %dma_wait3A_371] : memref<80x128xi32, #tpu.memory_space<vmem>> -> memref<1x128xi32, #tpu.memory_space<vmem>>
      %dma_wait3A_373 = tpu.memref_squeeze %dma_wait3A_372 : memref<1x128xi32, #tpu.memory_space<vmem>> -> memref<128xi32, #tpu.memory_space<vmem>>
      %dma_wait3A_374 = arith.constant 0 : i32
      %dma_wait3A_375 = arith.constant 0 : i32
      %dma_wait3A_376 = tpu.memref_slice %arg10[%dma_wait3A_374, %dma_wait3A_375] : memref<10240x32xf32, #tpu.memory_space<vmem_shared>> -> memref<10240x32xf32, #tpu.memory_space<vmem_shared>>
      tpu.wait_indirect_dma semaphore(%arg20 : memref<!tpu.dma_semaphore, #tpu.memory_space<semaphore_mem>>) src(%dma_wait3A_370 : memref<128x32xf32, #tpu.memory_space<vmem>>) dst(%dma_wait3A_376 : memref<10240x32xf32, #tpu.memory_space<vmem_shared>>)
      %dma_wait3A_377 = arith.constant 2 : i32
      %dma_wait3A_378 = arith.constant 0 : i32
      %dma_wait3A_379 = arith.constant 0 : i32
      %dma_wait3A_380 = tpu.memref_slice %arg8[%dma_wait3A_377, %dma_wait3A_378, %dma_wait3A_379] : memref<8x128x32xf32, #tpu.memory_space<vmem>> -> memref<1x128x32xf32, #tpu.memory_space<vmem>>
      %dma_wait3A_381 = tpu.memref_squeeze %dma_wait3A_380 : memref<1x128x32xf32, #tpu.memory_space<vmem>> -> memref<128x32xf32, #tpu.memory_space<vmem>>
      %dma_wait3A_382 = arith.constant 0 : i32
      %dma_wait3A_383 = tpu.memref_slice %arg7[%add3A_202, %dma_wait3A_382] : memref<80x128xi32, #tpu.memory_space<vmem>> -> memref<1x128xi32, #tpu.memory_space<vmem>>
      %dma_wait3A_384 = tpu.memref_squeeze %dma_wait3A_383 : memref<1x128xi32, #tpu.memory_space<vmem>> -> memref<128xi32, #tpu.memory_space<vmem>>
      %dma_wait3A_385 = arith.constant 0 : i32
      %dma_wait3A_386 = arith.constant 0 : i32
      %dma_wait3A_387 = tpu.memref_slice %arg10[%dma_wait3A_385, %dma_wait3A_386] : memref<10240x32xf32, #tpu.memory_space<vmem_shared>> -> memref<10240x32xf32, #tpu.memory_space<vmem_shared>>
      tpu.wait_indirect_dma semaphore(%arg21 : memref<!tpu.dma_semaphore, #tpu.memory_space<semaphore_mem>>) src(%dma_wait3A_381 : memref<128x32xf32, #tpu.memory_space<vmem>>) dst(%dma_wait3A_387 : memref<10240x32xf32, #tpu.memory_space<vmem_shared>>)
      %dma_wait3A_388 = arith.constant 3 : i32
      %dma_wait3A_389 = arith.constant 0 : i32
      %dma_wait3A_390 = arith.constant 0 : i32
      %dma_wait3A_391 = tpu.memref_slice %arg8[%dma_wait3A_388, %dma_wait3A_389, %dma_wait3A_390] : memref<8x128x32xf32, #tpu.memory_space<vmem>> -> memref<1x128x32xf32, #tpu.memory_space<vmem>>
      %dma_wait3A_392 = tpu.memref_squeeze %dma_wait3A_391 : memref<1x128x32xf32, #tpu.memory_space<vmem>> -> memref<128x32xf32, #tpu.memory_space<vmem>>
      %dma_wait3A_393 = arith.constant 0 : i32
      %dma_wait3A_394 = tpu.memref_slice %arg7[%add3A_228, %dma_wait3A_393] : memref<80x128xi32, #tpu.memory_space<vmem>> -> memref<1x128xi32, #tpu.memory_space<vmem>>
      %dma_wait3A_395 = tpu.memref_squeeze %dma_wait3A_394 : memref<1x128xi32, #tpu.memory_space<vmem>> -> memref<128xi32, #tpu.memory_space<vmem>>
      %dma_wait3A_396 = arith.constant 0 : i32
      %dma_wait3A_397 = arith.constant 0 : i32
      %dma_wait3A_398 = tpu.memref_slice %arg10[%dma_wait3A_396, %dma_wait3A_397] : memref<10240x32xf32, #tpu.memory_space<vmem_shared>> -> memref<10240x32xf32, #tpu.memory_space<vmem_shared>>
      tpu.wait_indirect_dma semaphore(%arg22 : memref<!tpu.dma_semaphore, #tpu.memory_space<semaphore_mem>>) src(%dma_wait3A_392 : memref<128x32xf32, #tpu.memory_space<vmem>>) dst(%dma_wait3A_398 : memref<10240x32xf32, #tpu.memory_space<vmem_shared>>)
      %dma_wait3A_399 = arith.constant 4 : i32
      %dma_wait3A_400 = arith.constant 0 : i32
      %dma_wait3A_401 = arith.constant 0 : i32
      %dma_wait3A_402 = tpu.memref_slice %arg8[%dma_wait3A_399, %dma_wait3A_400, %dma_wait3A_401] : memref<8x128x32xf32, #tpu.memory_space<vmem>> -> memref<1x128x32xf32, #tpu.memory_space<vmem>>
      %dma_wait3A_403 = tpu.memref_squeeze %dma_wait3A_402 : memref<1x128x32xf32, #tpu.memory_space<vmem>> -> memref<128x32xf32, #tpu.memory_space<vmem>>
      %dma_wait3A_404 = arith.constant 0 : i32
      %dma_wait3A_405 = tpu.memref_slice %arg7[%add3A_254, %dma_wait3A_404] : memref<80x128xi32, #tpu.memory_space<vmem>> -> memref<1x128xi32, #tpu.memory_space<vmem>>
      %dma_wait3A_406 = tpu.memref_squeeze %dma_wait3A_405 : memref<1x128xi32, #tpu.memory_space<vmem>> -> memref<128xi32, #tpu.memory_space<vmem>>
      %dma_wait3A_407 = arith.constant 0 : i32
      %dma_wait3A_408 = arith.constant 0 : i32
      %dma_wait3A_409 = tpu.memref_slice %arg10[%dma_wait3A_407, %dma_wait3A_408] : memref<10240x32xf32, #tpu.memory_space<vmem_shared>> -> memref<10240x32xf32, #tpu.memory_space<vmem_shared>>
      tpu.wait_indirect_dma semaphore(%arg23 : memref<!tpu.dma_semaphore, #tpu.memory_space<semaphore_mem>>) src(%dma_wait3A_403 : memref<128x32xf32, #tpu.memory_space<vmem>>) dst(%dma_wait3A_409 : memref<10240x32xf32, #tpu.memory_space<vmem_shared>>)
      %dma_wait3A_410 = arith.constant 5 : i32
      %dma_wait3A_411 = arith.constant 0 : i32
      %dma_wait3A_412 = arith.constant 0 : i32
      %dma_wait3A_413 = tpu.memref_slice %arg8[%dma_wait3A_410, %dma_wait3A_411, %dma_wait3A_412] : memref<8x128x32xf32, #tpu.memory_space<vmem>> -> memref<1x128x32xf32, #tpu.memory_space<vmem>>
      %dma_wait3A_414 = tpu.memref_squeeze %dma_wait3A_413 : memref<1x128x32xf32, #tpu.memory_space<vmem>> -> memref<128x32xf32, #tpu.memory_space<vmem>>
      %dma_wait3A_415 = arith.constant 0 : i32
      %dma_wait3A_416 = tpu.memref_slice %arg7[%add3A_280, %dma_wait3A_415] : memref<80x128xi32, #tpu.memory_space<vmem>> -> memref<1x128xi32, #tpu.memory_space<vmem>>
      %dma_wait3A_417 = tpu.memref_squeeze %dma_wait3A_416 : memref<1x128xi32, #tpu.memory_space<vmem>> -> memref<128xi32, #tpu.memory_space<vmem>>
      %dma_wait3A_418 = arith.constant 0 : i32
      %dma_wait3A_419 = arith.constant 0 : i32
      %dma_wait3A_420 = tpu.memref_slice %arg10[%dma_wait3A_418, %dma_wait3A_419] : memref<10240x32xf32, #tpu.memory_space<vmem_shared>> -> memref<10240x32xf32, #tpu.memory_space<vmem_shared>>
      tpu.wait_indirect_dma semaphore(%arg24 : memref<!tpu.dma_semaphore, #tpu.memory_space<semaphore_mem>>) src(%dma_wait3A_414 : memref<128x32xf32, #tpu.memory_space<vmem>>) dst(%dma_wait3A_420 : memref<10240x32xf32, #tpu.memory_space<vmem_shared>>)
      %dma_wait3A_421 = arith.constant 6 : i32
      %dma_wait3A_422 = arith.constant 0 : i32
      %dma_wait3A_423 = arith.constant 0 : i32
      %dma_wait3A_424 = tpu.memref_slice %arg8[%dma_wait3A_421, %dma_wait3A_422, %dma_wait3A_423] : memref<8x128x32xf32, #tpu.memory_space<vmem>> -> memref<1x128x32xf32, #tpu.memory_space<vmem>>
      %dma_wait3A_425 = tpu.memref_squeeze %dma_wait3A_424 : memref<1x128x32xf32, #tpu.memory_space<vmem>> -> memref<128x32xf32, #tpu.memory_space<vmem>>
      %dma_wait3A_426 = arith.constant 0 : i32
      %dma_wait3A_427 = tpu.memref_slice %arg7[%add3A_306, %dma_wait3A_426] : memref<80x128xi32, #tpu.memory_space<vmem>> -> memref<1x128xi32, #tpu.memory_space<vmem>>
      %dma_wait3A_428 = tpu.memref_squeeze %dma_wait3A_427 : memref<1x128xi32, #tpu.memory_space<vmem>> -> memref<128xi32, #tpu.memory_space<vmem>>
      %dma_wait3A_429 = arith.constant 0 : i32
      %dma_wait3A_430 = arith.constant 0 : i32
      %dma_wait3A_431 = tpu.memref_slice %arg10[%dma_wait3A_429, %dma_wait3A_430] : memref<10240x32xf32, #tpu.memory_space<vmem_shared>> -> memref<10240x32xf32, #tpu.memory_space<vmem_shared>>
      tpu.wait_indirect_dma semaphore(%arg25 : memref<!tpu.dma_semaphore, #tpu.memory_space<semaphore_mem>>) src(%dma_wait3A_425 : memref<128x32xf32, #tpu.memory_space<vmem>>) dst(%dma_wait3A_431 : memref<10240x32xf32, #tpu.memory_space<vmem_shared>>)
      %dma_wait3A_432 = arith.constant 7 : i32
      %dma_wait3A_433 = arith.constant 0 : i32
      %dma_wait3A_434 = arith.constant 0 : i32
      %dma_wait3A_435 = tpu.memref_slice %arg8[%dma_wait3A_432, %dma_wait3A_433, %dma_wait3A_434] : memref<8x128x32xf32, #tpu.memory_space<vmem>> -> memref<1x128x32xf32, #tpu.memory_space<vmem>>
      %dma_wait3A_436 = tpu.memref_squeeze %dma_wait3A_435 : memref<1x128x32xf32, #tpu.memory_space<vmem>> -> memref<128x32xf32, #tpu.memory_space<vmem>>
      %dma_wait3A_437 = arith.constant 0 : i32
      %dma_wait3A_438 = tpu.memref_slice %arg7[%add3A_332, %dma_wait3A_437] : memref<80x128xi32, #tpu.memory_space<vmem>> -> memref<1x128xi32, #tpu.memory_space<vmem>>
      %dma_wait3A_439 = tpu.memref_squeeze %dma_wait3A_438 : memref<1x128xi32, #tpu.memory_space<vmem>> -> memref<128xi32, #tpu.memory_space<vmem>>
      %dma_wait3A_440 = arith.constant 0 : i32
      %dma_wait3A_441 = arith.constant 0 : i32
      %dma_wait3A_442 = tpu.memref_slice %arg10[%dma_wait3A_440, %dma_wait3A_441] : memref<10240x32xf32, #tpu.memory_space<vmem_shared>> -> memref<10240x32xf32, #tpu.memory_space<vmem_shared>>
      tpu.wait_indirect_dma semaphore(%arg26 : memref<!tpu.dma_semaphore, #tpu.memory_space<semaphore_mem>>) src(%dma_wait3A_436 : memref<128x32xf32, #tpu.memory_space<vmem>>) dst(%dma_wait3A_442 : memref<10240x32xf32, #tpu.memory_space<vmem_shared>>)
      %add3A_443 = arith.constant 1 : i32
      %add3A_444 = arith.addi %scan3A_147, %add3A_443 : i32
      %lt3A = arith.constant 10 : i32
      %lt3A_445 = arith.cmpi slt, %add3A_444, %lt3A : i32
      %convert_element_type3A = arith.extui %lt3A_445 : i1 to i32
      %cond3A = arith.constant 0 : i32
      %cond3A_446 = arith.cmpi ne, %convert_element_type3A, %cond3A : i32
      scf.if %cond3A_446 {
        %add3A_447 = arith.constant 1 : i32
        %add3A_448 = arith.addi %scan3A_147, %add3A_447 : i32
        %mul3A_449 = arith.constant 8 : i32
        %mul3A_450 = arith.muli %add3A_448, %mul3A_449 : i32
        %add3A_451 = arith.constant 0 : i32
        %add3A_452 = arith.addi %mul3A_450, %add3A_451 : i32
        %dma_start3A_453 = arith.constant 0 : i32
        %dma_start3A_454 = arith.constant 0 : i32
        %dma_start3A_455 = arith.constant 0 : i32
        %dma_start3A_456 = tpu.memref_slice %arg8[%dma_start3A_453, %dma_start3A_454, %dma_start3A_455] : memref<8x128x32xf32, #tpu.memory_space<vmem>> -> memref<1x128x32xf32, #tpu.memory_space<vmem>>
        %dma_start3A_457 = tpu.memref_squeeze %dma_start3A_456 : memref<1x128x32xf32, #tpu.memory_space<vmem>> -> memref<128x32xf32, #tpu.memory_space<vmem>>
        %dma_start3A_458 = arith.constant 0 : i32
        %dma_start3A_459 = tpu.memref_slice %arg6[%add3A_452, %dma_start3A_458] : memref<80x128xi32, #tpu.memory_space<vmem>> -> memref<1x128xi32, #tpu.memory_space<vmem>>
        %dma_start3A_460 = tpu.memref_squeeze %dma_start3A_459 : memref<1x128xi32, #tpu.memory_space<vmem>> -> memref<128xi32, #tpu.memory_space<vmem>>
        %dma_start3A_461 = arith.constant 0 : i32
        %dma_start3A_462 = arith.constant 0 : i32
        %dma_start3A_463 = tpu.memref_slice %arg9[%dma_start3A_461, %dma_start3A_462] : memref<10240x32xf32, #tpu.memory_space<vmem_shared>> -> memref<10240x32xf32, #tpu.memory_space<vmem_shared>>
        tpu.enqueue_indirect_dma source(%dma_start3A_463 : memref<10240x32xf32, #tpu.memory_space<vmem_shared>>) target(%dma_start3A_457 : memref<128x32xf32, #tpu.memory_space<vmem>>) offsets(%dma_start3A_460 : memref<128xi32, #tpu.memory_space<vmem>>) semaphore(%arg11 : memref<!tpu.dma_semaphore, #tpu.memory_space<semaphore_mem>>)
        %add3A_464 = arith.constant 1 : i32
        %add3A_465 = arith.addi %scan3A_147, %add3A_464 : i32
        %mul3A_466 = arith.constant 8 : i32
        %mul3A_467 = arith.muli %add3A_465, %mul3A_466 : i32
        %add3A_468 = arith.constant 1 : i32
        %add3A_469 = arith.addi %mul3A_467, %add3A_468 : i32
        %dma_start3A_470 = arith.constant 1 : i32
        %dma_start3A_471 = arith.constant 0 : i32
        %dma_start3A_472 = arith.constant 0 : i32
        %dma_start3A_473 = tpu.memref_slice %arg8[%dma_start3A_470, %dma_start3A_471, %dma_start3A_472] : memref<8x128x32xf32, #tpu.memory_space<vmem>> -> memref<1x128x32xf32, #tpu.memory_space<vmem>>
        %dma_start3A_474 = tpu.memref_squeeze %dma_start3A_473 : memref<1x128x32xf32, #tpu.memory_space<vmem>> -> memref<128x32xf32, #tpu.memory_space<vmem>>
        %dma_start3A_475 = arith.constant 0 : i32
        %dma_start3A_476 = tpu.memref_slice %arg6[%add3A_469, %dma_start3A_475] : memref<80x128xi32, #tpu.memory_space<vmem>> -> memref<1x128xi32, #tpu.memory_space<vmem>>
        %dma_start3A_477 = tpu.memref_squeeze %dma_start3A_476 : memref<1x128xi32, #tpu.memory_space<vmem>> -> memref<128xi32, #tpu.memory_space<vmem>>
        %dma_start3A_478 = arith.constant 0 : i32
        %dma_start3A_479 = arith.constant 0 : i32
        %dma_start3A_480 = tpu.memref_slice %arg9[%dma_start3A_478, %dma_start3A_479] : memref<10240x32xf32, #tpu.memory_space<vmem_shared>> -> memref<10240x32xf32, #tpu.memory_space<vmem_shared>>
        tpu.enqueue_indirect_dma source(%dma_start3A_480 : memref<10240x32xf32, #tpu.memory_space<vmem_shared>>) target(%dma_start3A_474 : memref<128x32xf32, #tpu.memory_space<vmem>>) offsets(%dma_start3A_477 : memref<128xi32, #tpu.memory_space<vmem>>) semaphore(%arg12 : memref<!tpu.dma_semaphore, #tpu.memory_space<semaphore_mem>>)
        %add3A_481 = arith.constant 1 : i32
        %add3A_482 = arith.addi %scan3A_147, %add3A_481 : i32
        %mul3A_483 = arith.constant 8 : i32
        %mul3A_484 = arith.muli %add3A_482, %mul3A_483 : i32
        %add3A_485 = arith.constant 2 : i32
        %add3A_486 = arith.addi %mul3A_484, %add3A_485 : i32
        %dma_start3A_487 = arith.constant 2 : i32
        %dma_start3A_488 = arith.constant 0 : i32
        %dma_start3A_489 = arith.constant 0 : i32
        %dma_start3A_490 = tpu.memref_slice %arg8[%dma_start3A_487, %dma_start3A_488, %dma_start3A_489] : memref<8x128x32xf32, #tpu.memory_space<vmem>> -> memref<1x128x32xf32, #tpu.memory_space<vmem>>
        %dma_start3A_491 = tpu.memref_squeeze %dma_start3A_490 : memref<1x128x32xf32, #tpu.memory_space<vmem>> -> memref<128x32xf32, #tpu.memory_space<vmem>>
        %dma_start3A_492 = arith.constant 0 : i32
        %dma_start3A_493 = tpu.memref_slice %arg6[%add3A_486, %dma_start3A_492] : memref<80x128xi32, #tpu.memory_space<vmem>> -> memref<1x128xi32, #tpu.memory_space<vmem>>
        %dma_start3A_494 = tpu.memref_squeeze %dma_start3A_493 : memref<1x128xi32, #tpu.memory_space<vmem>> -> memref<128xi32, #tpu.memory_space<vmem>>
        %dma_start3A_495 = arith.constant 0 : i32
        %dma_start3A_496 = arith.constant 0 : i32
        %dma_start3A_497 = tpu.memref_slice %arg9[%dma_start3A_495, %dma_start3A_496] : memref<10240x32xf32, #tpu.memory_space<vmem_shared>> -> memref<10240x32xf32, #tpu.memory_space<vmem_shared>>
        tpu.enqueue_indirect_dma source(%dma_start3A_497 : memref<10240x32xf32, #tpu.memory_space<vmem_shared>>) target(%dma_start3A_491 : memref<128x32xf32, #tpu.memory_space<vmem>>) offsets(%dma_start3A_494 : memref<128xi32, #tpu.memory_space<vmem>>) semaphore(%arg13 : memref<!tpu.dma_semaphore, #tpu.memory_space<semaphore_mem>>)
        %add3A_498 = arith.constant 1 : i32
        %add3A_499 = arith.addi %scan3A_147, %add3A_498 : i32
        %mul3A_500 = arith.constant 8 : i32
        %mul3A_501 = arith.muli %add3A_499, %mul3A_500 : i32
        %add3A_502 = arith.constant 3 : i32
        %add3A_503 = arith.addi %mul3A_501, %add3A_502 : i32
        %dma_start3A_504 = arith.constant 3 : i32
        %dma_start3A_505 = arith.constant 0 : i32
        %dma_start3A_506 = arith.constant 0 : i32
        %dma_start3A_507 = tpu.memref_slice %arg8[%dma_start3A_504, %dma_start3A_505, %dma_start3A_506] : memref<8x128x32xf32, #tpu.memory_space<vmem>> -> memref<1x128x32xf32, #tpu.memory_space<vmem>>
        %dma_start3A_508 = tpu.memref_squeeze %dma_start3A_507 : memref<1x128x32xf32, #tpu.memory_space<vmem>> -> memref<128x32xf32, #tpu.memory_space<vmem>>
        %dma_start3A_509 = arith.constant 0 : i32
        %dma_start3A_510 = tpu.memref_slice %arg6[%add3A_503, %dma_start3A_509] : memref<80x128xi32, #tpu.memory_space<vmem>> -> memref<1x128xi32, #tpu.memory_space<vmem>>
        %dma_start3A_511 = tpu.memref_squeeze %dma_start3A_510 : memref<1x128xi32, #tpu.memory_space<vmem>> -> memref<128xi32, #tpu.memory_space<vmem>>
        %dma_start3A_512 = arith.constant 0 : i32
        %dma_start3A_513 = arith.constant 0 : i32
        %dma_start3A_514 = tpu.memref_slice %arg9[%dma_start3A_512, %dma_start3A_513] : memref<10240x32xf32, #tpu.memory_space<vmem_shared>> -> memref<10240x32xf32, #tpu.memory_space<vmem_shared>>
        tpu.enqueue_indirect_dma source(%dma_start3A_514 : memref<10240x32xf32, #tpu.memory_space<vmem_shared>>) target(%dma_start3A_508 : memref<128x32xf32, #tpu.memory_space<vmem>>) offsets(%dma_start3A_511 : memref<128xi32, #tpu.memory_space<vmem>>) semaphore(%arg14 : memref<!tpu.dma_semaphore, #tpu.memory_space<semaphore_mem>>)
        %add3A_515 = arith.constant 1 : i32
        %add3A_516 = arith.addi %scan3A_147, %add3A_515 : i32
        %mul3A_517 = arith.constant 8 : i32
        %mul3A_518 = arith.muli %add3A_516, %mul3A_517 : i32
        %add3A_519 = arith.constant 4 : i32
        %add3A_520 = arith.addi %mul3A_518, %add3A_519 : i32
        %dma_start3A_521 = arith.constant 4 : i32
        %dma_start3A_522 = arith.constant 0 : i32
        %dma_start3A_523 = arith.constant 0 : i32
        %dma_start3A_524 = tpu.memref_slice %arg8[%dma_start3A_521, %dma_start3A_522, %dma_start3A_523] : memref<8x128x32xf32, #tpu.memory_space<vmem>> -> memref<1x128x32xf32, #tpu.memory_space<vmem>>
        %dma_start3A_525 = tpu.memref_squeeze %dma_start3A_524 : memref<1x128x32xf32, #tpu.memory_space<vmem>> -> memref<128x32xf32, #tpu.memory_space<vmem>>
        %dma_start3A_526 = arith.constant 0 : i32
        %dma_start3A_527 = tpu.memref_slice %arg6[%add3A_520, %dma_start3A_526] : memref<80x128xi32, #tpu.memory_space<vmem>> -> memref<1x128xi32, #tpu.memory_space<vmem>>
        %dma_start3A_528 = tpu.memref_squeeze %dma_start3A_527 : memref<1x128xi32, #tpu.memory_space<vmem>> -> memref<128xi32, #tpu.memory_space<vmem>>
        %dma_start3A_529 = arith.constant 0 : i32
        %dma_start3A_530 = arith.constant 0 : i32
        %dma_start3A_531 = tpu.memref_slice %arg9[%dma_start3A_529, %dma_start3A_530] : memref<10240x32xf32, #tpu.memory_space<vmem_shared>> -> memref<10240x32xf32, #tpu.memory_space<vmem_shared>>
        tpu.enqueue_indirect_dma source(%dma_start3A_531 : memref<10240x32xf32, #tpu.memory_space<vmem_shared>>) target(%dma_start3A_525 : memref<128x32xf32, #tpu.memory_space<vmem>>) offsets(%dma_start3A_528 : memref<128xi32, #tpu.memory_space<vmem>>) semaphore(%arg15 : memref<!tpu.dma_semaphore, #tpu.memory_space<semaphore_mem>>)
        %add3A_532 = arith.constant 1 : i32
        %add3A_533 = arith.addi %scan3A_147, %add3A_532 : i32
        %mul3A_534 = arith.constant 8 : i32
        %mul3A_535 = arith.muli %add3A_533, %mul3A_534 : i32
        %add3A_536 = arith.constant 5 : i32
        %add3A_537 = arith.addi %mul3A_535, %add3A_536 : i32
        %dma_start3A_538 = arith.constant 5 : i32
        %dma_start3A_539 = arith.constant 0 : i32
        %dma_start3A_540 = arith.constant 0 : i32
        %dma_start3A_541 = tpu.memref_slice %arg8[%dma_start3A_538, %dma_start3A_539, %dma_start3A_540] : memref<8x128x32xf32, #tpu.memory_space<vmem>> -> memref<1x128x32xf32, #tpu.memory_space<vmem>>
        %dma_start3A_542 = tpu.memref_squeeze %dma_start3A_541 : memref<1x128x32xf32, #tpu.memory_space<vmem>> -> memref<128x32xf32, #tpu.memory_space<vmem>>
        %dma_start3A_543 = arith.constant 0 : i32
        %dma_start3A_544 = tpu.memref_slice %arg6[%add3A_537, %dma_start3A_543] : memref<80x128xi32, #tpu.memory_space<vmem>> -> memref<1x128xi32, #tpu.memory_space<vmem>>
        %dma_start3A_545 = tpu.memref_squeeze %dma_start3A_544 : memref<1x128xi32, #tpu.memory_space<vmem>> -> memref<128xi32, #tpu.memory_space<vmem>>
        %dma_start3A_546 = arith.constant 0 : i32
        %dma_start3A_547 = arith.constant 0 : i32
        %dma_start3A_548 = tpu.memref_slice %arg9[%dma_start3A_546, %dma_start3A_547] : memref<10240x32xf32, #tpu.memory_space<vmem_shared>> -> memref<10240x32xf32, #tpu.memory_space<vmem_shared>>
        tpu.enqueue_indirect_dma source(%dma_start3A_548 : memref<10240x32xf32, #tpu.memory_space<vmem_shared>>) target(%dma_start3A_542 : memref<128x32xf32, #tpu.memory_space<vmem>>) offsets(%dma_start3A_545 : memref<128xi32, #tpu.memory_space<vmem>>) semaphore(%arg16 : memref<!tpu.dma_semaphore, #tpu.memory_space<semaphore_mem>>)
        %add3A_549 = arith.constant 1 : i32
        %add3A_550 = arith.addi %scan3A_147, %add3A_549 : i32
        %mul3A_551 = arith.constant 8 : i32
        %mul3A_552 = arith.muli %add3A_550, %mul3A_551 : i32
        %add3A_553 = arith.constant 6 : i32
        %add3A_554 = arith.addi %mul3A_552, %add3A_553 : i32
        %dma_start3A_555 = arith.constant 6 : i32
        %dma_start3A_556 = arith.constant 0 : i32
        %dma_start3A_557 = arith.constant 0 : i32
        %dma_start3A_558 = tpu.memref_slice %arg8[%dma_start3A_555, %dma_start3A_556, %dma_start3A_557] : memref<8x128x32xf32, #tpu.memory_space<vmem>> -> memref<1x128x32xf32, #tpu.memory_space<vmem>>
        %dma_start3A_559 = tpu.memref_squeeze %dma_start3A_558 : memref<1x128x32xf32, #tpu.memory_space<vmem>> -> memref<128x32xf32, #tpu.memory_space<vmem>>
        %dma_start3A_560 = arith.constant 0 : i32
        %dma_start3A_561 = tpu.memref_slice %arg6[%add3A_554, %dma_start3A_560] : memref<80x128xi32, #tpu.memory_space<vmem>> -> memref<1x128xi32, #tpu.memory_space<vmem>>
        %dma_start3A_562 = tpu.memref_squeeze %dma_start3A_561 : memref<1x128xi32, #tpu.memory_space<vmem>> -> memref<128xi32, #tpu.memory_space<vmem>>
        %dma_start3A_563 = arith.constant 0 : i32
        %dma_start3A_564 = arith.constant 0 : i32
        %dma_start3A_565 = tpu.memref_slice %arg9[%dma_start3A_563, %dma_start3A_564] : memref<10240x32xf32, #tpu.memory_space<vmem_shared>> -> memref<10240x32xf32, #tpu.memory_space<vmem_shared>>
        tpu.enqueue_indirect_dma source(%dma_start3A_565 : memref<10240x32xf32, #tpu.memory_space<vmem_shared>>) target(%dma_start3A_559 : memref<128x32xf32, #tpu.memory_space<vmem>>) offsets(%dma_start3A_562 : memref<128xi32, #tpu.memory_space<vmem>>) semaphore(%arg17 : memref<!tpu.dma_semaphore, #tpu.memory_space<semaphore_mem>>)
        %add3A_566 = arith.constant 1 : i32
        %add3A_567 = arith.addi %scan3A_147, %add3A_566 : i32
        %mul3A_568 = arith.constant 8 : i32
        %mul3A_569 = arith.muli %add3A_567, %mul3A_568 : i32
        %add3A_570 = arith.constant 7 : i32
        %add3A_571 = arith.addi %mul3A_569, %add3A_570 : i32
        %dma_start3A_572 = arith.constant 7 : i32
        %dma_start3A_573 = arith.constant 0 : i32
        %dma_start3A_574 = arith.constant 0 : i32
        %dma_start3A_575 = tpu.memref_slice %arg8[%dma_start3A_572, %dma_start3A_573, %dma_start3A_574] : memref<8x128x32xf32, #tpu.memory_space<vmem>> -> memref<1x128x32xf32, #tpu.memory_space<vmem>>
        %dma_start3A_576 = tpu.memref_squeeze %dma_start3A_575 : memref<1x128x32xf32, #tpu.memory_space<vmem>> -> memref<128x32xf32, #tpu.memory_space<vmem>>
        %dma_start3A_577 = arith.constant 0 : i32
        %dma_start3A_578 = tpu.memref_slice %arg6[%add3A_571, %dma_start3A_577] : memref<80x128xi32, #tpu.memory_space<vmem>> -> memref<1x128xi32, #tpu.memory_space<vmem>>
        %dma_start3A_579 = tpu.memref_squeeze %dma_start3A_578 : memref<1x128xi32, #tpu.memory_space<vmem>> -> memref<128xi32, #tpu.memory_space<vmem>>
        %dma_start3A_580 = arith.constant 0 : i32
        %dma_start3A_581 = arith.constant 0 : i32
        %dma_start3A_582 = tpu.memref_slice %arg9[%dma_start3A_580, %dma_start3A_581] : memref<10240x32xf32, #tpu.memory_space<vmem_shared>> -> memref<10240x32xf32, #tpu.memory_space<vmem_shared>>
        tpu.enqueue_indirect_dma source(%dma_start3A_582 : memref<10240x32xf32, #tpu.memory_space<vmem_shared>>) target(%dma_start3A_576 : memref<128x32xf32, #tpu.memory_space<vmem>>) offsets(%dma_start3A_579 : memref<128xi32, #tpu.memory_space<vmem>>) semaphore(%arg18 : memref<!tpu.dma_semaphore, #tpu.memory_space<semaphore_mem>>)
      } else {
      }
    }
    %scan3A_138 = arith.constant 10 : i32
    %barrier3A_139 = arith.constant 0 : index
    tpu.barrier barrier_id(%barrier3A_139)
    %mul3A_140 = arith.constant 640 : i32
    %mul3A_141 = arith.muli %arg1, %mul3A_140 : i32
    %mul3A_142 = arith.constant 10240 : i32
    %mul3A_143 = arith.muli %arg0, %mul3A_142 : i32
    %mul3A_144 = arith.constant 640 : i32
    %mul3A_145 = arith.muli %arg1, %mul3A_144 : i32
    %add3A_146 = arith.addi %mul3A_143, %mul3A_145 : i32
    "tpu.region"() ({
      %run_scoped3A_147 = tpu.sem_alloc : memref<!tpu.dma_semaphore, #tpu.memory_space<semaphore_mem>>
      %dma_start3A_148 = arith.constant 0 : i32
      %dma_start3A_149 = tpu.memref_slice %arg5[%add3A_146, %dma_start3A_148] : memref<20480x32xf32, #tpu.memory_space<hbm>> -> memref<640x32xf32, #tpu.memory_space<hbm>>
      %dma_start3A_150 = arith.constant 0 : i32
      %dma_start3A_151 = tpu.memref_slice %arg10[%mul3A_141, %dma_start3A_150] : memref<10240x32xf32, #tpu.memory_space<vmem_shared>> -> memref<640x32xf32, #tpu.memory_space<vmem_shared>>
      tpu.enqueue_dma source(%dma_start3A_151 : memref<640x32xf32, #tpu.memory_space<vmem_shared>>) target(%dma_start3A_149 : memref<640x32xf32, #tpu.memory_space<hbm>>) target_semaphore(%run_scoped3A_147 : memref<!tpu.dma_semaphore, #tpu.memory_space<semaphore_mem>>)
      %dma_wait3A = arith.constant 0 : i32
      %dma_wait3A_152 = tpu.memref_slice %arg5[%add3A_146, %dma_wait3A] : memref<20480x32xf32, #tpu.memory_space<hbm>> -> memref<640x32xf32, #tpu.memory_space<hbm>>
      %dma_wait3A_153 = arith.constant 0 : i32
      %dma_wait3A_154 = tpu.memref_slice %arg10[%mul3A_141, %dma_wait3A_153] : memref<10240x32xf32, #tpu.memory_space<vmem_shared>> -> memref<640x32xf32, #tpu.memory_space<vmem_shared>>
      tpu.wait_dma2 semaphore(%run_scoped3A_147 : memref<!tpu.dma_semaphore, #tpu.memory_space<semaphore_mem>>) src(%dma_wait3A_154 : memref<640x32xf32, #tpu.memory_space<vmem_shared>>) dst(%dma_wait3A_152 : memref<640x32xf32, #tpu.memory_space<hbm>>)
      tpu.yield
    }) : () -> ()
    return
  }
}

#map = affine_map<(d0, d1) -> (0, 0)>
#map1 = affine_map<(d0, d1) -> (0)>
module attributes {stable_mosaic.version = 14 : i64} {
  func.func @_comb(%arg0: i32, %arg1: i32, %arg2: memref<20480x32xf32, #tpu.memory_space<hbm>>, %arg3: memref<10240x32xf32, #tpu.memory_space<hbm>>, %arg4: memref<10240x16xf32, #tpu.memory_space<hbm>>, %arg5: memref<32xf32, #tpu.memory_space<hbm>>, %arg6: memref<10240x32xf32, #tpu.memory_space<hbm>>, %arg7: memref<320x32xf32, #tpu.memory_space<vmem>>, %arg8: memref<320x32xf32, #tpu.memory_space<vmem>>, %arg9: memref<320x32xf32, #tpu.memory_space<vmem>>, %arg10: memref<320x16xf32, #tpu.memory_space<vmem>>, %arg11: memref<32xf32, #tpu.memory_space<vmem>>) attributes {dimension_semantics = [#tpu.dimension_semantics<core_parallel>, #tpu.dimension_semantics<subcore_parallel>], iteration_bounds = array<i64: 2, 16>, scalar_prefetch = 0 : i64, scratch_operands = 5 : i64, tpu.core_type = #tpu.core_type<sc_vector_subcore>, window_params = [{transform_indices = #map}, {transform_indices = #map}, {transform_indices = #map}, {transform_indices = #map1}, {transform_indices = #map}]} {
    %mul3A = arith.constant 16 : i32
    %mul3A_0 = arith.muli %arg0, %mul3A : i32
    %add3A = arith.addi %mul3A_0, %arg1 : i32
    %mul3A_1 = arith.constant 320 : i32
    %mul3A_2 = arith.muli %add3A, %mul3A_1 : i32
    "tpu.region"() ({
      %run_scoped3A = tpu.sem_alloc : memref<!tpu.dma_semaphore, #tpu.memory_space<semaphore_mem>>
      %dma_start3A = arith.constant 0 : i32
      %dma_start3A_10 = tpu.memref_slice %arg2[%mul3A_2, %dma_start3A] : memref<20480x32xf32, #tpu.memory_space<hbm>> -> memref<320x32xf32, #tpu.memory_space<hbm>>
      %dma_start3A_11 = arith.constant 0 : i32
      %dma_start3A_12 = tpu.memref_slice %arg2[%mul3A_2, %dma_start3A_11] : memref<20480x32xf32, #tpu.memory_space<hbm>> -> memref<320x32xf32, #tpu.memory_space<hbm>>
      tpu.enqueue_dma source(%dma_start3A_12 : memref<320x32xf32, #tpu.memory_space<hbm>>) target(%arg7 : memref<320x32xf32, #tpu.memory_space<vmem>>) target_semaphore(%run_scoped3A : memref<!tpu.dma_semaphore, #tpu.memory_space<semaphore_mem>>)
      %dma_wait3A = arith.constant 0 : i32
      %dma_wait3A_13 = tpu.memref_slice %arg2[%mul3A_2, %dma_wait3A] : memref<20480x32xf32, #tpu.memory_space<hbm>> -> memref<320x32xf32, #tpu.memory_space<hbm>>
      %dma_wait3A_14 = arith.constant 0 : i32
      %dma_wait3A_15 = tpu.memref_slice %arg2[%mul3A_2, %dma_wait3A_14] : memref<20480x32xf32, #tpu.memory_space<hbm>> -> memref<320x32xf32, #tpu.memory_space<hbm>>
      tpu.wait_dma2 semaphore(%run_scoped3A : memref<!tpu.dma_semaphore, #tpu.memory_space<semaphore_mem>>) src(%dma_wait3A_15 : memref<320x32xf32, #tpu.memory_space<hbm>>) dst(%arg7 : memref<320x32xf32, #tpu.memory_space<vmem>>)
      tpu.yield
    }) : () -> ()
    %add3A_3 = arith.constant 10240 : i32
    %add3A_4 = arith.addi %add3A_3, %mul3A_2 : i32
    "tpu.region"() ({
      %run_scoped3A = tpu.sem_alloc : memref<!tpu.dma_semaphore, #tpu.memory_space<semaphore_mem>>
      %dma_start3A = arith.constant 0 : i32
      %dma_start3A_10 = tpu.memref_slice %arg2[%add3A_4, %dma_start3A] : memref<20480x32xf32, #tpu.memory_space<hbm>> -> memref<320x32xf32, #tpu.memory_space<hbm>>
      %dma_start3A_11 = arith.constant 0 : i32
      %dma_start3A_12 = tpu.memref_slice %arg2[%add3A_4, %dma_start3A_11] : memref<20480x32xf32, #tpu.memory_space<hbm>> -> memref<320x32xf32, #tpu.memory_space<hbm>>
      tpu.enqueue_dma source(%dma_start3A_12 : memref<320x32xf32, #tpu.memory_space<hbm>>) target(%arg8 : memref<320x32xf32, #tpu.memory_space<vmem>>) target_semaphore(%run_scoped3A : memref<!tpu.dma_semaphore, #tpu.memory_space<semaphore_mem>>)
      %dma_wait3A = arith.constant 0 : i32
      %dma_wait3A_13 = tpu.memref_slice %arg2[%add3A_4, %dma_wait3A] : memref<20480x32xf32, #tpu.memory_space<hbm>> -> memref<320x32xf32, #tpu.memory_space<hbm>>
      %dma_wait3A_14 = arith.constant 0 : i32
      %dma_wait3A_15 = tpu.memref_slice %arg2[%add3A_4, %dma_wait3A_14] : memref<20480x32xf32, #tpu.memory_space<hbm>> -> memref<320x32xf32, #tpu.memory_space<hbm>>
      tpu.wait_dma2 semaphore(%run_scoped3A : memref<!tpu.dma_semaphore, #tpu.memory_space<semaphore_mem>>) src(%dma_wait3A_15 : memref<320x32xf32, #tpu.memory_space<hbm>>) dst(%arg8 : memref<320x32xf32, #tpu.memory_space<vmem>>)
      tpu.yield
    }) : () -> ()
    "tpu.region"() ({
      %run_scoped3A = tpu.sem_alloc : memref<!tpu.dma_semaphore, #tpu.memory_space<semaphore_mem>>
      %dma_start3A = arith.constant 0 : i32
      %dma_start3A_10 = tpu.memref_slice %arg3[%mul3A_2, %dma_start3A] : memref<10240x32xf32, #tpu.memory_space<hbm>> -> memref<320x32xf32, #tpu.memory_space<hbm>>
      %dma_start3A_11 = arith.constant 0 : i32
      %dma_start3A_12 = tpu.memref_slice %arg3[%mul3A_2, %dma_start3A_11] : memref<10240x32xf32, #tpu.memory_space<hbm>> -> memref<320x32xf32, #tpu.memory_space<hbm>>
      tpu.enqueue_dma source(%dma_start3A_12 : memref<320x32xf32, #tpu.memory_space<hbm>>) target(%arg9 : memref<320x32xf32, #tpu.memory_space<vmem>>) target_semaphore(%run_scoped3A : memref<!tpu.dma_semaphore, #tpu.memory_space<semaphore_mem>>)
      %dma_wait3A = arith.constant 0 : i32
      %dma_wait3A_13 = tpu.memref_slice %arg3[%mul3A_2, %dma_wait3A] : memref<10240x32xf32, #tpu.memory_space<hbm>> -> memref<320x32xf32, #tpu.memory_space<hbm>>
      %dma_wait3A_14 = arith.constant 0 : i32
      %dma_wait3A_15 = tpu.memref_slice %arg3[%mul3A_2, %dma_wait3A_14] : memref<10240x32xf32, #tpu.memory_space<hbm>> -> memref<320x32xf32, #tpu.memory_space<hbm>>
      tpu.wait_dma2 semaphore(%run_scoped3A : memref<!tpu.dma_semaphore, #tpu.memory_space<semaphore_mem>>) src(%dma_wait3A_15 : memref<320x32xf32, #tpu.memory_space<hbm>>) dst(%arg9 : memref<320x32xf32, #tpu.memory_space<vmem>>)
      tpu.yield
    }) : () -> ()
    "tpu.region"() ({
      %run_scoped3A = tpu.sem_alloc : memref<!tpu.dma_semaphore, #tpu.memory_space<semaphore_mem>>
      %dma_start3A = arith.constant 0 : i32
      %dma_start3A_10 = tpu.memref_slice %arg4[%mul3A_2, %dma_start3A] : memref<10240x16xf32, #tpu.memory_space<hbm>> -> memref<320x16xf32, #tpu.memory_space<hbm>>
      %dma_start3A_11 = arith.constant 0 : i32
      %dma_start3A_12 = tpu.memref_slice %arg4[%mul3A_2, %dma_start3A_11] : memref<10240x16xf32, #tpu.memory_space<hbm>> -> memref<320x16xf32, #tpu.memory_space<hbm>>
      tpu.enqueue_dma source(%dma_start3A_12 : memref<320x16xf32, #tpu.memory_space<hbm>>) target(%arg10 : memref<320x16xf32, #tpu.memory_space<vmem>>) target_semaphore(%run_scoped3A : memref<!tpu.dma_semaphore, #tpu.memory_space<semaphore_mem>>)
      %dma_wait3A = arith.constant 0 : i32
      %dma_wait3A_13 = tpu.memref_slice %arg4[%mul3A_2, %dma_wait3A] : memref<10240x16xf32, #tpu.memory_space<hbm>> -> memref<320x16xf32, #tpu.memory_space<hbm>>
      %dma_wait3A_14 = arith.constant 0 : i32
      %dma_wait3A_15 = tpu.memref_slice %arg4[%mul3A_2, %dma_wait3A_14] : memref<10240x16xf32, #tpu.memory_space<hbm>> -> memref<320x16xf32, #tpu.memory_space<hbm>>
      tpu.wait_dma2 semaphore(%run_scoped3A : memref<!tpu.dma_semaphore, #tpu.memory_space<semaphore_mem>>) src(%dma_wait3A_15 : memref<320x16xf32, #tpu.memory_space<hbm>>) dst(%arg10 : memref<320x16xf32, #tpu.memory_space<vmem>>)
      tpu.yield
    }) : () -> ()
    "tpu.region"() ({
      %run_scoped3A = tpu.sem_alloc : memref<!tpu.dma_semaphore, #tpu.memory_space<semaphore_mem>>
      tpu.enqueue_dma source(%arg5 : memref<32xf32, #tpu.memory_space<hbm>>) target(%arg11 : memref<32xf32, #tpu.memory_space<vmem>>) target_semaphore(%run_scoped3A : memref<!tpu.dma_semaphore, #tpu.memory_space<semaphore_mem>>)
      tpu.wait_dma2 semaphore(%run_scoped3A : memref<!tpu.dma_semaphore, #tpu.memory_space<semaphore_mem>>) src(%arg5 : memref<32xf32, #tpu.memory_space<hbm>>) dst(%arg11 : memref<32xf32, #tpu.memory_space<vmem>>)
      tpu.yield
    }) : () -> ()
    %scan3A = arith.constant 0 : i32
    %scan3A_5 = arith.constant 0 : i32
    %scan3A_6 = arith.constant 320 : i32
    %scan3A_7 = arith.addi %scan3A_5, %scan3A_6 : i32
    %scan3A_8 = arith.constant 1 : i32
    scf.for %scan3A_10 = %scan3A_5 to %scan3A_7 step %scan3A_8  : i32 {
      %get3A = arith.index_cast %scan3A_10 : i32 to index
      %get3A_11 = arith.constant 0 : index
      %get3A_12 = tpu.vector_load %arg10[%get3A, %get3A_11] {strides = array<i32>} : memref<320x16xf32, #tpu.memory_space<vmem>>, vector<16xf32>,
      %get3A_13 = arith.index_cast %scan3A_10 : i32 to index
      %get3A_14 = arith.constant 0 : index
      %get3A_15 = tpu.vector_load %arg7[%get3A_13, %get3A_14] {strides = array<i32>} : memref<320x32xf32, #tpu.memory_space<vmem>>, vector<16xf32>,
      %get3A_16 = arith.index_cast %scan3A_10 : i32 to index
      %get3A_17 = arith.constant 0 : index
      %get3A_18 = tpu.vector_load %arg8[%get3A_16, %get3A_17] {strides = array<i32>} : memref<320x32xf32, #tpu.memory_space<vmem>>, vector<16xf32>,
      %add3A_19 = arith.addf %get3A_15, %get3A_18 : vector<16xf32>
      %get3A_20 = arith.index_cast %scan3A_10 : i32 to index
      %get3A_21 = arith.constant 0 : index
      %get3A_22 = tpu.vector_load %arg9[%get3A_20, %get3A_21] {strides = array<i32>} : memref<320x32xf32, #tpu.memory_space<vmem>>, vector<16xf32>,
      %add3A_23 = arith.addf %add3A_19, %get3A_22 : vector<16xf32>
      %mul3A_24 = arith.mulf %add3A_23, %get3A_12 : vector<16xf32>
      %get3A_25 = arith.constant 0 : index
      %get3A_26 = tpu.vector_load %arg11[%get3A_25] {strides = array<i32>} : memref<32xf32, #tpu.memory_space<vmem>>, vector<16xf32>,
      %add3A_27 = arith.addf %mul3A_24, %get3A_26 : vector<16xf32>
      %max3A = arith.constant 0.000000e+00 : f32
      %max3A_28 = vector.broadcast %max3A : f32 to vector<16xf32>
      %max3A_29 = arith.maximumf %add3A_27, %max3A_28 : vector<16xf32>
      %swap3A = arith.index_cast %scan3A_10 : i32 to index
      %swap3A_30 = arith.constant 0 : index
      %swap3A_31 = tpu.vector_load %arg7[%swap3A, %swap3A_30] {strides = array<i32>} : memref<320x32xf32, #tpu.memory_space<vmem>>, vector<16xf32>,
      tpu.vector_store %arg7[%swap3A, %swap3A_30], %max3A_29 {strides = array<i32>} : memref<320x32xf32, #tpu.memory_space<vmem>>, vector<16xf32>,
      %get3A_32 = arith.index_cast %scan3A_10 : i32 to index
      %get3A_33 = arith.constant 16 : index
      %get3A_34 = tpu.vector_load %arg7[%get3A_32, %get3A_33] {strides = array<i32>} : memref<320x32xf32, #tpu.memory_space<vmem>>, vector<16xf32>,
      %get3A_35 = arith.index_cast %scan3A_10 : i32 to index
      %get3A_36 = arith.constant 16 : index
      %get3A_37 = tpu.vector_load %arg8[%get3A_35, %get3A_36] {strides = array<i32>} : memref<320x32xf32, #tpu.memory_space<vmem>>, vector<16xf32>,
      %add3A_38 = arith.addf %get3A_34, %get3A_37 : vector<16xf32>
      %get3A_39 = arith.index_cast %scan3A_10 : i32 to index
      %get3A_40 = arith.constant 16 : index
      %get3A_41 = tpu.vector_load %arg9[%get3A_39, %get3A_40] {strides = array<i32>} : memref<320x32xf32, #tpu.memory_space<vmem>>, vector<16xf32>,
      %add3A_42 = arith.addf %add3A_38, %get3A_41 : vector<16xf32>
      %mul3A_43 = arith.mulf %add3A_42, %get3A_12 : vector<16xf32>
      %get3A_44 = arith.constant 16 : index
      %get3A_45 = tpu.vector_load %arg11[%get3A_44] {strides = array<i32>} : memref<32xf32, #tpu.memory_space<vmem>>, vector<16xf32>,
      %add3A_46 = arith.addf %mul3A_43, %get3A_45 : vector<16xf32>
      %max3A_47 = arith.constant 0.000000e+00 : f32
      %max3A_48 = vector.broadcast %max3A_47 : f32 to vector<16xf32>
      %max3A_49 = arith.maximumf %add3A_46, %max3A_48 : vector<16xf32>
      %swap3A_50 = arith.index_cast %scan3A_10 : i32 to index
      %swap3A_51 = arith.constant 16 : index
      %swap3A_52 = tpu.vector_load %arg7[%swap3A_50, %swap3A_51] {strides = array<i32>} : memref<320x32xf32, #tpu.memory_space<vmem>>, vector<16xf32>,
      tpu.vector_store %arg7[%swap3A_50, %swap3A_51], %max3A_49 {strides = array<i32>} : memref<320x32xf32, #tpu.memory_space<vmem>>, vector<16xf32>,
    }
    %scan3A_9 = arith.constant 320 : i32
    "tpu.region"() ({
      %run_scoped3A = tpu.sem_alloc : memref<!tpu.dma_semaphore, #tpu.memory_space<semaphore_mem>>
      %dma_start3A = arith.constant 0 : i32
      %dma_start3A_10 = tpu.memref_slice %arg6[%mul3A_2, %dma_start3A] : memref<10240x32xf32, #tpu.memory_space<hbm>> -> memref<320x32xf32, #tpu.memory_space<hbm>>
      %dma_start3A_11 = arith.constant 0 : i32
      %dma_start3A_12 = tpu.memref_slice %arg6[%mul3A_2, %dma_start3A_11] : memref<10240x32xf32, #tpu.memory_space<hbm>> -> memref<320x32xf32, #tpu.memory_space<hbm>>
      tpu.enqueue_dma source(%arg7 : memref<320x32xf32, #tpu.memory_space<vmem>>) target(%dma_start3A_12 : memref<320x32xf32, #tpu.memory_space<hbm>>) target_semaphore(%run_scoped3A : memref<!tpu.dma_semaphore, #tpu.memory_space<semaphore_mem>>)
      %dma_wait3A = arith.constant 0 : i32
      %dma_wait3A_13 = tpu.memref_slice %arg6[%mul3A_2, %dma_wait3A] : memref<10240x32xf32, #tpu.memory_space<hbm>> -> memref<320x32xf32, #tpu.memory_space<hbm>>
      %dma_wait3A_14 = arith.constant 0 : i32
      %dma_wait3A_15 = tpu.memref_slice %arg6[%mul3A_2, %dma_wait3A_14] : memref<10240x32xf32, #tpu.memory_space<hbm>> -> memref<320x32xf32, #tpu.memory_space<hbm>>
      tpu.wait_dma2 semaphore(%run_scoped3A : memref<!tpu.dma_semaphore, #tpu.memory_space<semaphore_mem>>) src(%arg7 : memref<320x32xf32, #tpu.memory_space<vmem>>) dst(%dma_wait3A_15 : memref<320x32xf32, #tpu.memory_space<hbm>>)
      tpu.yield
    }) : () -> ()
    return
  }
}

module attributes {stable_mosaic.version = 14 : i64} {
  func.func @_mm_body(%arg0: memref<10240x128xf32, #tpu.memory_space<vmem>>, %arg1: memref<128x64xf32, #tpu.memory_space<vmem>>, %arg2: memref<10240x64xf32, #tpu.memory_space<vmem>>) attributes {dimension_semantics = [], scalar_prefetch = 0 : i64, scratch_operands = 0 : i64, tpu.core_type = #tpu.core_type<tc>} {
    %get3A = arith.constant 0 : index
    %get3A_0 = arith.constant 0 : index
    %get3A_1 = vector.load %arg0[%get3A, %get3A_0] : memref<10240x128xf32, #tpu.memory_space<vmem>>, vector<10240x128xf32>
    %get3A_2 = arith.constant 0 : index
    %get3A_3 = arith.constant 0 : index
    %get3A_4 = vector.load %arg1[%get3A_2, %get3A_3] : memref<128x64xf32, #tpu.memory_space<vmem>>, vector<128x64xf32>
    %dot_general3A = arith.constant dense<0.000000e+00> : vector<10240x64xf32>
    %dot_general3A_5 = tpu.matmul %get3A_1, %get3A_4, %dot_general3A {dimension_numbers = #tpu.dot_dimension_numbers<[1], [0], [0], [1], [0, 0, 1, 1], [], []>, transpose_lhs_hint = false} : vector<10240x128xf32>, vector<128x64xf32>, vector<10240x64xf32> -> vector<10240x64xf32>
    %swap3A = arith.constant 0 : index
    %swap3A_6 = arith.constant 0 : index
    %swap3A_7 = vector.load %arg2[%swap3A, %swap3A_6] : memref<10240x64xf32, #tpu.memory_space<vmem>>, vector<10240x64xf32>
    tpu.vector_store %arg2[%swap3A, %swap3A_6], %dot_general3A_5 {strides = array<i32>} : memref<10240x64xf32, #tpu.memory_space<vmem>>, vector<10240x64xf32>,
    return
  }
}

module attributes {stable_mosaic.version = 14 : i64} {
  func.func @_mm_body(%arg0: memref<10240x64xf32, #tpu.memory_space<vmem>>, %arg1: memref<64x32xf32, #tpu.memory_space<vmem>>, %arg2: memref<10240x32xf32, #tpu.memory_space<vmem>>) attributes {dimension_semantics = [], scalar_prefetch = 0 : i64, scratch_operands = 0 : i64, tpu.core_type = #tpu.core_type<tc>} {
    %get3A = arith.constant 0 : index
    %get3A_0 = arith.constant 0 : index
    %get3A_1 = vector.load %arg0[%get3A, %get3A_0] : memref<10240x64xf32, #tpu.memory_space<vmem>>, vector<10240x64xf32>
    %get3A_2 = arith.constant 0 : index
    %get3A_3 = arith.constant 0 : index
    %get3A_4 = vector.load %arg1[%get3A_2, %get3A_3] : memref<64x32xf32, #tpu.memory_space<vmem>>, vector<64x32xf32>
    %dot_general3A = arith.constant dense<0.000000e+00> : vector<10240x32xf32>
    %dot_general3A_5 = tpu.matmul %get3A_1, %get3A_4, %dot_general3A {dimension_numbers = #tpu.dot_dimension_numbers<[1], [0], [0], [1], [0, 0, 1, 1], [], []>, transpose_lhs_hint = false} : vector<10240x64xf32>, vector<64x32xf32>, vector<10240x32xf32> -> vector<10240x32xf32>
    %swap3A = arith.constant 0 : index
    %swap3A_6 = arith.constant 0 : index
    %swap3A_7 = vector.load %arg2[%swap3A, %swap3A_6] : memref<10240x32xf32, #tpu.memory_space<vmem>>, vector<10240x32xf32>
    tpu.vector_store %arg2[%swap3A, %swap3A_6], %dot_general3A_5 {strides = array<i32>} : memref<10240x32xf32, #tpu.memory_space<vmem>>, vector<10240x32xf32>,
    return
  }
}

module attributes {stable_mosaic.version = 14 : i64} {
  func.func @_mm_bias_body(%arg0: memref<10240x32xf32, #tpu.memory_space<vmem>>, %arg1: memref<32x1xf32, #tpu.memory_space<vmem>>, %arg2: memref<1xf32, #tpu.memory_space<vmem>>, %arg3: memref<10240x1xf32, #tpu.memory_space<vmem>>) attributes {dimension_semantics = [], scalar_prefetch = 0 : i64, scratch_operands = 0 : i64, tpu.core_type = #tpu.core_type<tc>} {
    %get3A = arith.constant 0 : index
    %get3A_0 = arith.constant 0 : index
    %get3A_1 = vector.load %arg0[%get3A, %get3A_0] : memref<10240x32xf32, #tpu.memory_space<vmem>>, vector<10240x32xf32>
    %get3A_2 = arith.constant 0 : index
    %get3A_3 = arith.constant 0 : index
    %get3A_4 = vector.load %arg1[%get3A_2, %get3A_3] : memref<32x1xf32, #tpu.memory_space<vmem>>, vector<32x1xf32>
    %dot_general3A = arith.constant dense<0.000000e+00> : vector<10240x1xf32>
    %dot_general3A_5 = tpu.matmul %get3A_1, %get3A_4, %dot_general3A {dimension_numbers = #tpu.dot_dimension_numbers<[1], [0], [0], [1], [0, 0, 1, 1], [], []>, transpose_lhs_hint = false} : vector<10240x32xf32>, vector<32x1xf32>, vector<10240x1xf32> -> vector<10240x1xf32>
    %get3A_6 = arith.constant 0 : index
    %get3A_7 = vector.load %arg2[%get3A_6] : memref<1xf32, #tpu.memory_space<vmem>>, vector<1xf32>
    %broadcast_in_dim3A = vector.shape_cast %get3A_7 : vector<1xf32> to vector<1x1xf32>
    %add3A = vector.broadcast %broadcast_in_dim3A : vector<1x1xf32> to vector<10240x1xf32>
    %add3A_8 = arith.addf %dot_general3A_5, %add3A : vector<10240x1xf32>
    %swap3A = arith.constant 0 : index
    %swap3A_9 = arith.constant 0 : index
    %swap3A_10 = vector.load %arg3[%swap3A, %swap3A_9] : memref<10240x1xf32, #tpu.memory_space<vmem>>, vector<10240x1xf32>
    tpu.vector_store %arg3[%swap3A, %swap3A_9], %add3A_8 {strides = array<i32>} : memref<10240x1xf32, #tpu.memory_space<vmem>>, vector<10240x1xf32>,
    return
  }
}

</mosaic_0001>

<sc_bundles>
// kernel: kernel.12.cloned.1.call-start
scs
__scs_entry_jumppad:
0x0: {  	(pc) =	sbr.rel $0x88, $3  }
0x1: {  	(tag) =	ssettag $0x0;
	lr =	simm.s32 $0x1  }
0x2: {  	[smem:$0x3F99] =	sst lr;
	_ =	strace $0xD0000000  }
0x3: {  	_ = 	snop  }
0x4: {  	_ = 	snop  }
0x5: {  	_ = 	snop  }
0x6: {  	_ = 	snop  }
0x7: {  	_ = 	snop  }
__scs_overlays_trampoline_lowered:
0x8: {  	[smem:$0x3FA8] =	sst s0  }
0x9: {  	[smem:$0x3FA9] =	sst s1  }
0xa: {  	[smem:$0x3FAA] =	sst s2  }
0xb: {  	[smem:$0x3FAB] =	sst s3  }
0xc: {  	[smem:$0x3FAC] =	sst s4  }
0xd: {  	[smem:$0x3FAD] =	sst s5  }
0xe: {  	[smem:$0x3FAE] =	sst s6  }
0xf: {  	[smem:$0x3FAF] =	sst s7  }
0x10: {  	[smem:$0x3FB0] =	sst s8  }
0x11: {  	[smem:$0x3FB1] =	sst s9;
	s0 =	simm.s32 @!p0 $0x0  }
0x12: {  	s1 =	sld [smem:$0x3F97];
	s0 =	simm.s32 @p0 $0x1  }
0x13: {  	[smem:$0x3FB2] =	sst s0;
	s0 =	simm.s32 @!p1 $0x0  }
0x14: {  	s2 =	sld [smem:$0x3F96];
	s0 =	simm.s32 @p1 $0x1  }
0x15: {  	[smem:$0x3FB3] =	sst s0;
	s0 =	simm.s32 @!p2 $0x0  }
0x16: {  	s3 =	sld [smem:$0x3FDB];
	s0 =	simm.s32 @p2 $0x1  }
0x17: {  	s4 =	simm.s32 $0x1BF5;
	[smem:$0x3FB5] =	sst s0  }
0x18: {  	s0 =	sld [smem:$0x3F98];
	_ =	swait.ge [sflag:s4], $0x0  }
0x19: {  	s7 =	sld [smem:$0x3F99]  }
0x1a: {  	s8 =	sadd.s32 $0xFFFFE003, lr  }
0x1b: {  	s9 =	sadd.s32 $0xFFFFFEF7, lr;
	s5 =	simm.s32 $0xFFFFFFFF;
	p2 =	slt.u32 s8, $0xFFFFF086  }
0x1c: {  	p1 =	slt.u32 s9, $0xF7A;
	s5 =	simm.s32 @!p2 $0x0  }
0x1d: {  	s5 =	simm.s32 @p1 $0x1;
	p0 =	seq.s32 s7, s2  }
0x1e: {  	s7 =	smul.u32 @!p0 $0xF7A, s2;
	p2 =	seq.s32 @!p0 s5, $0x0  }
0x1f: {  	s9 =	smul.u32 $0xF7A, s1;
	s8 =	simm.s32 @!p0 $0x1BF5;
	p2 =	por !p2, p0  }
0x20: {  	[sflag:s8] =	ssyncset.s32 @!p0 $0xFFFFF086;
	s6 =	sadd.s32 @!p0 s3, s7;
	s7 =	simm.s32 @!p0 $0x108  }
0x21: {  	s3 =	sadd.s32 s3, s9;
	s6 =	sadd.s32 @!p0 $0x88, s6;
	s7 =	simm.s32 @p2 $0x1082  }
0x22: {  	[simem:s7], [sflag:s8] =	dma.local @!p0 [hbm:s6], $0xF7A  }
0x23: {  	s9 =	sor.u32 $0xD0000000, s2;
	s6 =	simm.s32 $0x108;
	_ =	swait.ge @!p0 [sflag:s8], $0x0  }
0x24: {  	s3 =	sadd.s32 $0x88, s3;
	s6 =	simm.s32 @!p1 $0x1082;
	[sflag:s4] =	ssyncset.s32 $0xFFFFF086  }
0x25: {  	[simem:s6], [sflag:s4] =	dma.local [hbm:s3], $0xF7A  }
0x26: {  	[smem:$0x3F99] =	sst s1;
	(tag) =	ssettag s2;
	_ =	strace s9  }
0x27: {  	s1 =	sld [smem:$0x3FA9]  }
0x28: {  	s2 =	sld [smem:$0x3FAA]  }
0x29: {  	s4 =	sld [smem:$0x3FAC]  }
0x2a: {  	p0 =	seq.s32 s5, $0x0;
	s5 =	sld [smem:$0x3FAD]  }
0x2b: {  	s6 =	sld [smem:$0x3FAE]  }
0x2c: {  	s7 =	sld [smem:$0x3FAF]  }
0x2d: {  	s3 =	simm.s32 $0x108;
	s8 =	sld [smem:$0x3FB0]  }
0x2e: {  	s3 =	simm.s32 @!p0 $0x1082;
	s9 =	sld [smem:$0x3FB1]  }
0x2f: {  	lr =	sadd.s32 s0, s3;
	s0 =	sld [smem:$0x3FA8]  }
0x30: {  	s3 =	sld [smem:$0x3FAB]  }
0x31: {  	[smem:$0x3FB4] =	sst s10  }
0x32: {  	s10 =	sld [smem:$0x3FB2];
	_ =	sdelay $0x3  }
0x33: {  	p0 =	seq.s32 s10, $0x1;
	s10 =	sld [smem:$0x3FB4];
	_ =	sdelay $0x3  }
0x34: {  	[smem:$0x3FB4] =	sst s10  }
0x35: {  	s10 =	sld [smem:$0x3FB3];
	_ =	sdelay $0x3  }
0x36: {  	p1 =	seq.s32 s10, $0x1;
	s10 =	sld [smem:$0x3FB4];
	_ =	sdelay $0x3  }
0x37: {  	[smem:$0x3FB4] =	sst s10  }
0x38: {  	s10 =	sld [smem:$0x3FB5]  }
0x39: {  	_ = 	snop;
	(pc) =	sbr.ind lr, $3  }
0x3a: {  	_ = 	snop  }
0x3b: {  	_ = 	snop  }
0x3c: {  	p2 =	seq.s32 s10, $0x1;
	s10 =	sld [smem:$0x3FB4]  }
0x3d: {  	_ =	shalt  }
0x3e: {  	_ =	shalt  }
0x3f: {  	_ =	shalt  }
0x40: {  	_ =	shalt  }
0x41: {  	_ =	shalt  }
0x42: {  	_ =	shalt  }
0x43: {  	_ =	shalt  }
0x44: {  	_ =	shalt  }
0x45: {  	_ =	shalt  }
0x46: {  	_ =	shalt  }
0x47: {  	_ =	shalt  }
0x48: {  	_ =	shalt  }
0x49: {  	_ =	shalt  }
0x4a: {  	_ =	shalt  }
0x4b: {  	_ =	shalt  }
0x4c: {  	_ =	shalt  }
0x4d: {  	_ =	shalt  }
0x4e: {  	_ =	shalt  }
0x4f: {  	_ =	shalt  }
0x50: {  	_ =	shalt  }
0x51: {  	_ =	shalt  }
0x52: {  	_ =	shalt  }
0x53: {  	_ =	shalt  }
0x54: {  	_ =	shalt  }
0x55: {  	_ =	shalt  }
0x56: {  	_ =	shalt  }
0x57: {  	_ =	shalt  }
0x58: {  	_ =	shalt  }
0x59: {  	_ =	shalt  }
0x5a: {  	_ =	shalt  }
0x5b: {  	_ =	shalt  }
0x5c: {  	_ =	shalt  }
0x5d: {  	_ =	shalt  }
0x5e: {  	_ =	shalt  }
0x5f: {  	_ =	shalt  }
0x60: {  	_ =	shalt  }
0x61: {  	_ =	shalt  }
0x62: {  	_ =	shalt  }
0x63: {  	_ =	shalt  }
0x64: {  	_ =	shalt  }
0x65: {  	_ =	shalt  }
0x66: {  	_ =	shalt  }
0x67: {  	_ =	shalt  }
0x68: {  	_ =	shalt  }
0x69: {  	_ =	shalt  }
0x6a: {  	_ =	shalt  }
0x6b: {  	_ =	shalt  }
0x6c: {  	_ =	shalt  }
0x6d: {  	_ =	shalt  }
0x6e: {  	_ =	shalt  }
0x6f: {  	_ =	shalt  }
0x70: {  	_ =	shalt  }
0x71: {  	_ =	shalt  }
0x72: {  	_ =	shalt  }
0x73: {  	_ =	shalt  }
0x74: {  	_ =	shalt  }
0x75: {  	_ =	shalt  }
0x76: {  	_ =	shalt  }
0x77: {  	_ =	shalt  }
0x78: {  	_ =	shalt  }
0x79: {  	_ =	shalt  }
0x7a: {  	_ =	shalt  }
0x7b: {  	_ =	shalt  }
0x7c: {  	_ =	shalt  }
0x7d: {  	_ =	shalt  }
0x7e: {  	_ =	shalt  }
0x7f: {  	_ =	shalt  }
0x80: {  	_ =	shalt  }
0x81: {  	_ =	shalt  }
0x82: {  	_ =	shalt  }
0x83: {  	_ =	shalt  }
0x84: {  	_ =	shalt  }
0x85: {  	_ =	shalt  }
0x86: {  	_ =	shalt  }
0x87: {  	_ =	shalt  }
.Lfunc_end0:
.L_simem_size_0:
called_computation_lowered:
.L_overlay_start_0:
0x88: {  	s2 =	sld [smem:$0x3FD9]  }
0x89: {  	s3 =	sld [smem:$0x3FFE];
	_ =	sdelay $0x1  }
0x8a: {  	s1 =	srdreg.scid  }
0x8b: {  	s0 =	sand.u32 $0x1, s1  }
0x8c: {  	s16 =	sshll.u32 s0, $0xA;
	s2 =	sadd.s32 s3, s2  }
0x8d: {  	s2 =	sadd.s32 s2, s16  }
0x8e: {  	[smem:$0x3FC0] =	sst s2  }
0x8f: {  	_ = 	snop  }
0x90: {  	(tm) =	ssettm $0x1  }
0x91: {  	s17 =	sld [smem:$0x3FFB];
	_ =	sdelay $0x3  }
0x92: {  	_ =	strace s17  }
0x93: {  	s2 =	sld [smem:$0x3FFC];
	_ =	sdelay $0x3  }
0x94: {  	_ =	strace s2  }
0x95: {  	s2 =	sld [smem:$0x3FFD];
	_ =	sdelay $0x3  }
0x96: {  	_ =	strace s2  }
0x97: {  	_ =	strace $0x8FFFFFFF  }
0x98: {  	s18 =	sld [smem:$0x3FDB];
	_ =	sdelay $0x1  }
0x99: {  	s19 =	simm.s32 $_scs_section_size  }
0x9a: {  	s4 =	simm.s32 $_size__tile_overlayer_lowered;
	s5 =	simm.s32 $_tile_overlayer_lowered  }
0x9b: {  	s22 =	simm.s32 $0x1BFF;
	s21 =	sshll.u32 s5, $0x1;
	s2 =	sadd.s32 s19, s18  }
0x9c: {  	s6 =	simm.s32 $0x0;
	s20 =	sshll.u32 s4, $0x1;
	s4 =	sadd.s32 s21, s2  }
0x9d: {  	[timem:s6], [sflag:s22] =	dma.local [hbm:s4], s20  }
0x9e: {  	_ =	swait.ge [sflag:s22], s20  }
0x9f: {  	s3 =	ssub.s32 $0x0, s20;
	[sflag:s22] =	ssyncset.done $0x0  }
0xa0: {  	[sflag:s22] =	ssyncadd.s32 s3;
	_ =	sdelay $0x1  }
0xa1: {  	s23 =	simm.s32 $0x1B8B  }
0xa2: {  	_ =	swait.ge [sflag:s23], $0x1  }
0xa3: {  	[sflag:s23] =	ssyncset.done $0x0  }
0xa4: {  	s25 =	simm.s32 $0x1B8E;
	s24 =	sld [smem:$0x3FFE];
	[sflag:s23] =	ssyncadd.s32 $0xFFFFFFFF  }
0xa5: {  	s26 =	simm.s32 $execute0_lowered;
	[smem:$0x3FD2] =	sst s25  }
0xa6: {  	s4 =	sshll.u32 s26, $0x1;
	_ =	strace $0x80000046;
	[dreg:$0x1] =	wrdreg $0xFFFFFFFF  }
0xa7: {  	s28 =	simm.s32 $_size_execute0_lowered;
	s2 =	sadd.s32 s2, s4;
	[dreg:$0x0] =	wrdreg $0x0  }
0xa8: {  	s4 =	sshll.u32 s28, $0x1;
	[dreg:$0x2] =	wrdreg s2  }
0xa9: {  	[dreg:$0x3] =	wrdreg s4  }
0xaa: {  	[dreg:$0x4] =	wrdreg $0xC0  }
0xab: {  	_ =	task [dreg:s6], $0x5FFFF  }
0xac: {  	[dreg:$0x1] =	wrdreg $0xFFFFFFFF  }
0xad: {  	[dreg:$0x0] =	wrdreg $0x60  }
0xae: {  	[dreg:$0x2] =	wrdreg s24  }
0xaf: {  	[dreg:$0x3] =	wrdreg $0x38000  }
0xb0: {  	[dreg:$0x4] =	wrdreg $0x9  }
0xb1: {  	_ =	task.clear_ibuf [dreg:s6], $0x5FFFF;
	_ =	strace $0x90000046  }
0xb2: {  	s29 =	simm.s32 $0x9;
	_ =	strace $0x80000048  }
0xb3: {  	_ =	swait.ge [sflag:s29], $0x1  }
0xb4: {  	[sflag:s29] =	ssyncadd.s32 $0xFFFFFFFF  }
0xb5: {  	_ =	strace $0x90000048  }
0xb6: {  	_ =	sfence  }
0xb7: {  	s30 =	sld [smem:$0x0];
	_ =	sdelay $0x2  }
0xb8: {  	s31 =	sshll.u32 s1, $0xD;
	s1 =	sshrl.u32 s1, $0x2  }
0xb9: {  	s3 =	sand.u32 $0x4000, s31;
	s1 =	sadd.s32 s1, s30  }
0xba: {  	s0 =	sor.u32 s3, s0;
	s1 =	sshll.u32 s1, $0x11  }
0xbb: {  	s0 =	sor.u32 s1, s0  }
0xbc: {  	s0 =	sadd.s32 $0x8F2B, s0  }
0xbd: {  	[sflag:s0] =	ssyncadd.remote.s32 $0x1  }
0xbe: {  	_ =	sfence.sel $0xFFFF  }
0xbf: {  	[dreg:$0x0] =	wrdreg $0xFFFFFFFF;
	(pc) =	sbr.abs _section_cstart, $3  }
0xc0: {  	[dreg:$0x1] =	wrdreg $0xFFFFFFFF  }
0xc1: {  	_ =	task.clear_ibuf [dreg:s6], $0x2FFFF;
	_ =	strace $0x9FFFFFFF  }
0xc2: {  	(tm) =	ssettm $0x7FFFFFFF  }
0xc3: {  	_ =	shalt  }
tec
execute0_lowered:
.L_overlay_start_1:
0x0: {  	(tag) =	ssettag $0x1  }
0x1: {  	s5 =	rddreg [dreg:$0x0]  }
0x2: {  	s0 =	srdreg.scid;
	s2 =	rddreg [dreg:$0x1]  }
0x3: {  	s3 =	simm.s32 $0x0;
	s12 =	simm.s32 $0x9;
	s13 =	simm.s32 $0x3000  }
0x4: {  	s14 =	simm.s32 $0x80;
	s15 =	simm.s32 $0x2800;
	s16 =	simm.s32 $0x1  }
0x5: {  	s17 =	simm.s32 $0x2;
	s18 =	simm.s32 $0x3;
	s19 =	simm.s32 $0x4  }
0x6: {  	s20 =	simm.s32 $0x5;
	s4 =	sand.u32 $0x1, s0;
	s0 =	stileid.u32  }
0x7: {  	s21 =	simm.s32 $0x6;
	s22 =	simm.s32 $0x7;
	s7 =	smul.u32 $0x500, s0  }
0x8: {  	s23 =	simm.s32 $0x8;
	s1 =	sshll.u32 s4, $0x4;
	s8 =	smul.u32 $0x5000, s4  }
0x9: {  	s9 =	smul.u32 $0xA000, s0;
	s4 =	ssub.s32 $0x2, s4;
	s1 =	sor.u32 s0, s1  }
0xa: {  	[smem:$0x7FF] =	sst s3;
	s30 =	sshrl.u32 s4, $0x1;
	s6 =	smul.u32 $0x500, s1  }
0xb: {  	s1 =	rddreg [dreg:$0x2];
	_ =	strace $0x80000047;
	s7 =	sadd.s32 s7, s8  }
0xc: {  	s31 =	sshrl.u32 s9, $0x2;
	s11 =	ssub.s32 s4, s30;
	s10 =	sadd.s32 s7, s5  }
0xd: {  	s11 =	smax.u32 s11, $0x1;
	s6 =	sadd.s32 s6, s5;
	s5 =	sadd.s32 s31, s2  }
0xe: {  	s10 =	sadd.s32 $0xC600, s10;
	s4 =	sadd.s32 $0x2600, s6;
	s6 =	sadd.s32 $0x800, s5  }
0xf: {  	v0 =	vimm.f32 $1.000000000e+00;
	v1 =	vimm.f32 $0.0e+00;
	s7 =	sadd.s32 $0x1000, s5;
	s8 =	sadd.s32 $0x1800, s5;
	s9 =	sadd.s32 $0x2000, s5  }
.LBB2_1:
0x10: {  	s24 =	simm.s32 $0x40;
	s25 =	simm.s32 $0x0  }
.LBB2_2:
0x11: {  	p0 =	sne.s32 s24, $0x1FC0;
	[tilespmem:s25+$0x2800] =	vst v0;
	s26 =	smov.u32 s24;
	s24 =	sadd.s32 $0x40, s24  }
.Ltmp0:
0x12: {  	[tilespmem:s25+$0x3000] =	vst v1;
	(pc) =	sbr.rel @p0 .LBB2_2-.Ltmp0, $2  }
0x13: {  	_ =	sdelay $0x2  }
0x14: {  	s25 =	sshra.s32 s26, $0x2  }
0x15: {  	[tilespmem:s25+$0x2800] =	vst v0  }
0x16: {  	[tilespmem:s25+$0x3000] =	vst v1;
	s24 =	simm.s32 $0x0  }
0x17: {  	[tilespmem:s24], [sflag:$0x9] =	stream.linear.gather [hbm4b:s4+s24], $0x2800, $0x38;
	[tilespmem:$0x6000] =	vst v63  }
0x18: {  	_ =	swait.ge [sflag:s12], $0x2800  }
0x19: {  	[sflag:s12] =	ssyncset.done $0x0  }
0x1a: {  	[sflag:s12] =	ssyncadd.s32 $0xFFFFD800  }
0x1b: {  	[spmem:s5] =	stream.linear.scatter [tilespmem:s13], [sflag:$0x9], $0x800, $0x38;
	[tilespmem:$0x6000] =	vst v63  }
0x1c: {  	_ =	swait.ge [sflag:s12], $0x800  }
0x1d: {  	[sflag:s12] =	ssyncset.done $0x0  }
0x1e: {  	[sflag:s12] =	ssyncadd.s32 $0xFFFFF800  }
0x1f: {  	[spmem:s6] =	stream.linear.scatter [tilespmem:s13], [sflag:$0x9], $0x800, $0x38;
	[tilespmem:$0x6000] =	vst v63  }
0x20: {  	_ =	swait.ge [sflag:s12], $0x800  }
0x21: {  	[sflag:s12] =	ssyncset.done $0x0  }
0x22: {  	[sflag:s12] =	ssyncadd.s32 $0xFFFFF800  }
0x23: {  	[spmem:s7] =	stream.linear.scatter [tilespmem:s13], [sflag:$0x9], $0x800, $0x38;
	[tilespmem:$0x6000] =	vst v63  }
0x24: {  	_ =	swait.ge [sflag:s12], $0x800  }
0x25: {  	[sflag:s12] =	ssyncset.done $0x0  }
0x26: {  	[sflag:s12] =	ssyncadd.s32 $0xFFFFF800  }
0x27: {  	[spmem:s8] =	stream.linear.scatter [tilespmem:s13], [sflag:$0x9], $0x800, $0x38;
	[tilespmem:$0x6000] =	vst v63  }
0x28: {  	_ =	swait.ge [sflag:s12], $0x800  }
0x29: {  	[sflag:s12] =	ssyncset.done $0x0  }
0x2a: {  	[sflag:s12] =	ssyncadd.s32 $0xFFFFF800  }
0x2b: {  	[spmem:s9] =	stream.linear.scatter [tilespmem:s13], [sflag:$0x9], $0x800, $0x38;
	[tilespmem:$0x6000] =	vst v63  }
0x2c: {  	_ =	swait.ge [sflag:s12], $0x800  }
0x2d: {  	[sflag:s12] =	ssyncset.done $0x0  }
0x2e: {  	[sflag:s12] =	ssyncadd.s32 $0xFFFFF800  }
0x2f: {  	s30 =	simm.s32 $0x0;
	[bflag:$0x0] =	sbarrier.arrive $0xFFFF  }
0x30: {  	[spmem:s2] =	stream.indirect.scatter.add.f32 [tilespmem:s15], [sflag:$0x1], $0x10, s30, s14, $0xb8;
	[tilespmem:$0x6000] =	vst v63  }
0x31: {  	s31 =	simm.s32 $0x80  }
0x32: {  	[spmem:s2] =	stream.indirect.scatter.add.f32 [tilespmem:s15], [sflag:$0x2], $0x10, s31, s14, $0xb8;
	[tilespmem:$0x6000] =	vst v63  }
0x33: {  	s25 =	simm.s32 $0x100  }
0x34: {  	[spmem:s2] =	stream.indirect.scatter.add.f32 [tilespmem:s15], [sflag:$0x3], $0x10, s25, s14, $0xb8;
	[tilespmem:$0x6000] =	vst v63  }
0x35: {  	s26 =	simm.s32 $0x180  }
0x36: {  	[spmem:s2] =	stream.indirect.scatter.add.f32 [tilespmem:s15], [sflag:$0x4], $0x10, s26, s14, $0xb8;
	[tilespmem:$0x6000] =	vst v63  }
0x37: {  	s28 =	simm.s32 $0x200  }
0x38: {  	[spmem:s2] =	stream.indirect.scatter.add.f32 [tilespmem:s15], [sflag:$0x5], $0x10, s28, s14, $0xb8;
	[tilespmem:$0x6000] =	vst v63  }
0x39: {  	s29 =	simm.s32 $0x280  }
0x3a: {  	[spmem:s2] =	stream.indirect.scatter.add.f32 [tilespmem:s15], [sflag:$0x6], $0x10, s29, s14, $0xb8;
	[tilespmem:$0x6000] =	vst v63  }
0x3b: {  	s30 =	simm.s32 $0x300  }
0x3c: {  	[spmem:s2] =	stream.indirect.scatter.add.f32 [tilespmem:s15], [sflag:$0x7], $0x10, s30, s14, $0xb8;
	[tilespmem:$0x6000] =	vst v63  }
0x3d: {  	s31 =	simm.s32 $0x380  }
0x3e: {  	[spmem:s2] =	stream.indirect.scatter.add.f32 [tilespmem:s15], [sflag:$0x8], $0x10, s31, s14, $0xb8;
	[tilespmem:$0x6000] =	vst v63  }
0x3f: {  	_ =	swait.ge [sflag:s16], $0x800  }
0x40: {  	[sflag:s16] =	ssyncset.done $0x0  }
0x41: {  	[sflag:s16] =	ssyncadd.s32 $0xFFFFF800  }
0x42: {  	_ =	swait.ge [sflag:s17], $0x800  }
0x43: {  	[sflag:s17] =	ssyncset.done $0x0  }
0x44: {  	[sflag:s17] =	ssyncadd.s32 $0xFFFFF800  }
0x45: {  	_ =	swait.ge [sflag:s18], $0x800  }
0x46: {  	[sflag:s18] =	ssyncset.done $0x0  }
0x47: {  	[sflag:s18] =	ssyncadd.s32 $0xFFFFF800  }
0x48: {  	_ =	swait.ge [sflag:s19], $0x800  }
0x49: {  	[sflag:s19] =	ssyncset.done $0x0  }
0x4a: {  	[sflag:s19] =	ssyncadd.s32 $0xFFFFF800  }
0x4b: {  	_ =	swait.ge [sflag:s20], $0x800  }
0x4c: {  	[sflag:s20] =	ssyncset.done $0x0  }
0x4d: {  	[sflag:s20] =	ssyncadd.s32 $0xFFFFF800  }
0x4e: {  	_ =	swait.ge [sflag:s21], $0x800  }
0x4f: {  	[sflag:s21] =	ssyncset.done $0x0  }
0x50: {  	[sflag:s21] =	ssyncadd.s32 $0xFFFFF800  }
0x51: {  	_ =	swait.ge [sflag:s22], $0x800  }
0x52: {  	[sflag:s22] =	ssyncset.done $0x0  }
0x53: {  	[sflag:s22] =	ssyncadd.s32 $0xFFFFF800  }
0x54: {  	_ =	swait.ge [sflag:s23], $0x800  }
0x55: {  	s24 =	simm.s32 $0x1000;
	s26 =	simm.s32 $0x2000;
	[sflag:s23] =	ssyncset.done $0x0  }
.LBB2_4:
0x56: {  	s28 =	sshra.s32 s24, $0x2  }
0x57: {  	[sflag:s23] =	ssyncadd.s32 $0xFFFFF800;
	s24 =	smov.u32 s26;
	s25 =	sadd.s32 $0x1000, s26  }
0x58: {  	[spmem:s2] =	stream.indirect.scatter.add.f32 [tilespmem:s15], [sflag:$0x1], $0x10, s28, s14, $0xb8;
	[tilespmem:$0x6000] =	vst v63  }
0x59: {  	p0 =	sne.s32 s26, $0x9000;
	s26 =	sadd.s32 $0x80, s28  }
0x5a: {  	[spmem:s2] =	stream.indirect.scatter.add.f32 [tilespmem:s15], [sflag:$0x2], $0x10, s26, s14, $0xb8;
	[tilespmem:$0x6000] =	vst v63  }
0x5b: {  	s26 =	sadd.s32 $0x100, s28  }
0x5c: {  	[spmem:s2] =	stream.indirect.scatter.add.f32 [tilespmem:s15], [sflag:$0x3], $0x10, s26, s14, $0xb8;
	[tilespmem:$0x6000] =	vst v63  }
0x5d: {  	s26 =	sadd.s32 $0x180, s28  }
0x5e: {  	[spmem:s2] =	stream.indirect.scatter.add.f32 [tilespmem:s15], [sflag:$0x4], $0x10, s26, s14, $0xb8;
	[tilespmem:$0x6000] =	vst v63  }
0x5f: {  	s26 =	sadd.s32 $0x200, s28  }
0x60: {  	[spmem:s2] =	stream.indirect.scatter.add.f32 [tilespmem:s15], [sflag:$0x5], $0x10, s26, s14, $0xb8;
	[tilespmem:$0x6000] =	vst v63  }
0x61: {  	s26 =	sadd.s32 $0x280, s28  }
0x62: {  	[spmem:s2] =	stream.indirect.scatter.add.f32 [tilespmem:s15], [sflag:$0x6], $0x10, s26, s14, $0xb8;
	[tilespmem:$0x6000] =	vst v63  }
0x63: {  	s26 =	sadd.s32 $0x300, s28  }
0x64: {  	[spmem:s2] =	stream.indirect.scatter.add.f32 [tilespmem:s15], [sflag:$0x7], $0x10, s26, s14, $0xb8;
	[tilespmem:$0x6000] =	vst v63  }
0x65: {  	s26 =	sadd.s32 $0x380, s28  }
0x66: {  	[spmem:s2] =	stream.indirect.scatter.add.f32 [tilespmem:s15], [sflag:$0x8], $0x10, s26, s14, $0xb8;
	[tilespmem:$0x6000] =	vst v63  }
0x67: {  	_ =	swait.ge [sflag:s16], $0x800  }
0x68: {  	[sflag:s16] =	ssyncset.done $0x0  }
0x69: {  	[sflag:s16] =	ssyncadd.s32 $0xFFFFF800  }
0x6a: {  	_ =	swait.ge [sflag:s17], $0x800  }
0x6b: {  	[sflag:s17] =	ssyncset.done $0x0  }
0x6c: {  	[sflag:s17] =	ssyncadd.s32 $0xFFFFF800  }
0x6d: {  	_ =	swait.ge [sflag:s18], $0x800  }
0x6e: {  	[sflag:s18] =	ssyncset.done $0x0  }
0x6f: {  	[sflag:s18] =	ssyncadd.s32 $0xFFFFF800  }
0x70: {  	_ =	swait.ge [sflag:s19], $0x800  }
0x71: {  	[sflag:s19] =	ssyncset.done $0x0  }
0x72: {  	[sflag:s19] =	ssyncadd.s32 $0xFFFFF800  }
0x73: {  	_ =	swait.ge [sflag:s20], $0x800  }
0x74: {  	[sflag:s20] =	ssyncset.done $0x0  }
0x75: {  	[sflag:s20] =	ssyncadd.s32 $0xFFFFF800  }
0x76: {  	_ =	swait.ge [sflag:s21], $0x800  }
0x77: {  	[sflag:s21] =	ssyncset.done $0x0  }
0x78: {  	[sflag:s21] =	ssyncadd.s32 $0xFFFFF800  }
.Ltmp1:
0x79: {  	_ =	swait.ge [sflag:s22], $0x800;
	(pc) =	sbr.rel @p0 .LBB2_4-.Ltmp1, $4  }
0x7a: {  	[sflag:s22] =	ssyncset.done $0x0  }
0x7b: {  	[sflag:s22] =	ssyncadd.s32 $0xFFFFF800  }
0x7c: {  	_ =	swait.ge [sflag:s23], $0x800  }
0x7d: {  	s26 =	smov.u32 s25;
	[sflag:s23] =	ssyncset.done $0x0  }
0x7e: {  	s24 =	sshra.s32 s24, $0x2;
	[sflag:s23] =	ssyncadd.s32 $0xFFFFF800  }
0x7f: {  	[spmem:s2] =	stream.indirect.scatter.add.f32 [tilespmem:s15], [sflag:$0x1], $0x10, s24, s14, $0xb8;
	[tilespmem:$0x6000] =	vst v63  }
0x80: {  	s25 =	sadd.s32 $0x80, s24  }
0x81: {  	[spmem:s2] =	stream.indirect.scatter.add.f32 [tilespmem:s15], [sflag:$0x2], $0x10, s25, s14, $0xb8;
	[tilespmem:$0x6000] =	vst v63  }
0x82: {  	s30 =	sadd.s32 $0x100, s24  }
0x83: {  	[spmem:s2] =	stream.indirect.scatter.add.f32 [tilespmem:s15], [sflag:$0x3], $0x10, s30, s14, $0xb8;
	[tilespmem:$0x6000] =	vst v63  }
0x84: {  	s31 =	sadd.s32 $0x180, s24  }
0x85: {  	[spmem:s2] =	stream.indirect.scatter.add.f32 [tilespmem:s15], [sflag:$0x4], $0x10, s31, s14, $0xb8;
	[tilespmem:$0x6000] =	vst v63  }
0x86: {  	s26 =	sadd.s32 $0x200, s24  }
0x87: {  	[spmem:s2] =	stream.indirect.scatter.add.f32 [tilespmem:s15], [sflag:$0x5], $0x10, s26, s14, $0xb8;
	[tilespmem:$0x6000] =	vst v63  }
0x88: {  	s28 =	sadd.s32 $0x280, s24  }
0x89: {  	[spmem:s2] =	stream.indirect.scatter.add.f32 [tilespmem:s15], [sflag:$0x6], $0x10, s28, s14, $0xb8;
	[tilespmem:$0x6000] =	vst v63  }
0x8a: {  	s29 =	sadd.s32 $0x300, s24  }
0x8b: {  	[spmem:s2] =	stream.indirect.scatter.add.f32 [tilespmem:s15], [sflag:$0x7], $0x10, s29, s14, $0xb8;
	[tilespmem:$0x6000] =	vst v63  }
0x8c: {  	s24 =	sadd.s32 $0x380, s24  }
0x8d: {  	[spmem:s2] =	stream.indirect.scatter.add.f32 [tilespmem:s15], [sflag:$0x8], $0x10, s24, s14, $0xb8;
	[tilespmem:$0x6000] =	vst v63  }
0x8e: {  	_ =	swait.ge [sflag:s16], $0x800  }
0x8f: {  	[sflag:s16] =	ssyncset.done $0x0  }
0x90: {  	[sflag:s16] =	ssyncadd.s32 $0xFFFFF800  }
0x91: {  	_ =	swait.ge [sflag:s17], $0x800  }
0x92: {  	[sflag:s17] =	ssyncset.done $0x0  }
0x93: {  	[sflag:s17] =	ssyncadd.s32 $0xFFFFF800  }
0x94: {  	_ =	swait.ge [sflag:s18], $0x800  }
0x95: {  	[sflag:s18] =	ssyncset.done $0x0  }
0x96: {  	[sflag:s18] =	ssyncadd.s32 $0xFFFFF800  }
0x97: {  	_ =	swait.ge [sflag:s19], $0x800  }
0x98: {  	[sflag:s19] =	ssyncset.done $0x0  }
0x99: {  	[sflag:s19] =	ssyncadd.s32 $0xFFFFF800  }
0x9a: {  	_ =	swait.ge [sflag:s20], $0x800  }
0x9b: {  	[sflag:s20] =	ssyncset.done $0x0  }
0x9c: {  	[sflag:s20] =	ssyncadd.s32 $0xFFFFF800  }
0x9d: {  	_ =	swait.ge [sflag:s21], $0x800  }
0x9e: {  	[sflag:s21] =	ssyncset.done $0x0  }
0x9f: {  	[sflag:s21] =	ssyncadd.s32 $0xFFFFF800  }
0xa0: {  	_ =	swait.ge [sflag:s22], $0x800  }
0xa1: {  	[sflag:s22] =	ssyncset.done $0x0  }
0xa2: {  	[sflag:s22] =	ssyncadd.s32 $0xFFFFF800  }
0xa3: {  	s3 =	sadd.s32 $0x1, s3;
	_ =	swait.ge [sflag:s23], $0x800  }
0xa4: {  	p0 =	sne.s32 s3, s11;
	[sflag:s23] =	ssyncset.done $0x0  }
0xa5: {  	s30 =	sshll.u32 s0, $0x6;
	s31 =	sshrl.u32 s5, $0x3;
	[sflag:s23] =	ssyncadd.s32 $0xFFFFF800  }
.Ltmp2:
0xa6: {  	s24 =	sor.u32 $0x1C09, s30;
	[bflag:$0x0] =	sbarrier.arrive $0xFFFF;
	(pc) =	sbr.rel @p0 .LBB2_1-.Ltmp2, $4  }
0xa7: {  	[hbm:s10], [sflag:s24] =	dma.local [spmem:s31], $0x500  }
0xa8: {  	_ =	swait.ge [sflag:s12], $0x500  }
0xa9: {  	[sflag:s12] =	ssyncset.done $0x0  }
0xaa: {  	[sflag:s12] =	ssyncadd.s32 $0xFFFFFB00  }
0xab: {  	_ =	sfence.sel $0x180000  }
0xac: {  	[bflag:$0x0] =	sbarrier.arrive $0xFFFF  }
0xad: {  	p0 =	sne.s32 s0, $0x0;
	_ =	strace $0x90000047  }
0xae: {  	s0 =	sadd.s32 @!p0 $0x100000, s1;
	[bflag:$0x2] =	sbarrier.arrive $0xFFFF  }
0xaf: {  	[sflag:s0] =	ssyncadd.tile.s32 @!p0 $0x1;
	_ =	shalt  }
.Lfunc_end2:
_tile_overlayer_lowered:
.L_overlay_start_2:
0xb0: {  	(tag) =	ssettag $0x2  }
0xb1: {  	s0 =	rddreg [dreg:$0x0];
	s2 =	stileid.u32  }
0xb2: {  	s1 =	rddreg [dreg:$0x1];
	p0 =	sne.s32 s2, $0x0  }
0xb3: {  	s3 =	rddreg [dreg:$0x2];
	[bflag:$0x3] =	sbarrier.arrive $0xFFFF;
	s2 =	simm.s32 @!p0 $0x1C09  }
0xb4: {  	[timem:s3], [sflag:s2] =	dma.local @!p0 [hbm:s0], s1  }
0xb5: {  	s0 =	simm.s32 @!p0 $0x9  }
0xb6: {  	_ =	swait.ge @!p0 [sflag:s0], s1  }
0xb7: {  	s1 =	ssub.s32 @!p0 $0x0, s1;
	[sflag:s0] =	ssyncset.done @!p0 $0x0  }
0xb8: {  	[sflag:s0] =	ssyncadd.s32 @!p0 s1  }
0xb9: {  	[bflag:$0x3] =	sbarrier.arrive $0xFFFF  }
0xba: {  	_ =	shalt  }

// kernel: kernel.15.cloned.1.call-start
scs
__scs_entry_jumppad:
0x0: {  	(pc) =	sbr.rel $0x88, $3  }
0x1: {  	(tag) =	ssettag $0x0;
	lr =	simm.s32 $0x1  }
0x2: {  	[smem:$0x3F99] =	sst lr;
	_ =	strace $0xD0000000  }
0x3: {  	_ = 	snop  }
0x4: {  	_ = 	snop  }
0x5: {  	_ = 	snop  }
0x6: {  	_ = 	snop  }
0x7: {  	_ = 	snop  }
__scs_overlays_trampoline_lowered:
0x8: {  	[smem:$0x3FA8] =	sst s0  }
0x9: {  	[smem:$0x3FA9] =	sst s1  }
0xa: {  	[smem:$0x3FAA] =	sst s2  }
0xb: {  	[smem:$0x3FAB] =	sst s3  }
0xc: {  	[smem:$0x3FAC] =	sst s4  }
0xd: {  	[smem:$0x3FAD] =	sst s5  }
0xe: {  	[smem:$0x3FAE] =	sst s6  }
0xf: {  	[smem:$0x3FAF] =	sst s7  }
0x10: {  	[smem:$0x3FB0] =	sst s8  }
0x11: {  	[smem:$0x3FB1] =	sst s9;
	s0 =	simm.s32 @!p0 $0x0  }
0x12: {  	s1 =	sld [smem:$0x3F97];
	s0 =	simm.s32 @p0 $0x1  }
0x13: {  	[smem:$0x3FB2] =	sst s0;
	s0 =	simm.s32 @!p1 $0x0  }
0x14: {  	s2 =	sld [smem:$0x3F96];
	s0 =	simm.s32 @p1 $0x1  }
0x15: {  	[smem:$0x3FB3] =	sst s0;
	s0 =	simm.s32 @!p2 $0x0  }
0x16: {  	s3 =	sld [smem:$0x3FDB];
	s0 =	simm.s32 @p2 $0x1  }
0x17: {  	s4 =	simm.s32 $0x1BF5;
	[smem:$0x3FB5] =	sst s0  }
0x18: {  	s0 =	sld [smem:$0x3F98];
	_ =	swait.ge [sflag:s4], $0x0  }
0x19: {  	s7 =	sld [smem:$0x3F99]  }
0x1a: {  	s8 =	sadd.s32 $0xFFFFE003, lr  }
0x1b: {  	s9 =	sadd.s32 $0xFFFFFEF7, lr;
	s5 =	simm.s32 $0xFFFFFFFF;
	p2 =	slt.u32 s8, $0xFFFFF086  }
0x1c: {  	p1 =	slt.u32 s9, $0xF7A;
	s5 =	simm.s32 @!p2 $0x0  }
0x1d: {  	s5 =	simm.s32 @p1 $0x1;
	p0 =	seq.s32 s7, s2  }
0x1e: {  	s7 =	smul.u32 @!p0 $0xF7A, s2;
	p2 =	seq.s32 @!p0 s5, $0x0  }
0x1f: {  	s9 =	smul.u32 $0xF7A, s1;
	s8 =	simm.s32 @!p0 $0x1BF5;
	p2 =	por !p2, p0  }
0x20: {  	[sflag:s8] =	ssyncset.s32 @!p0 $0xFFFFF086;
	s6 =	sadd.s32 @!p0 s3, s7;
	s7 =	simm.s32 @!p0 $0x108  }
0x21: {  	s3 =	sadd.s32 s3, s9;
	s6 =	sadd.s32 @!p0 $0x88, s6;
	s7 =	simm.s32 @p2 $0x1082  }
0x22: {  	[simem:s7], [sflag:s8] =	dma.local @!p0 [hbm:s6], $0xF7A  }
0x23: {  	s9 =	sor.u32 $0xD0000000, s2;
	s6 =	simm.s32 $0x108;
	_ =	swait.ge @!p0 [sflag:s8], $0x0  }
0x24: {  	s3 =	sadd.s32 $0x88, s3;
	s6 =	simm.s32 @!p1 $0x1082;
	[sflag:s4] =	ssyncset.s32 $0xFFFFF086  }
0x25: {  	[simem:s6], [sflag:s4] =	dma.local [hbm:s3], $0xF7A  }
0x26: {  	[smem:$0x3F99] =	sst s1;
	(tag) =	ssettag s2;
	_ =	strace s9  }
0x27: {  	s1 =	sld [smem:$0x3FA9]  }
0x28: {  	s2 =	sld [smem:$0x3FAA]  }
0x29: {  	s4 =	sld [smem:$0x3FAC]  }
0x2a: {  	p0 =	seq.s32 s5, $0x0;
	s5 =	sld [smem:$0x3FAD]  }
0x2b: {  	s6 =	sld [smem:$0x3FAE]  }
0x2c: {  	s7 =	sld [smem:$0x3FAF]  }
0x2d: {  	s3 =	simm.s32 $0x108;
	s8 =	sld [smem:$0x3FB0]  }
0x2e: {  	s3 =	simm.s32 @!p0 $0x1082;
	s9 =	sld [smem:$0x3FB1]  }
0x2f: {  	lr =	sadd.s32 s0, s3;
	s0 =	sld [smem:$0x3FA8]  }
0x30: {  	s3 =	sld [smem:$0x3FAB]  }
0x31: {  	[smem:$0x3FB4] =	sst s10  }
0x32: {  	s10 =	sld [smem:$0x3FB2];
	_ =	sdelay $0x3  }
0x33: {  	p0 =	seq.s32 s10, $0x1;
	s10 =	sld [smem:$0x3FB4];
	_ =	sdelay $0x3  }
0x34: {  	[smem:$0x3FB4] =	sst s10  }
0x35: {  	s10 =	sld [smem:$0x3FB3];
	_ =	sdelay $0x3  }
0x36: {  	p1 =	seq.s32 s10, $0x1;
	s10 =	sld [smem:$0x3FB4];
	_ =	sdelay $0x3  }
0x37: {  	[smem:$0x3FB4] =	sst s10  }
0x38: {  	s10 =	sld [smem:$0x3FB5]  }
0x39: {  	_ = 	snop;
	(pc) =	sbr.ind lr, $3  }
0x3a: {  	_ = 	snop  }
0x3b: {  	_ = 	snop  }
0x3c: {  	p2 =	seq.s32 s10, $0x1;
	s10 =	sld [smem:$0x3FB4]  }
0x3d: {  	_ =	shalt  }
0x3e: {  	_ =	shalt  }
0x3f: {  	_ =	shalt  }
0x40: {  	_ =	shalt  }
0x41: {  	_ =	shalt  }
0x42: {  	_ =	shalt  }
0x43: {  	_ =	shalt  }
0x44: {  	_ =	shalt  }
0x45: {  	_ =	shalt  }
0x46: {  	_ =	shalt  }
0x47: {  	_ =	shalt  }
0x48: {  	_ =	shalt  }
0x49: {  	_ =	shalt  }
0x4a: {  	_ =	shalt  }
0x4b: {  	_ =	shalt  }
0x4c: {  	_ =	shalt  }
0x4d: {  	_ =	shalt  }
0x4e: {  	_ =	shalt  }
0x4f: {  	_ =	shalt  }
0x50: {  	_ =	shalt  }
0x51: {  	_ =	shalt  }
0x52: {  	_ =	shalt  }
0x53: {  	_ =	shalt  }
0x54: {  	_ =	shalt  }
0x55: {  	_ =	shalt  }
0x56: {  	_ =	shalt  }
0x57: {  	_ =	shalt  }
0x58: {  	_ =	shalt  }
0x59: {  	_ =	shalt  }
0x5a: {  	_ =	shalt  }
0x5b: {  	_ =	shalt  }
0x5c: {  	_ =	shalt  }
0x5d: {  	_ =	shalt  }
0x5e: {  	_ =	shalt  }
0x5f: {  	_ =	shalt  }
0x60: {  	_ =	shalt  }
0x61: {  	_ =	shalt  }
0x62: {  	_ =	shalt  }
0x63: {  	_ =	shalt  }
0x64: {  	_ =	shalt  }
0x65: {  	_ =	shalt  }
0x66: {  	_ =	shalt  }
0x67: {  	_ =	shalt  }
0x68: {  	_ =	shalt  }
0x69: {  	_ =	shalt  }
0x6a: {  	_ =	shalt  }
0x6b: {  	_ =	shalt  }
0x6c: {  	_ =	shalt  }
0x6d: {  	_ =	shalt  }
0x6e: {  	_ =	shalt  }
0x6f: {  	_ =	shalt  }
0x70: {  	_ =	shalt  }
0x71: {  	_ =	shalt  }
0x72: {  	_ =	shalt  }
0x73: {  	_ =	shalt  }
0x74: {  	_ =	shalt  }
0x75: {  	_ =	shalt  }
0x76: {  	_ =	shalt  }
0x77: {  	_ =	shalt  }
0x78: {  	_ =	shalt  }
0x79: {  	_ =	shalt  }
0x7a: {  	_ =	shalt  }
0x7b: {  	_ =	shalt  }
0x7c: {  	_ =	shalt  }
0x7d: {  	_ =	shalt  }
0x7e: {  	_ =	shalt  }
0x7f: {  	_ =	shalt  }
0x80: {  	_ =	shalt  }
0x81: {  	_ =	shalt  }
0x82: {  	_ =	shalt  }
0x83: {  	_ =	shalt  }
0x84: {  	_ =	shalt  }
0x85: {  	_ =	shalt  }
0x86: {  	_ =	shalt  }
0x87: {  	_ =	shalt  }
.Lfunc_end0:
.L_simem_size_0:
called_computation.1_lowered:
.L_overlay_start_0:
0x88: {  	s2 =	sld [smem:$0x3FD9]  }
0x89: {  	s3 =	sld [smem:$0x3FFE];
	_ =	sdelay $0x1  }
0x8a: {  	s1 =	srdreg.scid  }
0x8b: {  	s0 =	sand.u32 $0x1, s1  }
0x8c: {  	s16 =	sshll.u32 s0, $0xA;
	s2 =	sadd.s32 s3, s2  }
0x8d: {  	s2 =	sadd.s32 s2, s16  }
0x8e: {  	[smem:$0x3FC0] =	sst s2  }
0x8f: {  	_ = 	snop  }
0x90: {  	(tm) =	ssettm $0x1  }
0x91: {  	s17 =	sld [smem:$0x3FFB];
	_ =	sdelay $0x3  }
0x92: {  	_ =	strace s17  }
0x93: {  	s2 =	sld [smem:$0x3FFC];
	_ =	sdelay $0x3  }
0x94: {  	_ =	strace s2  }
0x95: {  	s2 =	sld [smem:$0x3FFD];
	_ =	sdelay $0x3  }
0x96: {  	_ =	strace s2  }
0x97: {  	_ =	strace $0x8FFFFFFF  }
0x98: {  	s18 =	sld [smem:$0x3FDB];
	_ =	sdelay $0x1  }
0x99: {  	s19 =	simm.s32 $_scs_section_size  }
0x9a: {  	s4 =	simm.s32 $_size__tile_overlayer_lowered;
	s5 =	simm.s32 $_tile_overlayer_lowered  }
0x9b: {  	s22 =	simm.s32 $0x1BFF;
	s21 =	sshll.u32 s5, $0x1;
	s2 =	sadd.s32 s19, s18  }
0x9c: {  	s6 =	simm.s32 $0x0;
	s20 =	sshll.u32 s4, $0x1;
	s4 =	sadd.s32 s21, s2  }
0x9d: {  	[timem:s6], [sflag:s22] =	dma.local [hbm:s4], s20  }
0x9e: {  	_ =	swait.ge [sflag:s22], s20  }
0x9f: {  	s3 =	ssub.s32 $0x0, s20;
	[sflag:s22] =	ssyncset.done $0x0  }
0xa0: {  	[sflag:s22] =	ssyncadd.s32 s3;
	_ =	sdelay $0x1  }
0xa1: {  	s23 =	simm.s32 $0x1B8B  }
0xa2: {  	_ =	swait.ge [sflag:s23], $0x1  }
0xa3: {  	[sflag:s23] =	ssyncset.done $0x0  }
0xa4: {  	s25 =	simm.s32 $0x1B8E;
	s24 =	sld [smem:$0x3FFE];
	[sflag:s23] =	ssyncadd.s32 $0xFFFFFFFF  }
0xa5: {  	s26 =	simm.s32 $execute0_lowered;
	[smem:$0x3FD2] =	sst s25  }
0xa6: {  	s4 =	sshll.u32 s26, $0x1;
	_ =	strace $0x80000049;
	[dreg:$0x1] =	wrdreg $0xFFFFFFFF  }
0xa7: {  	s28 =	simm.s32 $_size_execute0_lowered;
	s2 =	sadd.s32 s2, s4;
	[dreg:$0x0] =	wrdreg $0x0  }
0xa8: {  	s4 =	sshll.u32 s28, $0x1;
	[dreg:$0x2] =	wrdreg s2  }
0xa9: {  	[dreg:$0x3] =	wrdreg s4  }
0xaa: {  	[dreg:$0x4] =	wrdreg $0xC0  }
0xab: {  	_ =	task [dreg:s6], $0x5FFFF  }
0xac: {  	[dreg:$0x1] =	wrdreg $0xFFFFFFFF  }
0xad: {  	[dreg:$0x0] =	wrdreg $0x60  }
0xae: {  	[dreg:$0x2] =	wrdreg s24  }
0xaf: {  	[dreg:$0x3] =	wrdreg $0x9  }
0xb0: {  	_ =	task.clear_ibuf [dreg:s6], $0x4FFFF;
	_ =	strace $0x90000049  }
0xb1: {  	s29 =	simm.s32 $0x9;
	_ =	strace $0x8000004B  }
0xb2: {  	_ =	swait.ge [sflag:s29], $0x1  }
0xb3: {  	[sflag:s29] =	ssyncadd.s32 $0xFFFFFFFF  }
0xb4: {  	_ =	strace $0x9000004B  }
0xb5: {  	_ =	sfence  }
0xb6: {  	s30 =	sld [smem:$0x0];
	_ =	sdelay $0x2  }
0xb7: {  	s31 =	sshll.u32 s1, $0xD;
	s1 =	sshrl.u32 s1, $0x2  }
0xb8: {  	s3 =	sand.u32 $0x4000, s31;
	s1 =	sadd.s32 s1, s30  }
0xb9: {  	s0 =	sor.u32 s3, s0;
	s1 =	sshll.u32 s1, $0x11  }
0xba: {  	s0 =	sor.u32 s1, s0  }
0xbb: {  	s0 =	sadd.s32 $0x8F2B, s0  }
0xbc: {  	[sflag:s0] =	ssyncadd.remote.s32 $0x1  }
0xbd: {  	_ =	sfence.sel $0xFFFF  }
0xbe: {  	[dreg:$0x0] =	wrdreg $0xFFFFFFFF;
	(pc) =	sbr.abs _section_cstart, $3  }
0xbf: {  	[dreg:$0x1] =	wrdreg $0xFFFFFFFF  }
0xc0: {  	_ =	task.clear_ibuf [dreg:s6], $0x2FFFF;
	_ =	strace $0x9FFFFFFF  }
0xc1: {  	(tm) =	ssettm $0x7FFFFFFF  }
tec
execute0_lowered:
.L_overlay_start_1:
0x0: {  	(tag) =	ssettag $0x1  }
0x1: {  	s0 =	srdreg.scid  }
0x2: {  	s3 =	sand.u32 $0x1, s0  }
0x3: {  	s0 =	stileid.u32;
	s1 =	sshll.u32 s3, $0x4  }
0x4: {  	s4 =	rddreg [dreg:$0x0];
	s2 =	simm.s32 $0x0;
	s5 =	sor.u32 s0, s1  }
0x5: {  	s11 =	simm.s32 $0x2800;
	s12 =	simm.s32 $0x0;
	s6 =	smul.u32 $0xA00, s5  }
0x6: {  	[smem:$0x7FF] =	sst s2;
	s3 =	ssub.s32 $0x2, s3;
	s7 =	smul.u32 $0x280, s5  }
0x7: {  	s8 =	sadd.s32 $0xC600, s4;
	s30 =	sshrl.u32 s3, $0x1;
	s5 =	smul.u32 $0x1400, s5  }
0x8: {  	s1 =	rddreg [dreg:$0x1];
	_ =	strace $0x8000004A;
	s10 =	ssub.s32 s3, s30  }
0x9: {  	s6 =	sadd.s32 s6, s4;
	s9 =	sadd.s32 s7, s4;
	s5 =	sshrl.u32 s5, $0x3  }
0xa: {  	s3 =	sadd.s32 s8, s7;
	s31 =	sadd.s32 s8, s5;
	s5 =	sadd.s32 $0x16600, s6  }
0xb: {  	s6 =	sadd.s32 $0x2A600, s6;
	s7 =	sadd.s32 $0x3E600, s9;
	s8 =	smax.u32 s10, $0x1  }
0xc: {  	s9 =	simm.s32 $0x1;
	s10 =	simm.s32 $0x1400;
	s4 =	sadd.s32 $0x5000, s31  }
.LBB2_1:
0xd: {  	[tilespmem:s2], [sflag:$0x1] =	stream.linear.gather [hbm4b:s3+s2], $0x1400, $0x38;
	[tilespmem:$0x7800] =	vst v63  }
0xe: {  	_ =	swait.ge [sflag:s9], $0x1400  }
0xf: {  	[sflag:s9] =	ssyncset.done $0x0  }
0x10: {  	[sflag:s9] =	ssyncadd.s32 $0xFFFFEC00  }
0x11: {  	[tilespmem:s10], [sflag:$0x1] =	stream.linear.gather [hbm4b:s4+s2], $0x1400, $0x38;
	[tilespmem:$0x7800] =	vst v63  }
0x12: {  	_ =	swait.ge [sflag:s9], $0x1400  }
0x13: {  	[sflag:s9] =	ssyncset.done $0x0  }
0x14: {  	[sflag:s9] =	ssyncadd.s32 $0xFFFFEC00  }
0x15: {  	[tilespmem:s11], [sflag:$0x1] =	stream.linear.gather [hbm4b:s5+s2], $0x5000, $0x38;
	[tilespmem:$0x7800] =	vst v63  }
0x16: {  	_ =	swait.ge [sflag:s9], $0x5000  }
0x17: {  	[sflag:s9] =	ssyncset.done $0x0  }
0x18: {  	s14 =	simm.s32 $0x0;
	[sflag:s9] =	ssyncadd.s32 $0xFFFFB000  }
0x19: {  	v0 =	vld [tilespmem:s14+$0x1400]  }
0x1a: {  	v1 =	vld [tilespmem:s14+$0x0];
	_ =	sdelay $0x4  }
0x1b: {  	v0 =	vadd.f32 v0, v1;
	_ =	sdelay $0x1  }
0x1c: {  	v0 =	vadd.f32 $1.000000000e+00, v0;
	_ =	sdelay $0x1  }
0x1d: {  	v1 =	vshra.s32 v0, $0x1;
	v0 =	vmul.f32 $5.000000000e-01, v0  }
0x1e: {  	v1 =	vsub.s32 $0x5F3759DF, v1  }
0x1f: {  	v2 =	vmul.f32 v1, v0;
	_ =	sdelay $0x1  }
0x20: {  	v2 =	vmul.f32 v1, v2;
	_ =	sdelay $0x1  }
0x21: {  	v2 =	vsub.f32 $1.500000000e+00, v2;
	_ =	sdelay $0x1  }
0x22: {  	v1 =	vmul.f32 v1, v2;
	_ =	sdelay $0x1  }
0x23: {  	v2 =	vmul.f32 v1, v0;
	_ =	sdelay $0x1  }
0x24: {  	v2 =	vmul.f32 v2, v1;
	_ =	sdelay $0x1  }
0x25: {  	v2 =	vsub.f32 $1.500000000e+00, v2;
	_ =	sdelay $0x1  }
0x26: {  	v1 =	vmul.f32 v2, v1;
	_ =	sdelay $0x1  }
0x27: {  	v0 =	vmul.f32 v1, v0;
	_ =	sdelay $0x1  }
0x28: {  	v0 =	vmul.f32 v0, v1;
	_ =	sdelay $0x1  }
0x29: {  	v0 =	vsub.f32 $1.500000000e+00, v0;
	_ =	sdelay $0x1  }
0x2a: {  	v0 =	vmul.f32 v0, v1;
	_ =	sdelay $0x1  }
0x2b: {  	s13 =	simm.s32 $0x2820;
	[tilespmem:s14+$0x0] =	vst v0  }
0x2c: {  	v1 =	vld [tilespmem:s13+$0x10]  }
0x2d: {  	v2 =	vld [tilespmem:s13+$0x0]  }
0x2e: {  	v3 =	vld [tilespmem:s13+$0xFFFFFFF0]  }
0x2f: {  	v4 =	vld [tilespmem:s13+$0xFFFFFFE0];
	_ =	sdelay $0x1  }
0x30: {  	v1 =	vmul.f32 v0, v1  }
0x31: {  	v2 =	vmul.f32 v0, v2  }
0x32: {  	v3 =	vmul.f32 v0, v3;
	[tilespmem:s13+$0x10] =	vst v1  }
0x33: {  	v0 =	vmul.f32 v0, v4;
	[tilespmem:s13+$0x0] =	vst v2  }
0x34: {  	[tilespmem:s13+$0xFFFFFFF0] =	vst v3  }
0x35: {  	s15 =	simm.s32 $0x10;
	[tilespmem:s13+$0xFFFFFFE0] =	vst v0  }
0x36: {  	s14 =	simm.s32 $0x80;
	v0 =	vld [tilespmem:s15+$0x1400]  }
.LBB2_2:
0x37: {  	p0 =	sne.s32 s14, $0x4FC0;
	v1 =	vld [tilespmem:s15+$0x0];
	_ =	sdelay $0x4  }
0x38: {  	v0 =	vadd.f32 v0, v1;
	_ =	sdelay $0x1  }
0x39: {  	v0 =	vadd.f32 $1.000000000e+00, v0;
	_ =	sdelay $0x1  }
0x3a: {  	v1 =	vshra.s32 v0, $0x1;
	v0 =	vmul.f32 $5.000000000e-01, v0  }
0x3b: {  	v1 =	vsub.s32 $0x5F3759DF, v1  }
0x3c: {  	v2 =	vmul.f32 v1, v0;
	_ =	sdelay $0x1  }
0x3d: {  	v2 =	vmul.f32 v1, v2;
	_ =	sdelay $0x1  }
0x3e: {  	v2 =	vsub.f32 $1.500000000e+00, v2;
	_ =	sdelay $0x1  }
0x3f: {  	v1 =	vmul.f32 v1, v2;
	_ =	sdelay $0x1  }
0x40: {  	v2 =	vmul.f32 v1, v0;
	_ =	sdelay $0x1  }
0x41: {  	v2 =	vmul.f32 v2, v1;
	_ =	sdelay $0x1  }
0x42: {  	v2 =	vsub.f32 $1.500000000e+00, v2;
	_ =	sdelay $0x1  }
0x43: {  	v1 =	vmul.f32 v2, v1;
	_ =	sdelay $0x1  }
0x44: {  	v0 =	vmul.f32 v1, v0;
	_ =	sdelay $0x1  }
0x45: {  	v0 =	vmul.f32 v0, v1;
	_ =	sdelay $0x1  }
0x46: {  	v0 =	vsub.f32 $1.500000000e+00, v0;
	_ =	sdelay $0x1  }
0x47: {  	v0 =	vmul.f32 v0, v1;
	_ =	sdelay $0x1  }
0x48: {  	s13 =	sadd.s32 $0x40, s13;
	[tilespmem:s15+$0x0] =	vst v0  }
0x49: {  	v1 =	vld [tilespmem:s13+$0x10]  }
0x4a: {  	v2 =	vld [tilespmem:s13+$0x0]  }
0x4b: {  	v3 =	vld [tilespmem:s13+$0xFFFFFFF0]  }
0x4c: {  	v4 =	vld [tilespmem:s13+$0xFFFFFFE0];
	_ =	sdelay $0x1  }
0x4d: {  	v1 =	vmul.f32 v0, v1  }
0x4e: {  	v2 =	vmul.f32 v0, v2  }
.Ltmp0:
0x4f: {  	v3 =	vmul.f32 v0, v3;
	[tilespmem:s13+$0x10] =	vst v1;
	(pc) =	sbr.rel @p0 .LBB2_2-.Ltmp0, $4  }
0x50: {  	v0 =	vmul.f32 v0, v4;
	[tilespmem:s13+$0x0] =	vst v2  }
0x51: {  	[tilespmem:s13+$0xFFFFFFF0] =	vst v3  }
0x52: {  	s15 =	sshra.s32 s14, $0x2;
	[tilespmem:s13+$0xFFFFFFE0] =	vst v0  }
0x53: {  	s14 =	sadd.s32 $0x40, s14;
	v0 =	vld [tilespmem:s15+$0x1400]  }
0x54: {  	v1 =	vld [tilespmem:s15+$0x0];
	_ =	sdelay $0x4  }
0x55: {  	v0 =	vadd.f32 v0, v1;
	_ =	sdelay $0x1  }
0x56: {  	v0 =	vadd.f32 $1.000000000e+00, v0;
	_ =	sdelay $0x1  }
0x57: {  	v61 =	vshra.s32 v0, $0x1;
	v0 =	vmul.f32 $5.000000000e-01, v0  }
0x58: {  	v1 =	vsub.s32 $0x5F3759DF, v61  }
0x59: {  	v2 =	vmul.f32 v1, v0;
	_ =	sdelay $0x1  }
0x5a: {  	v2 =	vmul.f32 v1, v2;
	_ =	sdelay $0x1  }
0x5b: {  	v2 =	vsub.f32 $1.500000000e+00, v2;
	_ =	sdelay $0x1  }
0x5c: {  	v1 =	vmul.f32 v1, v2;
	_ =	sdelay $0x1  }
0x5d: {  	v2 =	vmul.f32 v1, v0;
	_ =	sdelay $0x1  }
0x5e: {  	v2 =	vmul.f32 v2, v1;
	_ =	sdelay $0x1  }
0x5f: {  	v2 =	vsub.f32 $1.500000000e+00, v2;
	_ =	sdelay $0x1  }
0x60: {  	v1 =	vmul.f32 v2, v1;
	_ =	sdelay $0x1  }
0x61: {  	v0 =	vmul.f32 v1, v0;
	_ =	sdelay $0x1  }
0x62: {  	v0 =	vmul.f32 v0, v1;
	_ =	sdelay $0x1  }
0x63: {  	v0 =	vsub.f32 $1.500000000e+00, v0;
	_ =	sdelay $0x1  }
0x64: {  	v0 =	vmul.f32 v0, v1;
	_ =	sdelay $0x1  }
0x65: {  	s13 =	sadd.s32 $0x40, s13;
	[tilespmem:s15+$0x0] =	vst v0  }
0x66: {  	v62 =	vld [tilespmem:s13+$0x10]  }
0x67: {  	v63 =	vld [tilespmem:s13+$0x0]  }
0x68: {  	v3 =	vld [tilespmem:s13+$0xFFFFFFF0]  }
0x69: {  	v4 =	vld [tilespmem:s13+$0xFFFFFFE0];
	_ =	sdelay $0x1  }
0x6a: {  	v1 =	vmul.f32 v0, v62  }
0x6b: {  	v2 =	vmul.f32 v0, v63  }
0x6c: {  	v3 =	vmul.f32 v0, v3;
	[tilespmem:s13+$0x10] =	vst v1  }
0x6d: {  	v0 =	vmul.f32 v0, v4;
	[tilespmem:s13+$0x0] =	vst v2  }
0x6e: {  	[tilespmem:s13+$0xFFFFFFF0] =	vst v3  }
0x6f: {  	[tilespmem:s13+$0xFFFFFFE0] =	vst v0  }
0x70: {  	[hbm4b:s6+s2] =	stream.linear.scatter [tilespmem:s11], [sflag:$0x1], $0x5000, $0x38;
	[tilespmem:$0x7800] =	vst v63  }
0x71: {  	s12 =	sadd.s32 $0x1, s12;
	_ =	swait.ge [sflag:s9], $0x5000  }
0x72: {  	p0 =	sne.s32 s12, s8;
	[sflag:s9] =	ssyncset.done $0x0  }
.Ltmp1:
0x73: {  	[sflag:s9] =	ssyncadd.s32 $0xFFFFB000;
	(pc) =	sbr.rel @p0 .LBB2_1-.Ltmp1, $4  }
0x74: {  	[hbm4b:s7+s2] =	stream.linear.scatter [tilespmem:s2], [sflag:$0x1], $0x1400, $0x38;
	[tilespmem:$0x7800] =	vst v63  }
0x75: {  	_ =	swait.ge [sflag:s9], $0x1400  }
0x76: {  	[sflag:s9] =	ssyncset.done $0x0  }
0x77: {  	[sflag:s9] =	ssyncadd.s32 $0xFFFFEC00  }
0x78: {  	_ =	sfence.sel $0x180000  }
0x79: {  	[bflag:$0x0] =	sbarrier.arrive $0xFFFF  }
0x7a: {  	p0 =	sne.s32 s0, $0x0;
	_ =	strace $0x9000004A  }
0x7b: {  	s0 =	sadd.s32 @!p0 $0x100000, s1;
	[bflag:$0x2] =	sbarrier.arrive $0xFFFF  }
0x7c: {  	[sflag:s0] =	ssyncadd.tile.s32 @!p0 $0x1;
	_ =	shalt  }
.Lfunc_end2:
_tile_overlayer_lowered:
.L_overlay_start_2:
0x7d: {  	(tag) =	ssettag $0x2  }
0x7e: {  	s0 =	rddreg [dreg:$0x0];
	s2 =	stileid.u32  }
0x7f: {  	s1 =	rddreg [dreg:$0x1];
	p0 =	sne.s32 s2, $0x0  }
0x80: {  	s3 =	rddreg [dreg:$0x2];
	[bflag:$0x3] =	sbarrier.arrive $0xFFFF;
	s2 =	simm.s32 @!p0 $0x1C01  }
0x81: {  	[timem:s3], [sflag:s2] =	dma.local @!p0 [hbm:s0], s1  }
0x82: {  	s0 =	simm.s32 @!p0 $0x1  }
0x83: {  	_ =	swait.ge @!p0 [sflag:s0], s1  }
0x84: {  	s1 =	ssub.s32 @!p0 $0x0, s1;
	[sflag:s0] =	ssyncset.done @!p0 $0x0  }
0x85: {  	[sflag:s0] =	ssyncadd.s32 @!p0 s1  }
0x86: {  	[bflag:$0x3] =	sbarrier.arrive $0xFFFF  }
0x87: {  	_ =	shalt  }

// kernel: kernel.18.cloned.1.call-start
scs
__scs_entry_jumppad:
0x0: {  	(pc) =	sbr.rel $0x88, $3  }
0x1: {  	(tag) =	ssettag $0x0;
	lr =	simm.s32 $0x1  }
0x2: {  	[smem:$0x3F99] =	sst lr;
	_ =	strace $0xD0000000  }
0x3: {  	_ = 	snop  }
0x4: {  	_ = 	snop  }
0x5: {  	_ = 	snop  }
0x6: {  	_ = 	snop  }
0x7: {  	_ = 	snop  }
__scs_overlays_trampoline_lowered:
0x8: {  	[smem:$0x3FA8] =	sst s0  }
0x9: {  	[smem:$0x3FA9] =	sst s1  }
0xa: {  	[smem:$0x3FAA] =	sst s2  }
0xb: {  	[smem:$0x3FAB] =	sst s3  }
0xc: {  	[smem:$0x3FAC] =	sst s4  }
0xd: {  	[smem:$0x3FAD] =	sst s5  }
0xe: {  	[smem:$0x3FAE] =	sst s6  }
0xf: {  	[smem:$0x3FAF] =	sst s7  }
0x10: {  	[smem:$0x3FB0] =	sst s8  }
0x11: {  	[smem:$0x3FB1] =	sst s9;
	s0 =	simm.s32 @!p0 $0x0  }
0x12: {  	s1 =	sld [smem:$0x3F97];
	s0 =	simm.s32 @p0 $0x1  }
0x13: {  	[smem:$0x3FB2] =	sst s0;
	s0 =	simm.s32 @!p1 $0x0  }
0x14: {  	s2 =	sld [smem:$0x3F96];
	s0 =	simm.s32 @p1 $0x1  }
0x15: {  	[smem:$0x3FB3] =	sst s0;
	s0 =	simm.s32 @!p2 $0x0  }
0x16: {  	s3 =	sld [smem:$0x3FDB];
	s0 =	simm.s32 @p2 $0x1  }
0x17: {  	s4 =	simm.s32 $0x1BF5;
	[smem:$0x3FB5] =	sst s0  }
0x18: {  	s0 =	sld [smem:$0x3F98];
	_ =	swait.ge [sflag:s4], $0x0  }
0x19: {  	s7 =	sld [smem:$0x3F99]  }
0x1a: {  	s8 =	sadd.s32 $0xFFFFE003, lr  }
0x1b: {  	s9 =	sadd.s32 $0xFFFFFEF7, lr;
	s5 =	simm.s32 $0xFFFFFFFF;
	p2 =	slt.u32 s8, $0xFFFFF086  }
0x1c: {  	p1 =	slt.u32 s9, $0xF7A;
	s5 =	simm.s32 @!p2 $0x0  }
0x1d: {  	s5 =	simm.s32 @p1 $0x1;
	p0 =	seq.s32 s7, s2  }
0x1e: {  	s7 =	smul.u32 @!p0 $0xF7A, s2;
	p2 =	seq.s32 @!p0 s5, $0x0  }
0x1f: {  	s9 =	smul.u32 $0xF7A, s1;
	s8 =	simm.s32 @!p0 $0x1BF5;
	p2 =	por !p2, p0  }
0x20: {  	[sflag:s8] =	ssyncset.s32 @!p0 $0xFFFFF086;
	s6 =	sadd.s32 @!p0 s3, s7;
	s7 =	simm.s32 @!p0 $0x108  }
0x21: {  	s3 =	sadd.s32 s3, s9;
	s6 =	sadd.s32 @!p0 $0x88, s6;
	s7 =	simm.s32 @p2 $0x1082  }
0x22: {  	[simem:s7], [sflag:s8] =	dma.local @!p0 [hbm:s6], $0xF7A  }
0x23: {  	s9 =	sor.u32 $0xD0000000, s2;
	s6 =	simm.s32 $0x108;
	_ =	swait.ge @!p0 [sflag:s8], $0x0  }
0x24: {  	s3 =	sadd.s32 $0x88, s3;
	s6 =	simm.s32 @!p1 $0x1082;
	[sflag:s4] =	ssyncset.s32 $0xFFFFF086  }
0x25: {  	[simem:s6], [sflag:s4] =	dma.local [hbm:s3], $0xF7A  }
0x26: {  	[smem:$0x3F99] =	sst s1;
	(tag) =	ssettag s2;
	_ =	strace s9  }
0x27: {  	s1 =	sld [smem:$0x3FA9]  }
0x28: {  	s2 =	sld [smem:$0x3FAA]  }
0x29: {  	s4 =	sld [smem:$0x3FAC]  }
0x2a: {  	p0 =	seq.s32 s5, $0x0;
	s5 =	sld [smem:$0x3FAD]  }
0x2b: {  	s6 =	sld [smem:$0x3FAE]  }
0x2c: {  	s7 =	sld [smem:$0x3FAF]  }
0x2d: {  	s3 =	simm.s32 $0x108;
	s8 =	sld [smem:$0x3FB0]  }
0x2e: {  	s3 =	simm.s32 @!p0 $0x1082;
	s9 =	sld [smem:$0x3FB1]  }
0x2f: {  	lr =	sadd.s32 s0, s3;
	s0 =	sld [smem:$0x3FA8]  }
0x30: {  	s3 =	sld [smem:$0x3FAB]  }
0x31: {  	[smem:$0x3FB4] =	sst s10  }
0x32: {  	s10 =	sld [smem:$0x3FB2];
	_ =	sdelay $0x3  }
0x33: {  	p0 =	seq.s32 s10, $0x1;
	s10 =	sld [smem:$0x3FB4];
	_ =	sdelay $0x3  }
0x34: {  	[smem:$0x3FB4] =	sst s10  }
0x35: {  	s10 =	sld [smem:$0x3FB3];
	_ =	sdelay $0x3  }
0x36: {  	p1 =	seq.s32 s10, $0x1;
	s10 =	sld [smem:$0x3FB4];
	_ =	sdelay $0x3  }
0x37: {  	[smem:$0x3FB4] =	sst s10  }
0x38: {  	s10 =	sld [smem:$0x3FB5]  }
0x39: {  	_ = 	snop;
	(pc) =	sbr.ind lr, $3  }
0x3a: {  	_ = 	snop  }
0x3b: {  	_ = 	snop  }
0x3c: {  	p2 =	seq.s32 s10, $0x1;
	s10 =	sld [smem:$0x3FB4]  }
0x3d: {  	_ =	shalt  }
0x3e: {  	_ =	shalt  }
0x3f: {  	_ =	shalt  }
0x40: {  	_ =	shalt  }
0x41: {  	_ =	shalt  }
0x42: {  	_ =	shalt  }
0x43: {  	_ =	shalt  }
0x44: {  	_ =	shalt  }
0x45: {  	_ =	shalt  }
0x46: {  	_ =	shalt  }
0x47: {  	_ =	shalt  }
0x48: {  	_ =	shalt  }
0x49: {  	_ =	shalt  }
0x4a: {  	_ =	shalt  }
0x4b: {  	_ =	shalt  }
0x4c: {  	_ =	shalt  }
0x4d: {  	_ =	shalt  }
0x4e: {  	_ =	shalt  }
0x4f: {  	_ =	shalt  }
0x50: {  	_ =	shalt  }
0x51: {  	_ =	shalt  }
0x52: {  	_ =	shalt  }
0x53: {  	_ =	shalt  }
0x54: {  	_ =	shalt  }
0x55: {  	_ =	shalt  }
0x56: {  	_ =	shalt  }
0x57: {  	_ =	shalt  }
0x58: {  	_ =	shalt  }
0x59: {  	_ =	shalt  }
0x5a: {  	_ =	shalt  }
0x5b: {  	_ =	shalt  }
0x5c: {  	_ =	shalt  }
0x5d: {  	_ =	shalt  }
0x5e: {  	_ =	shalt  }
0x5f: {  	_ =	shalt  }
0x60: {  	_ =	shalt  }
0x61: {  	_ =	shalt  }
0x62: {  	_ =	shalt  }
0x63: {  	_ =	shalt  }
0x64: {  	_ =	shalt  }
0x65: {  	_ =	shalt  }
0x66: {  	_ =	shalt  }
0x67: {  	_ =	shalt  }
0x68: {  	_ =	shalt  }
0x69: {  	_ =	shalt  }
0x6a: {  	_ =	shalt  }
0x6b: {  	_ =	shalt  }
0x6c: {  	_ =	shalt  }
0x6d: {  	_ =	shalt  }
0x6e: {  	_ =	shalt  }
0x6f: {  	_ =	shalt  }
0x70: {  	_ =	shalt  }
0x71: {  	_ =	shalt  }
0x72: {  	_ =	shalt  }
0x73: {  	_ =	shalt  }
0x74: {  	_ =	shalt  }
0x75: {  	_ =	shalt  }
0x76: {  	_ =	shalt  }
0x77: {  	_ =	shalt  }
0x78: {  	_ =	shalt  }
0x79: {  	_ =	shalt  }
0x7a: {  	_ =	shalt  }
0x7b: {  	_ =	shalt  }
0x7c: {  	_ =	shalt  }
0x7d: {  	_ =	shalt  }
0x7e: {  	_ =	shalt  }
0x7f: {  	_ =	shalt  }
0x80: {  	_ =	shalt  }
0x81: {  	_ =	shalt  }
0x82: {  	_ =	shalt  }
0x83: {  	_ =	shalt  }
0x84: {  	_ =	shalt  }
0x85: {  	_ =	shalt  }
0x86: {  	_ =	shalt  }
0x87: {  	_ =	shalt  }
.Lfunc_end0:
.L_simem_size_0:
called_computation.2_lowered:
.L_overlay_start_0:
0x88: {  	s2 =	sld [smem:$0x3FD9]  }
0x89: {  	s3 =	sld [smem:$0x3FFE];
	_ =	sdelay $0x1  }
0x8a: {  	s1 =	srdreg.scid  }
0x8b: {  	s0 =	sand.u32 $0x1, s1  }
0x8c: {  	s16 =	sshll.u32 s0, $0xA;
	s2 =	sadd.s32 s3, s2  }
0x8d: {  	s2 =	sadd.s32 s2, s16  }
0x8e: {  	[smem:$0x3FC0] =	sst s2  }
0x8f: {  	_ = 	snop  }
0x90: {  	(tm) =	ssettm $0x1  }
0x91: {  	s17 =	sld [smem:$0x3FFB];
	_ =	sdelay $0x3  }
0x92: {  	_ =	strace s17  }
0x93: {  	s2 =	sld [smem:$0x3FFC];
	_ =	sdelay $0x3  }
0x94: {  	_ =	strace s2  }
0x95: {  	s2 =	sld [smem:$0x3FFD];
	_ =	sdelay $0x3  }
0x96: {  	_ =	strace s2  }
0x97: {  	_ =	strace $0x8FFFFFFF  }
0x98: {  	s18 =	sld [smem:$0x3FDB];
	_ =	sdelay $0x1  }
0x99: {  	s19 =	simm.s32 $_scs_section_size  }
0x9a: {  	s4 =	simm.s32 $_size__tile_overlayer_lowered;
	s5 =	simm.s32 $_tile_overlayer_lowered  }
0x9b: {  	s22 =	simm.s32 $0x1BFF;
	s21 =	sshll.u32 s5, $0x1;
	s2 =	sadd.s32 s19, s18  }
0x9c: {  	s6 =	simm.s32 $0x0;
	s20 =	sshll.u32 s4, $0x1;
	s4 =	sadd.s32 s21, s2  }
0x9d: {  	[timem:s6], [sflag:s22] =	dma.local [hbm:s4], s20  }
0x9e: {  	_ =	swait.ge [sflag:s22], s20  }
0x9f: {  	s3 =	ssub.s32 $0x0, s20;
	[sflag:s22] =	ssyncset.done $0x0  }
0xa0: {  	[sflag:s22] =	ssyncadd.s32 s3;
	_ =	sdelay $0x1  }
0xa1: {  	s23 =	simm.s32 $0x1B8B  }
0xa2: {  	_ =	swait.ge [sflag:s23], $0x1  }
0xa3: {  	[sflag:s23] =	ssyncset.done $0x0  }
0xa4: {  	s25 =	simm.s32 $0x1B8E;
	s24 =	sld [smem:$0x3FFE];
	[sflag:s23] =	ssyncadd.s32 $0xFFFFFFFF  }
0xa5: {  	s26 =	simm.s32 $execute0_lowered;
	[smem:$0x3FD2] =	sst s25  }
0xa6: {  	s4 =	sshll.u32 s26, $0x1;
	_ =	strace $0x8000004C;
	[dreg:$0x1] =	wrdreg $0xFFFFFFFF  }
0xa7: {  	s28 =	simm.s32 $_size_execute0_lowered;
	s2 =	sadd.s32 s2, s4;
	[dreg:$0x0] =	wrdreg $0x0  }
0xa8: {  	s4 =	sshll.u32 s28, $0x1;
	[dreg:$0x2] =	wrdreg s2  }
0xa9: {  	[dreg:$0x3] =	wrdreg s4  }
0xaa: {  	[dreg:$0x4] =	wrdreg $0xC0  }
0xab: {  	_ =	task [dreg:s6], $0x5FFFF  }
0xac: {  	[dreg:$0x1] =	wrdreg $0xFFFFFFFF  }
0xad: {  	[dreg:$0x0] =	wrdreg $0x60  }
0xae: {  	[dreg:$0x2] =	wrdreg s24  }
0xaf: {  	[dreg:$0x3] =	wrdreg $0x90000  }
0xb0: {  	[dreg:$0x4] =	wrdreg $0x130000  }
0xb1: {  	[dreg:$0x5] =	wrdreg $0x9  }
0xb2: {  	_ =	task.clear_ibuf [dreg:s6], $0x6FFFF;
	_ =	strace $0x9000004C  }
0xb3: {  	s29 =	simm.s32 $0x9;
	_ =	strace $0x8000004E  }
0xb4: {  	_ =	swait.ge [sflag:s29], $0x1  }
0xb5: {  	[sflag:s29] =	ssyncadd.s32 $0xFFFFFFFF  }
0xb6: {  	_ =	strace $0x9000004E  }
0xb7: {  	_ =	sfence  }
0xb8: {  	s30 =	sld [smem:$0x0];
	_ =	sdelay $0x2  }
0xb9: {  	s31 =	sshll.u32 s1, $0xD;
	s1 =	sshrl.u32 s1, $0x2  }
0xba: {  	s3 =	sand.u32 $0x4000, s31;
	s1 =	sadd.s32 s1, s30  }
0xbb: {  	s0 =	sor.u32 s3, s0;
	s1 =	sshll.u32 s1, $0x11  }
0xbc: {  	s0 =	sor.u32 s1, s0  }
0xbd: {  	s0 =	sadd.s32 $0x8F2B, s0  }
0xbe: {  	[sflag:s0] =	ssyncadd.remote.s32 $0x1  }
0xbf: {  	_ =	sfence.sel $0xFFFF  }
0xc0: {  	[dreg:$0x0] =	wrdreg $0xFFFFFFFF;
	(pc) =	sbr.abs _section_cstart, $3  }
0xc1: {  	[dreg:$0x1] =	wrdreg $0xFFFFFFFF  }
0xc2: {  	_ =	task.clear_ibuf [dreg:s6], $0x2FFFF;
	_ =	strace $0x9FFFFFFF  }
0xc3: {  	(tm) =	ssettm $0x7FFFFFFF  }
tec
execute0_lowered:
.L_overlay_start_1:
0x0: {  	(tag) =	ssettag $0x1  }
0x1: {  	s5 =	rddreg [dreg:$0x0]  }
0x2: {  	s2 =	rddreg [dreg:$0x1]  }
0x3: {  	s3 =	rddreg [dreg:$0x2]  }
0x4: {  	s0 =	rddreg [dreg:$0x3]  }
0x5: {  	s4 =	simm.s32 $0x0;
	s1 =	stileid.u32;
	s6 =	srdreg.scid  }
0x6: {  	s15 =	simm.s32 $0x5;
	s16 =	simm.s32 $0x2800;
	s19 =	simm.s32 $0x5000  }
0x7: {  	s20 =	simm.s32 $0x80;
	s21 =	simm.s32 $0x7000;
	s22 =	simm.s32 $0x1  }
0x8: {  	s23 =	simm.s32 $0x2;
	s24 =	simm.s32 $0x3;
	s25 =	simm.s32 $0x4  }
0x9: {  	s26 =	simm.s32 $0x4F00;
	s28 =	simm.s32 $0x4F80;
	s8 =	smul.u32 $0xA000, s1  }
0xa: {  	[smem:$0x7FF] =	sst s4;
	s6 =	sand.u32 $0x1, s6;
	s9 =	smul.u32 $0x1400, s1  }
0xb: {  	s12 =	smul.u32 $0x28000, s1;
	s17 =	sshll.u32 s1, $0x6;
	_ =	strace $0x8000004D  }
0xc: {  	s7 =	sshll.u32 s6, $0x4;
	s11 =	smul.u32 $0x14000, s6;
	s6 =	ssub.s32 $0x2, s6  }
0xd: {  	s17 =	sor.u32 $0x1C05, s17;
	s10 =	sshrl.u32 s8, $0x3;
	s7 =	sor.u32 s1, s7  }
0xe: {  	s30 =	sshrl.u32 s6, $0x1;
	s31 =	sshrl.u32 s12, $0x2;
	s18 =	sadd.s32 s8, s2  }
0xf: {  	s8 =	sadd.s32 s8, s3;
	s10 =	sadd.s32 s10, s5;
	s7 =	smul.u32 $0x500, s7  }
0x10: {  	s9 =	sadd.s32 s9, s11;
	s14 =	ssub.s32 s6, s30;
	s12 =	sadd.s32 s31, s3  }
0x11: {  	s18 =	sshrl.u32 s18, $0x3;
	s13 =	sadd.s32 s9, s5;
	s9 =	sadd.s32 $0x2000, s12  }
0x12: {  	s11 =	sadd.s32 $0x6000, s12;
	s14 =	smax.u32 s14, $0x1;
	s7 =	sadd.s32 s7, s5  }
0x13: {  	s13 =	sadd.s32 $0x4D600, s13;
	s5 =	sadd.s32 $0x43600, s7;
	s6 =	sadd.s32 $0x2600, s7  }
0x14: {  	v0 =	vimm.f32 $0.0e+00;
	s7 =	sadd.s32 $0x2A600, s10;
	s10 =	sadd.s32 $0x4000, s12;
	s12 =	sadd.s32 $0x8000, s12  }
.LBB2_1:
0x15: {  	s30 =	simm.s32 $0x100;
	s29 =	simm.s32 $0x0  }
.LBB2_2:
0x16: {  	p0 =	sne.s32 s30, $0x7F00;
	[tilespmem:s29+$0x5030] =	vst v0;
	s31 =	smov.u32 s30;
	s30 =	sadd.s32 $0x100, s30  }
.Ltmp0:
0x17: {  	[tilespmem:s29+$0x5020] =	vst v0;
	(pc) =	sbr.rel @p0 .LBB2_2-.Ltmp0, $3  }
0x18: {  	[tilespmem:s29+$0x5000] =	vst v0  }
0x19: {  	[tilespmem:s29+$0x5010] =	vst v0;
	_ =	sdelay $0x1  }
0x1a: {  	s29 =	sshra.s32 s31, $0x2  }
0x1b: {  	[tilespmem:s29+$0x5030] =	vst v0  }
0x1c: {  	[tilespmem:s29+$0x5020] =	vst v0  }
0x1d: {  	[tilespmem:s29+$0x5000] =	vst v0  }
0x1e: {  	[tilespmem:s29+$0x5010] =	vst v0;
	s29 =	simm.s32 $0x0  }
0x1f: {  	[tilespmem:s29], [sflag:$0x5] =	stream.linear.gather [hbm4b:s5+s29], $0x2800, $0x38;
	[tilespmem:$0x1D000] =	vst v63  }
0x20: {  	_ =	swait.ge [sflag:s15], $0x2800  }
0x21: {  	[sflag:s15] =	ssyncset.done $0x0  }
0x22: {  	[sflag:s15] =	ssyncadd.s32 $0xFFFFD800  }
0x23: {  	[tilespmem:s16], [sflag:$0x5] =	stream.linear.gather [hbm4b:s6+s29], $0x2800, $0x38;
	[tilespmem:$0x1D000] =	vst v63  }
0x24: {  	_ =	swait.ge [sflag:s15], $0x2800  }
0x25: {  	[sflag:s15] =	ssyncset.done $0x0  }
0x26: {  	[sflag:s15] =	ssyncadd.s32 $0xFFFFD800  }
0x27: {  	[spmem:s18], [sflag:s17] =	dma.local [hbm:s7], $0x1400  }
0x28: {  	_ =	swait.ge [sflag:s15], $0x1400  }
0x29: {  	[sflag:s15] =	ssyncset.done $0x0  }
0x2a: {  	[sflag:s15] =	ssyncadd.s32 $0xFFFFEC00  }
0x2b: {  	[spmem:s8] =	stream.linear.scatter [tilespmem:s19], [sflag:$0x5], $0x2000, $0x38;
	[tilespmem:$0x1D000] =	vst v63  }
0x2c: {  	_ =	swait.ge [sflag:s15], $0x2000  }
0x2d: {  	[sflag:s15] =	ssyncset.done $0x0  }
0x2e: {  	[sflag:s15] =	ssyncadd.s32 $0xFFFFE000  }
0x2f: {  	[spmem:s9] =	stream.linear.scatter [tilespmem:s19], [sflag:$0x5], $0x2000, $0x38;
	[tilespmem:$0x1D000] =	vst v63  }
0x30: {  	_ =	swait.ge [sflag:s15], $0x2000  }
0x31: {  	[sflag:s15] =	ssyncset.done $0x0  }
0x32: {  	[sflag:s15] =	ssyncadd.s32 $0xFFFFE000  }
0x33: {  	[spmem:s10] =	stream.linear.scatter [tilespmem:s19], [sflag:$0x5], $0x2000, $0x38;
	[tilespmem:$0x1D000] =	vst v63  }
0x34: {  	_ =	swait.ge [sflag:s15], $0x2000  }
0x35: {  	[sflag:s15] =	ssyncset.done $0x0  }
0x36: {  	[sflag:s15] =	ssyncadd.s32 $0xFFFFE000  }
0x37: {  	[spmem:s11] =	stream.linear.scatter [tilespmem:s19], [sflag:$0x5], $0x2000, $0x38;
	[tilespmem:$0x1D000] =	vst v63  }
0x38: {  	_ =	swait.ge [sflag:s15], $0x2000  }
0x39: {  	[sflag:s15] =	ssyncset.done $0x0  }
0x3a: {  	[sflag:s15] =	ssyncadd.s32 $0xFFFFE000  }
0x3b: {  	[spmem:s12] =	stream.linear.scatter [tilespmem:s19], [sflag:$0x5], $0x2000, $0x38;
	[tilespmem:$0x1D000] =	vst v63  }
0x3c: {  	_ =	swait.ge [sflag:s15], $0x2000  }
0x3d: {  	[sflag:s15] =	ssyncset.done $0x0  }
0x3e: {  	[sflag:s15] =	ssyncadd.s32 $0xFFFFE000  }
0x3f: {  	[bflag:$0x0] =	sbarrier.arrive $0xFFFF  }
0x40: {  	[tilespmem:s19], [sflag:$0x1] =	stream.indirect.gather [spmem:s2], $0x40, s29, s20, $0xb8;
	[tilespmem:$0x1D000] =	vst v63  }
0x41: {  	_ = 	snop  }
0x42: {  	[tilespmem:s21], [sflag:$0x2] =	stream.indirect.gather [spmem:s2], $0x40, s20, s20, $0xb8;
	[tilespmem:$0x1D000] =	vst v63  }
0x43: {  	_ =	swait.ge [sflag:s22], $0x2000  }
0x44: {  	[sflag:s22] =	ssyncset.done $0x0  }
0x45: {  	s29 =	simm.s32 $0x2800;
	[sflag:s22] =	ssyncadd.s32 $0xFFFFE000  }
0x46: {  	[spmem:s3] =	stream.indirect.scatter.add.f32 [tilespmem:s19], [sflag:$0x3], $0x40, s29, s20, $0xb8;
	[tilespmem:$0x1D000] =	vst v63  }
0x47: {  	_ =	swait.ge [sflag:s23], $0x2000  }
0x48: {  	[sflag:s23] =	ssyncset.done $0x0  }
0x49: {  	s29 =	simm.s32 $0x2880;
	[sflag:s23] =	ssyncadd.s32 $0xFFFFE000  }
0x4a: {  	[spmem:s3] =	stream.indirect.scatter.add.f32 [tilespmem:s21], [sflag:$0x4], $0x40, s29, s20, $0xb8;
	[tilespmem:$0x1D000] =	vst v63  }
0x4b: {  	_ =	swait.ge [sflag:s24], $0x2000  }
0x4c: {  	[sflag:s24] =	ssyncset.done $0x0  }
0x4d: {  	[sflag:s24] =	ssyncadd.s32 $0xFFFFE000  }
0x4e: {  	_ =	swait.ge [sflag:s25], $0x2000  }
0x4f: {  	[sflag:s25] =	ssyncset.done $0x0  }
0x50: {  	s29 =	simm.s32 $0x100;
	[sflag:s25] =	ssyncadd.s32 $0xFFFFE000  }
0x51: {  	[tilespmem:s19], [sflag:$0x1] =	stream.indirect.gather [spmem:s2], $0x40, s29, s20, $0xb8;
	[tilespmem:$0x1D000] =	vst v63  }
0x52: {  	s30 =	simm.s32 $0x180;
	s29 =	simm.s32 $0x400  }
.LBB2_4:
0x53: {  	[tilespmem:s21], [sflag:$0x2] =	stream.indirect.gather [spmem:s2], $0x40, s30, s20, $0xb8;
	[tilespmem:$0x1D000] =	vst v63  }
0x54: {  	s30 =	smov.u32 s29  }
0x55: {  	p0 =	sne.s32 s29, $0x9800;
	s29 =	sadd.s32 $0x400, s29;
	_ =	swait.ge [sflag:s22], $0x2000  }
0x56: {  	s30 =	sshra.s32 s30, $0x2;
	[sflag:s22] =	ssyncset.done $0x0  }
0x57: {  	s31 =	sadd.s32 $0x2800, s30;
	[sflag:s22] =	ssyncadd.s32 $0xFFFFE000  }
0x58: {  	[spmem:s3] =	stream.indirect.scatter.add.f32 [tilespmem:s19], [sflag:$0x3], $0x40, s31, s20, $0xb8;
	[tilespmem:$0x1D000] =	vst v63  }
0x59: {  	_ =	swait.ge [sflag:s23], $0x2000  }
0x5a: {  	[sflag:s23] =	ssyncset.done $0x0  }
0x5b: {  	s31 =	sadd.s32 $0x2880, s30;
	[sflag:s23] =	ssyncadd.s32 $0xFFFFE000  }
0x5c: {  	[spmem:s3] =	stream.indirect.scatter.add.f32 [tilespmem:s21], [sflag:$0x4], $0x40, s31, s20, $0xb8;
	[tilespmem:$0x1D000] =	vst v63  }
0x5d: {  	_ =	swait.ge [sflag:s24], $0x2000  }
0x5e: {  	[sflag:s24] =	ssyncset.done $0x0  }
0x5f: {  	[sflag:s24] =	ssyncadd.s32 $0xFFFFE000  }
.Ltmp1:
0x60: {  	_ =	swait.ge [sflag:s25], $0x2000;
	(pc) =	sbr.rel @p0 .LBB2_4-.Ltmp1, $4  }
0x61: {  	[sflag:s25] =	ssyncset.done $0x0  }
0x62: {  	s31 =	sadd.s32 $0x100, s30;
	[sflag:s25] =	ssyncadd.s32 $0xFFFFE000  }
0x63: {  	[tilespmem:s19], [sflag:$0x1] =	stream.indirect.gather [spmem:s2], $0x40, s31, s20, $0xb8;
	[tilespmem:$0x1D000] =	vst v63  }
0x64: {  	s30 =	sadd.s32 $0x180, s30  }
0x65: {  	[tilespmem:s21], [sflag:$0x2] =	stream.indirect.gather [spmem:s2], $0x40, s30, s20, $0xb8;
	[tilespmem:$0x1D000] =	vst v63  }
0x66: {  	_ =	swait.ge [sflag:s22], $0x2000  }
0x67: {  	[sflag:s22] =	ssyncset.done $0x0  }
0x68: {  	[sflag:s22] =	ssyncadd.s32 $0xFFFFE000  }
0x69: {  	[spmem:s3] =	stream.indirect.scatter.add.f32 [tilespmem:s19], [sflag:$0x3], $0x40, s26, s20, $0xb8;
	[tilespmem:$0x1D000] =	vst v63  }
0x6a: {  	_ =	swait.ge [sflag:s23], $0x2000  }
0x6b: {  	[sflag:s23] =	ssyncset.done $0x0  }
0x6c: {  	[sflag:s23] =	ssyncadd.s32 $0xFFFFE000  }
0x6d: {  	[spmem:s3] =	stream.indirect.scatter.add.f32 [tilespmem:s21], [sflag:$0x4], $0x40, s28, s20, $0xb8;
	[tilespmem:$0x1D000] =	vst v63  }
0x6e: {  	_ =	swait.ge [sflag:s24], $0x2000  }
0x6f: {  	[sflag:s24] =	ssyncset.done $0x0  }
0x70: {  	[sflag:s24] =	ssyncadd.s32 $0xFFFFE000  }
0x71: {  	_ =	swait.ge [sflag:s25], $0x2000  }
0x72: {  	s4 =	sadd.s32 $0x1, s4;
	[sflag:s25] =	ssyncset.done $0x0  }
0x73: {  	p0 =	sne.s32 s4, s14;
	[sflag:s25] =	ssyncadd.s32 $0xFFFFE000  }
.Ltmp2:
0x74: {  	s29 =	sshrl.u32 s8, $0x3;
	[bflag:$0x0] =	sbarrier.arrive $0xFFFF;
	(pc) =	sbr.rel @p0 .LBB2_1-.Ltmp2, $4  }
0x75: {  	[hbm:s13], [sflag:s17] =	dma.local [spmem:s29], $0x1400  }
0x76: {  	_ =	swait.ge [sflag:s15], $0x1400  }
0x77: {  	[sflag:s15] =	ssyncset.done $0x0  }
0x78: {  	[sflag:s15] =	ssyncadd.s32 $0xFFFFEC00  }
0x79: {  	_ =	sfence.sel $0x180000  }
0x7a: {  	[bflag:$0x0] =	sbarrier.arrive $0xFFFF  }
0x7b: {  	p0 =	sne.s32 s1, $0x0;
	_ =	strace $0x9000004D  }
0x7c: {  	s0 =	sadd.s32 @!p0 $0x100000, s0;
	[bflag:$0x2] =	sbarrier.arrive $0xFFFF  }
0x7d: {  	[sflag:s0] =	ssyncadd.tile.s32 @!p0 $0x1;
	_ =	shalt  }
.Lfunc_end2:
_tile_overlayer_lowered:
.L_overlay_start_2:
0x7e: {  	(tag) =	ssettag $0x2  }
0x7f: {  	s0 =	rddreg [dreg:$0x0];
	s2 =	stileid.u32  }
0x80: {  	s1 =	rddreg [dreg:$0x1];
	p0 =	sne.s32 s2, $0x0  }
0x81: {  	s3 =	rddreg [dreg:$0x2];
	[bflag:$0x3] =	sbarrier.arrive $0xFFFF;
	s2 =	simm.s32 @!p0 $0x1C05  }
0x82: {  	[timem:s3], [sflag:s2] =	dma.local @!p0 [hbm:s0], s1  }
0x83: {  	s0 =	simm.s32 @!p0 $0x5  }
0x84: {  	_ =	swait.ge @!p0 [sflag:s0], s1  }
0x85: {  	s1 =	ssub.s32 @!p0 $0x0, s1;
	[sflag:s0] =	ssyncset.done @!p0 $0x0  }
0x86: {  	[sflag:s0] =	ssyncadd.s32 @!p0 s1  }
0x87: {  	[bflag:$0x3] =	sbarrier.arrive $0xFFFF  }
0x88: {  	_ =	shalt  }

// kernel: kernel.21.cloned.1.call-start
scs
__scs_entry_jumppad:
0x0: {  	(pc) =	sbr.rel $0x88, $3  }
0x1: {  	(tag) =	ssettag $0x0;
	lr =	simm.s32 $0x1  }
0x2: {  	[smem:$0x3F99] =	sst lr;
	_ =	strace $0xD0000000  }
0x3: {  	_ = 	snop  }
0x4: {  	_ = 	snop  }
0x5: {  	_ = 	snop  }
0x6: {  	_ = 	snop  }
0x7: {  	_ = 	snop  }
__scs_overlays_trampoline_lowered:
0x8: {  	[smem:$0x3FA8] =	sst s0  }
0x9: {  	[smem:$0x3FA9] =	sst s1  }
0xa: {  	[smem:$0x3FAA] =	sst s2  }
0xb: {  	[smem:$0x3FAB] =	sst s3  }
0xc: {  	[smem:$0x3FAC] =	sst s4  }
0xd: {  	[smem:$0x3FAD] =	sst s5  }
0xe: {  	[smem:$0x3FAE] =	sst s6  }
0xf: {  	[smem:$0x3FAF] =	sst s7  }
0x10: {  	[smem:$0x3FB0] =	sst s8  }
0x11: {  	[smem:$0x3FB1] =	sst s9;
	s0 =	simm.s32 @!p0 $0x0  }
0x12: {  	s1 =	sld [smem:$0x3F97];
	s0 =	simm.s32 @p0 $0x1  }
0x13: {  	[smem:$0x3FB2] =	sst s0;
	s0 =	simm.s32 @!p1 $0x0  }
0x14: {  	s2 =	sld [smem:$0x3F96];
	s0 =	simm.s32 @p1 $0x1  }
0x15: {  	[smem:$0x3FB3] =	sst s0;
	s0 =	simm.s32 @!p2 $0x0  }
0x16: {  	s3 =	sld [smem:$0x3FDB];
	s0 =	simm.s32 @p2 $0x1  }
0x17: {  	s4 =	simm.s32 $0x1BF5;
	[smem:$0x3FB5] =	sst s0  }
0x18: {  	s0 =	sld [smem:$0x3F98];
	_ =	swait.ge [sflag:s4], $0x0  }
0x19: {  	s7 =	sld [smem:$0x3F99]  }
0x1a: {  	s8 =	sadd.s32 $0xFFFFE003, lr  }
0x1b: {  	s9 =	sadd.s32 $0xFFFFFEF7, lr;
	s5 =	simm.s32 $0xFFFFFFFF;
	p2 =	slt.u32 s8, $0xFFFFF086  }
0x1c: {  	p1 =	slt.u32 s9, $0xF7A;
	s5 =	simm.s32 @!p2 $0x0  }
0x1d: {  	s5 =	simm.s32 @p1 $0x1;
	p0 =	seq.s32 s7, s2  }
0x1e: {  	s7 =	smul.u32 @!p0 $0xF7A, s2;
	p2 =	seq.s32 @!p0 s5, $0x0  }
0x1f: {  	s9 =	smul.u32 $0xF7A, s1;
	s8 =	simm.s32 @!p0 $0x1BF5;
	p2 =	por !p2, p0  }
0x20: {  	[sflag:s8] =	ssyncset.s32 @!p0 $0xFFFFF086;
	s6 =	sadd.s32 @!p0 s3, s7;
	s7 =	simm.s32 @!p0 $0x108  }
0x21: {  	s3 =	sadd.s32 s3, s9;
	s6 =	sadd.s32 @!p0 $0x88, s6;
	s7 =	simm.s32 @p2 $0x1082  }
0x22: {  	[simem:s7], [sflag:s8] =	dma.local @!p0 [hbm:s6], $0xF7A  }
0x23: {  	s9 =	sor.u32 $0xD0000000, s2;
	s6 =	simm.s32 $0x108;
	_ =	swait.ge @!p0 [sflag:s8], $0x0  }
0x24: {  	s3 =	sadd.s32 $0x88, s3;
	s6 =	simm.s32 @!p1 $0x1082;
	[sflag:s4] =	ssyncset.s32 $0xFFFFF086  }
0x25: {  	[simem:s6], [sflag:s4] =	dma.local [hbm:s3], $0xF7A  }
0x26: {  	[smem:$0x3F99] =	sst s1;
	(tag) =	ssettag s2;
	_ =	strace s9  }
0x27: {  	s1 =	sld [smem:$0x3FA9]  }
0x28: {  	s2 =	sld [smem:$0x3FAA]  }
0x29: {  	s4 =	sld [smem:$0x3FAC]  }
0x2a: {  	p0 =	seq.s32 s5, $0x0;
	s5 =	sld [smem:$0x3FAD]  }
0x2b: {  	s6 =	sld [smem:$0x3FAE]  }
0x2c: {  	s7 =	sld [smem:$0x3FAF]  }
0x2d: {  	s3 =	simm.s32 $0x108;
	s8 =	sld [smem:$0x3FB0]  }
0x2e: {  	s3 =	simm.s32 @!p0 $0x1082;
	s9 =	sld [smem:$0x3FB1]  }
0x2f: {  	lr =	sadd.s32 s0, s3;
	s0 =	sld [smem:$0x3FA8]  }
0x30: {  	s3 =	sld [smem:$0x3FAB]  }
0x31: {  	[smem:$0x3FB4] =	sst s10  }
0x32: {  	s10 =	sld [smem:$0x3FB2];
	_ =	sdelay $0x3  }
0x33: {  	p0 =	seq.s32 s10, $0x1;
	s10 =	sld [smem:$0x3FB4];
	_ =	sdelay $0x3  }
0x34: {  	[smem:$0x3FB4] =	sst s10  }
0x35: {  	s10 =	sld [smem:$0x3FB3];
	_ =	sdelay $0x3  }
0x36: {  	p1 =	seq.s32 s10, $0x1;
	s10 =	sld [smem:$0x3FB4];
	_ =	sdelay $0x3  }
0x37: {  	[smem:$0x3FB4] =	sst s10  }
0x38: {  	s10 =	sld [smem:$0x3FB5]  }
0x39: {  	_ = 	snop;
	(pc) =	sbr.ind lr, $3  }
0x3a: {  	_ = 	snop  }
0x3b: {  	_ = 	snop  }
0x3c: {  	p2 =	seq.s32 s10, $0x1;
	s10 =	sld [smem:$0x3FB4]  }
0x3d: {  	_ =	shalt  }
0x3e: {  	_ =	shalt  }
0x3f: {  	_ =	shalt  }
0x40: {  	_ =	shalt  }
0x41: {  	_ =	shalt  }
0x42: {  	_ =	shalt  }
0x43: {  	_ =	shalt  }
0x44: {  	_ =	shalt  }
0x45: {  	_ =	shalt  }
0x46: {  	_ =	shalt  }
0x47: {  	_ =	shalt  }
0x48: {  	_ =	shalt  }
0x49: {  	_ =	shalt  }
0x4a: {  	_ =	shalt  }
0x4b: {  	_ =	shalt  }
0x4c: {  	_ =	shalt  }
0x4d: {  	_ =	shalt  }
0x4e: {  	_ =	shalt  }
0x4f: {  	_ =	shalt  }
0x50: {  	_ =	shalt  }
0x51: {  	_ =	shalt  }
0x52: {  	_ =	shalt  }
0x53: {  	_ =	shalt  }
0x54: {  	_ =	shalt  }
0x55: {  	_ =	shalt  }
0x56: {  	_ =	shalt  }
0x57: {  	_ =	shalt  }
0x58: {  	_ =	shalt  }
0x59: {  	_ =	shalt  }
0x5a: {  	_ =	shalt  }
0x5b: {  	_ =	shalt  }
0x5c: {  	_ =	shalt  }
0x5d: {  	_ =	shalt  }
0x5e: {  	_ =	shalt  }
0x5f: {  	_ =	shalt  }
0x60: {  	_ =	shalt  }
0x61: {  	_ =	shalt  }
0x62: {  	_ =	shalt  }
0x63: {  	_ =	shalt  }
0x64: {  	_ =	shalt  }
0x65: {  	_ =	shalt  }
0x66: {  	_ =	shalt  }
0x67: {  	_ =	shalt  }
0x68: {  	_ =	shalt  }
0x69: {  	_ =	shalt  }
0x6a: {  	_ =	shalt  }
0x6b: {  	_ =	shalt  }
0x6c: {  	_ =	shalt  }
0x6d: {  	_ =	shalt  }
0x6e: {  	_ =	shalt  }
0x6f: {  	_ =	shalt  }
0x70: {  	_ =	shalt  }
0x71: {  	_ =	shalt  }
0x72: {  	_ =	shalt  }
0x73: {  	_ =	shalt  }
0x74: {  	_ =	shalt  }
0x75: {  	_ =	shalt  }
0x76: {  	_ =	shalt  }
0x77: {  	_ =	shalt  }
0x78: {  	_ =	shalt  }
0x79: {  	_ =	shalt  }
0x7a: {  	_ =	shalt  }
0x7b: {  	_ =	shalt  }
0x7c: {  	_ =	shalt  }
0x7d: {  	_ =	shalt  }
0x7e: {  	_ =	shalt  }
0x7f: {  	_ =	shalt  }
0x80: {  	_ =	shalt  }
0x81: {  	_ =	shalt  }
0x82: {  	_ =	shalt  }
0x83: {  	_ =	shalt  }
0x84: {  	_ =	shalt  }
0x85: {  	_ =	shalt  }
0x86: {  	_ =	shalt  }
0x87: {  	_ =	shalt  }
.Lfunc_end0:
.L_simem_size_0:
called_computation.3_lowered:
.L_overlay_start_0:
0x88: {  	s2 =	sld [smem:$0x3FD9]  }
0x89: {  	s3 =	sld [smem:$0x3FFE];
	_ =	sdelay $0x1  }
0x8a: {  	s1 =	srdreg.scid  }
0x8b: {  	s0 =	sand.u32 $0x1, s1  }
0x8c: {  	s17 =	sshll.u32 s0, $0xA;
	s2 =	sadd.s32 s3, s2  }
0x8d: {  	s2 =	sadd.s32 s2, s17  }
0x8e: {  	[smem:$0x3FC0] =	sst s2  }
0x8f: {  	_ = 	snop  }
0x90: {  	s2 =	sld [smem:$0x3FC6];
	(tm) =	ssettm $0x1  }
0x91: {  	s18 =	sld [smem:$0x3FFB];
	_ =	sdelay $0x3  }
0x92: {  	_ =	strace s18  }
0x93: {  	s3 =	sld [smem:$0x3FFC];
	_ =	sdelay $0x3  }
0x94: {  	_ =	strace s3  }
0x95: {  	s3 =	sld [smem:$0x3FFD];
	_ =	sdelay $0x3  }
0x96: {  	_ =	strace s3  }
0x97: {  	_ =	strace $0x8FFFFFFF  }
0x98: {  	s19 =	sld [smem:$0x3FDB];
	_ =	sdelay $0x1  }
0x99: {  	s4 =	simm.s32 $_scs_section_size  }
0x9a: {  	s5 =	simm.s32 $_size__tile_overlayer_lowered;
	s6 =	simm.s32 $_tile_overlayer_lowered  }
0x9b: {  	s22 =	simm.s32 $0x1BFF;
	s21 =	sshll.u32 s6, $0x1;
	s3 =	sadd.s32 s4, s19  }
0x9c: {  	s7 =	simm.s32 $0x0;
	s20 =	sshll.u32 s5, $0x1;
	s5 =	sadd.s32 s21, s3  }
0x9d: {  	[timem:s7], [sflag:s22] =	dma.local [hbm:s5], s20  }
0x9e: {  	_ =	swait.ge [sflag:s22], s20  }
0x9f: {  	s4 =	ssub.s32 $0x0, s20;
	[sflag:s22] =	ssyncset.done $0x0  }
0xa0: {  	[sflag:s22] =	ssyncadd.s32 s4;
	_ =	sdelay $0x1  }
0xa1: {  	s23 =	simm.s32 $0x1B8B  }
0xa2: {  	_ =	swait.ge [sflag:s23], $0x1  }
0xa3: {  	[sflag:s23] =	ssyncset.done $0x0  }
0xa4: {  	s25 =	simm.s32 $0x1B8E;
	s24 =	sld [smem:$0x3FFE];
	[sflag:s23] =	ssyncadd.s32 $0xFFFFFFFF  }
0xa5: {  	s26 =	simm.s32 $execute0_lowered;
	[smem:$0x3FD2] =	sst s25  }
0xa6: {  	s5 =	sshll.u32 s26, $0x1;
	_ =	strace $0x8000004F;
	[dreg:$0x1] =	wrdreg $0xFFFFFFFF  }
0xa7: {  	s28 =	simm.s32 $_size_execute0_lowered;
	s3 =	sadd.s32 s3, s5;
	[dreg:$0x0] =	wrdreg $0x0  }
0xa8: {  	s5 =	sshll.u32 s28, $0x1;
	[dreg:$0x2] =	wrdreg s3  }
0xa9: {  	[dreg:$0x3] =	wrdreg s5  }
0xaa: {  	[dreg:$0x4] =	wrdreg $0xC0  }
0xab: {  	_ =	task [dreg:s7], $0x5FFFF  }
0xac: {  	[dreg:$0x1] =	wrdreg $0xFFFFFFFF  }
0xad: {  	[dreg:$0x0] =	wrdreg $0x60  }
0xae: {  	[dreg:$0x2] =	wrdreg s24  }
0xaf: {  	[dreg:$0x3] =	wrdreg s2  }
0xb0: {  	[dreg:$0x4] =	wrdreg $0x9  }
0xb1: {  	_ =	task.clear_ibuf [dreg:s7], $0x5FFFF;
	_ =	strace $0x9000004F  }
0xb2: {  	s29 =	simm.s32 $0x9;
	_ =	strace $0x80000051  }
0xb3: {  	_ =	swait.ge [sflag:s29], $0x1  }
0xb4: {  	[sflag:s29] =	ssyncadd.s32 $0xFFFFFFFF  }
0xb5: {  	_ =	strace $0x90000051  }
0xb6: {  	_ =	sfence  }
0xb7: {  	s30 =	sld [smem:$0x0];
	_ =	sdelay $0x2  }
0xb8: {  	s31 =	sshll.u32 s1, $0xD;
	s1 =	sshrl.u32 s1, $0x2  }
0xb9: {  	s3 =	sand.u32 $0x4000, s31;
	s1 =	sadd.s32 s1, s30  }
0xba: {  	s0 =	sor.u32 s3, s0;
	s1 =	sshll.u32 s1, $0x11  }
0xbb: {  	s0 =	sor.u32 s1, s0  }
0xbc: {  	s0 =	sadd.s32 $0x8F2B, s0  }
0xbd: {  	[sflag:s0] =	ssyncadd.remote.s32 $0x1  }
0xbe: {  	_ =	sfence.sel $0xFFFF  }
0xbf: {  	[dreg:$0x0] =	wrdreg $0xFFFFFFFF;
	(pc) =	sbr.abs _section_cstart, $3  }
0xc0: {  	[dreg:$0x1] =	wrdreg $0xFFFFFFFF  }
0xc1: {  	_ =	task.clear_ibuf [dreg:s7], $0x2FFFF;
	_ =	strace $0x9FFFFFFF  }
0xc2: {  	(tm) =	ssettm $0x7FFFFFFF  }
0xc3: {  	_ =	shalt  }
tec
execute0_lowered:
.L_overlay_start_1:
0x0: {  	(tag) =	ssettag $0x1  }
0x1: {  	s0 =	srdreg.scid  }
0x2: {  	s5 =	rddreg [dreg:$0x0];
	s4 =	sand.u32 $0x1, s0  }
0x3: {  	s2 =	rddreg [dreg:$0x1];
	s0 =	stileid.u32;
	s1 =	sshll.u32 s4, $0x4  }
0x4: {  	s3 =	simm.s32 $0x0;
	s12 =	simm.s32 $0xA000;
	s6 =	sor.u32 s0, s1  }
0x5: {  	s13 =	simm.s32 $0x10400;
	s14 =	simm.s32 $0x0;
	s7 =	smul.u32 $0x280, s6  }
0x6: {  	[smem:$0x7FF] =	sst s3;
	s4 =	ssub.s32 $0x2, s4;
	s8 =	smul.u32 $0x5000, s6  }
0x7: {  	s9 =	sadd.s32 $0x4D600, s5;
	s31 =	sshrl.u32 s4, $0x1;
	s6 =	smul.u32 $0xA00, s6  }
0x8: {  	s1 =	rddreg [dreg:$0x2];
	_ =	strace $0x80000050;
	s11 =	ssub.s32 s4, s31  }
0x9: {  	s7 =	sadd.s32 s7, s5;
	s8 =	sshrl.u32 s8, $0x3;
	s10 =	sadd.s32 s6, s5  }
0xa: {  	s4 =	sadd.s32 s9, s6;
	s8 =	sadd.s32 s9, s8;
	s6 =	sadd.s32 $0x2A600, s10  }
0xb: {  	s7 =	sadd.s32 $0x3E600, s7;
	s9 =	smax.u32 s11, $0x1;
	s11 =	simm.s32 $0x5000  }
0xc: {  	s5 =	sadd.s32 $0x14000, s8;
	s8 =	sadd.s32 $0xC600, s10;
	s10 =	simm.s32 $0x1  }
.LBB2_1:
0xd: {  	[tilespmem:s3], [sflag:$0x1] =	stream.linear.gather [hbm4b:s4+s3], $0x5000, $0x38;
	[tilespmem:$0x10440] =	vst v63  }
0xe: {  	_ =	swait.ge [sflag:s10], $0x5000  }
0xf: {  	[sflag:s10] =	ssyncset.done $0x0  }
0x10: {  	[sflag:s10] =	ssyncadd.s32 $0xFFFFB000  }
0x11: {  	[tilespmem:s11], [sflag:$0x1] =	stream.linear.gather [hbm4b:s5+s3], $0x5000, $0x38;
	[tilespmem:$0x10440] =	vst v63  }
0x12: {  	_ =	swait.ge [sflag:s10], $0x5000  }
0x13: {  	[sflag:s10] =	ssyncset.done $0x0  }
0x14: {  	[sflag:s10] =	ssyncadd.s32 $0xFFFFB000  }
0x15: {  	[tilespmem:s12], [sflag:$0x1] =	stream.linear.gather [hbm4b:s6+s3], $0x5000, $0x38;
	[tilespmem:$0x10440] =	vst v63  }
0x16: {  	_ =	swait.ge [sflag:s10], $0x5000  }
0x17: {  	[sflag:s10] =	ssyncset.done $0x0  }
0x18: {  	s15 =	simm.s32 $0xF000;
	[sflag:s10] =	ssyncadd.s32 $0xFFFFB000  }
0x19: {  	[tilespmem:s15], [sflag:$0x1] =	stream.linear.gather [hbm4b:s7+s3], $0x1400, $0x38;
	[tilespmem:$0x10440] =	vst v63  }
0x1a: {  	_ =	swait.ge [sflag:s10], $0x1400  }
0x1b: {  	[sflag:s10] =	ssyncset.done $0x0  }
0x1c: {  	[sflag:s10] =	ssyncadd.s32 $0xFFFFEC00  }
0x1d: {  	[tilespmem:s13], [sflag:$0x1] =	stream.linear.gather [hbm4b:s2+s3], $0x40, $0x38;
	[tilespmem:$0x10440] =	vst v63  }
0x1e: {  	_ =	swait.ge [sflag:s10], $0x40  }
0x1f: {  	[sflag:s10] =	ssyncset.done $0x0  }
0x20: {  	s16 =	simm.s32 $0x0;
	[sflag:s10] =	ssyncadd.s32 $0xFFFFFFC0  }
0x21: {  	v0 =	vld [tilespmem:s16+$0x0]  }
0x22: {  	v1 =	vld [tilespmem:s16+$0x5000];
	_ =	sdelay $0x1  }
0x23: {  	v2 =	vld [tilespmem:s16+$0xA000];
	_ =	sdelay $0x1  }
0x24: {  	v3 =	vld [tilespmem:s15+$0x0]  }
0x25: {  	v0 =	vadd.f32 v1, v0  }
0x26: {  	v1 =	vld [tilespmem:$0x10400]  }
0x27: {  	v0 =	vadd.f32 v2, v0  }
0x28: {  	v4 =	vld [tilespmem:s16+$0x10]  }
0x29: {  	v2 =	vld [tilespmem:s16+$0x5010];
	v0 =	vmul.f32 v0, v3;
	_ =	sdelay $0x1  }
0x2a: {  	v5 =	vld [tilespmem:s16+$0xA010];
	v0 =	vadd.f32 v0, v1;
	_ =	sdelay $0x1  }
0x2b: {  	v0 =	vmax.f32 v0, $0.0e+00  }
0x2c: {  	v2 =	vadd.f32 v2, v4;
	[tilespmem:s16+$0x0] =	vst v0  }
0x2d: {  	v0 =	vld [tilespmem:$0x10410]  }
0x2e: {  	v2 =	vadd.f32 v5, v2  }
0x2f: {  	v1 =	vld [tilespmem:s16+$0x5020]  }
0x30: {  	v4 =	vld [tilespmem:s16+$0x20];
	v2 =	vmul.f32 v2, v3;
	_ =	sdelay $0x1  }
0x31: {  	v5 =	vld [tilespmem:s16+$0xA020];
	v0 =	vadd.f32 v2, v0;
	_ =	sdelay $0x1  }
0x32: {  	v0 =	vmax.f32 v0, $0.0e+00  }
0x33: {  	v1 =	vadd.f32 v1, v4;
	[tilespmem:s16+$0x10] =	vst v0  }
0x34: {  	v0 =	vld [tilespmem:$0x10420]  }
0x35: {  	v1 =	vadd.f32 v5, v1  }
0x36: {  	v4 =	vld [tilespmem:s16+$0x30]  }
0x37: {  	v2 =	vld [tilespmem:s16+$0x5030];
	v1 =	vmul.f32 v1, v3;
	_ =	sdelay $0x1  }
0x38: {  	v5 =	vld [tilespmem:s16+$0xA030];
	v0 =	vadd.f32 v1, v0;
	_ =	sdelay $0x1  }
0x39: {  	v0 =	vmax.f32 v0, $0.0e+00  }
0x3a: {  	v1 =	vadd.f32 v2, v4;
	[tilespmem:s16+$0x20] =	vst v0  }
0x3b: {  	v2 =	vld [tilespmem:$0x10430]  }
0x3c: {  	v0 =	vadd.f32 v5, v1  }
0x3d: {  	s19 =	simm.s32 $0x40  }
0x3e: {  	v1 =	vld [tilespmem:s19+$0x5000];
	v3 =	vmul.f32 v0, v3  }
0x3f: {  	v0 =	vld [tilespmem:s19+$0x0]  }
0x40: {  	s17 =	simm.s32 $0x200;
	v3 =	vadd.f32 v3, v2;
	v2 =	vld [tilespmem:s19+$0xA000]  }
.LBB2_2:
0x41: {  	p0 =	sne.s32 s17, $0x13F00  }
0x42: {  	v4 =	vld [tilespmem:s19+$0x5020];
	v3 =	vmax.f32 v3, $0.0e+00;
	s15 =	sadd.s32 $0x10, s15;
	s18 =	smov.u32 s17;
	s17 =	sadd.s32 $0x100, s17  }
0x43: {  	[tilespmem:s16+$0x30] =	vst v3;
	s16 =	smov.u32 s19  }
0x44: {  	v3 =	vld [tilespmem:s15+$0x0]  }
0x45: {  	v0 =	vadd.f32 v1, v0;
	v1 =	vld [tilespmem:$0x10400];
	_ =	sdelay $0x1  }
0x46: {  	v0 =	vadd.f32 v2, v0;
	v2 =	vld [tilespmem:s16+$0x5010]  }
0x47: {  	v5 =	vld [tilespmem:s16+$0x10]  }
0x48: {  	v0 =	vmul.f32 v0, v3  }
0x49: {  	v6 =	vld [tilespmem:s16+$0xA010]  }
0x4a: {  	v0 =	vadd.f32 v0, v1;
	_ =	sdelay $0x1  }
0x4b: {  	v0 =	vmax.f32 v0, $0.0e+00;
	v1 =	vadd.f32 v2, v5  }
0x4c: {  	[tilespmem:s16+$0x0] =	vst v0  }
0x4d: {  	v0 =	vadd.f32 v6, v1;
	v1 =	vld [tilespmem:$0x10410];
	_ =	sdelay $0x1  }
0x4e: {  	v0 =	vmul.f32 v0, v3;
	v2 =	vld [tilespmem:s16+$0x20];
	_ =	sdelay $0x1  }
0x4f: {  	v5 =	vld [tilespmem:s16+$0xA020]  }
0x50: {  	v0 =	vadd.f32 v0, v1;
	_ =	sdelay $0x1  }
0x51: {  	v0 =	vmax.f32 v0, $0.0e+00;
	v1 =	vadd.f32 v4, v2  }
0x52: {  	[tilespmem:s16+$0x10] =	vst v0  }
0x53: {  	v0 =	vadd.f32 v5, v1;
	v1 =	vld [tilespmem:$0x10420]  }
0x54: {  	v2 =	vld [tilespmem:s16+$0x5030]  }
0x55: {  	v0 =	vmul.f32 v0, v3;
	v4 =	vld [tilespmem:s16+$0x30];
	_ =	sdelay $0x1  }
0x56: {  	v5 =	vld [tilespmem:s16+$0xA030]  }
0x57: {  	v0 =	vadd.f32 v0, v1;
	_ =	sdelay $0x1  }
0x58: {  	v0 =	vmax.f32 v0, $0.0e+00;
	v1 =	vadd.f32 v2, v4  }
0x59: {  	[tilespmem:s16+$0x20] =	vst v0  }
0x5a: {  	v0 =	vadd.f32 v5, v1;
	v2 =	vld [tilespmem:$0x10430];
	_ =	sdelay $0x1  }
.Ltmp0:
0x5b: {  	v3 =	vmul.f32 v0, v3;
	(pc) =	sbr.rel @p0 .LBB2_2-.Ltmp0, $4  }
0x5c: {  	s19 =	sshra.s32 s18, $0x2  }
0x5d: {  	v0 =	vld [tilespmem:s19+$0x0]  }
0x5e: {  	v1 =	vld [tilespmem:s19+$0x5000];
	v3 =	vadd.f32 v3, v2  }
0x5f: {  	v2 =	vld [tilespmem:s19+$0xA000]  }
0x60: {  	v3 =	vmax.f32 v3, $0.0e+00  }
0x61: {  	v4 =	vld [tilespmem:s19+$0x5020];
	s15 =	sadd.s32 $0x10, s15;
	[tilespmem:s16+$0x30] =	vst v3  }
0x62: {  	v3 =	vld [tilespmem:s15+$0x0]  }
0x63: {  	v0 =	vadd.f32 v1, v0  }
0x64: {  	v54 =	vld [tilespmem:$0x10400]  }
0x65: {  	v0 =	vadd.f32 v2, v0  }
0x66: {  	v55 =	vld [tilespmem:s19+$0x5010]  }
0x67: {  	v5 =	vld [tilespmem:s19+$0x10];
	v0 =	vmul.f32 v0, v3;
	_ =	sdelay $0x1  }
0x68: {  	v6 =	vld [tilespmem:s19+$0xA010];
	v0 =	vadd.f32 v0, v54;
	_ =	sdelay $0x1  }
0x69: {  	v0 =	vmax.f32 v0, $0.0e+00  }
0x6a: {  	v56 =	vadd.f32 v55, v5;
	[tilespmem:s19+$0x0] =	vst v0  }
0x6b: {  	v0 =	vld [tilespmem:$0x10410]  }
0x6c: {  	v1 =	vadd.f32 v6, v56;
	_ =	sdelay $0x1  }
0x6d: {  	v57 =	vld [tilespmem:s19+$0x20];
	v1 =	vmul.f32 v1, v3;
	_ =	sdelay $0x1  }
0x6e: {  	v58 =	vld [tilespmem:s19+$0xA020];
	v0 =	vadd.f32 v1, v0;
	_ =	sdelay $0x1  }
0x6f: {  	v0 =	vmax.f32 v0, $0.0e+00  }
0x70: {  	v59 =	vadd.f32 v4, v57;
	[tilespmem:s19+$0x10] =	vst v0  }
0x71: {  	v0 =	vld [tilespmem:$0x10420]  }
0x72: {  	v1 =	vadd.f32 v58, v59  }
0x73: {  	v60 =	vld [tilespmem:s19+$0x5030]  }
0x74: {  	v61 =	vld [tilespmem:s19+$0x30];
	v1 =	vmul.f32 v1, v3;
	_ =	sdelay $0x1  }
0x75: {  	v62 =	vld [tilespmem:s19+$0xA030];
	v0 =	vadd.f32 v1, v0;
	_ =	sdelay $0x1  }
0x76: {  	v0 =	vmax.f32 v0, $0.0e+00  }
0x77: {  	v63 =	vadd.f32 v60, v61;
	[tilespmem:s19+$0x20] =	vst v0  }
0x78: {  	v0 =	vld [tilespmem:$0x10430]  }
0x79: {  	v1 =	vadd.f32 v62, v63;
	_ =	sdelay $0x1  }
0x7a: {  	v1 =	vmul.f32 v1, v3;
	_ =	sdelay $0x1  }
0x7b: {  	v0 =	vadd.f32 v1, v0  }
0x7c: {  	s14 =	sadd.s32 $0x1, s14  }
0x7d: {  	p0 =	sne.s32 s14, s9;
	v0 =	vmax.f32 v0, $0.0e+00  }
.Ltmp1:
0x7e: {  	[tilespmem:s19+$0x30] =	vst v0;
	(pc) =	sbr.rel @p0 .LBB2_1-.Ltmp1, $4  }
0x7f: {  	[hbm4b:s8+s3] =	stream.linear.scatter [tilespmem:s3], [sflag:$0x1], $0x5000, $0x38;
	[tilespmem:$0x10440] =	vst v63  }
0x80: {  	_ =	swait.ge [sflag:s10], $0x5000  }
0x81: {  	[sflag:s10] =	ssyncset.done $0x0  }
0x82: {  	[sflag:s10] =	ssyncadd.s32 $0xFFFFB000  }
0x83: {  	_ =	sfence.sel $0x180000  }
0x84: {  	[bflag:$0x0] =	sbarrier.arrive $0xFFFF  }
0x85: {  	p0 =	sne.s32 s0, $0x0;
	_ =	strace $0x90000050  }
0x86: {  	s0 =	sadd.s32 @!p0 $0x100000, s1;
	[bflag:$0x2] =	sbarrier.arrive $0xFFFF  }
0x87: {  	[sflag:s0] =	ssyncadd.tile.s32 @!p0 $0x1;
	_ =	shalt  }
.Lfunc_end2:
_tile_overlayer_lowered:
.L_overlay_start_2:
0x88: {  	(tag) =	ssettag $0x2  }
0x89: {  	s0 =	rddreg [dreg:$0x0];
	s2 =	stileid.u32  }
0x8a: {  	s1 =	rddreg [dreg:$0x1];
	p0 =	sne.s32 s2, $0x0  }
0x8b: {  	s3 =	rddreg [dreg:$0x2];
	[bflag:$0x3] =	sbarrier.arrive $0xFFFF;
	s2 =	simm.s32 @!p0 $0x1C01  }
0x8c: {  	[timem:s3], [sflag:s2] =	dma.local @!p0 [hbm:s0], s1  }
0x8d: {  	s0 =	simm.s32 @!p0 $0x1  }
0x8e: {  	_ =	swait.ge @!p0 [sflag:s0], s1  }
0x8f: {  	s1 =	ssub.s32 @!p0 $0x0, s1;
	[sflag:s0] =	ssyncset.done @!p0 $0x0  }
0x90: {  	[sflag:s0] =	ssyncadd.s32 @!p0 s1  }
0x91: {  	[bflag:$0x3] =	sbarrier.arrive $0xFFFF  }
0x92: {  	_ =	shalt  }

// kernel: kernel.24.cloned.1.call-start
scs
__scs_entry_jumppad:
0x0: {  	(pc) =	sbr.rel $0x88, $3  }
0x1: {  	(tag) =	ssettag $0x0;
	lr =	simm.s32 $0x1  }
0x2: {  	[smem:$0x3F99] =	sst lr;
	_ =	strace $0xD0000000  }
0x3: {  	_ = 	snop  }
0x4: {  	_ = 	snop  }
0x5: {  	_ = 	snop  }
0x6: {  	_ = 	snop  }
0x7: {  	_ = 	snop  }
__scs_overlays_trampoline_lowered:
0x8: {  	[smem:$0x3FA8] =	sst s0  }
0x9: {  	[smem:$0x3FA9] =	sst s1  }
0xa: {  	[smem:$0x3FAA] =	sst s2  }
0xb: {  	[smem:$0x3FAB] =	sst s3  }
0xc: {  	[smem:$0x3FAC] =	sst s4  }
0xd: {  	[smem:$0x3FAD] =	sst s5  }
0xe: {  	[smem:$0x3FAE] =	sst s6  }
0xf: {  	[smem:$0x3FAF] =	sst s7  }
0x10: {  	[smem:$0x3FB0] =	sst s8  }
0x11: {  	[smem:$0x3FB1] =	sst s9;
	s0 =	simm.s32 @!p0 $0x0  }
0x12: {  	s1 =	sld [smem:$0x3F97];
	s0 =	simm.s32 @p0 $0x1  }
0x13: {  	[smem:$0x3FB2] =	sst s0;
	s0 =	simm.s32 @!p1 $0x0  }
0x14: {  	s2 =	sld [smem:$0x3F96];
	s0 =	simm.s32 @p1 $0x1  }
0x15: {  	[smem:$0x3FB3] =	sst s0;
	s0 =	simm.s32 @!p2 $0x0  }
0x16: {  	s3 =	sld [smem:$0x3FDB];
	s0 =	simm.s32 @p2 $0x1  }
0x17: {  	s4 =	simm.s32 $0x1BF5;
	[smem:$0x3FB5] =	sst s0  }
0x18: {  	s0 =	sld [smem:$0x3F98];
	_ =	swait.ge [sflag:s4], $0x0  }
0x19: {  	s7 =	sld [smem:$0x3F99]  }
0x1a: {  	s8 =	sadd.s32 $0xFFFFE003, lr  }
0x1b: {  	s9 =	sadd.s32 $0xFFFFFEF7, lr;
	s5 =	simm.s32 $0xFFFFFFFF;
	p2 =	slt.u32 s8, $0xFFFFF086  }
0x1c: {  	p1 =	slt.u32 s9, $0xF7A;
	s5 =	simm.s32 @!p2 $0x0  }
0x1d: {  	s5 =	simm.s32 @p1 $0x1;
	p0 =	seq.s32 s7, s2  }
0x1e: {  	s7 =	smul.u32 @!p0 $0xF7A, s2;
	p2 =	seq.s32 @!p0 s5, $0x0  }
0x1f: {  	s9 =	smul.u32 $0xF7A, s1;
	s8 =	simm.s32 @!p0 $0x1BF5;
	p2 =	por !p2, p0  }
0x20: {  	[sflag:s8] =	ssyncset.s32 @!p0 $0xFFFFF086;
	s6 =	sadd.s32 @!p0 s3, s7;
	s7 =	simm.s32 @!p0 $0x108  }
0x21: {  	s3 =	sadd.s32 s3, s9;
	s6 =	sadd.s32 @!p0 $0x88, s6;
	s7 =	simm.s32 @p2 $0x1082  }
0x22: {  	[simem:s7], [sflag:s8] =	dma.local @!p0 [hbm:s6], $0xF7A  }
0x23: {  	s9 =	sor.u32 $0xD0000000, s2;
	s6 =	simm.s32 $0x108;
	_ =	swait.ge @!p0 [sflag:s8], $0x0  }
0x24: {  	s3 =	sadd.s32 $0x88, s3;
	s6 =	simm.s32 @!p1 $0x1082;
	[sflag:s4] =	ssyncset.s32 $0xFFFFF086  }
0x25: {  	[simem:s6], [sflag:s4] =	dma.local [hbm:s3], $0xF7A  }
0x26: {  	[smem:$0x3F99] =	sst s1;
	(tag) =	ssettag s2;
	_ =	strace s9  }
0x27: {  	s1 =	sld [smem:$0x3FA9]  }
0x28: {  	s2 =	sld [smem:$0x3FAA]  }
0x29: {  	s4 =	sld [smem:$0x3FAC]  }
0x2a: {  	p0 =	seq.s32 s5, $0x0;
	s5 =	sld [smem:$0x3FAD]  }
0x2b: {  	s6 =	sld [smem:$0x3FAE]  }
0x2c: {  	s7 =	sld [smem:$0x3FAF]  }
0x2d: {  	s3 =	simm.s32 $0x108;
	s8 =	sld [smem:$0x3FB0]  }
0x2e: {  	s3 =	simm.s32 @!p0 $0x1082;
	s9 =	sld [smem:$0x3FB1]  }
0x2f: {  	lr =	sadd.s32 s0, s3;
	s0 =	sld [smem:$0x3FA8]  }
0x30: {  	s3 =	sld [smem:$0x3FAB]  }
0x31: {  	[smem:$0x3FB4] =	sst s10  }
0x32: {  	s10 =	sld [smem:$0x3FB2];
	_ =	sdelay $0x3  }
0x33: {  	p0 =	seq.s32 s10, $0x1;
	s10 =	sld [smem:$0x3FB4];
	_ =	sdelay $0x3  }
0x34: {  	[smem:$0x3FB4] =	sst s10  }
0x35: {  	s10 =	sld [smem:$0x3FB3];
	_ =	sdelay $0x3  }
0x36: {  	p1 =	seq.s32 s10, $0x1;
	s10 =	sld [smem:$0x3FB4];
	_ =	sdelay $0x3  }
0x37: {  	[smem:$0x3FB4] =	sst s10  }
0x38: {  	s10 =	sld [smem:$0x3FB5]  }
0x39: {  	_ = 	snop;
	(pc) =	sbr.ind lr, $3  }
0x3a: {  	_ = 	snop  }
0x3b: {  	_ = 	snop  }
0x3c: {  	p2 =	seq.s32 s10, $0x1;
	s10 =	sld [smem:$0x3FB4]  }
0x3d: {  	_ =	shalt  }
0x3e: {  	_ =	shalt  }
0x3f: {  	_ =	shalt  }
0x40: {  	_ =	shalt  }
0x41: {  	_ =	shalt  }
0x42: {  	_ =	shalt  }
0x43: {  	_ =	shalt  }
0x44: {  	_ =	shalt  }
0x45: {  	_ =	shalt  }
0x46: {  	_ =	shalt  }
0x47: {  	_ =	shalt  }
0x48: {  	_ =	shalt  }
0x49: {  	_ =	shalt  }
0x4a: {  	_ =	shalt  }
0x4b: {  	_ =	shalt  }
0x4c: {  	_ =	shalt  }
0x4d: {  	_ =	shalt  }
0x4e: {  	_ =	shalt  }
0x4f: {  	_ =	shalt  }
0x50: {  	_ =	shalt  }
0x51: {  	_ =	shalt  }
0x52: {  	_ =	shalt  }
0x53: {  	_ =	shalt  }
0x54: {  	_ =	shalt  }
0x55: {  	_ =	shalt  }
0x56: {  	_ =	shalt  }
0x57: {  	_ =	shalt  }
0x58: {  	_ =	shalt  }
0x59: {  	_ =	shalt  }
0x5a: {  	_ =	shalt  }
0x5b: {  	_ =	shalt  }
0x5c: {  	_ =	shalt  }
0x5d: {  	_ =	shalt  }
0x5e: {  	_ =	shalt  }
0x5f: {  	_ =	shalt  }
0x60: {  	_ =	shalt  }
0x61: {  	_ =	shalt  }
0x62: {  	_ =	shalt  }
0x63: {  	_ =	shalt  }
0x64: {  	_ =	shalt  }
0x65: {  	_ =	shalt  }
0x66: {  	_ =	shalt  }
0x67: {  	_ =	shalt  }
0x68: {  	_ =	shalt  }
0x69: {  	_ =	shalt  }
0x6a: {  	_ =	shalt  }
0x6b: {  	_ =	shalt  }
0x6c: {  	_ =	shalt  }
0x6d: {  	_ =	shalt  }
0x6e: {  	_ =	shalt  }
0x6f: {  	_ =	shalt  }
0x70: {  	_ =	shalt  }
0x71: {  	_ =	shalt  }
0x72: {  	_ =	shalt  }
0x73: {  	_ =	shalt  }
0x74: {  	_ =	shalt  }
0x75: {  	_ =	shalt  }
0x76: {  	_ =	shalt  }
0x77: {  	_ =	shalt  }
0x78: {  	_ =	shalt  }
0x79: {  	_ =	shalt  }
0x7a: {  	_ =	shalt  }
0x7b: {  	_ =	shalt  }
0x7c: {  	_ =	shalt  }
0x7d: {  	_ =	shalt  }
0x7e: {  	_ =	shalt  }
0x7f: {  	_ =	shalt  }
0x80: {  	_ =	shalt  }
0x81: {  	_ =	shalt  }
0x82: {  	_ =	shalt  }
0x83: {  	_ =	shalt  }
0x84: {  	_ =	shalt  }
0x85: {  	_ =	shalt  }
0x86: {  	_ =	shalt  }
0x87: {  	_ =	shalt  }
.Lfunc_end0:
.L_simem_size_0:
called_computation.4_lowered:
.L_overlay_start_0:
0x88: {  	s2 =	sld [smem:$0x3FD9]  }
0x89: {  	s3 =	sld [smem:$0x3FFE];
	_ =	sdelay $0x1  }
0x8a: {  	s1 =	srdreg.scid  }
0x8b: {  	s0 =	sand.u32 $0x1, s1  }
0x8c: {  	s16 =	sshll.u32 s0, $0xA;
	s2 =	sadd.s32 s3, s2  }
0x8d: {  	s2 =	sadd.s32 s2, s16  }
0x8e: {  	[smem:$0x3FC0] =	sst s2  }
0x8f: {  	_ = 	snop  }
0x90: {  	(tm) =	ssettm $0x1  }
0x91: {  	s17 =	sld [smem:$0x3FFB];
	_ =	sdelay $0x3  }
0x92: {  	_ =	strace s17  }
0x93: {  	s2 =	sld [smem:$0x3FFC];
	_ =	sdelay $0x3  }
0x94: {  	_ =	strace s2  }
0x95: {  	s2 =	sld [smem:$0x3FFD];
	_ =	sdelay $0x3  }
0x96: {  	_ =	strace s2  }
0x97: {  	_ =	strace $0x8FFFFFFF  }
0x98: {  	s18 =	sld [smem:$0x3FDB];
	_ =	sdelay $0x1  }
0x99: {  	s19 =	simm.s32 $_scs_section_size  }
0x9a: {  	s4 =	simm.s32 $_size__tile_overlayer_lowered;
	s5 =	simm.s32 $_tile_overlayer_lowered  }
0x9b: {  	s22 =	simm.s32 $0x1BFF;
	s21 =	sshll.u32 s5, $0x1;
	s2 =	sadd.s32 s19, s18  }
0x9c: {  	s6 =	simm.s32 $0x0;
	s20 =	sshll.u32 s4, $0x1;
	s4 =	sadd.s32 s21, s2  }
0x9d: {  	[timem:s6], [sflag:s22] =	dma.local [hbm:s4], s20  }
0x9e: {  	_ =	swait.ge [sflag:s22], s20  }
0x9f: {  	s3 =	ssub.s32 $0x0, s20;
	[sflag:s22] =	ssyncset.done $0x0  }
0xa0: {  	[sflag:s22] =	ssyncadd.s32 s3;
	_ =	sdelay $0x1  }
0xa1: {  	s23 =	simm.s32 $0x1B8B  }
0xa2: {  	_ =	swait.ge [sflag:s23], $0x1  }
0xa3: {  	[sflag:s23] =	ssyncset.done $0x0  }
0xa4: {  	s25 =	simm.s32 $0x1B8E;
	s24 =	sld [smem:$0x3FFE];
	[sflag:s23] =	ssyncadd.s32 $0xFFFFFFFF  }
0xa5: {  	s26 =	simm.s32 $execute0_lowered;
	[smem:$0x3FD2] =	sst s25  }
0xa6: {  	s4 =	sshll.u32 s26, $0x1;
	_ =	strace $0x80000052;
	[dreg:$0x1] =	wrdreg $0xFFFFFFFF  }
0xa7: {  	s28 =	simm.s32 $_size_execute0_lowered;
	s2 =	sadd.s32 s2, s4;
	[dreg:$0x0] =	wrdreg $0x0  }
0xa8: {  	s4 =	sshll.u32 s28, $0x1;
	[dreg:$0x2] =	wrdreg s2  }
0xa9: {  	[dreg:$0x3] =	wrdreg s4  }
0xaa: {  	[dreg:$0x4] =	wrdreg $0xC0  }
0xab: {  	_ =	task [dreg:s6], $0x5FFFF  }
0xac: {  	[dreg:$0x1] =	wrdreg $0xFFFFFFFF  }
0xad: {  	[dreg:$0x0] =	wrdreg $0x60  }
0xae: {  	[dreg:$0x2] =	wrdreg s24  }
0xaf: {  	[dreg:$0x3] =	wrdreg $0x9  }
0xb0: {  	_ =	task.clear_ibuf [dreg:s6], $0x4FFFF;
	_ =	strace $0x90000052  }
0xb1: {  	s29 =	simm.s32 $0x9;
	_ =	strace $0x80000054  }
0xb2: {  	_ =	swait.ge [sflag:s29], $0x1  }
0xb3: {  	[sflag:s29] =	ssyncadd.s32 $0xFFFFFFFF  }
0xb4: {  	_ =	strace $0x90000054  }
0xb5: {  	_ =	sfence  }
0xb6: {  	s30 =	sld [smem:$0x0];
	_ =	sdelay $0x2  }
0xb7: {  	s31 =	sshll.u32 s1, $0xD;
	s1 =	sshrl.u32 s1, $0x2  }
0xb8: {  	s3 =	sand.u32 $0x4000, s31;
	s1 =	sadd.s32 s1, s30  }
0xb9: {  	s0 =	sor.u32 s3, s0;
	s1 =	sshll.u32 s1, $0x11  }
0xba: {  	s0 =	sor.u32 s1, s0  }
0xbb: {  	s0 =	sadd.s32 $0x8F2B, s0  }
0xbc: {  	[sflag:s0] =	ssyncadd.remote.s32 $0x1  }
0xbd: {  	_ =	sfence.sel $0xFFFF  }
0xbe: {  	[dreg:$0x0] =	wrdreg $0xFFFFFFFF;
	(pc) =	sbr.abs _section_cstart, $3  }
0xbf: {  	[dreg:$0x1] =	wrdreg $0xFFFFFFFF  }
0xc0: {  	_ =	task.clear_ibuf [dreg:s6], $0x2FFFF;
	_ =	strace $0x9FFFFFFF  }
0xc1: {  	(tm) =	ssettm $0x7FFFFFFF  }
tec
execute0_lowered:
.L_overlay_start_1:
0x0: {  	(tag) =	ssettag $0x1  }
0x1: {  	s0 =	srdreg.scid  }
0x2: {  	s3 =	sand.u32 $0x1, s0  }
0x3: {  	s0 =	stileid.u32;
	s1 =	sshll.u32 s3, $0x4  }
0x4: {  	s4 =	rddreg [dreg:$0x0];
	s5 =	sor.u32 s0, s1  }
0x5: {  	s2 =	simm.s32 $0x0;
	s8 =	simm.s32 $0x1400;
	s6 =	smul.u32 $0x280, s5  }
0x6: {  	s9 =	simm.s32 $0x0;
	[smem:$0x7FF] =	sst s2;
	s5 =	smul.u32 $0x500, s5  }
0x7: {  	s3 =	ssub.s32 $0x2, s3;
	s1 =	rddreg [dreg:$0x1];
	_ =	strace $0x80000053  }
0x8: {  	s7 =	sshrl.u32 s3, $0x1;
	s6 =	sadd.s32 s6, s4;
	s5 =	sadd.s32 s5, s4  }
0x9: {  	s7 =	ssub.s32 s3, s7;
	s3 =	sadd.s32 $0x3E600, s6;
	s4 =	sadd.s32 $0xC600, s5  }
0xa: {  	s5 =	sadd.s32 $0x16600, s5;
	s6 =	smax.u32 s7, $0x1;
	s7 =	simm.s32 $0x1  }
.LBB2_1:
0xb: {  	[tilespmem:s2], [sflag:$0x1] =	stream.linear.gather [hbm4b:s3+s2], $0x1400, $0x38;
	[tilespmem:$0x3C00] =	vst v63  }
0xc: {  	_ =	swait.ge [sflag:s7], $0x1400  }
0xd: {  	[sflag:s7] =	ssyncset.done $0x0  }
0xe: {  	[sflag:s7] =	ssyncadd.s32 $0xFFFFEC00  }
0xf: {  	[tilespmem:s8], [sflag:$0x1] =	stream.linear.gather [hbm4b:s4+s2], $0x2800, $0x38;
	[tilespmem:$0x3C00] =	vst v63  }
0x10: {  	_ =	swait.ge [sflag:s7], $0x2800  }
0x11: {  	[sflag:s7] =	ssyncset.done $0x0  }
0x12: {  	s10 =	simm.s32 $0x1410;
	[sflag:s7] =	ssyncadd.s32 $0xFFFFD800  }
0x13: {  	s11 =	simm.s32 $0x0;
	v0 =	vld [tilespmem:s10+$0xFFFFFFF0]  }
0x14: {  	v2 =	vld [tilespmem:s11+$0x0]  }
0x15: {  	v3 =	vld [tilespmem:s10+$0x0];
	_ =	sdelay $0x4  }
0x16: {  	s12 =	simm.s32 $0x1410;
	s11 =	simm.s32 $0x40;
	v1 =	vmul.f32 v0, v2;
	v0 =	vmul.f32 v3, v2  }
.LBB2_2:
0x17: {  	p0 =	sne.s32 s11, $0x4FC0  }
0x18: {  	[tilespmem:s10+$0xFFFFFFF0] =	vst v1;
	s12 =	sadd.s32 $0x20, s12;
	s13 =	smov.u32 s11;
	s11 =	sadd.s32 $0x40, s11  }
0x19: {  	s13 =	sshra.s32 s13, $0x2;
	v1 =	vld [tilespmem:s12+$0xFFFFFFF0];
	[tilespmem:s10+$0x0] =	vst v0;
	s10 =	smov.u32 s12  }
0x1a: {  	v0 =	vld [tilespmem:s13+$0x0]  }
0x1b: {  	v2 =	vld [tilespmem:s12+$0x0]  }
.Ltmp0:
0x1c: {  	(pc) =	sbr.rel @p0 .LBB2_2-.Ltmp0, $3  }
0x1d: {  	_ =	sdelay $0x1  }
0x1e: {  	v1 =	vmul.f32 v1, v0  }
0x1f: {  	v0 =	vmul.f32 v2, v0  }
0x20: {  	s9 =	sadd.s32 $0x1, s9  }
0x21: {  	[tilespmem:s10+$0xFFFFFFF0] =	vst v1;
	p0 =	sne.s32 s9, s6  }
.Ltmp1:
0x22: {  	[tilespmem:s10+$0x0] =	vst v0;
	(pc) =	sbr.rel @p0 .LBB2_1-.Ltmp1, $4  }
0x23: {  	[hbm4b:s5+s2] =	stream.linear.scatter [tilespmem:s8], [sflag:$0x1], $0x2800, $0x38;
	[tilespmem:$0x3C00] =	vst v63  }
0x24: {  	_ =	swait.ge [sflag:s7], $0x2800  }
0x25: {  	[sflag:s7] =	ssyncset.done $0x0  }
0x26: {  	[sflag:s7] =	ssyncadd.s32 $0xFFFFD800  }
0x27: {  	_ =	sfence.sel $0x180000  }
0x28: {  	[bflag:$0x0] =	sbarrier.arrive $0xFFFF  }
0x29: {  	p0 =	sne.s32 s0, $0x0;
	_ =	strace $0x90000053  }
0x2a: {  	s0 =	sadd.s32 @!p0 $0x100000, s1;
	[bflag:$0x2] =	sbarrier.arrive $0xFFFF  }
0x2b: {  	[sflag:s0] =	ssyncadd.tile.s32 @!p0 $0x1;
	_ =	shalt  }
.Lfunc_end2:
_tile_overlayer_lowered:
.L_overlay_start_2:
0x2c: {  	(tag) =	ssettag $0x2  }
0x2d: {  	s0 =	rddreg [dreg:$0x0];
	s2 =	stileid.u32  }
0x2e: {  	s1 =	rddreg [dreg:$0x1];
	p0 =	sne.s32 s2, $0x0  }
0x2f: {  	s3 =	rddreg [dreg:$0x2];
	[bflag:$0x3] =	sbarrier.arrive $0xFFFF;
	s2 =	simm.s32 @!p0 $0x1C01  }
0x30: {  	[timem:s3], [sflag:s2] =	dma.local @!p0 [hbm:s0], s1  }
0x31: {  	s0 =	simm.s32 @!p0 $0x1  }
0x32: {  	_ =	swait.ge @!p0 [sflag:s0], s1  }
0x33: {  	s1 =	ssub.s32 @!p0 $0x0, s1;
	[sflag:s0] =	ssyncset.done @!p0 $0x0  }
0x34: {  	[sflag:s0] =	ssyncadd.s32 @!p0 s1  }
0x35: {  	[bflag:$0x3] =	sbarrier.arrive $0xFFFF  }
0x36: {  	_ =	shalt  }

// kernel: kernel.27.cloned.1.call-start
scs
__scs_entry_jumppad:
0x0: {  	(pc) =	sbr.rel $0x88, $3  }
0x1: {  	(tag) =	ssettag $0x0;
	lr =	simm.s32 $0x1  }
0x2: {  	[smem:$0x3F99] =	sst lr;
	_ =	strace $0xD0000000  }
0x3: {  	_ = 	snop  }
0x4: {  	_ = 	snop  }
0x5: {  	_ = 	snop  }
0x6: {  	_ = 	snop  }
0x7: {  	_ = 	snop  }
__scs_overlays_trampoline_lowered:
0x8: {  	[smem:$0x3FA8] =	sst s0  }
0x9: {  	[smem:$0x3FA9] =	sst s1  }
0xa: {  	[smem:$0x3FAA] =	sst s2  }
0xb: {  	[smem:$0x3FAB] =	sst s3  }
0xc: {  	[smem:$0x3FAC] =	sst s4  }
0xd: {  	[smem:$0x3FAD] =	sst s5  }
0xe: {  	[smem:$0x3FAE] =	sst s6  }
0xf: {  	[smem:$0x3FAF] =	sst s7  }
0x10: {  	[smem:$0x3FB0] =	sst s8  }
0x11: {  	[smem:$0x3FB1] =	sst s9;
	s0 =	simm.s32 @!p0 $0x0  }
0x12: {  	s1 =	sld [smem:$0x3F97];
	s0 =	simm.s32 @p0 $0x1  }
0x13: {  	[smem:$0x3FB2] =	sst s0;
	s0 =	simm.s32 @!p1 $0x0  }
0x14: {  	s2 =	sld [smem:$0x3F96];
	s0 =	simm.s32 @p1 $0x1  }
0x15: {  	[smem:$0x3FB3] =	sst s0;
	s0 =	simm.s32 @!p2 $0x0  }
0x16: {  	s3 =	sld [smem:$0x3FDB];
	s0 =	simm.s32 @p2 $0x1  }
0x17: {  	s4 =	simm.s32 $0x1BF5;
	[smem:$0x3FB5] =	sst s0  }
0x18: {  	s0 =	sld [smem:$0x3F98];
	_ =	swait.ge [sflag:s4], $0x0  }
0x19: {  	s7 =	sld [smem:$0x3F99]  }
0x1a: {  	s8 =	sadd.s32 $0xFFFFE003, lr  }
0x1b: {  	s9 =	sadd.s32 $0xFFFFFEF7, lr;
	s5 =	simm.s32 $0xFFFFFFFF;
	p2 =	slt.u32 s8, $0xFFFFF086  }
0x1c: {  	p1 =	slt.u32 s9, $0xF7A;
	s5 =	simm.s32 @!p2 $0x0  }
0x1d: {  	s5 =	simm.s32 @p1 $0x1;
	p0 =	seq.s32 s7, s2  }
0x1e: {  	s7 =	smul.u32 @!p0 $0xF7A, s2;
	p2 =	seq.s32 @!p0 s5, $0x0  }
0x1f: {  	s9 =	smul.u32 $0xF7A, s1;
	s8 =	simm.s32 @!p0 $0x1BF5;
	p2 =	por !p2, p0  }
0x20: {  	[sflag:s8] =	ssyncset.s32 @!p0 $0xFFFFF086;
	s6 =	sadd.s32 @!p0 s3, s7;
	s7 =	simm.s32 @!p0 $0x108  }
0x21: {  	s3 =	sadd.s32 s3, s9;
	s6 =	sadd.s32 @!p0 $0x88, s6;
	s7 =	simm.s32 @p2 $0x1082  }
0x22: {  	[simem:s7], [sflag:s8] =	dma.local @!p0 [hbm:s6], $0xF7A  }
0x23: {  	s9 =	sor.u32 $0xD0000000, s2;
	s6 =	simm.s32 $0x108;
	_ =	swait.ge @!p0 [sflag:s8], $0x0  }
0x24: {  	s3 =	sadd.s32 $0x88, s3;
	s6 =	simm.s32 @!p1 $0x1082;
	[sflag:s4] =	ssyncset.s32 $0xFFFFF086  }
0x25: {  	[simem:s6], [sflag:s4] =	dma.local [hbm:s3], $0xF7A  }
0x26: {  	[smem:$0x3F99] =	sst s1;
	(tag) =	ssettag s2;
	_ =	strace s9  }
0x27: {  	s1 =	sld [smem:$0x3FA9]  }
0x28: {  	s2 =	sld [smem:$0x3FAA]  }
0x29: {  	s4 =	sld [smem:$0x3FAC]  }
0x2a: {  	p0 =	seq.s32 s5, $0x0;
	s5 =	sld [smem:$0x3FAD]  }
0x2b: {  	s6 =	sld [smem:$0x3FAE]  }
0x2c: {  	s7 =	sld [smem:$0x3FAF]  }
0x2d: {  	s3 =	simm.s32 $0x108;
	s8 =	sld [smem:$0x3FB0]  }
0x2e: {  	s3 =	simm.s32 @!p0 $0x1082;
	s9 =	sld [smem:$0x3FB1]  }
0x2f: {  	lr =	sadd.s32 s0, s3;
	s0 =	sld [smem:$0x3FA8]  }
0x30: {  	s3 =	sld [smem:$0x3FAB]  }
0x31: {  	[smem:$0x3FB4] =	sst s10  }
0x32: {  	s10 =	sld [smem:$0x3FB2];
	_ =	sdelay $0x3  }
0x33: {  	p0 =	seq.s32 s10, $0x1;
	s10 =	sld [smem:$0x3FB4];
	_ =	sdelay $0x3  }
0x34: {  	[smem:$0x3FB4] =	sst s10  }
0x35: {  	s10 =	sld [smem:$0x3FB3];
	_ =	sdelay $0x3  }
0x36: {  	p1 =	seq.s32 s10, $0x1;
	s10 =	sld [smem:$0x3FB4];
	_ =	sdelay $0x3  }
0x37: {  	[smem:$0x3FB4] =	sst s10  }
0x38: {  	s10 =	sld [smem:$0x3FB5]  }
0x39: {  	_ = 	snop;
	(pc) =	sbr.ind lr, $3  }
0x3a: {  	_ = 	snop  }
0x3b: {  	_ = 	snop  }
0x3c: {  	p2 =	seq.s32 s10, $0x1;
	s10 =	sld [smem:$0x3FB4]  }
0x3d: {  	_ =	shalt  }
0x3e: {  	_ =	shalt  }
0x3f: {  	_ =	shalt  }
0x40: {  	_ =	shalt  }
0x41: {  	_ =	shalt  }
0x42: {  	_ =	shalt  }
0x43: {  	_ =	shalt  }
0x44: {  	_ =	shalt  }
0x45: {  	_ =	shalt  }
0x46: {  	_ =	shalt  }
0x47: {  	_ =	shalt  }
0x48: {  	_ =	shalt  }
0x49: {  	_ =	shalt  }
0x4a: {  	_ =	shalt  }
0x4b: {  	_ =	shalt  }
0x4c: {  	_ =	shalt  }
0x4d: {  	_ =	shalt  }
0x4e: {  	_ =	shalt  }
0x4f: {  	_ =	shalt  }
0x50: {  	_ =	shalt  }
0x51: {  	_ =	shalt  }
0x52: {  	_ =	shalt  }
0x53: {  	_ =	shalt  }
0x54: {  	_ =	shalt  }
0x55: {  	_ =	shalt  }
0x56: {  	_ =	shalt  }
0x57: {  	_ =	shalt  }
0x58: {  	_ =	shalt  }
0x59: {  	_ =	shalt  }
0x5a: {  	_ =	shalt  }
0x5b: {  	_ =	shalt  }
0x5c: {  	_ =	shalt  }
0x5d: {  	_ =	shalt  }
0x5e: {  	_ =	shalt  }
0x5f: {  	_ =	shalt  }
0x60: {  	_ =	shalt  }
0x61: {  	_ =	shalt  }
0x62: {  	_ =	shalt  }
0x63: {  	_ =	shalt  }
0x64: {  	_ =	shalt  }
0x65: {  	_ =	shalt  }
0x66: {  	_ =	shalt  }
0x67: {  	_ =	shalt  }
0x68: {  	_ =	shalt  }
0x69: {  	_ =	shalt  }
0x6a: {  	_ =	shalt  }
0x6b: {  	_ =	shalt  }
0x6c: {  	_ =	shalt  }
0x6d: {  	_ =	shalt  }
0x6e: {  	_ =	shalt  }
0x6f: {  	_ =	shalt  }
0x70: {  	_ =	shalt  }
0x71: {  	_ =	shalt  }
0x72: {  	_ =	shalt  }
0x73: {  	_ =	shalt  }
0x74: {  	_ =	shalt  }
0x75: {  	_ =	shalt  }
0x76: {  	_ =	shalt  }
0x77: {  	_ =	shalt  }
0x78: {  	_ =	shalt  }
0x79: {  	_ =	shalt  }
0x7a: {  	_ =	shalt  }
0x7b: {  	_ =	shalt  }
0x7c: {  	_ =	shalt  }
0x7d: {  	_ =	shalt  }
0x7e: {  	_ =	shalt  }
0x7f: {  	_ =	shalt  }
0x80: {  	_ =	shalt  }
0x81: {  	_ =	shalt  }
0x82: {  	_ =	shalt  }
0x83: {  	_ =	shalt  }
0x84: {  	_ =	shalt  }
0x85: {  	_ =	shalt  }
0x86: {  	_ =	shalt  }
0x87: {  	_ =	shalt  }
.Lfunc_end0:
.L_simem_size_0:
called_computation.5_lowered:
.L_overlay_start_0:
0x88: {  	s2 =	sld [smem:$0x3FD9]  }
0x89: {  	s3 =	sld [smem:$0x3FFE];
	_ =	sdelay $0x1  }
0x8a: {  	s1 =	srdreg.scid  }
0x8b: {  	s0 =	sand.u32 $0x1, s1  }
0x8c: {  	s16 =	sshll.u32 s0, $0xA;
	s2 =	sadd.s32 s3, s2  }
0x8d: {  	s2 =	sadd.s32 s2, s16  }
0x8e: {  	[smem:$0x3FC0] =	sst s2  }
0x8f: {  	_ = 	snop  }
0x90: {  	(tm) =	ssettm $0x1  }
0x91: {  	s17 =	sld [smem:$0x3FFB];
	_ =	sdelay $0x3  }
0x92: {  	_ =	strace s17  }
0x93: {  	s2 =	sld [smem:$0x3FFC];
	_ =	sdelay $0x3  }
0x94: {  	_ =	strace s2  }
0x95: {  	s2 =	sld [smem:$0x3FFD];
	_ =	sdelay $0x3  }
0x96: {  	_ =	strace s2  }
0x97: {  	_ =	strace $0x8FFFFFFF  }
0x98: {  	s18 =	sld [smem:$0x3FDB];
	_ =	sdelay $0x1  }
0x99: {  	s19 =	simm.s32 $_scs_section_size  }
0x9a: {  	s4 =	simm.s32 $_size__tile_overlayer_lowered;
	s5 =	simm.s32 $_tile_overlayer_lowered  }
0x9b: {  	s22 =	simm.s32 $0x1BFF;
	s21 =	sshll.u32 s5, $0x1;
	s2 =	sadd.s32 s19, s18  }
0x9c: {  	s6 =	simm.s32 $0x0;
	s20 =	sshll.u32 s4, $0x1;
	s4 =	sadd.s32 s21, s2  }
0x9d: {  	[timem:s6], [sflag:s22] =	dma.local [hbm:s4], s20  }
0x9e: {  	_ =	swait.ge [sflag:s22], s20  }
0x9f: {  	s3 =	ssub.s32 $0x0, s20;
	[sflag:s22] =	ssyncset.done $0x0  }
0xa0: {  	[sflag:s22] =	ssyncadd.s32 s3;
	_ =	sdelay $0x1  }
0xa1: {  	s23 =	simm.s32 $0x1B8B  }
0xa2: {  	_ =	swait.ge [sflag:s23], $0x1  }
0xa3: {  	[sflag:s23] =	ssyncset.done $0x0  }
0xa4: {  	s25 =	simm.s32 $0x1B8E;
	s24 =	sld [smem:$0x3FFE];
	[sflag:s23] =	ssyncadd.s32 $0xFFFFFFFF  }
0xa5: {  	s26 =	simm.s32 $execute0_lowered;
	[smem:$0x3FD2] =	sst s25  }
0xa6: {  	s4 =	sshll.u32 s26, $0x1;
	_ =	strace $0x80000055;
	[dreg:$0x1] =	wrdreg $0xFFFFFFFF  }
0xa7: {  	s28 =	simm.s32 $_size_execute0_lowered;
	s2 =	sadd.s32 s2, s4;
	[dreg:$0x0] =	wrdreg $0x0  }
0xa8: {  	s4 =	sshll.u32 s28, $0x1;
	[dreg:$0x2] =	wrdreg s2  }
0xa9: {  	[dreg:$0x3] =	wrdreg s4  }
0xaa: {  	[dreg:$0x4] =	wrdreg $0xC0  }
0xab: {  	_ =	task [dreg:s6], $0x5FFFF  }
0xac: {  	[dreg:$0x1] =	wrdreg $0xFFFFFFFF  }
0xad: {  	[dreg:$0x0] =	wrdreg $0x60  }
0xae: {  	[dreg:$0x2] =	wrdreg s24  }
0xaf: {  	[dreg:$0x3] =	wrdreg $0xD0000  }
0xb0: {  	[dreg:$0x4] =	wrdreg $0x120000  }
0xb1: {  	[dreg:$0x5] =	wrdreg $0x9  }
0xb2: {  	_ =	task.clear_ibuf [dreg:s6], $0x6FFFF;
	_ =	strace $0x90000055  }
0xb3: {  	s29 =	simm.s32 $0x9;
	_ =	strace $0x80000057  }
0xb4: {  	_ =	swait.ge [sflag:s29], $0x1  }
0xb5: {  	[sflag:s29] =	ssyncadd.s32 $0xFFFFFFFF  }
0xb6: {  	_ =	strace $0x90000057  }
0xb7: {  	_ =	sfence  }
0xb8: {  	s30 =	sld [smem:$0x0];
	_ =	sdelay $0x2  }
0xb9: {  	s31 =	sshll.u32 s1, $0xD;
	s1 =	sshrl.u32 s1, $0x2  }
0xba: {  	s3 =	sand.u32 $0x4000, s31;
	s1 =	sadd.s32 s1, s30  }
0xbb: {  	s0 =	sor.u32 s3, s0;
	s1 =	sshll.u32 s1, $0x11  }
0xbc: {  	s0 =	sor.u32 s1, s0  }
0xbd: {  	s0 =	sadd.s32 $0x8F2B, s0  }
0xbe: {  	[sflag:s0] =	ssyncadd.remote.s32 $0x1  }
0xbf: {  	_ =	sfence.sel $0xFFFF  }
0xc0: {  	[dreg:$0x0] =	wrdreg $0xFFFFFFFF;
	(pc) =	sbr.abs _section_cstart, $3  }
0xc1: {  	[dreg:$0x1] =	wrdreg $0xFFFFFFFF  }
0xc2: {  	_ =	task.clear_ibuf [dreg:s6], $0x2FFFF;
	_ =	strace $0x9FFFFFFF  }
0xc3: {  	(tm) =	ssettm $0x7FFFFFFF  }
tec
execute0_lowered:
.L_overlay_start_1:
0x0: {  	(tag) =	ssettag $0x1  }
0x1: {  	s0 =	rddreg [dreg:$0x0]  }
0x2: {  	s2 =	rddreg [dreg:$0x1]  }
0x3: {  	s3 =	rddreg [dreg:$0x2]  }
0x4: {  	s17 =	simm.s32 $0x0;
	s4 =	stileid.u32;
	s1 =	srdreg.scid  }
0x5: {  	s28 =	simm.s32 $0x9000;
	s30 =	simm.s32 $0xA000;
	s29 =	simm.s32 $0x4  }
0x6: {  	s31 =	simm.s32 $0x5;
	s11 =	simm.s32 $0xC;
	s12 =	simm.s32 $0xD  }
0x7: {  	s13 =	simm.s32 $0xE;
	s14 =	simm.s32 $0xF;
	s5 =	smul.u32 $0x5000, s4  }
0x8: {  	[smem:$0x7FF] =	sst s17;
	s1 =	sand.u32 $0x1, s1;
	s7 =	smul.u32 $0xA00, s4  }
0x9: {  	s10 =	smul.u32 $0x14000, s4;
	s25 =	sshll.u32 s4, $0x6;
	_ =	strace $0x80000056  }
0xa: {  	s6 =	sshll.u32 s1, $0x4;
	s9 =	smul.u32 $0xA000, s1;
	s1 =	ssub.s32 $0x2, s1  }
0xb: {  	s8 =	sshrl.u32 s5, $0x3;
	s6 =	sor.u32 s4, s6;
	s15 =	sshrl.u32 s1, $0x1  }
0xc: {  	s18 =	sshrl.u32 s10, $0x2;
	s19 =	sadd.s32 s5, s2;
	s5 =	sadd.s32 s5, s3  }
0xd: {  	s10 =	simm.s32 $0xB;
	s8 =	sadd.s32 s8, s0;
	s6 =	smul.u32 $0x500, s6  }
0xe: {  	s7 =	sadd.s32 s7, s9;
	s1 =	ssub.s32 s1, s15;
	[dreg:$0x8] =	wrdreg s5  }
0xf: {  	s15 =	simm.s32 $0x11;
	s26 =	sshrl.u32 s19, $0x3;
	s19 =	simm.s32 $0x5000  }
0x10: {  	s5 =	simm.s32 $0x7;
	s9 =	simm.s32 $0xA;
	s8 =	sadd.s32 $0x16600, s8  }
0x11: {  	s24 =	smax.u32 s1, $0x1;
	[dreg:$0x10] =	wrdreg s26;
	s26 =	simm.s32 $0x3  }
0x12: {  	s1 =	simm.s32 $0x6;
	s6 =	sadd.s32 s6, s0;
	[dreg:$0x7] =	wrdreg s8  }
0x13: {  	s0 =	sadd.s32 s7, s0;
	[dreg:$0xe] =	wrdreg s24;
	s16 =	sadd.s32 $0x43600, s6  }
0x14: {  	s24 =	simm.s32 $0x2;
	s6 =	sadd.s32 $0x2600, s6;
	[dreg:$0x5] =	wrdreg s16  }
0x15: {  	s7 =	simm.s32 $0x9;
	s0 =	sadd.s32 $0x20600, s0;
	[dreg:$0x6] =	wrdreg s6  }
0x16: {  	s6 =	sadd.s32 s18, s3;
	[dreg:$0xd] =	wrdreg s0;
	s0 =	sor.u32 $0x1C11, s25  }
0x17: {  	s25 =	simm.s32 $0x8000;
	s20 =	sadd.s32 $0x1000, s6;
	[dreg:$0xf] =	wrdreg s0  }
0x18: {  	s16 =	simm.s32 $0xC000;
	s21 =	sadd.s32 $0x2000, s6;
	[dreg:$0x9] =	wrdreg s20  }
0x19: {  	s18 =	simm.s32 $0x10;
	s22 =	sadd.s32 $0x3000, s6;
	[dreg:$0xa] =	wrdreg s21  }
0x1a: {  	s23 =	sadd.s32 $0x4000, s6;
	s0 =	simm.s32 $0xB000;
	[dreg:$0xb] =	wrdreg s22  }
0x1b: {  	s6 =	simm.s32 $0x8;
	[dreg:$0xc] =	wrdreg s23;
	s20 =	simm.s32 $0x80  }
0x1c: {  	v0 =	vimm.f32 $0.0e+00;
	s21 =	simm.s32 $0x6000;
	s23 =	simm.s32 $0x7000;
	s22 =	simm.s32 $0x1  }
.LBB2_1:
0x1d: {  	[dreg:$0x4] =	wrdreg s17;
	s8 =	simm.s32 $0x80;
	s17 =	simm.s32 $0x0  }
.LBB2_2:
0x1e: {  	p0 =	sne.s32 s8, $0x3F80;
	[tilespmem:s17+$0x5000] =	vst v0;
	s4 =	smov.u32 s8;
	s8 =	sadd.s32 $0x80, s8  }
.Ltmp0:
0x1f: {  	[tilespmem:s17+$0x5010] =	vst v0;
	(pc) =	sbr.rel @p0 .LBB2_2-.Ltmp0, $2  }
0x20: {  	_ =	sdelay $0x2  }
0x21: {  	s17 =	sshra.s32 s4, $0x2  }
0x22: {  	[tilespmem:s17+$0x5000] =	vst v0  }
0x23: {  	[tilespmem:s17+$0x5010] =	vst v0;
	s4 =	simm.s32 $0x0;
	s8 =	rddreg [dreg:$0x5]  }
0x24: {  	[tilespmem:s4], [sflag:$0x11] =	stream.linear.gather [hbm4b:s8+s4], $0x2800, $0x38;
	[tilespmem:$0x17000] =	vst v63  }
0x25: {  	_ =	swait.ge [sflag:s15], $0x2800  }
0x26: {  	[sflag:s15] =	ssyncset.done $0x0  }
0x27: {  	s17 =	simm.s32 $0x2800;
	s8 =	rddreg [dreg:$0x6];
	[sflag:s15] =	ssyncadd.s32 $0xFFFFD800  }
0x28: {  	[tilespmem:s17], [sflag:$0x11] =	stream.linear.gather [hbm4b:s8+s4], $0x2800, $0x38;
	[tilespmem:$0x17000] =	vst v63  }
0x29: {  	_ =	swait.ge [sflag:s15], $0x2800  }
0x2a: {  	s8 =	rddreg [dreg:$0x7]  }
0x2b: {  	[sflag:s15] =	ssyncset.done $0x0;
	s17 =	rddreg [dreg:$0xf]  }
0x2c: {  	[sflag:s15] =	ssyncadd.s32 $0xFFFFD800;
	s15 =	rddreg [dreg:$0x10]  }
0x2d: {  	[spmem:s15], [sflag:s17] =	dma.local [hbm:s8], $0xA00  }
0x2e: {  	s15 =	simm.s32 $0x11  }
0x2f: {  	_ =	swait.ge [sflag:s15], $0xA00  }
0x30: {  	[sflag:s15] =	ssyncset.done $0x0  }
0x31: {  	s17 =	rddreg [dreg:$0x8];
	[sflag:s15] =	ssyncadd.s32 $0xFFFFF600  }
0x32: {  	[spmem:s17] =	stream.linear.scatter [tilespmem:s19], [sflag:$0x11], $0x1000, $0x38;
	[tilespmem:$0x17000] =	vst v63  }
0x33: {  	_ =	swait.ge [sflag:s15], $0x1000  }
0x34: {  	[sflag:s15] =	ssyncset.done $0x0  }
0x35: {  	s17 =	rddreg [dreg:$0x9];
	[sflag:s15] =	ssyncadd.s32 $0xFFFFF000  }
0x36: {  	[spmem:s17] =	stream.linear.scatter [tilespmem:s19], [sflag:$0x11], $0x1000, $0x38;
	[tilespmem:$0x17000] =	vst v63  }
0x37: {  	_ =	swait.ge [sflag:s15], $0x1000  }
0x38: {  	[sflag:s15] =	ssyncset.done $0x0  }
0x39: {  	s17 =	rddreg [dreg:$0xa];
	[sflag:s15] =	ssyncadd.s32 $0xFFFFF000  }
0x3a: {  	[spmem:s17] =	stream.linear.scatter [tilespmem:s19], [sflag:$0x11], $0x1000, $0x38;
	[tilespmem:$0x17000] =	vst v63  }
0x3b: {  	_ =	swait.ge [sflag:s15], $0x1000  }
0x3c: {  	[sflag:s15] =	ssyncset.done $0x0  }
0x3d: {  	s17 =	rddreg [dreg:$0xb];
	[sflag:s15] =	ssyncadd.s32 $0xFFFFF000  }
0x3e: {  	[spmem:s17] =	stream.linear.scatter [tilespmem:s19], [sflag:$0x11], $0x1000, $0x38;
	[tilespmem:$0x17000] =	vst v63  }
0x3f: {  	_ =	swait.ge [sflag:s15], $0x1000  }
0x40: {  	[sflag:s15] =	ssyncset.done $0x0  }
0x41: {  	s17 =	rddreg [dreg:$0xc];
	[sflag:s15] =	ssyncadd.s32 $0xFFFFF000  }
0x42: {  	[spmem:s17] =	stream.linear.scatter [tilespmem:s19], [sflag:$0x11], $0x1000, $0x38;
	[tilespmem:$0x17000] =	vst v63  }
0x43: {  	_ =	swait.ge [sflag:s15], $0x1000  }
0x44: {  	[sflag:s15] =	ssyncset.done $0x0  }
0x45: {  	[sflag:s15] =	ssyncadd.s32 $0xFFFFF000  }
0x46: {  	[bflag:$0x0] =	sbarrier.arrive $0xFFFF  }
0x47: {  	[tilespmem:s19], [sflag:$0x1] =	stream.indirect.gather [spmem:s2], $0x20, s4, s20, $0xb8;
	[tilespmem:$0x17000] =	vst v63  }
0x48: {  	_ = 	snop  }
0x49: {  	[tilespmem:s21], [sflag:$0x2] =	stream.indirect.gather [spmem:s2], $0x20, s20, s20, $0xb8;
	[tilespmem:$0x17000] =	vst v63  }
0x4a: {  	s17 =	simm.s32 $0x100  }
0x4b: {  	[tilespmem:s23], [sflag:$0x3] =	stream.indirect.gather [spmem:s2], $0x20, s17, s20, $0xb8;
	[tilespmem:$0x17000] =	vst v63  }
0x4c: {  	s8 =	simm.s32 $0x180  }
0x4d: {  	[tilespmem:s25], [sflag:$0x4] =	stream.indirect.gather [spmem:s2], $0x20, s8, s20, $0xb8;
	[tilespmem:$0x17000] =	vst v63  }
0x4e: {  	s17 =	simm.s32 $0x200  }
0x4f: {  	[tilespmem:s28], [sflag:$0x5] =	stream.indirect.gather [spmem:s2], $0x20, s17, s20, $0xb8;
	[tilespmem:$0x17000] =	vst v63  }
0x50: {  	s8 =	simm.s32 $0x280  }
0x51: {  	[tilespmem:s30], [sflag:$0x6] =	stream.indirect.gather [spmem:s2], $0x20, s8, s20, $0xb8;
	[tilespmem:$0x17000] =	vst v63  }
0x52: {  	s17 =	simm.s32 $0x300  }
0x53: {  	[tilespmem:s0], [sflag:$0x7] =	stream.indirect.gather [spmem:s2], $0x20, s17, s20, $0xb8;
	[tilespmem:$0x17000] =	vst v63  }
0x54: {  	s8 =	simm.s32 $0x380  }
0x55: {  	[tilespmem:s16], [sflag:$0x8] =	stream.indirect.gather [spmem:s2], $0x20, s8, s20, $0xb8;
	[tilespmem:$0x17000] =	vst v63  }
0x56: {  	_ =	swait.ge [sflag:s22], $0x1000  }
0x57: {  	[sflag:s22] =	ssyncset.done $0x0  }
0x58: {  	s17 =	simm.s32 $0x2800;
	[sflag:s22] =	ssyncadd.s32 $0xFFFFF000  }
0x59: {  	[spmem:s3] =	stream.indirect.scatter.add.f32 [tilespmem:s19], [sflag:$0x9], $0x20, s17, s20, $0xb8;
	[tilespmem:$0x17000] =	vst v63  }
0x5a: {  	_ =	swait.ge [sflag:s24], $0x1000  }
0x5b: {  	[sflag:s24] =	ssyncset.done $0x0  }
0x5c: {  	s8 =	simm.s32 $0x2880;
	[sflag:s24] =	ssyncadd.s32 $0xFFFFF000  }
0x5d: {  	[spmem:s3] =	stream.indirect.scatter.add.f32 [tilespmem:s21], [sflag:$0xA], $0x20, s8, s20, $0xb8;
	[tilespmem:$0x17000] =	vst v63  }
0x5e: {  	_ =	swait.ge [sflag:s26], $0x1000  }
0x5f: {  	[sflag:s26] =	ssyncset.done $0x0  }
0x60: {  	s17 =	simm.s32 $0x2900;
	[sflag:s26] =	ssyncadd.s32 $0xFFFFF000  }
0x61: {  	[spmem:s3] =	stream.indirect.scatter.add.f32 [tilespmem:s23], [sflag:$0xB], $0x20, s17, s20, $0xb8;
	[tilespmem:$0x17000] =	vst v63  }
0x62: {  	_ =	swait.ge [sflag:s29], $0x1000  }
0x63: {  	[sflag:s29] =	ssyncset.done $0x0  }
0x64: {  	s8 =	simm.s32 $0x2980;
	[sflag:s29] =	ssyncadd.s32 $0xFFFFF000  }
0x65: {  	[spmem:s3] =	stream.indirect.scatter.add.f32 [tilespmem:s25], [sflag:$0xC], $0x20, s8, s20, $0xb8;
	[tilespmem:$0x17000] =	vst v63  }
0x66: {  	_ =	swait.ge [sflag:s31], $0x1000  }
0x67: {  	[sflag:s31] =	ssyncset.done $0x0  }
0x68: {  	s17 =	simm.s32 $0x2A00;
	[sflag:s31] =	ssyncadd.s32 $0xFFFFF000  }
0x69: {  	[spmem:s3] =	stream.indirect.scatter.add.f32 [tilespmem:s28], [sflag:$0xD], $0x20, s17, s20, $0xb8;
	[tilespmem:$0x17000] =	vst v63  }
0x6a: {  	_ =	swait.ge [sflag:s1], $0x1000  }
0x6b: {  	[sflag:s1] =	ssyncset.done $0x0  }
0x6c: {  	s8 =	simm.s32 $0x2A80;
	[sflag:s1] =	ssyncadd.s32 $0xFFFFF000  }
0x6d: {  	[spmem:s3] =	stream.indirect.scatter.add.f32 [tilespmem:s30], [sflag:$0xE], $0x20, s8, s20, $0xb8;
	[tilespmem:$0x17000] =	vst v63  }
0x6e: {  	_ =	swait.ge [sflag:s5], $0x1000  }
0x6f: {  	[sflag:s5] =	ssyncset.done $0x0  }
0x70: {  	s17 =	simm.s32 $0x2B00;
	[sflag:s5] =	ssyncadd.s32 $0xFFFFF000  }
0x71: {  	[spmem:s3] =	stream.indirect.scatter.add.f32 [tilespmem:s0], [sflag:$0xF], $0x20, s17, s20, $0xb8;
	[tilespmem:$0x17000] =	vst v63  }
0x72: {  	_ =	swait.ge [sflag:s6], $0x1000  }
0x73: {  	[sflag:s6] =	ssyncset.done $0x0  }
0x74: {  	s8 =	simm.s32 $0x2B80;
	[sflag:s6] =	ssyncadd.s32 $0xFFFFF000  }
0x75: {  	[spmem:s3] =	stream.indirect.scatter.add.f32 [tilespmem:s16], [sflag:$0x10], $0x20, s8, s20, $0xb8;
	[tilespmem:$0x17000] =	vst v63  }
0x76: {  	_ =	swait.ge [sflag:s7], $0x1000  }
0x77: {  	[sflag:s7] =	ssyncset.done $0x0  }
0x78: {  	[sflag:s7] =	ssyncadd.s32 $0xFFFFF000  }
0x79: {  	_ =	swait.ge [sflag:s9], $0x1000  }
0x7a: {  	[sflag:s9] =	ssyncset.done $0x0  }
0x7b: {  	[sflag:s9] =	ssyncadd.s32 $0xFFFFF000  }
0x7c: {  	_ =	swait.ge [sflag:s10], $0x1000  }
0x7d: {  	[sflag:s10] =	ssyncset.done $0x0  }
0x7e: {  	[sflag:s10] =	ssyncadd.s32 $0xFFFFF000  }
0x7f: {  	_ =	swait.ge [sflag:s11], $0x1000  }
0x80: {  	[sflag:s11] =	ssyncset.done $0x0  }
0x81: {  	[sflag:s11] =	ssyncadd.s32 $0xFFFFF000  }
0x82: {  	_ =	swait.ge [sflag:s12], $0x1000  }
0x83: {  	[sflag:s12] =	ssyncset.done $0x0  }
0x84: {  	[sflag:s12] =	ssyncadd.s32 $0xFFFFF000  }
0x85: {  	_ =	swait.ge [sflag:s13], $0x1000  }
0x86: {  	[sflag:s13] =	ssyncset.done $0x0  }
0x87: {  	[sflag:s13] =	ssyncadd.s32 $0xFFFFF000  }
0x88: {  	_ =	swait.ge [sflag:s14], $0x1000  }
0x89: {  	[sflag:s14] =	ssyncset.done $0x0  }
0x8a: {  	[sflag:s14] =	ssyncadd.s32 $0xFFFFF000  }
0x8b: {  	_ =	swait.ge [sflag:s18], $0x1000  }
0x8c: {  	[sflag:s18] =	ssyncset.done $0x0  }
0x8d: {  	s17 =	simm.s32 $0x400;
	[sflag:s18] =	ssyncadd.s32 $0xFFFFF000  }
0x8e: {  	[tilespmem:s19], [sflag:$0x1] =	stream.indirect.gather [spmem:s2], $0x20, s17, s20, $0xb8;
	[tilespmem:$0x17000] =	vst v63  }
0x8f: {  	s8 =	simm.s32 $0x480  }
0x90: {  	[tilespmem:s21], [sflag:$0x2] =	stream.indirect.gather [spmem:s2], $0x20, s8, s20, $0xb8;
	[tilespmem:$0x17000] =	vst v63  }
0x91: {  	s17 =	simm.s32 $0x500  }
0x92: {  	[tilespmem:s23], [sflag:$0x3] =	stream.indirect.gather [spmem:s2], $0x20, s17, s20, $0xb8;
	[tilespmem:$0x17000] =	vst v63  }
0x93: {  	s8 =	simm.s32 $0x580  }
0x94: {  	[tilespmem:s25], [sflag:$0x4] =	stream.indirect.gather [spmem:s2], $0x20, s8, s20, $0xb8;
	[tilespmem:$0x17000] =	vst v63  }
0x95: {  	s17 =	simm.s32 $0x600  }
0x96: {  	[tilespmem:s28], [sflag:$0x5] =	stream.indirect.gather [spmem:s2], $0x20, s17, s20, $0xb8;
	[tilespmem:$0x17000] =	vst v63  }
0x97: {  	s8 =	simm.s32 $0x680  }
0x98: {  	[tilespmem:s30], [sflag:$0x6] =	stream.indirect.gather [spmem:s2], $0x20, s8, s20, $0xb8;
	[tilespmem:$0x17000] =	vst v63  }
0x99: {  	s17 =	simm.s32 $0x700  }
0x9a: {  	[tilespmem:s0], [sflag:$0x7] =	stream.indirect.gather [spmem:s2], $0x20, s17, s20, $0xb8;
	[tilespmem:$0x17000] =	vst v63  }
0x9b: {  	s8 =	simm.s32 $0x1000;
	s17 =	simm.s32 $0x780  }
.LBB2_4:
0x9c: {  	[tilespmem:s16], [sflag:$0x8] =	stream.indirect.gather [spmem:s2], $0x20, s17, s20, $0xb8;
	[tilespmem:$0x17000] =	vst v63  }
0x9d: {  	s4 =	smov.u32 s8  }
0x9e: {  	p0 =	sne.s32 s8, $0x8000;
	s8 =	sadd.s32 $0x1000, s8;
	_ =	swait.ge [sflag:s22], $0x1000  }
0x9f: {  	s17 =	sshra.s32 s4, $0x2;
	[sflag:s22] =	ssyncset.done $0x0  }
0xa0: {  	s4 =	sadd.s32 $0x2800, s17;
	[sflag:s22] =	ssyncadd.s32 $0xFFFFF000  }
0xa1: {  	[spmem:s3] =	stream.indirect.scatter.add.f32 [tilespmem:s19], [sflag:$0x9], $0x20, s4, s20, $0xb8;
	[tilespmem:$0x17000] =	vst v63  }
0xa2: {  	_ =	swait.ge [sflag:s24], $0x1000  }
0xa3: {  	[sflag:s24] =	ssyncset.done $0x0  }
0xa4: {  	s4 =	sadd.s32 $0x2880, s17;
	[sflag:s24] =	ssyncadd.s32 $0xFFFFF000  }
0xa5: {  	[spmem:s3] =	stream.indirect.scatter.add.f32 [tilespmem:s21], [sflag:$0xA], $0x20, s4, s20, $0xb8;
	[tilespmem:$0x17000] =	vst v63  }
0xa6: {  	_ =	swait.ge [sflag:s26], $0x1000  }
0xa7: {  	[sflag:s26] =	ssyncset.done $0x0  }
0xa8: {  	s4 =	sadd.s32 $0x2900, s17;
	[sflag:s26] =	ssyncadd.s32 $0xFFFFF000  }
0xa9: {  	[spmem:s3] =	stream.indirect.scatter.add.f32 [tilespmem:s23], [sflag:$0xB], $0x20, s4, s20, $0xb8;
	[tilespmem:$0x17000] =	vst v63  }
0xaa: {  	_ =	swait.ge [sflag:s29], $0x1000  }
0xab: {  	[sflag:s29] =	ssyncset.done $0x0  }
0xac: {  	s4 =	sadd.s32 $0x2980, s17;
	[sflag:s29] =	ssyncadd.s32 $0xFFFFF000  }
0xad: {  	[spmem:s3] =	stream.indirect.scatter.add.f32 [tilespmem:s25], [sflag:$0xC], $0x20, s4, s20, $0xb8;
	[tilespmem:$0x17000] =	vst v63  }
0xae: {  	_ =	swait.ge [sflag:s31], $0x1000  }
0xaf: {  	[sflag:s31] =	ssyncset.done $0x0  }
0xb0: {  	s4 =	sadd.s32 $0x2A00, s17;
	[sflag:s31] =	ssyncadd.s32 $0xFFFFF000  }
0xb1: {  	[spmem:s3] =	stream.indirect.scatter.add.f32 [tilespmem:s28], [sflag:$0xD], $0x20, s4, s20, $0xb8;
	[tilespmem:$0x17000] =	vst v63  }
0xb2: {  	_ =	swait.ge [sflag:s1], $0x1000  }
0xb3: {  	[sflag:s1] =	ssyncset.done $0x0  }
0xb4: {  	s4 =	sadd.s32 $0x2A80, s17;
	[sflag:s1] =	ssyncadd.s32 $0xFFFFF000  }
0xb5: {  	[spmem:s3] =	stream.indirect.scatter.add.f32 [tilespmem:s30], [sflag:$0xE], $0x20, s4, s20, $0xb8;
	[tilespmem:$0x17000] =	vst v63  }
0xb6: {  	_ =	swait.ge [sflag:s5], $0x1000  }
0xb7: {  	[sflag:s5] =	ssyncset.done $0x0  }
0xb8: {  	s4 =	sadd.s32 $0x2B00, s17;
	[sflag:s5] =	ssyncadd.s32 $0xFFFFF000  }
0xb9: {  	[spmem:s3] =	stream.indirect.scatter.add.f32 [tilespmem:s0], [sflag:$0xF], $0x20, s4, s20, $0xb8;
	[tilespmem:$0x17000] =	vst v63  }
0xba: {  	_ =	swait.ge [sflag:s6], $0x1000  }
0xbb: {  	[sflag:s6] =	ssyncset.done $0x0  }
0xbc: {  	s4 =	sadd.s32 $0x2B80, s17;
	[sflag:s6] =	ssyncadd.s32 $0xFFFFF000  }
0xbd: {  	[spmem:s3] =	stream.indirect.scatter.add.f32 [tilespmem:s16], [sflag:$0x10], $0x20, s4, s20, $0xb8;
	[tilespmem:$0x17000] =	vst v63  }
0xbe: {  	_ =	swait.ge [sflag:s7], $0x1000  }
0xbf: {  	[sflag:s7] =	ssyncset.done $0x0  }
0xc0: {  	[sflag:s7] =	ssyncadd.s32 $0xFFFFF000  }
0xc1: {  	_ =	swait.ge [sflag:s9], $0x1000  }
0xc2: {  	[sflag:s9] =	ssyncset.done $0x0  }
0xc3: {  	[sflag:s9] =	ssyncadd.s32 $0xFFFFF000  }
0xc4: {  	_ =	swait.ge [sflag:s10], $0x1000  }
0xc5: {  	[sflag:s10] =	ssyncset.done $0x0  }
0xc6: {  	[sflag:s10] =	ssyncadd.s32 $0xFFFFF000  }
0xc7: {  	_ =	swait.ge [sflag:s11], $0x1000  }
0xc8: {  	[sflag:s11] =	ssyncset.done $0x0  }
0xc9: {  	[sflag:s11] =	ssyncadd.s32 $0xFFFFF000  }
0xca: {  	_ =	swait.ge [sflag:s12], $0x1000  }
0xcb: {  	[sflag:s12] =	ssyncset.done $0x0  }
0xcc: {  	[sflag:s12] =	ssyncadd.s32 $0xFFFFF000  }
0xcd: {  	_ =	swait.ge [sflag:s13], $0x1000  }
0xce: {  	[sflag:s13] =	ssyncset.done $0x0  }
0xcf: {  	[sflag:s13] =	ssyncadd.s32 $0xFFFFF000  }
0xd0: {  	_ =	swait.ge [sflag:s14], $0x1000  }
0xd1: {  	[sflag:s14] =	ssyncset.done $0x0  }
0xd2: {  	[sflag:s14] =	ssyncadd.s32 $0xFFFFF000  }
0xd3: {  	_ =	swait.ge [sflag:s18], $0x1000  }
0xd4: {  	[sflag:s18] =	ssyncset.done $0x0  }
0xd5: {  	s4 =	sadd.s32 $0x400, s17;
	[sflag:s18] =	ssyncadd.s32 $0xFFFFF000  }
0xd6: {  	[tilespmem:s19], [sflag:$0x1] =	stream.indirect.gather [spmem:s2], $0x20, s4, s20, $0xb8;
	[tilespmem:$0x17000] =	vst v63  }
0xd7: {  	s4 =	sadd.s32 $0x480, s17  }
0xd8: {  	[tilespmem:s21], [sflag:$0x2] =	stream.indirect.gather [spmem:s2], $0x20, s4, s20, $0xb8;
	[tilespmem:$0x17000] =	vst v63  }
0xd9: {  	s4 =	sadd.s32 $0x500, s17  }
0xda: {  	[tilespmem:s23], [sflag:$0x3] =	stream.indirect.gather [spmem:s2], $0x20, s4, s20, $0xb8;
	[tilespmem:$0x17000] =	vst v63  }
0xdb: {  	s4 =	sadd.s32 $0x580, s17  }
0xdc: {  	[tilespmem:s25], [sflag:$0x4] =	stream.indirect.gather [spmem:s2], $0x20, s4, s20, $0xb8;
	[tilespmem:$0x17000] =	vst v63  }
0xdd: {  	s4 =	sadd.s32 $0x600, s17  }
0xde: {  	[tilespmem:s28], [sflag:$0x5] =	stream.indirect.gather [spmem:s2], $0x20, s4, s20, $0xb8;
	[tilespmem:$0x17000] =	vst v63  }
.Ltmp1:
0xdf: {  	s4 =	sadd.s32 $0x680, s17;
	(pc) =	sbr.rel @p0 .LBB2_4-.Ltmp1, $4  }
0xe0: {  	[tilespmem:s30], [sflag:$0x6] =	stream.indirect.gather [spmem:s2], $0x20, s4, s20, $0xb8;
	[tilespmem:$0x17000] =	vst v63  }
0xe1: {  	s4 =	sadd.s32 $0x700, s17  }
0xe2: {  	[tilespmem:s0], [sflag:$0x7] =	stream.indirect.gather [spmem:s2], $0x20, s4, s20, $0xb8;
	[tilespmem:$0x17000] =	vst v63  }
0xe3: {  	s17 =	sadd.s32 $0x780, s17  }
0xe4: {  	[tilespmem:s16], [sflag:$0x8] =	stream.indirect.gather [spmem:s2], $0x20, s17, s20, $0xb8;
	[tilespmem:$0x17000] =	vst v63  }
0xe5: {  	_ =	swait.ge [sflag:s22], $0x1000  }
0xe6: {  	[sflag:s22] =	ssyncset.done $0x0  }
0xe7: {  	s4 =	simm.s32 $0x4C00;
	[sflag:s22] =	ssyncadd.s32 $0xFFFFF000  }
0xe8: {  	[spmem:s3] =	stream.indirect.scatter.add.f32 [tilespmem:s19], [sflag:$0x9], $0x20, s4, s20, $0xb8;
	[tilespmem:$0x17000] =	vst v63  }
0xe9: {  	_ =	swait.ge [sflag:s24], $0x1000  }
0xea: {  	[sflag:s24] =	ssyncset.done $0x0  }
0xeb: {  	s8 =	simm.s32 $0x4C80;
	[sflag:s24] =	ssyncadd.s32 $0xFFFFF000  }
0xec: {  	[spmem:s3] =	stream.indirect.scatter.add.f32 [tilespmem:s21], [sflag:$0xA], $0x20, s8, s20, $0xb8;
	[tilespmem:$0x17000] =	vst v63  }
0xed: {  	_ =	swait.ge [sflag:s26], $0x1000  }
0xee: {  	[sflag:s26] =	ssyncset.done $0x0  }
0xef: {  	s17 =	simm.s32 $0x4D00;
	[sflag:s26] =	ssyncadd.s32 $0xFFFFF000  }
0xf0: {  	[spmem:s3] =	stream.indirect.scatter.add.f32 [tilespmem:s23], [sflag:$0xB], $0x20, s17, s20, $0xb8;
	[tilespmem:$0x17000] =	vst v63  }
0xf1: {  	_ =	swait.ge [sflag:s29], $0x1000  }
0xf2: {  	[sflag:s29] =	ssyncset.done $0x0  }
0xf3: {  	s8 =	simm.s32 $0x4D80;
	[sflag:s29] =	ssyncadd.s32 $0xFFFFF000  }
0xf4: {  	[spmem:s3] =	stream.indirect.scatter.add.f32 [tilespmem:s25], [sflag:$0xC], $0x20, s8, s20, $0xb8;
	[tilespmem:$0x17000] =	vst v63  }
0xf5: {  	_ =	swait.ge [sflag:s31], $0x1000  }
0xf6: {  	[sflag:s31] =	ssyncset.done $0x0  }
0xf7: {  	s17 =	simm.s32 $0x4E00;
	[sflag:s31] =	ssyncadd.s32 $0xFFFFF000  }
0xf8: {  	[spmem:s3] =	stream.indirect.scatter.add.f32 [tilespmem:s28], [sflag:$0xD], $0x20, s17, s20, $0xb8;
	[tilespmem:$0x17000] =	vst v63  }
0xf9: {  	_ =	swait.ge [sflag:s1], $0x1000  }
0xfa: {  	[sflag:s1] =	ssyncset.done $0x0  }
0xfb: {  	s8 =	simm.s32 $0x4E80;
	[sflag:s1] =	ssyncadd.s32 $0xFFFFF000  }
0xfc: {  	[spmem:s3] =	stream.indirect.scatter.add.f32 [tilespmem:s30], [sflag:$0xE], $0x20, s8, s20, $0xb8;
	[tilespmem:$0x17000] =	vst v63  }
0xfd: {  	_ =	swait.ge [sflag:s5], $0x1000  }
0xfe: {  	[sflag:s5] =	ssyncset.done $0x0  }
0xff: {  	s17 =	simm.s32 $0x4F00;
	[sflag:s5] =	ssyncadd.s32 $0xFFFFF000  }
0x100: {  	[spmem:s3] =	stream.indirect.scatter.add.f32 [tilespmem:s0], [sflag:$0xF], $0x20, s17, s20, $0xb8;
	[tilespmem:$0x17000] =	vst v63  }
0x101: {  	_ =	swait.ge [sflag:s6], $0x1000  }
0x102: {  	[sflag:s6] =	ssyncset.done $0x0  }
0x103: {  	s8 =	simm.s32 $0x4F80;
	[sflag:s6] =	ssyncadd.s32 $0xFFFFF000  }
0x104: {  	[spmem:s3] =	stream.indirect.scatter.add.f32 [tilespmem:s16], [sflag:$0x10], $0x20, s8, s20, $0xb8;
	[tilespmem:$0x17000] =	vst v63  }
0x105: {  	_ =	swait.ge [sflag:s7], $0x1000  }
0x106: {  	[sflag:s7] =	ssyncset.done $0x0  }
0x107: {  	[sflag:s7] =	ssyncadd.s32 $0xFFFFF000  }
0x108: {  	_ =	swait.ge [sflag:s9], $0x1000  }
0x109: {  	[sflag:s9] =	ssyncset.done $0x0  }
0x10a: {  	[sflag:s9] =	ssyncadd.s32 $0xFFFFF000  }
0x10b: {  	_ =	swait.ge [sflag:s10], $0x1000  }
0x10c: {  	[sflag:s10] =	ssyncset.done $0x0  }
0x10d: {  	[sflag:s10] =	ssyncadd.s32 $0xFFFFF000  }
0x10e: {  	_ =	swait.ge [sflag:s11], $0x1000  }
0x10f: {  	[sflag:s11] =	ssyncset.done $0x0  }
0x110: {  	[sflag:s11] =	ssyncadd.s32 $0xFFFFF000  }
0x111: {  	_ =	swait.ge [sflag:s12], $0x1000  }
0x112: {  	[sflag:s12] =	ssyncset.done $0x0  }
0x113: {  	[sflag:s12] =	ssyncadd.s32 $0xFFFFF000  }
0x114: {  	_ =	swait.ge [sflag:s13], $0x1000  }
0x115: {  	[sflag:s13] =	ssyncset.done $0x0  }
0x116: {  	[sflag:s13] =	ssyncadd.s32 $0xFFFFF000  }
0x117: {  	_ =	swait.ge [sflag:s14], $0x1000  }
0x118: {  	[sflag:s14] =	ssyncset.done $0x0  }
0x119: {  	[sflag:s14] =	ssyncadd.s32 $0xFFFFF000  }
0x11a: {  	_ =	swait.ge [sflag:s18], $0x1000  }
0x11b: {  	[sflag:s18] =	ssyncset.done $0x0  }
0x11c: {  	[sflag:s18] =	ssyncadd.s32 $0xFFFFF000  }
0x11d: {  	[bflag:$0x0] =	sbarrier.arrive $0xFFFF  }
0x11e: {  	s17 =	rddreg [dreg:$0x8]  }
0x11f: {  	s8 =	rddreg [dreg:$0xd]  }
0x120: {  	s4 =	sshrl.u32 s17, $0x3;
	s17 =	rddreg [dreg:$0xf]  }
0x121: {  	[hbm:s8], [sflag:s17] =	dma.local [spmem:s4], $0xA00  }
0x122: {  	_ =	swait.ge [sflag:s15], $0xA00  }
0x123: {  	s4 =	rddreg [dreg:$0x4]  }
0x124: {  	s8 =	rddreg [dreg:$0xe];
	s17 =	sadd.s32 $0x1, s4  }
0x125: {  	p0 =	sne.s32 s17, s8  }
.Ltmp2:
0x126: {  	_ = 	snop;
	(pc) =	sbr.rel @p0 .LBB2_1-.Ltmp2, $3  }
0x127: {  	_ =	sdelay $0x1  }
0x128: {  	[sflag:s15] =	ssyncset.done $0x0  }
0x129: {  	[sflag:s15] =	ssyncadd.s32 $0xFFFFF600  }
0x12a: {  	_ =	sfence.sel $0x180000  }
0x12b: {  	[bflag:$0x0] =	sbarrier.arrive $0xFFFF  }
0x12c: {  	_ =	strace $0x90000056  }
0x12d: {  	s0 =	stileid.u32;
	[bflag:$0x2] =	sbarrier.arrive $0xFFFF  }
0x12e: {  	p0 =	sne.s32 s0, $0x0;
	s0 =	rddreg [dreg:$0x3]  }
0x12f: {  	s0 =	sadd.s32 @!p0 $0x100000, s0  }
0x130: {  	[sflag:s0] =	ssyncadd.tile.s32 @!p0 $0x1;
	_ =	shalt  }
.Lfunc_end2:
_tile_overlayer_lowered:
.L_overlay_start_2:
0x131: {  	(tag) =	ssettag $0x2  }
0x132: {  	s0 =	rddreg [dreg:$0x0];
	s2 =	stileid.u32  }
0x133: {  	s1 =	rddreg [dreg:$0x1];
	p0 =	sne.s32 s2, $0x0  }
0x134: {  	s3 =	rddreg [dreg:$0x2];
	[bflag:$0x3] =	sbarrier.arrive $0xFFFF;
	s2 =	simm.s32 @!p0 $0x1C11  }
0x135: {  	[timem:s3], [sflag:s2] =	dma.local @!p0 [hbm:s0], s1  }
0x136: {  	s0 =	simm.s32 @!p0 $0x11  }
0x137: {  	_ =	swait.ge @!p0 [sflag:s0], s1  }
0x138: {  	s1 =	ssub.s32 @!p0 $0x0, s1;
	[sflag:s0] =	ssyncset.done @!p0 $0x0  }
0x139: {  	[sflag:s0] =	ssyncadd.s32 @!p0 s1  }
0x13a: {  	[bflag:$0x3] =	sbarrier.arrive $0xFFFF  }
0x13b: {  	_ =	shalt  }

// kernel: kernel.30.cloned.1.call-start
scs
__scs_entry_jumppad:
0x0: {  	(pc) =	sbr.rel $0x88, $3  }
0x1: {  	(tag) =	ssettag $0x0;
	lr =	simm.s32 $0x1  }
0x2: {  	[smem:$0x3F99] =	sst lr;
	_ =	strace $0xD0000000  }
0x3: {  	_ = 	snop  }
0x4: {  	_ = 	snop  }
0x5: {  	_ = 	snop  }
0x6: {  	_ = 	snop  }
0x7: {  	_ = 	snop  }
__scs_overlays_trampoline_lowered:
0x8: {  	[smem:$0x3FA8] =	sst s0  }
0x9: {  	[smem:$0x3FA9] =	sst s1  }
0xa: {  	[smem:$0x3FAA] =	sst s2  }
0xb: {  	[smem:$0x3FAB] =	sst s3  }
0xc: {  	[smem:$0x3FAC] =	sst s4  }
0xd: {  	[smem:$0x3FAD] =	sst s5  }
0xe: {  	[smem:$0x3FAE] =	sst s6  }
0xf: {  	[smem:$0x3FAF] =	sst s7  }
0x10: {  	[smem:$0x3FB0] =	sst s8  }
0x11: {  	[smem:$0x3FB1] =	sst s9;
	s0 =	simm.s32 @!p0 $0x0  }
0x12: {  	s1 =	sld [smem:$0x3F97];
	s0 =	simm.s32 @p0 $0x1  }
0x13: {  	[smem:$0x3FB2] =	sst s0;
	s0 =	simm.s32 @!p1 $0x0  }
0x14: {  	s2 =	sld [smem:$0x3F96];
	s0 =	simm.s32 @p1 $0x1  }
0x15: {  	[smem:$0x3FB3] =	sst s0;
	s0 =	simm.s32 @!p2 $0x0  }
0x16: {  	s3 =	sld [smem:$0x3FDB];
	s0 =	simm.s32 @p2 $0x1  }
0x17: {  	s4 =	simm.s32 $0x1BF5;
	[smem:$0x3FB5] =	sst s0  }
0x18: {  	s0 =	sld [smem:$0x3F98];
	_ =	swait.ge [sflag:s4], $0x0  }
0x19: {  	s7 =	sld [smem:$0x3F99]  }
0x1a: {  	s8 =	sadd.s32 $0xFFFFE003, lr  }
0x1b: {  	s9 =	sadd.s32 $0xFFFFFEF7, lr;
	s5 =	simm.s32 $0xFFFFFFFF;
	p2 =	slt.u32 s8, $0xFFFFF086  }
0x1c: {  	p1 =	slt.u32 s9, $0xF7A;
	s5 =	simm.s32 @!p2 $0x0  }
0x1d: {  	s5 =	simm.s32 @p1 $0x1;
	p0 =	seq.s32 s7, s2  }
0x1e: {  	s7 =	smul.u32 @!p0 $0xF7A, s2;
	p2 =	seq.s32 @!p0 s5, $0x0  }
0x1f: {  	s9 =	smul.u32 $0xF7A, s1;
	s8 =	simm.s32 @!p0 $0x1BF5;
	p2 =	por !p2, p0  }
0x20: {  	[sflag:s8] =	ssyncset.s32 @!p0 $0xFFFFF086;
	s6 =	sadd.s32 @!p0 s3, s7;
	s7 =	simm.s32 @!p0 $0x108  }
0x21: {  	s3 =	sadd.s32 s3, s9;
	s6 =	sadd.s32 @!p0 $0x88, s6;
	s7 =	simm.s32 @p2 $0x1082  }
0x22: {  	[simem:s7], [sflag:s8] =	dma.local @!p0 [hbm:s6], $0xF7A  }
0x23: {  	s9 =	sor.u32 $0xD0000000, s2;
	s6 =	simm.s32 $0x108;
	_ =	swait.ge @!p0 [sflag:s8], $0x0  }
0x24: {  	s3 =	sadd.s32 $0x88, s3;
	s6 =	simm.s32 @!p1 $0x1082;
	[sflag:s4] =	ssyncset.s32 $0xFFFFF086  }
0x25: {  	[simem:s6], [sflag:s4] =	dma.local [hbm:s3], $0xF7A  }
0x26: {  	[smem:$0x3F99] =	sst s1;
	(tag) =	ssettag s2;
	_ =	strace s9  }
0x27: {  	s1 =	sld [smem:$0x3FA9]  }
0x28: {  	s2 =	sld [smem:$0x3FAA]  }
0x29: {  	s4 =	sld [smem:$0x3FAC]  }
0x2a: {  	p0 =	seq.s32 s5, $0x0;
	s5 =	sld [smem:$0x3FAD]  }
0x2b: {  	s6 =	sld [smem:$0x3FAE]  }
0x2c: {  	s7 =	sld [smem:$0x3FAF]  }
0x2d: {  	s3 =	simm.s32 $0x108;
	s8 =	sld [smem:$0x3FB0]  }
0x2e: {  	s3 =	simm.s32 @!p0 $0x1082;
	s9 =	sld [smem:$0x3FB1]  }
0x2f: {  	lr =	sadd.s32 s0, s3;
	s0 =	sld [smem:$0x3FA8]  }
0x30: {  	s3 =	sld [smem:$0x3FAB]  }
0x31: {  	[smem:$0x3FB4] =	sst s10  }
0x32: {  	s10 =	sld [smem:$0x3FB2];
	_ =	sdelay $0x3  }
0x33: {  	p0 =	seq.s32 s10, $0x1;
	s10 =	sld [smem:$0x3FB4];
	_ =	sdelay $0x3  }
0x34: {  	[smem:$0x3FB4] =	sst s10  }
0x35: {  	s10 =	sld [smem:$0x3FB3];
	_ =	sdelay $0x3  }
0x36: {  	p1 =	seq.s32 s10, $0x1;
	s10 =	sld [smem:$0x3FB4];
	_ =	sdelay $0x3  }
0x37: {  	[smem:$0x3FB4] =	sst s10  }
0x38: {  	s10 =	sld [smem:$0x3FB5]  }
0x39: {  	_ = 	snop;
	(pc) =	sbr.ind lr, $3  }
0x3a: {  	_ = 	snop  }
0x3b: {  	_ = 	snop  }
0x3c: {  	p2 =	seq.s32 s10, $0x1;
	s10 =	sld [smem:$0x3FB4]  }
0x3d: {  	_ =	shalt  }
0x3e: {  	_ =	shalt  }
0x3f: {  	_ =	shalt  }
0x40: {  	_ =	shalt  }
0x41: {  	_ =	shalt  }
0x42: {  	_ =	shalt  }
0x43: {  	_ =	shalt  }
0x44: {  	_ =	shalt  }
0x45: {  	_ =	shalt  }
0x46: {  	_ =	shalt  }
0x47: {  	_ =	shalt  }
0x48: {  	_ =	shalt  }
0x49: {  	_ =	shalt  }
0x4a: {  	_ =	shalt  }
0x4b: {  	_ =	shalt  }
0x4c: {  	_ =	shalt  }
0x4d: {  	_ =	shalt  }
0x4e: {  	_ =	shalt  }
0x4f: {  	_ =	shalt  }
0x50: {  	_ =	shalt  }
0x51: {  	_ =	shalt  }
0x52: {  	_ =	shalt  }
0x53: {  	_ =	shalt  }
0x54: {  	_ =	shalt  }
0x55: {  	_ =	shalt  }
0x56: {  	_ =	shalt  }
0x57: {  	_ =	shalt  }
0x58: {  	_ =	shalt  }
0x59: {  	_ =	shalt  }
0x5a: {  	_ =	shalt  }
0x5b: {  	_ =	shalt  }
0x5c: {  	_ =	shalt  }
0x5d: {  	_ =	shalt  }
0x5e: {  	_ =	shalt  }
0x5f: {  	_ =	shalt  }
0x60: {  	_ =	shalt  }
0x61: {  	_ =	shalt  }
0x62: {  	_ =	shalt  }
0x63: {  	_ =	shalt  }
0x64: {  	_ =	shalt  }
0x65: {  	_ =	shalt  }
0x66: {  	_ =	shalt  }
0x67: {  	_ =	shalt  }
0x68: {  	_ =	shalt  }
0x69: {  	_ =	shalt  }
0x6a: {  	_ =	shalt  }
0x6b: {  	_ =	shalt  }
0x6c: {  	_ =	shalt  }
0x6d: {  	_ =	shalt  }
0x6e: {  	_ =	shalt  }
0x6f: {  	_ =	shalt  }
0x70: {  	_ =	shalt  }
0x71: {  	_ =	shalt  }
0x72: {  	_ =	shalt  }
0x73: {  	_ =	shalt  }
0x74: {  	_ =	shalt  }
0x75: {  	_ =	shalt  }
0x76: {  	_ =	shalt  }
0x77: {  	_ =	shalt  }
0x78: {  	_ =	shalt  }
0x79: {  	_ =	shalt  }
0x7a: {  	_ =	shalt  }
0x7b: {  	_ =	shalt  }
0x7c: {  	_ =	shalt  }
0x7d: {  	_ =	shalt  }
0x7e: {  	_ =	shalt  }
0x7f: {  	_ =	shalt  }
0x80: {  	_ =	shalt  }
0x81: {  	_ =	shalt  }
0x82: {  	_ =	shalt  }
0x83: {  	_ =	shalt  }
0x84: {  	_ =	shalt  }
0x85: {  	_ =	shalt  }
0x86: {  	_ =	shalt  }
0x87: {  	_ =	shalt  }
.Lfunc_end0:
.L_simem_size_0:
called_computation.6_lowered:
.L_overlay_start_0:
0x88: {  	s2 =	sld [smem:$0x3FD9]  }
0x89: {  	s3 =	sld [smem:$0x3FFE];
	_ =	sdelay $0x1  }
0x8a: {  	s1 =	srdreg.scid  }
0x8b: {  	s0 =	sand.u32 $0x1, s1  }
0x8c: {  	s17 =	sshll.u32 s0, $0xA;
	s2 =	sadd.s32 s3, s2  }
0x8d: {  	s2 =	sadd.s32 s2, s17  }
0x8e: {  	[smem:$0x3FC0] =	sst s2  }
0x8f: {  	_ = 	snop  }
0x90: {  	s2 =	sld [smem:$0x3FC4];
	(tm) =	ssettm $0x1  }
0x91: {  	s18 =	sld [smem:$0x3FFB];
	_ =	sdelay $0x3  }
0x92: {  	_ =	strace s18  }
0x93: {  	s3 =	sld [smem:$0x3FFC];
	_ =	sdelay $0x3  }
0x94: {  	_ =	strace s3  }
0x95: {  	s3 =	sld [smem:$0x3FFD];
	_ =	sdelay $0x3  }
0x96: {  	_ =	strace s3  }
0x97: {  	_ =	strace $0x8FFFFFFF  }
0x98: {  	s19 =	sld [smem:$0x3FDB];
	_ =	sdelay $0x1  }
0x99: {  	s4 =	simm.s32 $_scs_section_size  }
0x9a: {  	s5 =	simm.s32 $_size__tile_overlayer_lowered;
	s6 =	simm.s32 $_tile_overlayer_lowered  }
0x9b: {  	s22 =	simm.s32 $0x1BFF;
	s21 =	sshll.u32 s6, $0x1;
	s3 =	sadd.s32 s4, s19  }
0x9c: {  	s7 =	simm.s32 $0x0;
	s20 =	sshll.u32 s5, $0x1;
	s5 =	sadd.s32 s21, s3  }
0x9d: {  	[timem:s7], [sflag:s22] =	dma.local [hbm:s5], s20  }
0x9e: {  	_ =	swait.ge [sflag:s22], s20  }
0x9f: {  	s4 =	ssub.s32 $0x0, s20;
	[sflag:s22] =	ssyncset.done $0x0  }
0xa0: {  	[sflag:s22] =	ssyncadd.s32 s4;
	_ =	sdelay $0x1  }
0xa1: {  	s23 =	simm.s32 $0x1B8B  }
0xa2: {  	_ =	swait.ge [sflag:s23], $0x1  }
0xa3: {  	[sflag:s23] =	ssyncset.done $0x0  }
0xa4: {  	s25 =	simm.s32 $0x1B8E;
	s24 =	sld [smem:$0x3FFE];
	[sflag:s23] =	ssyncadd.s32 $0xFFFFFFFF  }
0xa5: {  	s26 =	simm.s32 $execute0_lowered;
	[smem:$0x3FD2] =	sst s25  }
0xa6: {  	s5 =	sshll.u32 s26, $0x1;
	_ =	strace $0x80000058;
	[dreg:$0x1] =	wrdreg $0xFFFFFFFF  }
0xa7: {  	s28 =	simm.s32 $_size_execute0_lowered;
	s3 =	sadd.s32 s3, s5;
	[dreg:$0x0] =	wrdreg $0x0  }
0xa8: {  	s5 =	sshll.u32 s28, $0x1;
	[dreg:$0x2] =	wrdreg s3  }
0xa9: {  	[dreg:$0x3] =	wrdreg s5  }
0xaa: {  	[dreg:$0x4] =	wrdreg $0xC0  }
0xab: {  	_ =	task [dreg:s7], $0x5FFFF  }
0xac: {  	[dreg:$0x1] =	wrdreg $0xFFFFFFFF  }
0xad: {  	[dreg:$0x0] =	wrdreg $0x60  }
0xae: {  	[dreg:$0x2] =	wrdreg s24  }
0xaf: {  	[dreg:$0x3] =	wrdreg s2  }
0xb0: {  	[dreg:$0x4] =	wrdreg $0x9  }
0xb1: {  	_ =	task.clear_ibuf [dreg:s7], $0x5FFFF;
	_ =	strace $0x90000058  }
0xb2: {  	s29 =	simm.s32 $0x9;
	_ =	strace $0x8000005A  }
0xb3: {  	_ =	swait.ge [sflag:s29], $0x1  }
0xb4: {  	[sflag:s29] =	ssyncadd.s32 $0xFFFFFFFF  }
0xb5: {  	_ =	strace $0x9000005A  }
0xb6: {  	_ =	sfence  }
0xb7: {  	s30 =	sld [smem:$0x0];
	_ =	sdelay $0x2  }
0xb8: {  	s31 =	sshll.u32 s1, $0xD;
	s1 =	sshrl.u32 s1, $0x2  }
0xb9: {  	s3 =	sand.u32 $0x4000, s31;
	s1 =	sadd.s32 s1, s30  }
0xba: {  	s0 =	sor.u32 s3, s0;
	s1 =	sshll.u32 s1, $0x11  }
0xbb: {  	s0 =	sor.u32 s1, s0  }
0xbc: {  	s0 =	sadd.s32 $0x8F2B, s0  }
0xbd: {  	[sflag:s0] =	ssyncadd.remote.s32 $0x1  }
0xbe: {  	_ =	sfence.sel $0xFFFF  }
0xbf: {  	[dreg:$0x0] =	wrdreg $0xFFFFFFFF;
	(pc) =	sbr.abs _section_cstart, $3  }
0xc0: {  	[dreg:$0x1] =	wrdreg $0xFFFFFFFF  }
0xc1: {  	_ =	task.clear_ibuf [dreg:s7], $0x2FFFF;
	_ =	strace $0x9FFFFFFF  }
0xc2: {  	(tm) =	ssettm $0x7FFFFFFF  }
0xc3: {  	_ =	shalt  }
tec
execute0_lowered:
.L_overlay_start_1:
0x0: {  	(tag) =	ssettag $0x1  }
0x1: {  	s0 =	srdreg.scid  }
0x2: {  	s5 =	rddreg [dreg:$0x0];
	s4 =	sand.u32 $0x1, s0  }
0x3: {  	s2 =	rddreg [dreg:$0x1];
	s0 =	stileid.u32;
	s1 =	sshll.u32 s4, $0x4  }
0x4: {  	s3 =	simm.s32 $0x0;
	s12 =	simm.s32 $0x5000;
	s6 =	sor.u32 s0, s1  }
0x5: {  	s13 =	simm.s32 $0x8C00;
	s14 =	simm.s32 $0x0;
	s7 =	smul.u32 $0x280, s6  }
0x6: {  	[smem:$0x7FF] =	sst s3;
	s4 =	ssub.s32 $0x2, s4;
	s8 =	smul.u32 $0x2800, s6  }
0x7: {  	s9 =	sadd.s32 $0x20600, s5;
	s31 =	sshrl.u32 s4, $0x1;
	s6 =	smul.u32 $0x500, s6  }
0x8: {  	s1 =	rddreg [dreg:$0x2];
	_ =	strace $0x80000059;
	s11 =	ssub.s32 s4, s31  }
0x9: {  	s7 =	sadd.s32 s7, s5;
	s8 =	sshrl.u32 s8, $0x3;
	s10 =	sadd.s32 s6, s5  }
0xa: {  	s4 =	sadd.s32 s9, s6;
	s8 =	sadd.s32 s9, s8;
	s6 =	sadd.s32 $0x16600, s10  }
0xb: {  	s7 =	sadd.s32 $0x3E600, s7;
	s9 =	smax.u32 s11, $0x1;
	s11 =	simm.s32 $0x2800  }
0xc: {  	s5 =	sadd.s32 $0xA000, s8;
	s8 =	sadd.s32 $0x34600, s10;
	s10 =	simm.s32 $0x1  }
.LBB2_1:
0xd: {  	[tilespmem:s3], [sflag:$0x1] =	stream.linear.gather [hbm4b:s4+s3], $0x2800, $0x38;
	[tilespmem:$0x8C20] =	vst v63  }
0xe: {  	_ =	swait.ge [sflag:s10], $0x2800  }
0xf: {  	[sflag:s10] =	ssyncset.done $0x0  }
0x10: {  	[sflag:s10] =	ssyncadd.s32 $0xFFFFD800  }
0x11: {  	[tilespmem:s11], [sflag:$0x1] =	stream.linear.gather [hbm4b:s5+s3], $0x2800, $0x38;
	[tilespmem:$0x8C20] =	vst v63  }
0x12: {  	_ =	swait.ge [sflag:s10], $0x2800  }
0x13: {  	[sflag:s10] =	ssyncset.done $0x0  }
0x14: {  	[sflag:s10] =	ssyncadd.s32 $0xFFFFD800  }
0x15: {  	[tilespmem:s12], [sflag:$0x1] =	stream.linear.gather [hbm4b:s6+s3], $0x2800, $0x38;
	[tilespmem:$0x8C20] =	vst v63  }
0x16: {  	_ =	swait.ge [sflag:s10], $0x2800  }
0x17: {  	[sflag:s10] =	ssyncset.done $0x0  }
0x18: {  	s15 =	simm.s32 $0x7800;
	[sflag:s10] =	ssyncadd.s32 $0xFFFFD800  }
0x19: {  	[tilespmem:s15], [sflag:$0x1] =	stream.linear.gather [hbm4b:s7+s3], $0x1400, $0x38;
	[tilespmem:$0x8C20] =	vst v63  }
0x1a: {  	_ =	swait.ge [sflag:s10], $0x1400  }
0x1b: {  	[sflag:s10] =	ssyncset.done $0x0  }
0x1c: {  	[sflag:s10] =	ssyncadd.s32 $0xFFFFEC00  }
0x1d: {  	[tilespmem:s13], [sflag:$0x1] =	stream.linear.gather [hbm4b:s2+s3], $0x20, $0x38;
	[tilespmem:$0x8C20] =	vst v63  }
0x1e: {  	_ =	swait.ge [sflag:s10], $0x20  }
0x1f: {  	[sflag:s10] =	ssyncset.done $0x0  }
0x20: {  	s16 =	simm.s32 $0x0;
	[sflag:s10] =	ssyncadd.s32 $0xFFFFFFE0  }
0x21: {  	v0 =	vld [tilespmem:s16+$0x0]  }
0x22: {  	v1 =	vld [tilespmem:s16+$0x2800];
	_ =	sdelay $0x1  }
0x23: {  	v2 =	vld [tilespmem:s16+$0x5000];
	_ =	sdelay $0x1  }
0x24: {  	v3 =	vld [tilespmem:s15+$0x0]  }
0x25: {  	v0 =	vadd.f32 v1, v0  }
0x26: {  	v1 =	vld [tilespmem:$0x8C00]  }
0x27: {  	v0 =	vadd.f32 v2, v0  }
0x28: {  	v4 =	vld [tilespmem:s16+$0x10]  }
0x29: {  	v2 =	vld [tilespmem:s16+$0x2810];
	v0 =	vmul.f32 v0, v3;
	_ =	sdelay $0x1  }
0x2a: {  	v5 =	vld [tilespmem:s16+$0x5010];
	v0 =	vadd.f32 v0, v1;
	_ =	sdelay $0x1  }
0x2b: {  	v0 =	vmax.f32 v0, $0.0e+00  }
0x2c: {  	v1 =	vadd.f32 v2, v4;
	[tilespmem:s16+$0x0] =	vst v0  }
0x2d: {  	v2 =	vld [tilespmem:$0x8C10]  }
0x2e: {  	v0 =	vadd.f32 v5, v1  }
0x2f: {  	s18 =	simm.s32 $0x20  }
0x30: {  	v1 =	vld [tilespmem:s18+$0x2800];
	v3 =	vmul.f32 v0, v3  }
0x31: {  	v0 =	vld [tilespmem:s18+$0x0]  }
0x32: {  	s17 =	simm.s32 $0x100;
	v3 =	vadd.f32 v3, v2;
	v2 =	vld [tilespmem:s18+$0x5000]  }
.LBB2_2:
0x33: {  	p0 =	sne.s32 s17, $0x9F80  }
0x34: {  	v3 =	vmax.f32 v3, $0.0e+00;
	s15 =	sadd.s32 $0x10, s15;
	s19 =	smov.u32 s17;
	s17 =	sadd.s32 $0x80, s17  }
0x35: {  	[tilespmem:s16+$0x10] =	vst v3;
	s16 =	smov.u32 s18  }
0x36: {  	v3 =	vld [tilespmem:s15+$0x0]  }
0x37: {  	v0 =	vadd.f32 v1, v0;
	v1 =	vld [tilespmem:$0x8C00];
	_ =	sdelay $0x1  }
0x38: {  	v0 =	vadd.f32 v2, v0;
	v2 =	vld [tilespmem:s16+$0x2810]  }
0x39: {  	v4 =	vld [tilespmem:s16+$0x10]  }
0x3a: {  	v0 =	vmul.f32 v0, v3  }
0x3b: {  	v5 =	vld [tilespmem:s16+$0x5010]  }
0x3c: {  	v0 =	vadd.f32 v0, v1;
	_ =	sdelay $0x1  }
0x3d: {  	v0 =	vmax.f32 v0, $0.0e+00;
	v1 =	vadd.f32 v2, v4  }
0x3e: {  	[tilespmem:s16+$0x0] =	vst v0  }
0x3f: {  	v0 =	vadd.f32 v5, v1;
	v2 =	vld [tilespmem:$0x8C10];
	_ =	sdelay $0x1  }
.Ltmp0:
0x40: {  	v3 =	vmul.f32 v0, v3;
	(pc) =	sbr.rel @p0 .LBB2_2-.Ltmp0, $4  }
0x41: {  	s18 =	sshra.s32 s19, $0x2  }
0x42: {  	v0 =	vld [tilespmem:s18+$0x0]  }
0x43: {  	v1 =	vld [tilespmem:s18+$0x2800];
	v3 =	vadd.f32 v3, v2  }
0x44: {  	v2 =	vld [tilespmem:s18+$0x5000]  }
0x45: {  	v3 =	vmax.f32 v3, $0.0e+00  }
0x46: {  	s15 =	sadd.s32 $0x10, s15;
	[tilespmem:s16+$0x10] =	vst v3  }
0x47: {  	v3 =	vld [tilespmem:s15+$0x0]  }
0x48: {  	v0 =	vadd.f32 v1, v0  }
0x49: {  	v61 =	vld [tilespmem:$0x8C00]  }
0x4a: {  	v0 =	vadd.f32 v2, v0  }
0x4b: {  	v62 =	vld [tilespmem:s18+$0x2810]  }
0x4c: {  	v4 =	vld [tilespmem:s18+$0x10];
	v0 =	vmul.f32 v0, v3;
	_ =	sdelay $0x1  }
0x4d: {  	v5 =	vld [tilespmem:s18+$0x5010];
	v0 =	vadd.f32 v0, v61;
	_ =	sdelay $0x1  }
0x4e: {  	v0 =	vmax.f32 v0, $0.0e+00  }
0x4f: {  	v63 =	vadd.f32 v62, v4;
	[tilespmem:s18+$0x0] =	vst v0  }
0x50: {  	v0 =	vld [tilespmem:$0x8C10]  }
0x51: {  	v1 =	vadd.f32 v5, v63;
	_ =	sdelay $0x1  }
0x52: {  	v1 =	vmul.f32 v1, v3;
	_ =	sdelay $0x1  }
0x53: {  	v0 =	vadd.f32 v1, v0  }
0x54: {  	s14 =	sadd.s32 $0x1, s14  }
0x55: {  	p0 =	sne.s32 s14, s9;
	v0 =	vmax.f32 v0, $0.0e+00  }
.Ltmp1:
0x56: {  	[tilespmem:s18+$0x10] =	vst v0;
	(pc) =	sbr.rel @p0 .LBB2_1-.Ltmp1, $4  }
0x57: {  	[hbm4b:s8+s3] =	stream.linear.scatter [tilespmem:s3], [sflag:$0x1], $0x2800, $0x38;
	[tilespmem:$0x8C20] =	vst v63  }
0x58: {  	_ =	swait.ge [sflag:s10], $0x2800  }
0x59: {  	[sflag:s10] =	ssyncset.done $0x0  }
0x5a: {  	[sflag:s10] =	ssyncadd.s32 $0xFFFFD800  }
0x5b: {  	_ =	sfence.sel $0x180000  }
0x5c: {  	[bflag:$0x0] =	sbarrier.arrive $0xFFFF  }
0x5d: {  	p0 =	sne.s32 s0, $0x0;
	_ =	strace $0x90000059  }
0x5e: {  	s0 =	sadd.s32 @!p0 $0x100000, s1;
	[bflag:$0x2] =	sbarrier.arrive $0xFFFF  }
0x5f: {  	[sflag:s0] =	ssyncadd.tile.s32 @!p0 $0x1;
	_ =	shalt  }
.Lfunc_end2:
_tile_overlayer_lowered:
.L_overlay_start_2:
0x60: {  	(tag) =	ssettag $0x2  }
0x61: {  	s0 =	rddreg [dreg:$0x0];
	s2 =	stileid.u32  }
0x62: {  	s1 =	rddreg [dreg:$0x1];
	p0 =	sne.s32 s2, $0x0  }
0x63: {  	s3 =	rddreg [dreg:$0x2];
	[bflag:$0x3] =	sbarrier.arrive $0xFFFF;
	s2 =	simm.s32 @!p0 $0x1C01  }
0x64: {  	[timem:s3], [sflag:s2] =	dma.local @!p0 [hbm:s0], s1  }
0x65: {  	s0 =	simm.s32 @!p0 $0x1  }
0x66: {  	_ =	swait.ge @!p0 [sflag:s0], s1  }
0x67: {  	s1 =	ssub.s32 @!p0 $0x0, s1;
	[sflag:s0] =	ssyncset.done @!p0 $0x0  }
0x68: {  	[sflag:s0] =	ssyncadd.s32 @!p0 s1  }
0x69: {  	[bflag:$0x3] =	sbarrier.arrive $0xFFFF  }
0x6a: {  	_ =	shalt  }

</sc_bundles>
